<compile_context>
chip_gen: v7x
topology: tpu7x:2x2x1
jax: 0.10.2.dev20260603
libtpu: 0.0.44.dev20260713+nightly
codegen_flags: <defaults>
</compile_context>

<pallas_src>
import functools

import jax
import jax.numpy as jnp
from jax import lax
from jax.experimental import pallas as pl
from jax.experimental.pallas import tpu as pltpu
from jax.experimental.pallas import tpu_sc as plsc

B = 4096
L = 200
D = 64
DP = 128
V = 1000000
NUM_CLASSES = 10
NW = 32
RPW = B // NW
CHUNKS = (128, 72)
NLANE = D // 16
IPW = RPW * L
FW = 256
NBLK = V // FW
NT = (NBLK + NW - 1) // NW
VTAIL = NBLK * FW
V2 = V // 2
TAIL_U = VTAIL // 2


def _sc_format(tt, tail128):
    mesh = plsc.VectorSubcoreMesh(core_axis_name="c", subcore_axis_name="s")

    @functools.partial(
        pl.kernel,
        mesh=mesh,
        out_type=jax.ShapeDtypeStruct((V2, DP), jnp.float32),
        scratch_types=[
            pltpu.VMEM((2, D, FW), jnp.float32),
            pltpu.VMEM((2, FW // 2, DP), jnp.float32),
            pltpu.SemaphoreType.DMA,
            pltpu.SemaphoreType.DMA,
            pltpu.SemaphoreType.DMA,
            pltpu.SemaphoreType.DMA,
        ],
        compiler_params=pltpu.CompilerParams(needs_layout_passes=False),
    )
    def k(tt_hbm, tail_hbm, t_hbm, in_v, out_v, is0, is1, os0, os1):
        cid = lax.axis_index("c")
        sid = lax.axis_index("s")
        wid = sid * 2 + cid
        isems = (is0, is1)
        osems = (os0, os1)
        lanes = lax.iota(jnp.int32, 16)
        n_t = (NBLK - wid + NW - 1) // NW
        s_list = [(lanes + kk) & 15 for kk in range(16)]
        sh_list = [s >> 1 for s in s_list]
        sp_list = [(s & 1) * D for s in s_list]
        ridx_list = [dc * 16 + lanes for dc in range(NLANE)]

        def in_copy(j, slot):
            return pltpu.make_async_copy(
                tt_hbm.at[:, pl.ds(j * FW, FW)], in_v.at[slot], isems[slot])

        def out_copy(j, slot):
            return pltpu.make_async_copy(
                out_v.at[slot], t_hbm.at[pl.ds(j * (FW // 2), FW // 2)],
                osems[slot])

        def transpose(slot):
            in2d = in_v.at[slot]
            out2d = out_v.at[slot]

            def vblk(v0i, carry):
                v0 = v0i * 16
                u0 = v0i * 8
                for dc in range(NLANE):
                    ridx = ridx_list[dc]
                    xs = [plsc.load_gather(in2d, [ridx, v0 + s_list[kk]])
                          for kk in range(16)]
                    for kk in range(16):
                        plsc.store_scatter(
                            out2d, [u0 + sh_list[kk], sp_list[kk] + ridx],
                            xs[kk])
                return carry

            lax.fori_loop(0, FW // 16, vblk, 0)

        in_copy(wid, 0).start()

        def outer(g, carry):
            for b in range(2):
                t = g * 2 + b
                j = wid + NW * t

                @pl.when(j < NBLK)
                def _():
                    @pl.when(j + NW < NBLK)
                    def _():
                        in_copy(j + NW, 1 - b).start()

                    in_copy(j, b).wait()

                    @pl.when(t >= 2)
                    def _():
                        out_copy(j, b).wait()

                    transpose(b)
                    out_copy(j, b).start()
            return carry

        lax.fori_loop(0, (NT + 1) // 2, outer, 0)

        @pl.when(n_t % 2 == 1)
        def _():
            out_copy(0, 0).wait()

        @pl.when(n_t % 2 == 0)
        def _():
            out_copy(0, 1).wait()

        @pl.when(n_t >= 2)
        def _():
            @pl.when(n_t % 2 == 1)
            def _():
                out_copy(0, 1).wait()

            @pl.when(n_t % 2 == 0)
            def _():
                out_copy(0, 0).wait()

        @pl.when(wid == NW - 1)
        def _():
            pltpu.sync_copy(tail_hbm, t_hbm.at[pl.ds(TAIL_U, 32)])

    return k(tt, tail128)


def _sc_pool(idx1, t128):
    mesh = plsc.VectorSubcoreMesh(core_axis_name="c", subcore_axis_name="s")

    @functools.partial(
        pl.kernel,
        mesh=mesh,
        out_type=jax.ShapeDtypeStruct((B, DP), jnp.float32),
        scratch_types=[
            pltpu.VMEM((IPW,), jnp.int32),
            pltpu.VMEM((IPW,), jnp.int32),
            pltpu.VMEM((3, L, DP), jnp.float32),
            pltpu.VMEM((8, DP), jnp.float32),
            pltpu.SemaphoreType.DMA,
            pltpu.SemaphoreType.DMA,
            pltpu.SemaphoreType.DMA,
        ],
        compiler_params=pltpu.CompilerParams(needs_layout_passes=False),
    )
    def k(idx_hbm, table_hbm, cat_hbm, par_v, idxh_v, rows_v, cat_buf,
          sem0, sem1, sem2):
        cid = lax.axis_index("c")
        sid = lax.axis_index("s")
        wid = sid * 2 + cid
        base = wid * RPW
        sems = (sem0, sem1, sem2)
        lanes = lax.iota(jnp.int32, 16)

        pltpu.sync_copy(idx_hbm.at[pl.ds(base * L, IPW)], par_v)

        def prep(kk, carry):
            raw = par_v[pl.ds(kk * 16, 16)]
            idxh_v[pl.ds(kk * 16, 16)] = raw >> 1
            par_v[pl.ds(kk * 16, 16)] = (raw & 1) << 6
            return carry

        lax.fori_loop(0, IPW // 16, prep, 0)

        def issue(row, slot):
            off = 0
            for c in CHUNKS:
                pltpu.async_copy(
                    table_hbm.at[idxh_v.at[pl.ds(row * L + off, c)]],
                    rows_v.at[slot, pl.ds(off, c)],
                    sems[slot],
                )
                off += c

        def wait_slot(slot):
            off = 0
            for c in CHUNKS:
                pltpu.make_async_copy(
                    table_hbm.at[idxh_v.at[pl.ds(off, c)]],
                    rows_v.at[slot, pl.ds(off, c)],
                    sems[slot],
                ).wait()
                off += c

        def reduce_store(row, slot):
            rows2d = rows_v.at[slot]

            def body(i, carry):
                par = plsc.load_gather(par_v, [jnp.full((16,), row * L + i,
                                                        jnp.int32)])
                ivec = jnp.full((16,), i, jnp.int32)
                out = []
                for d in range(NLANE):
                    v = plsc.load_gather(rows2d, [ivec, par + (d * 16) + lanes])
                    out.append(carry[2 * d] + v)
                    out.append(jnp.maximum(carry[2 * d + 1], v))
                return tuple(out)

            init = []
            for _ in range(NLANE):
                init.append(jnp.zeros((16,), jnp.float32))
                init.append(jnp.full((16,), -jnp.inf, jnp.float32))
            res = lax.fori_loop(0, L, body, tuple(init))
            rvec = jnp.full((16,), row & 7, jnp.int32)
            for d in range(NLANE):
                plsc.store_scatter(cat_buf, [rvec, d * 16 + lanes],
                                   res[2 * d] * (1.0 / L))
                plsc.store_scatter(cat_buf, [rvec, D + d * 16 + lanes],
                                   res[2 * d + 1])

            @pl.when((row & 7) == 7)
            def _():
                start = pl.multiple_of(base + row - 7, 8)
                pltpu.sync_copy(cat_buf, cat_hbm.at[pl.ds(start, 8)])

        issue(0, 0)
        issue(1, 1)

        def outer(g, carry):
            for b in range(3):
                row = g * 3 + b

                @pl.when(row < RPW)
                def _():
                    @pl.when(row + 2 < RPW)
                    def _():
                        issue(row + 2, (b + 2) % 3)

                    wait_slot(b)
                    reduce_store(row, b)
            return carry

        lax.fori_loop(0, (RPW + 2) // 3, outer, 0)

    return k(idx1, t128)


def _head_body(cat_ref, w_ref, b_ref, out_ref):
    logits = (
        jnp.dot(cat_ref[...], w_ref[...], preferred_element_type=jnp.float32)
        + b_ref[...]
    )
    m = jnp.max(logits, axis=-1, keepdims=True)
    e = jnp.exp(logits - m)
    out_ref[...] = e / jnp.sum(e, axis=-1, keepdims=True)


def _tc_head(cat, fc_w, fc_b):
    b2 = fc_b.reshape(1, NUM_CLASSES)
    return pl.pallas_call(
        _head_body,
        out_shape=jax.ShapeDtypeStruct((B, NUM_CLASSES), jnp.float32),
    )(cat, fc_w, b2)


def kernel(inputs, table, fc_w, fc_b):
    idx1 = inputs.astype(jnp.int32).reshape(B * L)
    tt = table.T
    tail2 = table[VTAIL:].reshape(32, DP)
    t2 = _sc_format(tt, tail2)
    cat = _sc_pool(idx1, t2)
    return _tc_head(cat, fc_w, fc_b)

# --- scband reference (transcript-rebuilt; emitter-appended) ---
"""Pipeline reference for scband-swem-49667001811537 (READ-ONLY COPY).

The authoritative reference and input builder live on the scoring server;
editing this copy changes nothing except your own understanding.
"""

import jax, jax.numpy as jnp
import numpy as np

VOCAB = 1000000
EMBED_DIM = 64
SEQ_LEN = 200
BATCH = 4096
NUM_CLASSES = 10

def setup_inputs(seed: int = 0) -> dict:
    key = jax.random.key(seed)
    k1, k2, k3, k4 = jax.random.split(key, 4)
    inputs = jax.random.randint(k1, (BATCH, SEQ_LEN), 0, VOCAB, dtype=jnp.int64 if jax.config.jax_enable_x64 else jnp.int32)
    table = jax.random.normal(k2, (VOCAB, EMBED_DIM), dtype=jnp.float32) * 0.05
    fc_w = jax.random.normal(k3, (2 * EMBED_DIM, NUM_CLASSES), dtype=jnp.float32) * 0.05
    fc_b = jnp.zeros((NUM_CLASSES,), dtype=jnp.float32)
    return {"inputs": inputs, "table": table, "fc_w": fc_w, "fc_b": fc_b}

def reference(inputs, table, fc_w, fc_b):
    # embedding lookup
    x = jnp.take(table, inputs, axis=0)  # [B, L, D]
    # SWEM concat: global average pooling + global max pooling over sequence axis
    x_aver = jnp.mean(x, axis=1)  # [B, D]
    x_max = jnp.max(x, axis=1)    # [B, D]
    x_cat = jnp.concatenate([x_aver, x_max], axis=-1)  # [B, 2D]
    # dense + softmax
    logits = jnp.dot(x_cat, fc_w) + fc_b
    out = jax.nn.softmax(logits, axis=-1)
    return out

if __name__ == "__main__":
    import jax
    _d = setup_inputs()
    print(jax.jit(kernel)(*tuple(_d.values())))

</pallas_src>

<mosaic_0001>
#map = affine_map<(d0, d1) -> (0)>
#map1 = affine_map<(d0, d1) -> (0, 0)>
module attributes {stable_mosaic.version = 14 : i64} {
  func.func @k(%arg0: i32, %arg1: i32, %arg2: memref<819200xi32, #tpu.memory_space<hbm>>, %arg3: memref<500000x128xf32, #tpu.memory_space<hbm>>, %arg4: memref<4096x128xf32, #tpu.memory_space<hbm>>, %arg5: memref<25600xi32, #tpu.memory_space<vmem>>, %arg6: memref<25600xi32, #tpu.memory_space<vmem>>, %arg7: memref<3x200x128xf32, #tpu.memory_space<vmem>>, %arg8: memref<8x128xf32, #tpu.memory_space<vmem>>, %arg9: memref<!tpu.dma_semaphore, #tpu.memory_space<semaphore_mem>>, %arg10: memref<!tpu.dma_semaphore, #tpu.memory_space<semaphore_mem>>, %arg11: memref<!tpu.dma_semaphore, #tpu.memory_space<semaphore_mem>>) attributes {dimension_semantics = [#tpu.dimension_semantics<core_parallel>, #tpu.dimension_semantics<subcore_parallel>], iteration_bounds = array<i64: 2, 16>, scalar_prefetch = 0 : i64, scratch_operands = 7 : i64, tpu.core_type = #tpu.core_type<sc_vector_subcore>, window_params = [{transform_indices = #map}, {transform_indices = #map1}, {transform_indices = #map1}]} {
    %mul3A = arith.constant 2 : i32
    %mul3A_0 = arith.muli %arg1, %mul3A : i32
    %add3A = arith.addi %mul3A_0, %arg0 : i32
    %mul3A_1 = arith.constant 128 : i32
    %mul3A_2 = arith.muli %add3A, %mul3A_1 : i32
    %iota3A = tpu.iota {dimensions = array<i32: 0>} : vector<16xi32>
    %mul3A_3 = arith.constant 200 : i32
    %mul3A_4 = arith.muli %mul3A_2, %mul3A_3 : i32
    "tpu.region"() ({
      %run_scoped3A = tpu.sem_alloc : memref<!tpu.dma_semaphore, #tpu.memory_space<semaphore_mem>>
      %dma_start3A_55 = tpu.memref_slice %arg2[%mul3A_4] : memref<819200xi32, #tpu.memory_space<hbm>> -> memref<25600xi32, #tpu.memory_space<hbm>>
      %dma_start3A_56 = tpu.memref_slice %arg2[%mul3A_4] : memref<819200xi32, #tpu.memory_space<hbm>> -> memref<25600xi32, #tpu.memory_space<hbm>>
      tpu.enqueue_dma source(%dma_start3A_56 : memref<25600xi32, #tpu.memory_space<hbm>>) target(%arg5 : memref<25600xi32, #tpu.memory_space<vmem>>) target_semaphore(%run_scoped3A : memref<!tpu.dma_semaphore, #tpu.memory_space<semaphore_mem>>)
      %dma_wait3A = tpu.memref_slice %arg2[%mul3A_4] : memref<819200xi32, #tpu.memory_space<hbm>> -> memref<25600xi32, #tpu.memory_space<hbm>>
      %dma_wait3A_57 = tpu.memref_slice %arg2[%mul3A_4] : memref<819200xi32, #tpu.memory_space<hbm>> -> memref<25600xi32, #tpu.memory_space<hbm>>
      tpu.wait_dma2 semaphore(%run_scoped3A : memref<!tpu.dma_semaphore, #tpu.memory_space<semaphore_mem>>) src(%dma_wait3A_57 : memref<25600xi32, #tpu.memory_space<hbm>>) dst(%arg5 : memref<25600xi32, #tpu.memory_space<vmem>>)
      tpu.yield
    }) : () -> ()
    %scan3A = arith.constant 0 : i32
    %scan3A_5 = arith.constant 0 : i32
    %scan3A_6 = arith.constant 1600 : i32
    %scan3A_7 = arith.addi %scan3A_5, %scan3A_6 : i32
    %scan3A_8 = arith.constant 1 : i32
    scf.for %scan3A_55 = %scan3A_5 to %scan3A_7 step %scan3A_8  : i32 {
      %mul3A_56 = arith.constant 16 : i32
      %mul3A_57 = arith.muli %scan3A_55, %mul3A_56 : i32
      %get3A = arith.index_cast %mul3A_57 : i32 to index
      %get3A_58 = tpu.vector_load %arg5[%get3A] {strides = array<i32>} : memref<25600xi32, #tpu.memory_space<vmem>>, vector<16xi32>,
      %shift_right_arithmetic3A = arith.constant 1 : i32
      %shift_right_arithmetic3A_59 = vector.broadcast %shift_right_arithmetic3A : i32 to vector<16xi32>
      %shift_right_arithmetic3A_60 = arith.shrsi %get3A_58, %shift_right_arithmetic3A_59 : vector<16xi32>
      %mul3A_61 = arith.constant 16 : i32
      %mul3A_62 = arith.muli %scan3A_55, %mul3A_61 : i32
      %swap3A = arith.index_cast %mul3A_62 : i32 to index
      %swap3A_63 = tpu.vector_load %arg6[%swap3A] {strides = array<i32>} : memref<25600xi32, #tpu.memory_space<vmem>>, vector<16xi32>,
      tpu.vector_store %arg6[%swap3A], %shift_right_arithmetic3A_60 {strides = array<i32>} : memref<25600xi32, #tpu.memory_space<vmem>>, vector<16xi32>,
      %and3A = arith.constant 1 : i32
      %and3A_64 = vector.broadcast %and3A : i32 to vector<16xi32>
      %and3A_65 = arith.andi %get3A_58, %and3A_64 : vector<16xi32>
      %shift_left3A = arith.constant 6 : i32
      %shift_left3A_66 = vector.broadcast %shift_left3A : i32 to vector<16xi32>
      %shift_left3A_67 = arith.shli %and3A_65, %shift_left3A_66 : vector<16xi32>
      %mul3A_68 = arith.constant 16 : i32
      %mul3A_69 = arith.muli %scan3A_55, %mul3A_68 : i32
      %swap3A_70 = arith.index_cast %mul3A_69 : i32 to index
      %swap3A_71 = tpu.vector_load %arg5[%swap3A_70] {strides = array<i32>} : memref<25600xi32, #tpu.memory_space<vmem>>, vector<16xi32>,
      tpu.vector_store %arg5[%swap3A_70], %shift_left3A_67 {strides = array<i32>} : memref<25600xi32, #tpu.memory_space<vmem>>, vector<16xi32>,
    }
    %scan3A_9 = arith.constant 1600 : i32
    %dma_start3A = arith.constant 0 : i32
    %dma_start3A_10 = arith.constant 0 : i32
    %dma_start3A_11 = arith.constant 0 : i32
    %dma_start3A_12 = tpu.memref_slice %arg7[%dma_start3A, %dma_start3A_10, %dma_start3A_11] : memref<3x200x128xf32, #tpu.memory_space<vmem>> -> memref<1x128x128xf32, #tpu.memory_space<vmem>>
    %dma_start3A_13 = tpu.memref_squeeze %dma_start3A_12 : memref<1x128x128xf32, #tpu.memory_space<vmem>> -> memref<128x128xf32, #tpu.memory_space<vmem>>
    %dma_start3A_14 = arith.constant 0 : i32
    %dma_start3A_15 = tpu.memref_slice %arg6[%dma_start3A_14] : memref<25600xi32, #tpu.memory_space<vmem>> -> memref<128xi32, #tpu.memory_space<vmem>>
    %dma_start3A_16 = arith.constant 0 : i32
    %dma_start3A_17 = arith.constant 0 : i32
    %dma_start3A_18 = tpu.memref_slice %arg3[%dma_start3A_16, %dma_start3A_17] : memref<500000x128xf32, #tpu.memory_space<hbm>> -> memref<500000x128xf32, #tpu.memory_space<hbm>>
    tpu.enqueue_indirect_dma source(%dma_start3A_18 : memref<500000x128xf32, #tpu.memory_space<hbm>>) target(%dma_start3A_13 : memref<128x128xf32, #tpu.memory_space<vmem>>) offsets(%dma_start3A_15 : memref<128xi32, #tpu.memory_space<vmem>>) semaphore(%arg9 : memref<!tpu.dma_semaphore, #tpu.memory_space<semaphore_mem>>)
    %dma_start3A_19 = arith.constant 0 : i32
    %dma_start3A_20 = arith.constant 128 : i32
    %dma_start3A_21 = arith.constant 0 : i32
    %dma_start3A_22 = tpu.memref_slice %arg7[%dma_start3A_19, %dma_start3A_20, %dma_start3A_21] : memref<3x200x128xf32, #tpu.memory_space<vmem>> -> memref<1x72x128xf32, #tpu.memory_space<vmem>>
    %dma_start3A_23 = tpu.memref_squeeze %dma_start3A_22 : memref<1x72x128xf32, #tpu.memory_space<vmem>> -> memref<72x128xf32, #tpu.memory_space<vmem>>
    %dma_start3A_24 = arith.constant 128 : i32
    %dma_start3A_25 = tpu.memref_slice %arg6[%dma_start3A_24] : memref<25600xi32, #tpu.memory_space<vmem>> -> memref<72xi32, #tpu.memory_space<vmem>>
    %dma_start3A_26 = arith.constant 0 : i32
    %dma_start3A_27 = arith.constant 0 : i32
    %dma_start3A_28 = tpu.memref_slice %arg3[%dma_start3A_26, %dma_start3A_27] : memref<500000x128xf32, #tpu.memory_space<hbm>> -> memref<500000x128xf32, #tpu.memory_space<hbm>>
    tpu.enqueue_indirect_dma source(%dma_start3A_28 : memref<500000x128xf32, #tpu.memory_space<hbm>>) target(%dma_start3A_23 : memref<72x128xf32, #tpu.memory_space<vmem>>) offsets(%dma_start3A_25 : memref<72xi32, #tpu.memory_space<vmem>>) semaphore(%arg9 : memref<!tpu.dma_semaphore, #tpu.memory_space<semaphore_mem>>)
    %dma_start3A_29 = arith.constant 1 : i32
    %dma_start3A_30 = arith.constant 0 : i32
    %dma_start3A_31 = arith.constant 0 : i32
    %dma_start3A_32 = tpu.memref_slice %arg7[%dma_start3A_29, %dma_start3A_30, %dma_start3A_31] : memref<3x200x128xf32, #tpu.memory_space<vmem>> -> memref<1x128x128xf32, #tpu.memory_space<vmem>>
    %dma_start3A_33 = tpu.memref_squeeze %dma_start3A_32 : memref<1x128x128xf32, #tpu.memory_space<vmem>> -> memref<128x128xf32, #tpu.memory_space<vmem>>
    %dma_start3A_34 = arith.constant 200 : i32
    %dma_start3A_35 = tpu.memref_slice %arg6[%dma_start3A_34] : memref<25600xi32, #tpu.memory_space<vmem>> -> memref<128xi32, #tpu.memory_space<vmem>>
    %dma_start3A_36 = arith.constant 0 : i32
    %dma_start3A_37 = arith.constant 0 : i32
    %dma_start3A_38 = tpu.memref_slice %arg3[%dma_start3A_36, %dma_start3A_37] : memref<500000x128xf32, #tpu.memory_space<hbm>> -> memref<500000x128xf32, #tpu.memory_space<hbm>>
    tpu.enqueue_indirect_dma source(%dma_start3A_38 : memref<500000x128xf32, #tpu.memory_space<hbm>>) target(%dma_start3A_33 : memref<128x128xf32, #tpu.memory_space<vmem>>) offsets(%dma_start3A_35 : memref<128xi32, #tpu.memory_space<vmem>>) semaphore(%arg10 : memref<!tpu.dma_semaphore, #tpu.memory_space<semaphore_mem>>)
    %dma_start3A_39 = arith.constant 1 : i32
    %dma_start3A_40 = arith.constant 128 : i32
    %dma_start3A_41 = arith.constant 0 : i32
    %dma_start3A_42 = tpu.memref_slice %arg7[%dma_start3A_39, %dma_start3A_40, %dma_start3A_41] : memref<3x200x128xf32, #tpu.memory_space<vmem>> -> memref<1x72x128xf32, #tpu.memory_space<vmem>>
    %dma_start3A_43 = tpu.memref_squeeze %dma_start3A_42 : memref<1x72x128xf32, #tpu.memory_space<vmem>> -> memref<72x128xf32, #tpu.memory_space<vmem>>
    %dma_start3A_44 = arith.constant 328 : i32
    %dma_start3A_45 = tpu.memref_slice %arg6[%dma_start3A_44] : memref<25600xi32, #tpu.memory_space<vmem>> -> memref<72xi32, #tpu.memory_space<vmem>>
    %dma_start3A_46 = arith.constant 0 : i32
    %dma_start3A_47 = arith.constant 0 : i32
    %dma_start3A_48 = tpu.memref_slice %arg3[%dma_start3A_46, %dma_start3A_47] : memref<500000x128xf32, #tpu.memory_space<hbm>> -> memref<500000x128xf32, #tpu.memory_space<hbm>>
    tpu.enqueue_indirect_dma source(%dma_start3A_48 : memref<500000x128xf32, #tpu.memory_space<hbm>>) target(%dma_start3A_43 : memref<72x128xf32, #tpu.memory_space<vmem>>) offsets(%dma_start3A_45 : memref<72xi32, #tpu.memory_space<vmem>>) semaphore(%arg10 : memref<!tpu.dma_semaphore, #tpu.memory_space<semaphore_mem>>)
    %scan3A_49 = arith.constant 0 : i32
    %scan3A_50 = arith.constant 0 : i32
    %scan3A_51 = arith.constant 43 : i32
    %scan3A_52 = arith.addi %scan3A_50, %scan3A_51 : i32
    %scan3A_53 = arith.constant 1 : i32
    scf.for %scan3A_55 = %scan3A_50 to %scan3A_52 step %scan3A_53  : i32 {
      %mul3A_56 = arith.constant 3 : i32
      %mul3A_57 = arith.muli %scan3A_55, %mul3A_56 : i32
      %add3A_58 = arith.constant 0 : i32
      %add3A_59 = arith.addi %mul3A_57, %add3A_58 : i32
      %lt3A = arith.constant 128 : i32
      %lt3A_60 = arith.cmpi slt, %add3A_59, %lt3A : i32
      %convert_element_type3A = arith.extui %lt3A_60 : i1 to i32
      %cond3A = arith.constant 0 : i32
      %cond3A_61 = arith.cmpi ne, %convert_element_type3A, %cond3A : i32
      scf.if %cond3A_61 {
        %add3A_80 = arith.constant 2 : i32
        %add3A_81 = arith.addi %add3A_59, %add3A_80 : i32
        %lt3A_82 = arith.constant 128 : i32
        %lt3A_83 = arith.cmpi slt, %add3A_81, %lt3A_82 : i32
        %convert_element_type3A_84 = arith.extui %lt3A_83 : i1 to i32
        %cond3A_85 = arith.constant 0 : i32
        %cond3A_86 = arith.cmpi ne, %convert_element_type3A_84, %cond3A_85 : i32
        scf.if %cond3A_86 {
          %add3A_172 = arith.constant 2 : i32
          %add3A_173 = arith.addi %add3A_59, %add3A_172 : i32
          %mul3A_174 = arith.constant 200 : i32
          %mul3A_175 = arith.muli %add3A_173, %mul3A_174 : i32
          %add3A_176 = arith.constant 0 : i32
          %add3A_177 = arith.addi %mul3A_175, %add3A_176 : i32
          %dma_start3A_178 = arith.constant 2 : i32
          %dma_start3A_179 = arith.constant 0 : i32
          %dma_start3A_180 = arith.constant 0 : i32
          %dma_start3A_181 = tpu.memref_slice %arg7[%dma_start3A_178, %dma_start3A_179, %dma_start3A_180] : memref<3x200x128xf32, #tpu.memory_space<vmem>> -> memref<1x128x128xf32, #tpu.memory_space<vmem>>
          %dma_start3A_182 = tpu.memref_squeeze %dma_start3A_181 : memref<1x128x128xf32, #tpu.memory_space<vmem>> -> memref<128x128xf32, #tpu.memory_space<vmem>>
          %dma_start3A_183 = tpu.memref_slice %arg6[%add3A_177] : memref<25600xi32, #tpu.memory_space<vmem>> -> memref<128xi32, #tpu.memory_space<vmem>>
          %dma_start3A_184 = arith.constant 0 : i32
          %dma_start3A_185 = arith.constant 0 : i32
          %dma_start3A_186 = tpu.memref_slice %arg3[%dma_start3A_184, %dma_start3A_185] : memref<500000x128xf32, #tpu.memory_space<hbm>> -> memref<500000x128xf32, #tpu.memory_space<hbm>>
          tpu.enqueue_indirect_dma source(%dma_start3A_186 : memref<500000x128xf32, #tpu.memory_space<hbm>>) target(%dma_start3A_182 : memref<128x128xf32, #tpu.memory_space<vmem>>) offsets(%dma_start3A_183 : memref<128xi32, #tpu.memory_space<vmem>>) semaphore(%arg11 : memref<!tpu.dma_semaphore, #tpu.memory_space<semaphore_mem>>)
          %mul3A_187 = arith.constant 200 : i32
          %mul3A_188 = arith.muli %add3A_173, %mul3A_187 : i32
          %add3A_189 = arith.constant 128 : i32
          %add3A_190 = arith.addi %mul3A_188, %add3A_189 : i32
          %dma_start3A_191 = arith.constant 2 : i32
          %dma_start3A_192 = arith.constant 128 : i32
          %dma_start3A_193 = arith.constant 0 : i32
          %dma_start3A_194 = tpu.memref_slice %arg7[%dma_start3A_191, %dma_start3A_192, %dma_start3A_193] : memref<3x200x128xf32, #tpu.memory_space<vmem>> -> memref<1x72x128xf32, #tpu.memory_space<vmem>>
          %dma_start3A_195 = tpu.memref_squeeze %dma_start3A_194 : memref<1x72x128xf32, #tpu.memory_space<vmem>> -> memref<72x128xf32, #tpu.memory_space<vmem>>
          %dma_start3A_196 = tpu.memref_slice %arg6[%add3A_190] : memref<25600xi32, #tpu.memory_space<vmem>> -> memref<72xi32, #tpu.memory_space<vmem>>
          %dma_start3A_197 = arith.constant 0 : i32
          %dma_start3A_198 = arith.constant 0 : i32
          %dma_start3A_199 = tpu.memref_slice %arg3[%dma_start3A_197, %dma_start3A_198] : memref<500000x128xf32, #tpu.memory_space<hbm>> -> memref<500000x128xf32, #tpu.memory_space<hbm>>
          tpu.enqueue_indirect_dma source(%dma_start3A_199 : memref<500000x128xf32, #tpu.memory_space<hbm>>) target(%dma_start3A_195 : memref<72x128xf32, #tpu.memory_space<vmem>>) offsets(%dma_start3A_196 : memref<72xi32, #tpu.memory_space<vmem>>) semaphore(%arg11 : memref<!tpu.dma_semaphore, #tpu.memory_space<semaphore_mem>>)
        } else {
        }
        %dma_wait3A = arith.constant 0 : i32
        %dma_wait3A_87 = arith.constant 0 : i32
        %dma_wait3A_88 = arith.constant 0 : i32
        %dma_wait3A_89 = tpu.memref_slice %arg7[%dma_wait3A, %dma_wait3A_87, %dma_wait3A_88] : memref<3x200x128xf32, #tpu.memory_space<vmem>> -> memref<1x128x128xf32, #tpu.memory_space<vmem>>
        %dma_wait3A_90 = tpu.memref_squeeze %dma_wait3A_89 : memref<1x128x128xf32, #tpu.memory_space<vmem>> -> memref<128x128xf32, #tpu.memory_space<vmem>>
        %dma_wait3A_91 = arith.constant 0 : i32
        %dma_wait3A_92 = tpu.memref_slice %arg6[%dma_wait3A_91] : memref<25600xi32, #tpu.memory_space<vmem>> -> memref<128xi32, #tpu.memory_space<vmem>>
        %dma_wait3A_93 = arith.constant 0 : i32
        %dma_wait3A_94 = arith.constant 0 : i32
        %dma_wait3A_95 = tpu.memref_slice %arg3[%dma_wait3A_93, %dma_wait3A_94] : memref<500000x128xf32, #tpu.memory_space<hbm>> -> memref<500000x128xf32, #tpu.memory_space<hbm>>
        tpu.wait_indirect_dma semaphore(%arg9 : memref<!tpu.dma_semaphore, #tpu.memory_space<semaphore_mem>>) src(%dma_wait3A_95 : memref<500000x128xf32, #tpu.memory_space<hbm>>) dst(%dma_wait3A_90 : memref<128x128xf32, #tpu.memory_space<vmem>>)
        %dma_wait3A_96 = arith.constant 0 : i32
        %dma_wait3A_97 = arith.constant 128 : i32
        %dma_wait3A_98 = arith.constant 0 : i32
        %dma_wait3A_99 = tpu.memref_slice %arg7[%dma_wait3A_96, %dma_wait3A_97, %dma_wait3A_98] : memref<3x200x128xf32, #tpu.memory_space<vmem>> -> memref<1x72x128xf32, #tpu.memory_space<vmem>>
        %dma_wait3A_100 = tpu.memref_squeeze %dma_wait3A_99 : memref<1x72x128xf32, #tpu.memory_space<vmem>> -> memref<72x128xf32, #tpu.memory_space<vmem>>
        %dma_wait3A_101 = arith.constant 128 : i32
        %dma_wait3A_102 = tpu.memref_slice %arg6[%dma_wait3A_101] : memref<25600xi32, #tpu.memory_space<vmem>> -> memref<72xi32, #tpu.memory_space<vmem>>
        %dma_wait3A_103 = arith.constant 0 : i32
        %dma_wait3A_104 = arith.constant 0 : i32
        %dma_wait3A_105 = tpu.memref_slice %arg3[%dma_wait3A_103, %dma_wait3A_104] : memref<500000x128xf32, #tpu.memory_space<hbm>> -> memref<500000x128xf32, #tpu.memory_space<hbm>>
        tpu.wait_indirect_dma semaphore(%arg9 : memref<!tpu.dma_semaphore, #tpu.memory_space<semaphore_mem>>) src(%dma_wait3A_105 : memref<500000x128xf32, #tpu.memory_space<hbm>>) dst(%dma_wait3A_100 : memref<72x128xf32, #tpu.memory_space<vmem>>)
        %broadcast_in_dim3A = arith.constant 0.000000e+00 : f32
        %broadcast_in_dim3A_106 = vector.broadcast %broadcast_in_dim3A : f32 to vector<16xf32>
        %broadcast_in_dim3A_107 = arith.constant 0xFF800000 : f32
        %broadcast_in_dim3A_108 = vector.broadcast %broadcast_in_dim3A_107 : f32 to vector<16xf32>
        %broadcast_in_dim3A_109 = arith.constant 0.000000e+00 : f32
        %broadcast_in_dim3A_110 = vector.broadcast %broadcast_in_dim3A_109 : f32 to vector<16xf32>
        %broadcast_in_dim3A_111 = arith.constant 0xFF800000 : f32
        %broadcast_in_dim3A_112 = vector.broadcast %broadcast_in_dim3A_111 : f32 to vector<16xf32>
        %broadcast_in_dim3A_113 = arith.constant 0.000000e+00 : f32
        %broadcast_in_dim3A_114 = vector.broadcast %broadcast_in_dim3A_113 : f32 to vector<16xf32>
        %broadcast_in_dim3A_115 = arith.constant 0xFF800000 : f32
        %broadcast_in_dim3A_116 = vector.broadcast %broadcast_in_dim3A_115 : f32 to vector<16xf32>
        %broadcast_in_dim3A_117 = arith.constant 0.000000e+00 : f32
        %broadcast_in_dim3A_118 = vector.broadcast %broadcast_in_dim3A_117 : f32 to vector<16xf32>
        %broadcast_in_dim3A_119 = arith.constant 0xFF800000 : f32
        %broadcast_in_dim3A_120 = vector.broadcast %broadcast_in_dim3A_119 : f32 to vector<16xf32>
        %scan3A_121 = arith.constant 0 : i32
        %scan3A_122 = arith.constant 0 : i32
        %scan3A_123 = arith.constant 200 : i32
        %scan3A_124 = arith.addi %scan3A_122, %scan3A_123 : i32
        %scan3A_125 = arith.constant 1 : i32
        %scan3A_126:8 = scf.for %scan3A_172 = %scan3A_122 to %scan3A_124 step %scan3A_125 iter_args(%scan3A_173 = %broadcast_in_dim3A_106, %scan3A_174 = %broadcast_in_dim3A_108, %scan3A_175 = %broadcast_in_dim3A_110, %scan3A_176 = %broadcast_in_dim3A_112, %scan3A_177 = %broadcast_in_dim3A_114, %scan3A_178 = %broadcast_in_dim3A_116, %scan3A_179 = %broadcast_in_dim3A_118, %scan3A_180 = %broadcast_in_dim3A_120) -> (vector<16xf32>, vector<16xf32>, vector<16xf32>, vector<16xf32>, vector<16xf32>, vector<16xf32>, vector<16xf32>, vector<16xf32>)  : i32 {
          %mul3A_181 = arith.constant 200 : i32
          %mul3A_182 = arith.muli %add3A_59, %mul3A_181 : i32
          %add3A_183 = arith.addi %mul3A_182, %scan3A_172 : i32
          %broadcast_in_dim3A_184 = vector.broadcast %add3A_183 : i32 to vector<16xi32>
          %gather3A = tpu.vector_load_idx %arg5[%broadcast_in_dim3A_184] : memref<25600xi32, #tpu.memory_space<vmem>>[vector<16xi32>], vector<16xi32>,
          %broadcast_in_dim3A_185 = vector.broadcast %scan3A_172 : i32 to vector<16xi32>
          %add3A_186 = arith.constant 0 : i32
          %add3A_187 = vector.broadcast %add3A_186 : i32 to vector<16xi32>
          %add3A_188 = arith.addi %gather3A, %add3A_187 : vector<16xi32>
          %add3A_189 = arith.addi %add3A_188, %iota3A : vector<16xi32>
          %gather3A_190 = arith.constant 0 : i32
          %gather3A_191 = arith.constant 0 : i32
          %gather3A_192 = tpu.memref_slice %arg7[%scan3A_121, %gather3A_190, %gather3A_191] : memref<3x200x128xf32, #tpu.memory_space<vmem>> -> memref<1x200x128xf32, #tpu.memory_space<vmem>>
          %gather3A_193 = tpu.memref_squeeze %gather3A_192 : memref<1x200x128xf32, #tpu.memory_space<vmem>> -> memref<200x128xf32, #tpu.memory_space<vmem>>
          %gather3A_194 = tpu.vector_load_idx %gather3A_193[%broadcast_in_dim3A_185, %add3A_189] : memref<200x128xf32, #tpu.memory_space<vmem>>[vector<16xi32>, vector<16xi32>], vector<16xf32>,
          %add3A_195 = arith.addf %scan3A_173, %gather3A_194 : vector<16xf32>
          %max3A = arith.maximumf %scan3A_174, %gather3A_194 : vector<16xf32>
          %add3A_196 = arith.constant 16 : i32
          %add3A_197 = vector.broadcast %add3A_196 : i32 to vector<16xi32>
          %add3A_198 = arith.addi %gather3A, %add3A_197 : vector<16xi32>
          %add3A_199 = arith.addi %add3A_198, %iota3A : vector<16xi32>
          %gather3A_200 = arith.constant 0 : i32
          %gather3A_201 = arith.constant 0 : i32
          %gather3A_202 = tpu.memref_slice %arg7[%scan3A_121, %gather3A_200, %gather3A_201] : memref<3x200x128xf32, #tpu.memory_space<vmem>> -> memref<1x200x128xf32, #tpu.memory_space<vmem>>
          %gather3A_203 = tpu.memref_squeeze %gather3A_202 : memref<1x200x128xf32, #tpu.memory_space<vmem>> -> memref<200x128xf32, #tpu.memory_space<vmem>>
          %gather3A_204 = tpu.vector_load_idx %gather3A_203[%broadcast_in_dim3A_185, %add3A_199] : memref<200x128xf32, #tpu.memory_space<vmem>>[vector<16xi32>, vector<16xi32>], vector<16xf32>,
          %add3A_205 = arith.addf %scan3A_175, %gather3A_204 : vector<16xf32>
          %max3A_206 = arith.maximumf %scan3A_176, %gather3A_204 : vector<16xf32>
          %add3A_207 = arith.constant 32 : i32
          %add3A_208 = vector.broadcast %add3A_207 : i32 to vector<16xi32>
          %add3A_209 = arith.addi %gather3A, %add3A_208 : vector<16xi32>
          %add3A_210 = arith.addi %add3A_209, %iota3A : vector<16xi32>
          %gather3A_211 = arith.constant 0 : i32
          %gather3A_212 = arith.constant 0 : i32
          %gather3A_213 = tpu.memref_slice %arg7[%scan3A_121, %gather3A_211, %gather3A_212] : memref<3x200x128xf32, #tpu.memory_space<vmem>> -> memref<1x200x128xf32, #tpu.memory_space<vmem>>
          %gather3A_214 = tpu.memref_squeeze %gather3A_213 : memref<1x200x128xf32, #tpu.memory_space<vmem>> -> memref<200x128xf32, #tpu.memory_space<vmem>>
          %gather3A_215 = tpu.vector_load_idx %gather3A_214[%broadcast_in_dim3A_185, %add3A_210] : memref<200x128xf32, #tpu.memory_space<vmem>>[vector<16xi32>, vector<16xi32>], vector<16xf32>,
          %add3A_216 = arith.addf %scan3A_177, %gather3A_215 : vector<16xf32>
          %max3A_217 = arith.maximumf %scan3A_178, %gather3A_215 : vector<16xf32>
          %add3A_218 = arith.constant 48 : i32
          %add3A_219 = vector.broadcast %add3A_218 : i32 to vector<16xi32>
          %add3A_220 = arith.addi %gather3A, %add3A_219 : vector<16xi32>
          %add3A_221 = arith.addi %add3A_220, %iota3A : vector<16xi32>
          %gather3A_222 = arith.constant 0 : i32
          %gather3A_223 = arith.constant 0 : i32
          %gather3A_224 = tpu.memref_slice %arg7[%scan3A_121, %gather3A_222, %gather3A_223] : memref<3x200x128xf32, #tpu.memory_space<vmem>> -> memref<1x200x128xf32, #tpu.memory_space<vmem>>
          %gather3A_225 = tpu.memref_squeeze %gather3A_224 : memref<1x200x128xf32, #tpu.memory_space<vmem>> -> memref<200x128xf32, #tpu.memory_space<vmem>>
          %gather3A_226 = tpu.vector_load_idx %gather3A_225[%broadcast_in_dim3A_185, %add3A_221] : memref<200x128xf32, #tpu.memory_space<vmem>>[vector<16xi32>, vector<16xi32>], vector<16xf32>,
          %add3A_227 = arith.addf %scan3A_179, %gather3A_226 : vector<16xf32>
          %max3A_228 = arith.maximumf %scan3A_180, %gather3A_226 : vector<16xf32>
          scf.yield %add3A_195, %max3A, %add3A_205, %max3A_206, %add3A_216, %max3A_217, %add3A_227, %max3A_228 : vector<16xf32>, vector<16xf32>, vector<16xf32>, vector<16xf32>, vector<16xf32>, vector<16xf32>, vector<16xf32>, vector<16xf32>
        }
        %scan3A_127 = arith.constant 200 : i32
        %and3A = arith.constant 7 : i32
        %and3A_128 = arith.andi %add3A_59, %and3A : i32
        %broadcast_in_dim3A_129 = vector.broadcast %and3A_128 : i32 to vector<16xi32>
        %add3A_130 = arith.constant 0 : i32
        %add3A_131 = vector.broadcast %add3A_130 : i32 to vector<16xi32>
        %add3A_132 = arith.addi %add3A_131, %iota3A : vector<16xi32>
        %mul3A_133 = arith.constant 5.000000e-03 : f32
        %mul3A_134 = vector.broadcast %mul3A_133 : f32 to vector<16xf32>
        %mul3A_135 = arith.mulf %scan3A_126#0, %mul3A_134 : vector<16xf32>
        tpu.vector_store_idx %arg8[%broadcast_in_dim3A_129, %add3A_132], %mul3A_135 : memref<8x128xf32, #tpu.memory_space<vmem>>[vector<16xi32>, vector<16xi32>], vector<16xf32>,
        %add3A_136 = arith.constant 64 : i32
        %add3A_137 = vector.broadcast %add3A_136 : i32 to vector<16xi32>
        %add3A_138 = arith.addi %add3A_137, %iota3A : vector<16xi32>
        tpu.vector_store_idx %arg8[%broadcast_in_dim3A_129, %add3A_138], %scan3A_126#1 : memref<8x128xf32, #tpu.memory_space<vmem>>[vector<16xi32>, vector<16xi32>], vector<16xf32>,
        %add3A_139 = arith.constant 16 : i32
        %add3A_140 = vector.broadcast %add3A_139 : i32 to vector<16xi32>
        %add3A_141 = arith.addi %add3A_140, %iota3A : vector<16xi32>
        %mul3A_142 = arith.constant 5.000000e-03 : f32
        %mul3A_143 = vector.broadcast %mul3A_142 : f32 to vector<16xf32>
        %mul3A_144 = arith.mulf %scan3A_126#2, %mul3A_143 : vector<16xf32>
        tpu.vector_store_idx %arg8[%broadcast_in_dim3A_129, %add3A_141], %mul3A_144 : memref<8x128xf32, #tpu.memory_space<vmem>>[vector<16xi32>, vector<16xi32>], vector<16xf32>,
        %add3A_145 = arith.constant 80 : i32
        %add3A_146 = vector.broadcast %add3A_145 : i32 to vector<16xi32>
        %add3A_147 = arith.addi %add3A_146, %iota3A : vector<16xi32>
        tpu.vector_store_idx %arg8[%broadcast_in_dim3A_129, %add3A_147], %scan3A_126#3 : memref<8x128xf32, #tpu.memory_space<vmem>>[vector<16xi32>, vector<16xi32>], vector<16xf32>,
        %add3A_148 = arith.constant 32 : i32
        %add3A_149 = vector.broadcast %add3A_148 : i32 to vector<16xi32>
        %add3A_150 = arith.addi %add3A_149, %iota3A : vector<16xi32>
        %mul3A_151 = arith.constant 5.000000e-03 : f32
        %mul3A_152 = vector.broadcast %mul3A_151 : f32 to vector<16xf32>
        %mul3A_153 = arith.mulf %scan3A_126#4, %mul3A_152 : vector<16xf32>
        tpu.vector_store_idx %arg8[%broadcast_in_dim3A_129, %add3A_150], %mul3A_153 : memref<8x128xf32, #tpu.memory_space<vmem>>[vector<16xi32>, vector<16xi32>], vector<16xf32>,
        %add3A_154 = arith.constant 96 : i32
        %add3A_155 = vector.broadcast %add3A_154 : i32 to vector<16xi32>
        %add3A_156 = arith.addi %add3A_155, %iota3A : vector<16xi32>
        tpu.vector_store_idx %arg8[%broadcast_in_dim3A_129, %add3A_156], %scan3A_126#5 : memref<8x128xf32, #tpu.memory_space<vmem>>[vector<16xi32>, vector<16xi32>], vector<16xf32>,
        %add3A_157 = arith.constant 48 : i32
        %add3A_158 = vector.broadcast %add3A_157 : i32 to vector<16xi32>
        %add3A_159 = arith.addi %add3A_158, %iota3A : vector<16xi32>
        %mul3A_160 = arith.constant 5.000000e-03 : f32
        %mul3A_161 = vector.broadcast %mul3A_160 : f32 to vector<16xf32>
        %mul3A_162 = arith.mulf %scan3A_126#6, %mul3A_161 : vector<16xf32>
        tpu.vector_store_idx %arg8[%broadcast_in_dim3A_129, %add3A_159], %mul3A_162 : memref<8x128xf32, #tpu.memory_space<vmem>>[vector<16xi32>, vector<16xi32>], vector<16xf32>,
        %add3A_163 = arith.constant 112 : i32
        %add3A_164 = vector.broadcast %add3A_163 : i32 to vector<16xi32>
        %add3A_165 = arith.addi %add3A_164, %iota3A : vector<16xi32>
        tpu.vector_store_idx %arg8[%broadcast_in_dim3A_129, %add3A_165], %scan3A_126#7 : memref<8x128xf32, #tpu.memory_space<vmem>>[vector<16xi32>, vector<16xi32>], vector<16xf32>,
        %and3A_166 = arith.constant 7 : i32
        %and3A_167 = arith.andi %add3A_59, %and3A_166 : i32
        %eq3A = arith.constant 7 : i32
        %eq3A_168 = arith.cmpi eq, %and3A_167, %eq3A : i32
        %convert_element_type3A_169 = arith.extui %eq3A_168 : i1 to i32
        %cond3A_170 = arith.constant 0 : i32
        %cond3A_171 = arith.cmpi ne, %convert_element_type3A_169, %cond3A_170 : i32
        scf.if %cond3A_171 {
          %add3A_172 = arith.addi %mul3A_2, %add3A_59 : i32
          %sub3A = arith.constant 7 : i32
          %sub3A_173 = arith.subi %add3A_172, %sub3A : i32
          %multiple_of3A = tpu.assume_multiple %sub3A_173, 8 : i32
          "tpu.region"() ({
            %run_scoped3A = tpu.sem_alloc : memref<!tpu.dma_semaphore, #tpu.memory_space<semaphore_mem>>
            %dma_start3A_174 = arith.constant 0 : i32
            %dma_start3A_175 = tpu.memref_slice %arg4[%multiple_of3A, %dma_start3A_174] : memref<4096x128xf32, #tpu.memory_space<hbm>> -> memref<8x128xf32, #tpu.memory_space<hbm>>
            %dma_start3A_176 = arith.constant 0 : i32
            %dma_start3A_177 = tpu.memref_slice %arg4[%multiple_of3A, %dma_start3A_176] : memref<4096x128xf32, #tpu.memory_space<hbm>> -> memref<8x128xf32, #tpu.memory_space<hbm>>
            tpu.enqueue_dma source(%arg8 : memref<8x128xf32, #tpu.memory_space<vmem>>) target(%dma_start3A_177 : memref<8x128xf32, #tpu.memory_space<hbm>>) target_semaphore(%run_scoped3A : memref<!tpu.dma_semaphore, #tpu.memory_space<semaphore_mem>>)
            %dma_wait3A_178 = arith.constant 0 : i32
            %dma_wait3A_179 = tpu.memref_slice %arg4[%multiple_of3A, %dma_wait3A_178] : memref<4096x128xf32, #tpu.memory_space<hbm>> -> memref<8x128xf32, #tpu.memory_space<hbm>>
            %dma_wait3A_180 = arith.constant 0 : i32
            %dma_wait3A_181 = tpu.memref_slice %arg4[%multiple_of3A, %dma_wait3A_180] : memref<4096x128xf32, #tpu.memory_space<hbm>> -> memref<8x128xf32, #tpu.memory_space<hbm>>
            tpu.wait_dma2 semaphore(%run_scoped3A : memref<!tpu.dma_semaphore, #tpu.memory_space<semaphore_mem>>) src(%arg8 : memref<8x128xf32, #tpu.memory_space<vmem>>) dst(%dma_wait3A_181 : memref<8x128xf32, #tpu.memory_space<hbm>>)
            tpu.yield
          }) : () -> ()
        } else {
        }
      } else {
      }
      %mul3A_62 = arith.constant 3 : i32
      %mul3A_63 = arith.muli %scan3A_55, %mul3A_62 : i32
      %add3A_64 = arith.constant 1 : i32
      %add3A_65 = arith.addi %mul3A_63, %add3A_64 : i32
      %lt3A_66 = arith.constant 128 : i32
      %lt3A_67 = arith.cmpi slt, %add3A_65, %lt3A_66 : i32
      %convert_element_type3A_68 = arith.extui %lt3A_67 : i1 to i32
      %cond3A_69 = arith.constant 0 : i32
      %cond3A_70 = arith.cmpi ne, %convert_element_type3A_68, %cond3A_69 : i32
      scf.if %cond3A_70 {
        %add3A_80 = arith.constant 2 : i32
        %add3A_81 = arith.addi %add3A_65, %add3A_80 : i32
        %lt3A_82 = arith.constant 128 : i32
        %lt3A_83 = arith.cmpi slt, %add3A_81, %lt3A_82 : i32
        %convert_element_type3A_84 = arith.extui %lt3A_83 : i1 to i32
        %cond3A_85 = arith.constant 0 : i32
        %cond3A_86 = arith.cmpi ne, %convert_element_type3A_84, %cond3A_85 : i32
        scf.if %cond3A_86 {
          %add3A_172 = arith.constant 2 : i32
          %add3A_173 = arith.addi %add3A_65, %add3A_172 : i32
          %mul3A_174 = arith.constant 200 : i32
          %mul3A_175 = arith.muli %add3A_173, %mul3A_174 : i32
          %add3A_176 = arith.constant 0 : i32
          %add3A_177 = arith.addi %mul3A_175, %add3A_176 : i32
          %dma_start3A_178 = arith.constant 0 : i32
          %dma_start3A_179 = arith.constant 0 : i32
          %dma_start3A_180 = arith.constant 0 : i32
          %dma_start3A_181 = tpu.memref_slice %arg7[%dma_start3A_178, %dma_start3A_179, %dma_start3A_180] : memref<3x200x128xf32, #tpu.memory_space<vmem>> -> memref<1x128x128xf32, #tpu.memory_space<vmem>>
          %dma_start3A_182 = tpu.memref_squeeze %dma_start3A_181 : memref<1x128x128xf32, #tpu.memory_space<vmem>> -> memref<128x128xf32, #tpu.memory_space<vmem>>
          %dma_start3A_183 = tpu.memref_slice %arg6[%add3A_177] : memref<25600xi32, #tpu.memory_space<vmem>> -> memref<128xi32, #tpu.memory_space<vmem>>
          %dma_start3A_184 = arith.constant 0 : i32
          %dma_start3A_185 = arith.constant 0 : i32
          %dma_start3A_186 = tpu.memref_slice %arg3[%dma_start3A_184, %dma_start3A_185] : memref<500000x128xf32, #tpu.memory_space<hbm>> -> memref<500000x128xf32, #tpu.memory_space<hbm>>
          tpu.enqueue_indirect_dma source(%dma_start3A_186 : memref<500000x128xf32, #tpu.memory_space<hbm>>) target(%dma_start3A_182 : memref<128x128xf32, #tpu.memory_space<vmem>>) offsets(%dma_start3A_183 : memref<128xi32, #tpu.memory_space<vmem>>) semaphore(%arg9 : memref<!tpu.dma_semaphore, #tpu.memory_space<semaphore_mem>>)
          %mul3A_187 = arith.constant 200 : i32
          %mul3A_188 = arith.muli %add3A_173, %mul3A_187 : i32
          %add3A_189 = arith.constant 128 : i32
          %add3A_190 = arith.addi %mul3A_188, %add3A_189 : i32
          %dma_start3A_191 = arith.constant 0 : i32
          %dma_start3A_192 = arith.constant 128 : i32
          %dma_start3A_193 = arith.constant 0 : i32
          %dma_start3A_194 = tpu.memref_slice %arg7[%dma_start3A_191, %dma_start3A_192, %dma_start3A_193] : memref<3x200x128xf32, #tpu.memory_space<vmem>> -> memref<1x72x128xf32, #tpu.memory_space<vmem>>
          %dma_start3A_195 = tpu.memref_squeeze %dma_start3A_194 : memref<1x72x128xf32, #tpu.memory_space<vmem>> -> memref<72x128xf32, #tpu.memory_space<vmem>>
          %dma_start3A_196 = tpu.memref_slice %arg6[%add3A_190] : memref<25600xi32, #tpu.memory_space<vmem>> -> memref<72xi32, #tpu.memory_space<vmem>>
          %dma_start3A_197 = arith.constant 0 : i32
          %dma_start3A_198 = arith.constant 0 : i32
          %dma_start3A_199 = tpu.memref_slice %arg3[%dma_start3A_197, %dma_start3A_198] : memref<500000x128xf32, #tpu.memory_space<hbm>> -> memref<500000x128xf32, #tpu.memory_space<hbm>>
          tpu.enqueue_indirect_dma source(%dma_start3A_199 : memref<500000x128xf32, #tpu.memory_space<hbm>>) target(%dma_start3A_195 : memref<72x128xf32, #tpu.memory_space<vmem>>) offsets(%dma_start3A_196 : memref<72xi32, #tpu.memory_space<vmem>>) semaphore(%arg9 : memref<!tpu.dma_semaphore, #tpu.memory_space<semaphore_mem>>)
        } else {
        }
        %dma_wait3A = arith.constant 1 : i32
        %dma_wait3A_87 = arith.constant 0 : i32
        %dma_wait3A_88 = arith.constant 0 : i32
        %dma_wait3A_89 = tpu.memref_slice %arg7[%dma_wait3A, %dma_wait3A_87, %dma_wait3A_88] : memref<3x200x128xf32, #tpu.memory_space<vmem>> -> memref<1x128x128xf32, #tpu.memory_space<vmem>>
        %dma_wait3A_90 = tpu.memref_squeeze %dma_wait3A_89 : memref<1x128x128xf32, #tpu.memory_space<vmem>> -> memref<128x128xf32, #tpu.memory_space<vmem>>
        %dma_wait3A_91 = arith.constant 0 : i32
        %dma_wait3A_92 = tpu.memref_slice %arg6[%dma_wait3A_91] : memref<25600xi32, #tpu.memory_space<vmem>> -> memref<128xi32, #tpu.memory_space<vmem>>
        %dma_wait3A_93 = arith.constant 0 : i32
        %dma_wait3A_94 = arith.constant 0 : i32
        %dma_wait3A_95 = tpu.memref_slice %arg3[%dma_wait3A_93, %dma_wait3A_94] : memref<500000x128xf32, #tpu.memory_space<hbm>> -> memref<500000x128xf32, #tpu.memory_space<hbm>>
        tpu.wait_indirect_dma semaphore(%arg10 : memref<!tpu.dma_semaphore, #tpu.memory_space<semaphore_mem>>) src(%dma_wait3A_95 : memref<500000x128xf32, #tpu.memory_space<hbm>>) dst(%dma_wait3A_90 : memref<128x128xf32, #tpu.memory_space<vmem>>)
        %dma_wait3A_96 = arith.constant 1 : i32
        %dma_wait3A_97 = arith.constant 128 : i32
        %dma_wait3A_98 = arith.constant 0 : i32
        %dma_wait3A_99 = tpu.memref_slice %arg7[%dma_wait3A_96, %dma_wait3A_97, %dma_wait3A_98] : memref<3x200x128xf32, #tpu.memory_space<vmem>> -> memref<1x72x128xf32, #tpu.memory_space<vmem>>
        %dma_wait3A_100 = tpu.memref_squeeze %dma_wait3A_99 : memref<1x72x128xf32, #tpu.memory_space<vmem>> -> memref<72x128xf32, #tpu.memory_space<vmem>>
        %dma_wait3A_101 = arith.constant 128 : i32
        %dma_wait3A_102 = tpu.memref_slice %arg6[%dma_wait3A_101] : memref<25600xi32, #tpu.memory_space<vmem>> -> memref<72xi32, #tpu.memory_space<vmem>>
        %dma_wait3A_103 = arith.constant 0 : i32
        %dma_wait3A_104 = arith.constant 0 : i32
        %dma_wait3A_105 = tpu.memref_slice %arg3[%dma_wait3A_103, %dma_wait3A_104] : memref<500000x128xf32, #tpu.memory_space<hbm>> -> memref<500000x128xf32, #tpu.memory_space<hbm>>
        tpu.wait_indirect_dma semaphore(%arg10 : memref<!tpu.dma_semaphore, #tpu.memory_space<semaphore_mem>>) src(%dma_wait3A_105 : memref<500000x128xf32, #tpu.memory_space<hbm>>) dst(%dma_wait3A_100 : memref<72x128xf32, #tpu.memory_space<vmem>>)
        %broadcast_in_dim3A = arith.constant 0.000000e+00 : f32
        %broadcast_in_dim3A_106 = vector.broadcast %broadcast_in_dim3A : f32 to vector<16xf32>
        %broadcast_in_dim3A_107 = arith.constant 0xFF800000 : f32
        %broadcast_in_dim3A_108 = vector.broadcast %broadcast_in_dim3A_107 : f32 to vector<16xf32>
        %broadcast_in_dim3A_109 = arith.constant 0.000000e+00 : f32
        %broadcast_in_dim3A_110 = vector.broadcast %broadcast_in_dim3A_109 : f32 to vector<16xf32>
        %broadcast_in_dim3A_111 = arith.constant 0xFF800000 : f32
        %broadcast_in_dim3A_112 = vector.broadcast %broadcast_in_dim3A_111 : f32 to vector<16xf32>
        %broadcast_in_dim3A_113 = arith.constant 0.000000e+00 : f32
        %broadcast_in_dim3A_114 = vector.broadcast %broadcast_in_dim3A_113 : f32 to vector<16xf32>
        %broadcast_in_dim3A_115 = arith.constant 0xFF800000 : f32
        %broadcast_in_dim3A_116 = vector.broadcast %broadcast_in_dim3A_115 : f32 to vector<16xf32>
        %broadcast_in_dim3A_117 = arith.constant 0.000000e+00 : f32
        %broadcast_in_dim3A_118 = vector.broadcast %broadcast_in_dim3A_117 : f32 to vector<16xf32>
        %broadcast_in_dim3A_119 = arith.constant 0xFF800000 : f32
        %broadcast_in_dim3A_120 = vector.broadcast %broadcast_in_dim3A_119 : f32 to vector<16xf32>
        %scan3A_121 = arith.constant 1 : i32
        %scan3A_122 = arith.constant 0 : i32
        %scan3A_123 = arith.constant 200 : i32
        %scan3A_124 = arith.addi %scan3A_122, %scan3A_123 : i32
        %scan3A_125 = arith.constant 1 : i32
        %scan3A_126:8 = scf.for %scan3A_172 = %scan3A_122 to %scan3A_124 step %scan3A_125 iter_args(%scan3A_173 = %broadcast_in_dim3A_106, %scan3A_174 = %broadcast_in_dim3A_108, %scan3A_175 = %broadcast_in_dim3A_110, %scan3A_176 = %broadcast_in_dim3A_112, %scan3A_177 = %broadcast_in_dim3A_114, %scan3A_178 = %broadcast_in_dim3A_116, %scan3A_179 = %broadcast_in_dim3A_118, %scan3A_180 = %broadcast_in_dim3A_120) -> (vector<16xf32>, vector<16xf32>, vector<16xf32>, vector<16xf32>, vector<16xf32>, vector<16xf32>, vector<16xf32>, vector<16xf32>)  : i32 {
          %mul3A_181 = arith.constant 200 : i32
          %mul3A_182 = arith.muli %add3A_65, %mul3A_181 : i32
          %add3A_183 = arith.addi %mul3A_182, %scan3A_172 : i32
          %broadcast_in_dim3A_184 = vector.broadcast %add3A_183 : i32 to vector<16xi32>
          %gather3A = tpu.vector_load_idx %arg5[%broadcast_in_dim3A_184] : memref<25600xi32, #tpu.memory_space<vmem>>[vector<16xi32>], vector<16xi32>,
          %broadcast_in_dim3A_185 = vector.broadcast %scan3A_172 : i32 to vector<16xi32>
          %add3A_186 = arith.constant 0 : i32
          %add3A_187 = vector.broadcast %add3A_186 : i32 to vector<16xi32>
          %add3A_188 = arith.addi %gather3A, %add3A_187 : vector<16xi32>
          %add3A_189 = arith.addi %add3A_188, %iota3A : vector<16xi32>
          %gather3A_190 = arith.constant 0 : i32
          %gather3A_191 = arith.constant 0 : i32
          %gather3A_192 = tpu.memref_slice %arg7[%scan3A_121, %gather3A_190, %gather3A_191] : memref<3x200x128xf32, #tpu.memory_space<vmem>> -> memref<1x200x128xf32, #tpu.memory_space<vmem>>
          %gather3A_193 = tpu.memref_squeeze %gather3A_192 : memref<1x200x128xf32, #tpu.memory_space<vmem>> -> memref<200x128xf32, #tpu.memory_space<vmem>>
          %gather3A_194 = tpu.vector_load_idx %gather3A_193[%broadcast_in_dim3A_185, %add3A_189] : memref<200x128xf32, #tpu.memory_space<vmem>>[vector<16xi32>, vector<16xi32>], vector<16xf32>,
          %add3A_195 = arith.addf %scan3A_173, %gather3A_194 : vector<16xf32>
          %max3A = arith.maximumf %scan3A_174, %gather3A_194 : vector<16xf32>
          %add3A_196 = arith.constant 16 : i32
          %add3A_197 = vector.broadcast %add3A_196 : i32 to vector<16xi32>
          %add3A_198 = arith.addi %gather3A, %add3A_197 : vector<16xi32>
          %add3A_199 = arith.addi %add3A_198, %iota3A : vector<16xi32>
          %gather3A_200 = arith.constant 0 : i32
          %gather3A_201 = arith.constant 0 : i32
          %gather3A_202 = tpu.memref_slice %arg7[%scan3A_121, %gather3A_200, %gather3A_201] : memref<3x200x128xf32, #tpu.memory_space<vmem>> -> memref<1x200x128xf32, #tpu.memory_space<vmem>>
          %gather3A_203 = tpu.memref_squeeze %gather3A_202 : memref<1x200x128xf32, #tpu.memory_space<vmem>> -> memref<200x128xf32, #tpu.memory_space<vmem>>
          %gather3A_204 = tpu.vector_load_idx %gather3A_203[%broadcast_in_dim3A_185, %add3A_199] : memref<200x128xf32, #tpu.memory_space<vmem>>[vector<16xi32>, vector<16xi32>], vector<16xf32>,
          %add3A_205 = arith.addf %scan3A_175, %gather3A_204 : vector<16xf32>
          %max3A_206 = arith.maximumf %scan3A_176, %gather3A_204 : vector<16xf32>
          %add3A_207 = arith.constant 32 : i32
          %add3A_208 = vector.broadcast %add3A_207 : i32 to vector<16xi32>
          %add3A_209 = arith.addi %gather3A, %add3A_208 : vector<16xi32>
          %add3A_210 = arith.addi %add3A_209, %iota3A : vector<16xi32>
          %gather3A_211 = arith.constant 0 : i32
          %gather3A_212 = arith.constant 0 : i32
          %gather3A_213 = tpu.memref_slice %arg7[%scan3A_121, %gather3A_211, %gather3A_212] : memref<3x200x128xf32, #tpu.memory_space<vmem>> -> memref<1x200x128xf32, #tpu.memory_space<vmem>>
          %gather3A_214 = tpu.memref_squeeze %gather3A_213 : memref<1x200x128xf32, #tpu.memory_space<vmem>> -> memref<200x128xf32, #tpu.memory_space<vmem>>
          %gather3A_215 = tpu.vector_load_idx %gather3A_214[%broadcast_in_dim3A_185, %add3A_210] : memref<200x128xf32, #tpu.memory_space<vmem>>[vector<16xi32>, vector<16xi32>], vector<16xf32>,
          %add3A_216 = arith.addf %scan3A_177, %gather3A_215 : vector<16xf32>
          %max3A_217 = arith.maximumf %scan3A_178, %gather3A_215 : vector<16xf32>
          %add3A_218 = arith.constant 48 : i32
          %add3A_219 = vector.broadcast %add3A_218 : i32 to vector<16xi32>
          %add3A_220 = arith.addi %gather3A, %add3A_219 : vector<16xi32>
          %add3A_221 = arith.addi %add3A_220, %iota3A : vector<16xi32>
          %gather3A_222 = arith.constant 0 : i32
          %gather3A_223 = arith.constant 0 : i32
          %gather3A_224 = tpu.memref_slice %arg7[%scan3A_121, %gather3A_222, %gather3A_223] : memref<3x200x128xf32, #tpu.memory_space<vmem>> -> memref<1x200x128xf32, #tpu.memory_space<vmem>>
          %gather3A_225 = tpu.memref_squeeze %gather3A_224 : memref<1x200x128xf32, #tpu.memory_space<vmem>> -> memref<200x128xf32, #tpu.memory_space<vmem>>
          %gather3A_226 = tpu.vector_load_idx %gather3A_225[%broadcast_in_dim3A_185, %add3A_221] : memref<200x128xf32, #tpu.memory_space<vmem>>[vector<16xi32>, vector<16xi32>], vector<16xf32>,
          %add3A_227 = arith.addf %scan3A_179, %gather3A_226 : vector<16xf32>
          %max3A_228 = arith.maximumf %scan3A_180, %gather3A_226 : vector<16xf32>
          scf.yield %add3A_195, %max3A, %add3A_205, %max3A_206, %add3A_216, %max3A_217, %add3A_227, %max3A_228 : vector<16xf32>, vector<16xf32>, vector<16xf32>, vector<16xf32>, vector<16xf32>, vector<16xf32>, vector<16xf32>, vector<16xf32>
        }
        %scan3A_127 = arith.constant 200 : i32
        %and3A = arith.constant 7 : i32
        %and3A_128 = arith.andi %add3A_65, %and3A : i32
        %broadcast_in_dim3A_129 = vector.broadcast %and3A_128 : i32 to vector<16xi32>
        %add3A_130 = arith.constant 0 : i32
        %add3A_131 = vector.broadcast %add3A_130 : i32 to vector<16xi32>
        %add3A_132 = arith.addi %add3A_131, %iota3A : vector<16xi32>
        %mul3A_133 = arith.constant 5.000000e-03 : f32
        %mul3A_134 = vector.broadcast %mul3A_133 : f32 to vector<16xf32>
        %mul3A_135 = arith.mulf %scan3A_126#0, %mul3A_134 : vector<16xf32>
        tpu.vector_store_idx %arg8[%broadcast_in_dim3A_129, %add3A_132], %mul3A_135 : memref<8x128xf32, #tpu.memory_space<vmem>>[vector<16xi32>, vector<16xi32>], vector<16xf32>,
        %add3A_136 = arith.constant 64 : i32
        %add3A_137 = vector.broadcast %add3A_136 : i32 to vector<16xi32>
        %add3A_138 = arith.addi %add3A_137, %iota3A : vector<16xi32>
        tpu.vector_store_idx %arg8[%broadcast_in_dim3A_129, %add3A_138], %scan3A_126#1 : memref<8x128xf32, #tpu.memory_space<vmem>>[vector<16xi32>, vector<16xi32>], vector<16xf32>,
        %add3A_139 = arith.constant 16 : i32
        %add3A_140 = vector.broadcast %add3A_139 : i32 to vector<16xi32>
        %add3A_141 = arith.addi %add3A_140, %iota3A : vector<16xi32>
        %mul3A_142 = arith.constant 5.000000e-03 : f32
        %mul3A_143 = vector.broadcast %mul3A_142 : f32 to vector<16xf32>
        %mul3A_144 = arith.mulf %scan3A_126#2, %mul3A_143 : vector<16xf32>
        tpu.vector_store_idx %arg8[%broadcast_in_dim3A_129, %add3A_141], %mul3A_144 : memref<8x128xf32, #tpu.memory_space<vmem>>[vector<16xi32>, vector<16xi32>], vector<16xf32>,
        %add3A_145 = arith.constant 80 : i32
        %add3A_146 = vector.broadcast %add3A_145 : i32 to vector<16xi32>
        %add3A_147 = arith.addi %add3A_146, %iota3A : vector<16xi32>
        tpu.vector_store_idx %arg8[%broadcast_in_dim3A_129, %add3A_147], %scan3A_126#3 : memref<8x128xf32, #tpu.memory_space<vmem>>[vector<16xi32>, vector<16xi32>], vector<16xf32>,
        %add3A_148 = arith.constant 32 : i32
        %add3A_149 = vector.broadcast %add3A_148 : i32 to vector<16xi32>
        %add3A_150 = arith.addi %add3A_149, %iota3A : vector<16xi32>
        %mul3A_151 = arith.constant 5.000000e-03 : f32
        %mul3A_152 = vector.broadcast %mul3A_151 : f32 to vector<16xf32>
        %mul3A_153 = arith.mulf %scan3A_126#4, %mul3A_152 : vector<16xf32>
        tpu.vector_store_idx %arg8[%broadcast_in_dim3A_129, %add3A_150], %mul3A_153 : memref<8x128xf32, #tpu.memory_space<vmem>>[vector<16xi32>, vector<16xi32>], vector<16xf32>,
        %add3A_154 = arith.constant 96 : i32
        %add3A_155 = vector.broadcast %add3A_154 : i32 to vector<16xi32>
        %add3A_156 = arith.addi %add3A_155, %iota3A : vector<16xi32>
        tpu.vector_store_idx %arg8[%broadcast_in_dim3A_129, %add3A_156], %scan3A_126#5 : memref<8x128xf32, #tpu.memory_space<vmem>>[vector<16xi32>, vector<16xi32>], vector<16xf32>,
        %add3A_157 = arith.constant 48 : i32
        %add3A_158 = vector.broadcast %add3A_157 : i32 to vector<16xi32>
        %add3A_159 = arith.addi %add3A_158, %iota3A : vector<16xi32>
        %mul3A_160 = arith.constant 5.000000e-03 : f32
        %mul3A_161 = vector.broadcast %mul3A_160 : f32 to vector<16xf32>
        %mul3A_162 = arith.mulf %scan3A_126#6, %mul3A_161 : vector<16xf32>
        tpu.vector_store_idx %arg8[%broadcast_in_dim3A_129, %add3A_159], %mul3A_162 : memref<8x128xf32, #tpu.memory_space<vmem>>[vector<16xi32>, vector<16xi32>], vector<16xf32>,
        %add3A_163 = arith.constant 112 : i32
        %add3A_164 = vector.broadcast %add3A_163 : i32 to vector<16xi32>
        %add3A_165 = arith.addi %add3A_164, %iota3A : vector<16xi32>
        tpu.vector_store_idx %arg8[%broadcast_in_dim3A_129, %add3A_165], %scan3A_126#7 : memref<8x128xf32, #tpu.memory_space<vmem>>[vector<16xi32>, vector<16xi32>], vector<16xf32>,
        %and3A_166 = arith.constant 7 : i32
        %and3A_167 = arith.andi %add3A_65, %and3A_166 : i32
        %eq3A = arith.constant 7 : i32
        %eq3A_168 = arith.cmpi eq, %and3A_167, %eq3A : i32
        %convert_element_type3A_169 = arith.extui %eq3A_168 : i1 to i32
        %cond3A_170 = arith.constant 0 : i32
        %cond3A_171 = arith.cmpi ne, %convert_element_type3A_169, %cond3A_170 : i32
        scf.if %cond3A_171 {
          %add3A_172 = arith.addi %mul3A_2, %add3A_65 : i32
          %sub3A = arith.constant 7 : i32
          %sub3A_173 = arith.subi %add3A_172, %sub3A : i32
          %multiple_of3A = tpu.assume_multiple %sub3A_173, 8 : i32
          "tpu.region"() ({
            %run_scoped3A = tpu.sem_alloc : memref<!tpu.dma_semaphore, #tpu.memory_space<semaphore_mem>>
            %dma_start3A_174 = arith.constant 0 : i32
            %dma_start3A_175 = tpu.memref_slice %arg4[%multiple_of3A, %dma_start3A_174] : memref<4096x128xf32, #tpu.memory_space<hbm>> -> memref<8x128xf32, #tpu.memory_space<hbm>>
            %dma_start3A_176 = arith.constant 0 : i32
            %dma_start3A_177 = tpu.memref_slice %arg4[%multiple_of3A, %dma_start3A_176] : memref<4096x128xf32, #tpu.memory_space<hbm>> -> memref<8x128xf32, #tpu.memory_space<hbm>>
            tpu.enqueue_dma source(%arg8 : memref<8x128xf32, #tpu.memory_space<vmem>>) target(%dma_start3A_177 : memref<8x128xf32, #tpu.memory_space<hbm>>) target_semaphore(%run_scoped3A : memref<!tpu.dma_semaphore, #tpu.memory_space<semaphore_mem>>)
            %dma_wait3A_178 = arith.constant 0 : i32
            %dma_wait3A_179 = tpu.memref_slice %arg4[%multiple_of3A, %dma_wait3A_178] : memref<4096x128xf32, #tpu.memory_space<hbm>> -> memref<8x128xf32, #tpu.memory_space<hbm>>
            %dma_wait3A_180 = arith.constant 0 : i32
            %dma_wait3A_181 = tpu.memref_slice %arg4[%multiple_of3A, %dma_wait3A_180] : memref<4096x128xf32, #tpu.memory_space<hbm>> -> memref<8x128xf32, #tpu.memory_space<hbm>>
            tpu.wait_dma2 semaphore(%run_scoped3A : memref<!tpu.dma_semaphore, #tpu.memory_space<semaphore_mem>>) src(%arg8 : memref<8x128xf32, #tpu.memory_space<vmem>>) dst(%dma_wait3A_181 : memref<8x128xf32, #tpu.memory_space<hbm>>)
            tpu.yield
          }) : () -> ()
        } else {
        }
      } else {
      }
      %mul3A_71 = arith.constant 3 : i32
      %mul3A_72 = arith.muli %scan3A_55, %mul3A_71 : i32
      %add3A_73 = arith.constant 2 : i32
      %add3A_74 = arith.addi %mul3A_72, %add3A_73 : i32
      %lt3A_75 = arith.constant 128 : i32
      %lt3A_76 = arith.cmpi slt, %add3A_74, %lt3A_75 : i32
      %convert_element_type3A_77 = arith.extui %lt3A_76 : i1 to i32
      %cond3A_78 = arith.constant 0 : i32
      %cond3A_79 = arith.cmpi ne, %convert_element_type3A_77, %cond3A_78 : i32
      scf.if %cond3A_79 {
        %add3A_80 = arith.constant 2 : i32
        %add3A_81 = arith.addi %add3A_74, %add3A_80 : i32
        %lt3A_82 = arith.constant 128 : i32
        %lt3A_83 = arith.cmpi slt, %add3A_81, %lt3A_82 : i32
        %convert_element_type3A_84 = arith.extui %lt3A_83 : i1 to i32
        %cond3A_85 = arith.constant 0 : i32
        %cond3A_86 = arith.cmpi ne, %convert_element_type3A_84, %cond3A_85 : i32
        scf.if %cond3A_86 {
          %add3A_172 = arith.constant 2 : i32
          %add3A_173 = arith.addi %add3A_74, %add3A_172 : i32
          %mul3A_174 = arith.constant 200 : i32
          %mul3A_175 = arith.muli %add3A_173, %mul3A_174 : i32
          %add3A_176 = arith.constant 0 : i32
          %add3A_177 = arith.addi %mul3A_175, %add3A_176 : i32
          %dma_start3A_178 = arith.constant 1 : i32
          %dma_start3A_179 = arith.constant 0 : i32
          %dma_start3A_180 = arith.constant 0 : i32
          %dma_start3A_181 = tpu.memref_slice %arg7[%dma_start3A_178, %dma_start3A_179, %dma_start3A_180] : memref<3x200x128xf32, #tpu.memory_space<vmem>> -> memref<1x128x128xf32, #tpu.memory_space<vmem>>
          %dma_start3A_182 = tpu.memref_squeeze %dma_start3A_181 : memref<1x128x128xf32, #tpu.memory_space<vmem>> -> memref<128x128xf32, #tpu.memory_space<vmem>>
          %dma_start3A_183 = tpu.memref_slice %arg6[%add3A_177] : memref<25600xi32, #tpu.memory_space<vmem>> -> memref<128xi32, #tpu.memory_space<vmem>>
          %dma_start3A_184 = arith.constant 0 : i32
          %dma_start3A_185 = arith.constant 0 : i32
          %dma_start3A_186 = tpu.memref_slice %arg3[%dma_start3A_184, %dma_start3A_185] : memref<500000x128xf32, #tpu.memory_space<hbm>> -> memref<500000x128xf32, #tpu.memory_space<hbm>>
          tpu.enqueue_indirect_dma source(%dma_start3A_186 : memref<500000x128xf32, #tpu.memory_space<hbm>>) target(%dma_start3A_182 : memref<128x128xf32, #tpu.memory_space<vmem>>) offsets(%dma_start3A_183 : memref<128xi32, #tpu.memory_space<vmem>>) semaphore(%arg10 : memref<!tpu.dma_semaphore, #tpu.memory_space<semaphore_mem>>)
          %mul3A_187 = arith.constant 200 : i32
          %mul3A_188 = arith.muli %add3A_173, %mul3A_187 : i32
          %add3A_189 = arith.constant 128 : i32
          %add3A_190 = arith.addi %mul3A_188, %add3A_189 : i32
          %dma_start3A_191 = arith.constant 1 : i32
          %dma_start3A_192 = arith.constant 128 : i32
          %dma_start3A_193 = arith.constant 0 : i32
          %dma_start3A_194 = tpu.memref_slice %arg7[%dma_start3A_191, %dma_start3A_192, %dma_start3A_193] : memref<3x200x128xf32, #tpu.memory_space<vmem>> -> memref<1x72x128xf32, #tpu.memory_space<vmem>>
          %dma_start3A_195 = tpu.memref_squeeze %dma_start3A_194 : memref<1x72x128xf32, #tpu.memory_space<vmem>> -> memref<72x128xf32, #tpu.memory_space<vmem>>
          %dma_start3A_196 = tpu.memref_slice %arg6[%add3A_190] : memref<25600xi32, #tpu.memory_space<vmem>> -> memref<72xi32, #tpu.memory_space<vmem>>
          %dma_start3A_197 = arith.constant 0 : i32
          %dma_start3A_198 = arith.constant 0 : i32
          %dma_start3A_199 = tpu.memref_slice %arg3[%dma_start3A_197, %dma_start3A_198] : memref<500000x128xf32, #tpu.memory_space<hbm>> -> memref<500000x128xf32, #tpu.memory_space<hbm>>
          tpu.enqueue_indirect_dma source(%dma_start3A_199 : memref<500000x128xf32, #tpu.memory_space<hbm>>) target(%dma_start3A_195 : memref<72x128xf32, #tpu.memory_space<vmem>>) offsets(%dma_start3A_196 : memref<72xi32, #tpu.memory_space<vmem>>) semaphore(%arg10 : memref<!tpu.dma_semaphore, #tpu.memory_space<semaphore_mem>>)
        } else {
        }
        %dma_wait3A = arith.constant 2 : i32
        %dma_wait3A_87 = arith.constant 0 : i32
        %dma_wait3A_88 = arith.constant 0 : i32
        %dma_wait3A_89 = tpu.memref_slice %arg7[%dma_wait3A, %dma_wait3A_87, %dma_wait3A_88] : memref<3x200x128xf32, #tpu.memory_space<vmem>> -> memref<1x128x128xf32, #tpu.memory_space<vmem>>
        %dma_wait3A_90 = tpu.memref_squeeze %dma_wait3A_89 : memref<1x128x128xf32, #tpu.memory_space<vmem>> -> memref<128x128xf32, #tpu.memory_space<vmem>>
        %dma_wait3A_91 = arith.constant 0 : i32
        %dma_wait3A_92 = tpu.memref_slice %arg6[%dma_wait3A_91] : memref<25600xi32, #tpu.memory_space<vmem>> -> memref<128xi32, #tpu.memory_space<vmem>>
        %dma_wait3A_93 = arith.constant 0 : i32
        %dma_wait3A_94 = arith.constant 0 : i32
        %dma_wait3A_95 = tpu.memref_slice %arg3[%dma_wait3A_93, %dma_wait3A_94] : memref<500000x128xf32, #tpu.memory_space<hbm>> -> memref<500000x128xf32, #tpu.memory_space<hbm>>
        tpu.wait_indirect_dma semaphore(%arg11 : memref<!tpu.dma_semaphore, #tpu.memory_space<semaphore_mem>>) src(%dma_wait3A_95 : memref<500000x128xf32, #tpu.memory_space<hbm>>) dst(%dma_wait3A_90 : memref<128x128xf32, #tpu.memory_space<vmem>>)
        %dma_wait3A_96 = arith.constant 2 : i32
        %dma_wait3A_97 = arith.constant 128 : i32
        %dma_wait3A_98 = arith.constant 0 : i32
        %dma_wait3A_99 = tpu.memref_slice %arg7[%dma_wait3A_96, %dma_wait3A_97, %dma_wait3A_98] : memref<3x200x128xf32, #tpu.memory_space<vmem>> -> memref<1x72x128xf32, #tpu.memory_space<vmem>>
        %dma_wait3A_100 = tpu.memref_squeeze %dma_wait3A_99 : memref<1x72x128xf32, #tpu.memory_space<vmem>> -> memref<72x128xf32, #tpu.memory_space<vmem>>
        %dma_wait3A_101 = arith.constant 128 : i32
        %dma_wait3A_102 = tpu.memref_slice %arg6[%dma_wait3A_101] : memref<25600xi32, #tpu.memory_space<vmem>> -> memref<72xi32, #tpu.memory_space<vmem>>
        %dma_wait3A_103 = arith.constant 0 : i32
        %dma_wait3A_104 = arith.constant 0 : i32
        %dma_wait3A_105 = tpu.memref_slice %arg3[%dma_wait3A_103, %dma_wait3A_104] : memref<500000x128xf32, #tpu.memory_space<hbm>> -> memref<500000x128xf32, #tpu.memory_space<hbm>>
        tpu.wait_indirect_dma semaphore(%arg11 : memref<!tpu.dma_semaphore, #tpu.memory_space<semaphore_mem>>) src(%dma_wait3A_105 : memref<500000x128xf32, #tpu.memory_space<hbm>>) dst(%dma_wait3A_100 : memref<72x128xf32, #tpu.memory_space<vmem>>)
        %broadcast_in_dim3A = arith.constant 0.000000e+00 : f32
        %broadcast_in_dim3A_106 = vector.broadcast %broadcast_in_dim3A : f32 to vector<16xf32>
        %broadcast_in_dim3A_107 = arith.constant 0xFF800000 : f32
        %broadcast_in_dim3A_108 = vector.broadcast %broadcast_in_dim3A_107 : f32 to vector<16xf32>
        %broadcast_in_dim3A_109 = arith.constant 0.000000e+00 : f32
        %broadcast_in_dim3A_110 = vector.broadcast %broadcast_in_dim3A_109 : f32 to vector<16xf32>
        %broadcast_in_dim3A_111 = arith.constant 0xFF800000 : f32
        %broadcast_in_dim3A_112 = vector.broadcast %broadcast_in_dim3A_111 : f32 to vector<16xf32>
        %broadcast_in_dim3A_113 = arith.constant 0.000000e+00 : f32
        %broadcast_in_dim3A_114 = vector.broadcast %broadcast_in_dim3A_113 : f32 to vector<16xf32>
        %broadcast_in_dim3A_115 = arith.constant 0xFF800000 : f32
        %broadcast_in_dim3A_116 = vector.broadcast %broadcast_in_dim3A_115 : f32 to vector<16xf32>
        %broadcast_in_dim3A_117 = arith.constant 0.000000e+00 : f32
        %broadcast_in_dim3A_118 = vector.broadcast %broadcast_in_dim3A_117 : f32 to vector<16xf32>
        %broadcast_in_dim3A_119 = arith.constant 0xFF800000 : f32
        %broadcast_in_dim3A_120 = vector.broadcast %broadcast_in_dim3A_119 : f32 to vector<16xf32>
        %scan3A_121 = arith.constant 2 : i32
        %scan3A_122 = arith.constant 0 : i32
        %scan3A_123 = arith.constant 200 : i32
        %scan3A_124 = arith.addi %scan3A_122, %scan3A_123 : i32
        %scan3A_125 = arith.constant 1 : i32
        %scan3A_126:8 = scf.for %scan3A_172 = %scan3A_122 to %scan3A_124 step %scan3A_125 iter_args(%scan3A_173 = %broadcast_in_dim3A_106, %scan3A_174 = %broadcast_in_dim3A_108, %scan3A_175 = %broadcast_in_dim3A_110, %scan3A_176 = %broadcast_in_dim3A_112, %scan3A_177 = %broadcast_in_dim3A_114, %scan3A_178 = %broadcast_in_dim3A_116, %scan3A_179 = %broadcast_in_dim3A_118, %scan3A_180 = %broadcast_in_dim3A_120) -> (vector<16xf32>, vector<16xf32>, vector<16xf32>, vector<16xf32>, vector<16xf32>, vector<16xf32>, vector<16xf32>, vector<16xf32>)  : i32 {
          %mul3A_181 = arith.constant 200 : i32
          %mul3A_182 = arith.muli %add3A_74, %mul3A_181 : i32
          %add3A_183 = arith.addi %mul3A_182, %scan3A_172 : i32
          %broadcast_in_dim3A_184 = vector.broadcast %add3A_183 : i32 to vector<16xi32>
          %gather3A = tpu.vector_load_idx %arg5[%broadcast_in_dim3A_184] : memref<25600xi32, #tpu.memory_space<vmem>>[vector<16xi32>], vector<16xi32>,
          %broadcast_in_dim3A_185 = vector.broadcast %scan3A_172 : i32 to vector<16xi32>
          %add3A_186 = arith.constant 0 : i32
          %add3A_187 = vector.broadcast %add3A_186 : i32 to vector<16xi32>
          %add3A_188 = arith.addi %gather3A, %add3A_187 : vector<16xi32>
          %add3A_189 = arith.addi %add3A_188, %iota3A : vector<16xi32>
          %gather3A_190 = arith.constant 0 : i32
          %gather3A_191 = arith.constant 0 : i32
          %gather3A_192 = tpu.memref_slice %arg7[%scan3A_121, %gather3A_190, %gather3A_191] : memref<3x200x128xf32, #tpu.memory_space<vmem>> -> memref<1x200x128xf32, #tpu.memory_space<vmem>>
          %gather3A_193 = tpu.memref_squeeze %gather3A_192 : memref<1x200x128xf32, #tpu.memory_space<vmem>> -> memref<200x128xf32, #tpu.memory_space<vmem>>
          %gather3A_194 = tpu.vector_load_idx %gather3A_193[%broadcast_in_dim3A_185, %add3A_189] : memref<200x128xf32, #tpu.memory_space<vmem>>[vector<16xi32>, vector<16xi32>], vector<16xf32>,
          %add3A_195 = arith.addf %scan3A_173, %gather3A_194 : vector<16xf32>
          %max3A = arith.maximumf %scan3A_174, %gather3A_194 : vector<16xf32>
          %add3A_196 = arith.constant 16 : i32
          %add3A_197 = vector.broadcast %add3A_196 : i32 to vector<16xi32>
          %add3A_198 = arith.addi %gather3A, %add3A_197 : vector<16xi32>
          %add3A_199 = arith.addi %add3A_198, %iota3A : vector<16xi32>
          %gather3A_200 = arith.constant 0 : i32
          %gather3A_201 = arith.constant 0 : i32
          %gather3A_202 = tpu.memref_slice %arg7[%scan3A_121, %gather3A_200, %gather3A_201] : memref<3x200x128xf32, #tpu.memory_space<vmem>> -> memref<1x200x128xf32, #tpu.memory_space<vmem>>
          %gather3A_203 = tpu.memref_squeeze %gather3A_202 : memref<1x200x128xf32, #tpu.memory_space<vmem>> -> memref<200x128xf32, #tpu.memory_space<vmem>>
          %gather3A_204 = tpu.vector_load_idx %gather3A_203[%broadcast_in_dim3A_185, %add3A_199] : memref<200x128xf32, #tpu.memory_space<vmem>>[vector<16xi32>, vector<16xi32>], vector<16xf32>,
          %add3A_205 = arith.addf %scan3A_175, %gather3A_204 : vector<16xf32>
          %max3A_206 = arith.maximumf %scan3A_176, %gather3A_204 : vector<16xf32>
          %add3A_207 = arith.constant 32 : i32
          %add3A_208 = vector.broadcast %add3A_207 : i32 to vector<16xi32>
          %add3A_209 = arith.addi %gather3A, %add3A_208 : vector<16xi32>
          %add3A_210 = arith.addi %add3A_209, %iota3A : vector<16xi32>
          %gather3A_211 = arith.constant 0 : i32
          %gather3A_212 = arith.constant 0 : i32
          %gather3A_213 = tpu.memref_slice %arg7[%scan3A_121, %gather3A_211, %gather3A_212] : memref<3x200x128xf32, #tpu.memory_space<vmem>> -> memref<1x200x128xf32, #tpu.memory_space<vmem>>
          %gather3A_214 = tpu.memref_squeeze %gather3A_213 : memref<1x200x128xf32, #tpu.memory_space<vmem>> -> memref<200x128xf32, #tpu.memory_space<vmem>>
          %gather3A_215 = tpu.vector_load_idx %gather3A_214[%broadcast_in_dim3A_185, %add3A_210] : memref<200x128xf32, #tpu.memory_space<vmem>>[vector<16xi32>, vector<16xi32>], vector<16xf32>,
          %add3A_216 = arith.addf %scan3A_177, %gather3A_215 : vector<16xf32>
          %max3A_217 = arith.maximumf %scan3A_178, %gather3A_215 : vector<16xf32>
          %add3A_218 = arith.constant 48 : i32
          %add3A_219 = vector.broadcast %add3A_218 : i32 to vector<16xi32>
          %add3A_220 = arith.addi %gather3A, %add3A_219 : vector<16xi32>
          %add3A_221 = arith.addi %add3A_220, %iota3A : vector<16xi32>
          %gather3A_222 = arith.constant 0 : i32
          %gather3A_223 = arith.constant 0 : i32
          %gather3A_224 = tpu.memref_slice %arg7[%scan3A_121, %gather3A_222, %gather3A_223] : memref<3x200x128xf32, #tpu.memory_space<vmem>> -> memref<1x200x128xf32, #tpu.memory_space<vmem>>
          %gather3A_225 = tpu.memref_squeeze %gather3A_224 : memref<1x200x128xf32, #tpu.memory_space<vmem>> -> memref<200x128xf32, #tpu.memory_space<vmem>>
          %gather3A_226 = tpu.vector_load_idx %gather3A_225[%broadcast_in_dim3A_185, %add3A_221] : memref<200x128xf32, #tpu.memory_space<vmem>>[vector<16xi32>, vector<16xi32>], vector<16xf32>,
          %add3A_227 = arith.addf %scan3A_179, %gather3A_226 : vector<16xf32>
          %max3A_228 = arith.maximumf %scan3A_180, %gather3A_226 : vector<16xf32>
          scf.yield %add3A_195, %max3A, %add3A_205, %max3A_206, %add3A_216, %max3A_217, %add3A_227, %max3A_228 : vector<16xf32>, vector<16xf32>, vector<16xf32>, vector<16xf32>, vector<16xf32>, vector<16xf32>, vector<16xf32>, vector<16xf32>
        }
        %scan3A_127 = arith.constant 200 : i32
        %and3A = arith.constant 7 : i32
        %and3A_128 = arith.andi %add3A_74, %and3A : i32
        %broadcast_in_dim3A_129 = vector.broadcast %and3A_128 : i32 to vector<16xi32>
        %add3A_130 = arith.constant 0 : i32
        %add3A_131 = vector.broadcast %add3A_130 : i32 to vector<16xi32>
        %add3A_132 = arith.addi %add3A_131, %iota3A : vector<16xi32>
        %mul3A_133 = arith.constant 5.000000e-03 : f32
        %mul3A_134 = vector.broadcast %mul3A_133 : f32 to vector<16xf32>
        %mul3A_135 = arith.mulf %scan3A_126#0, %mul3A_134 : vector<16xf32>
        tpu.vector_store_idx %arg8[%broadcast_in_dim3A_129, %add3A_132], %mul3A_135 : memref<8x128xf32, #tpu.memory_space<vmem>>[vector<16xi32>, vector<16xi32>], vector<16xf32>,
        %add3A_136 = arith.constant 64 : i32
        %add3A_137 = vector.broadcast %add3A_136 : i32 to vector<16xi32>
        %add3A_138 = arith.addi %add3A_137, %iota3A : vector<16xi32>
        tpu.vector_store_idx %arg8[%broadcast_in_dim3A_129, %add3A_138], %scan3A_126#1 : memref<8x128xf32, #tpu.memory_space<vmem>>[vector<16xi32>, vector<16xi32>], vector<16xf32>,
        %add3A_139 = arith.constant 16 : i32
        %add3A_140 = vector.broadcast %add3A_139 : i32 to vector<16xi32>
        %add3A_141 = arith.addi %add3A_140, %iota3A : vector<16xi32>
        %mul3A_142 = arith.constant 5.000000e-03 : f32
        %mul3A_143 = vector.broadcast %mul3A_142 : f32 to vector<16xf32>
        %mul3A_144 = arith.mulf %scan3A_126#2, %mul3A_143 : vector<16xf32>
        tpu.vector_store_idx %arg8[%broadcast_in_dim3A_129, %add3A_141], %mul3A_144 : memref<8x128xf32, #tpu.memory_space<vmem>>[vector<16xi32>, vector<16xi32>], vector<16xf32>,
        %add3A_145 = arith.constant 80 : i32
        %add3A_146 = vector.broadcast %add3A_145 : i32 to vector<16xi32>
        %add3A_147 = arith.addi %add3A_146, %iota3A : vector<16xi32>
        tpu.vector_store_idx %arg8[%broadcast_in_dim3A_129, %add3A_147], %scan3A_126#3 : memref<8x128xf32, #tpu.memory_space<vmem>>[vector<16xi32>, vector<16xi32>], vector<16xf32>,
        %add3A_148 = arith.constant 32 : i32
        %add3A_149 = vector.broadcast %add3A_148 : i32 to vector<16xi32>
        %add3A_150 = arith.addi %add3A_149, %iota3A : vector<16xi32>
        %mul3A_151 = arith.constant 5.000000e-03 : f32
        %mul3A_152 = vector.broadcast %mul3A_151 : f32 to vector<16xf32>
        %mul3A_153 = arith.mulf %scan3A_126#4, %mul3A_152 : vector<16xf32>
        tpu.vector_store_idx %arg8[%broadcast_in_dim3A_129, %add3A_150], %mul3A_153 : memref<8x128xf32, #tpu.memory_space<vmem>>[vector<16xi32>, vector<16xi32>], vector<16xf32>,
        %add3A_154 = arith.constant 96 : i32
        %add3A_155 = vector.broadcast %add3A_154 : i32 to vector<16xi32>
        %add3A_156 = arith.addi %add3A_155, %iota3A : vector<16xi32>
        tpu.vector_store_idx %arg8[%broadcast_in_dim3A_129, %add3A_156], %scan3A_126#5 : memref<8x128xf32, #tpu.memory_space<vmem>>[vector<16xi32>, vector<16xi32>], vector<16xf32>,
        %add3A_157 = arith.constant 48 : i32
        %add3A_158 = vector.broadcast %add3A_157 : i32 to vector<16xi32>
        %add3A_159 = arith.addi %add3A_158, %iota3A : vector<16xi32>
        %mul3A_160 = arith.constant 5.000000e-03 : f32
        %mul3A_161 = vector.broadcast %mul3A_160 : f32 to vector<16xf32>
        %mul3A_162 = arith.mulf %scan3A_126#6, %mul3A_161 : vector<16xf32>
        tpu.vector_store_idx %arg8[%broadcast_in_dim3A_129, %add3A_159], %mul3A_162 : memref<8x128xf32, #tpu.memory_space<vmem>>[vector<16xi32>, vector<16xi32>], vector<16xf32>,
        %add3A_163 = arith.constant 112 : i32
        %add3A_164 = vector.broadcast %add3A_163 : i32 to vector<16xi32>
        %add3A_165 = arith.addi %add3A_164, %iota3A : vector<16xi32>
        tpu.vector_store_idx %arg8[%broadcast_in_dim3A_129, %add3A_165], %scan3A_126#7 : memref<8x128xf32, #tpu.memory_space<vmem>>[vector<16xi32>, vector<16xi32>], vector<16xf32>,
        %and3A_166 = arith.constant 7 : i32
        %and3A_167 = arith.andi %add3A_74, %and3A_166 : i32
        %eq3A = arith.constant 7 : i32
        %eq3A_168 = arith.cmpi eq, %and3A_167, %eq3A : i32
        %convert_element_type3A_169 = arith.extui %eq3A_168 : i1 to i32
        %cond3A_170 = arith.constant 0 : i32
        %cond3A_171 = arith.cmpi ne, %convert_element_type3A_169, %cond3A_170 : i32
        scf.if %cond3A_171 {
          %add3A_172 = arith.addi %mul3A_2, %add3A_74 : i32
          %sub3A = arith.constant 7 : i32
          %sub3A_173 = arith.subi %add3A_172, %sub3A : i32
          %multiple_of3A = tpu.assume_multiple %sub3A_173, 8 : i32
          "tpu.region"() ({
            %run_scoped3A = tpu.sem_alloc : memref<!tpu.dma_semaphore, #tpu.memory_space<semaphore_mem>>
            %dma_start3A_174 = arith.constant 0 : i32
            %dma_start3A_175 = tpu.memref_slice %arg4[%multiple_of3A, %dma_start3A_174] : memref<4096x128xf32, #tpu.memory_space<hbm>> -> memref<8x128xf32, #tpu.memory_space<hbm>>
            %dma_start3A_176 = arith.constant 0 : i32
            %dma_start3A_177 = tpu.memref_slice %arg4[%multiple_of3A, %dma_start3A_176] : memref<4096x128xf32, #tpu.memory_space<hbm>> -> memref<8x128xf32, #tpu.memory_space<hbm>>
            tpu.enqueue_dma source(%arg8 : memref<8x128xf32, #tpu.memory_space<vmem>>) target(%dma_start3A_177 : memref<8x128xf32, #tpu.memory_space<hbm>>) target_semaphore(%run_scoped3A : memref<!tpu.dma_semaphore, #tpu.memory_space<semaphore_mem>>)
            %dma_wait3A_178 = arith.constant 0 : i32
            %dma_wait3A_179 = tpu.memref_slice %arg4[%multiple_of3A, %dma_wait3A_178] : memref<4096x128xf32, #tpu.memory_space<hbm>> -> memref<8x128xf32, #tpu.memory_space<hbm>>
            %dma_wait3A_180 = arith.constant 0 : i32
            %dma_wait3A_181 = tpu.memref_slice %arg4[%multiple_of3A, %dma_wait3A_180] : memref<4096x128xf32, #tpu.memory_space<hbm>> -> memref<8x128xf32, #tpu.memory_space<hbm>>
            tpu.wait_dma2 semaphore(%run_scoped3A : memref<!tpu.dma_semaphore, #tpu.memory_space<semaphore_mem>>) src(%arg8 : memref<8x128xf32, #tpu.memory_space<vmem>>) dst(%dma_wait3A_181 : memref<8x128xf32, #tpu.memory_space<hbm>>)
            tpu.yield
          }) : () -> ()
        } else {
        }
      } else {
      }
    }
    %scan3A_54 = arith.constant 43 : i32
    return
  }
}

#map = affine_map<(d0, d1) -> (0, 0)>
module attributes {stable_mosaic.version = 14 : i64} {
  func.func @k(%arg0: i32, %arg1: i32, %arg2: memref<64x1000000xf32, #tpu.memory_space<hbm>>, %arg3: memref<32x128xf32, #tpu.memory_space<hbm>>, %arg4: memref<500000x128xf32, #tpu.memory_space<hbm>>, %arg5: memref<2x64x256xf32, #tpu.memory_space<vmem>>, %arg6: memref<2x128x128xf32, #tpu.memory_space<vmem>>, %arg7: memref<!tpu.dma_semaphore, #tpu.memory_space<semaphore_mem>>, %arg8: memref<!tpu.dma_semaphore, #tpu.memory_space<semaphore_mem>>, %arg9: memref<!tpu.dma_semaphore, #tpu.memory_space<semaphore_mem>>, %arg10: memref<!tpu.dma_semaphore, #tpu.memory_space<semaphore_mem>>) attributes {dimension_semantics = [#tpu.dimension_semantics<core_parallel>, #tpu.dimension_semantics<subcore_parallel>], iteration_bounds = array<i64: 2, 16>, scalar_prefetch = 0 : i64, scratch_operands = 6 : i64, tpu.core_type = #tpu.core_type<sc_vector_subcore>, window_params = [{transform_indices = #map}, {transform_indices = #map}, {transform_indices = #map}]} {
    %mul3A = arith.constant 2 : i32
    %mul3A_0 = arith.muli %arg1, %mul3A : i32
    %add3A = arith.addi %mul3A_0, %arg0 : i32
    %iota3A = tpu.iota {dimensions = array<i32: 0>} : vector<16xi32>
    %sub3A = arith.constant 3906 : i32
    %sub3A_1 = arith.subi %sub3A, %add3A : i32
    %add3A_2 = arith.constant 32 : i32
    %add3A_3 = arith.addi %sub3A_1, %add3A_2 : i32
    %sub3A_4 = arith.constant 1 : i32
    %sub3A_5 = arith.subi %add3A_3, %sub3A_4 : i32
    %jit3A = arith.constant 32 : i32
    %div3A = arith.divsi %sub3A_5, %jit3A : i32
    %sign3A = arith.constant 0 : i32
    %sign3A_6 = arith.cmpi sgt, %sub3A_5, %sign3A : i32
    %sign3A_7 = arith.extui %sign3A_6 : i1 to i32
    %sign3A_8 = arith.constant 0 : i32
    %sign3A_9 = arith.cmpi slt, %sub3A_5, %sign3A_8 : i32
    %sign3A_10 = arith.extui %sign3A_9 : i1 to i32
    %sign3A_11 = arith.subi %sign3A_7, %sign3A_10 : i32
    %sign3A_12 = arith.constant 0 : i32
    %sign3A_13 = arith.cmpi sgt, %jit3A, %sign3A_12 : i32
    %sign3A_14 = arith.extui %sign3A_13 : i1 to i32
    %sign3A_15 = arith.constant 0 : i32
    %sign3A_16 = arith.cmpi slt, %jit3A, %sign3A_15 : i32
    %sign3A_17 = arith.extui %sign3A_16 : i1 to i32
    %sign3A_18 = arith.subi %sign3A_14, %sign3A_17 : i32
    %ne3A = arith.cmpi ne, %sign3A_11, %sign3A_18 : i32
    %rem3A = arith.remsi %sub3A_5, %jit3A : i32
    %ne3A_19 = arith.constant 0 : i32
    %ne3A_20 = arith.cmpi ne, %rem3A, %ne3A_19 : i32
    %and3A = arith.andi %ne3A, %ne3A_20 : i1
    %sub3A_21 = arith.constant 1 : i32
    %sub3A_22 = arith.subi %div3A, %sub3A_21 : i32
    %select_n3A = arith.select %and3A, %sub3A_22, %div3A : i32
    %add3A_23 = arith.constant 0 : i32
    %add3A_24 = vector.broadcast %add3A_23 : i32 to vector<16xi32>
    %add3A_25 = arith.addi %iota3A, %add3A_24 : vector<16xi32>
    %and3A_26 = arith.constant 15 : i32
    %and3A_27 = vector.broadcast %and3A_26 : i32 to vector<16xi32>
    %and3A_28 = arith.andi %add3A_25, %and3A_27 : vector<16xi32>
    %add3A_29 = arith.constant 1 : i32
    %add3A_30 = vector.broadcast %add3A_29 : i32 to vector<16xi32>
    %add3A_31 = arith.addi %iota3A, %add3A_30 : vector<16xi32>
    %and3A_32 = arith.constant 15 : i32
    %and3A_33 = vector.broadcast %and3A_32 : i32 to vector<16xi32>
    %and3A_34 = arith.andi %add3A_31, %and3A_33 : vector<16xi32>
    %add3A_35 = arith.constant 2 : i32
    %add3A_36 = vector.broadcast %add3A_35 : i32 to vector<16xi32>
    %add3A_37 = arith.addi %iota3A, %add3A_36 : vector<16xi32>
    %and3A_38 = arith.constant 15 : i32
    %and3A_39 = vector.broadcast %and3A_38 : i32 to vector<16xi32>
    %and3A_40 = arith.andi %add3A_37, %and3A_39 : vector<16xi32>
    %add3A_41 = arith.constant 3 : i32
    %add3A_42 = vector.broadcast %add3A_41 : i32 to vector<16xi32>
    %add3A_43 = arith.addi %iota3A, %add3A_42 : vector<16xi32>
    %and3A_44 = arith.constant 15 : i32
    %and3A_45 = vector.broadcast %and3A_44 : i32 to vector<16xi32>
    %and3A_46 = arith.andi %add3A_43, %and3A_45 : vector<16xi32>
    %add3A_47 = arith.constant 4 : i32
    %add3A_48 = vector.broadcast %add3A_47 : i32 to vector<16xi32>
    %add3A_49 = arith.addi %iota3A, %add3A_48 : vector<16xi32>
    %and3A_50 = arith.constant 15 : i32
    %and3A_51 = vector.broadcast %and3A_50 : i32 to vector<16xi32>
    %and3A_52 = arith.andi %add3A_49, %and3A_51 : vector<16xi32>
    %add3A_53 = arith.constant 5 : i32
    %add3A_54 = vector.broadcast %add3A_53 : i32 to vector<16xi32>
    %add3A_55 = arith.addi %iota3A, %add3A_54 : vector<16xi32>
    %and3A_56 = arith.constant 15 : i32
    %and3A_57 = vector.broadcast %and3A_56 : i32 to vector<16xi32>
    %and3A_58 = arith.andi %add3A_55, %and3A_57 : vector<16xi32>
    %add3A_59 = arith.constant 6 : i32
    %add3A_60 = vector.broadcast %add3A_59 : i32 to vector<16xi32>
    %add3A_61 = arith.addi %iota3A, %add3A_60 : vector<16xi32>
    %and3A_62 = arith.constant 15 : i32
    %and3A_63 = vector.broadcast %and3A_62 : i32 to vector<16xi32>
    %and3A_64 = arith.andi %add3A_61, %and3A_63 : vector<16xi32>
    %add3A_65 = arith.constant 7 : i32
    %add3A_66 = vector.broadcast %add3A_65 : i32 to vector<16xi32>
    %add3A_67 = arith.addi %iota3A, %add3A_66 : vector<16xi32>
    %and3A_68 = arith.constant 15 : i32
    %and3A_69 = vector.broadcast %and3A_68 : i32 to vector<16xi32>
    %and3A_70 = arith.andi %add3A_67, %and3A_69 : vector<16xi32>
    %add3A_71 = arith.constant 8 : i32
    %add3A_72 = vector.broadcast %add3A_71 : i32 to vector<16xi32>
    %add3A_73 = arith.addi %iota3A, %add3A_72 : vector<16xi32>
    %and3A_74 = arith.constant 15 : i32
    %and3A_75 = vector.broadcast %and3A_74 : i32 to vector<16xi32>
    %and3A_76 = arith.andi %add3A_73, %and3A_75 : vector<16xi32>
    %add3A_77 = arith.constant 9 : i32
    %add3A_78 = vector.broadcast %add3A_77 : i32 to vector<16xi32>
    %add3A_79 = arith.addi %iota3A, %add3A_78 : vector<16xi32>
    %and3A_80 = arith.constant 15 : i32
    %and3A_81 = vector.broadcast %and3A_80 : i32 to vector<16xi32>
    %and3A_82 = arith.andi %add3A_79, %and3A_81 : vector<16xi32>
    %add3A_83 = arith.constant 10 : i32
    %add3A_84 = vector.broadcast %add3A_83 : i32 to vector<16xi32>
    %add3A_85 = arith.addi %iota3A, %add3A_84 : vector<16xi32>
    %and3A_86 = arith.constant 15 : i32
    %and3A_87 = vector.broadcast %and3A_86 : i32 to vector<16xi32>
    %and3A_88 = arith.andi %add3A_85, %and3A_87 : vector<16xi32>
    %add3A_89 = arith.constant 11 : i32
    %add3A_90 = vector.broadcast %add3A_89 : i32 to vector<16xi32>
    %add3A_91 = arith.addi %iota3A, %add3A_90 : vector<16xi32>
    %and3A_92 = arith.constant 15 : i32
    %and3A_93 = vector.broadcast %and3A_92 : i32 to vector<16xi32>
    %and3A_94 = arith.andi %add3A_91, %and3A_93 : vector<16xi32>
    %add3A_95 = arith.constant 12 : i32
    %add3A_96 = vector.broadcast %add3A_95 : i32 to vector<16xi32>
    %add3A_97 = arith.addi %iota3A, %add3A_96 : vector<16xi32>
    %and3A_98 = arith.constant 15 : i32
    %and3A_99 = vector.broadcast %and3A_98 : i32 to vector<16xi32>
    %and3A_100 = arith.andi %add3A_97, %and3A_99 : vector<16xi32>
    %add3A_101 = arith.constant 13 : i32
    %add3A_102 = vector.broadcast %add3A_101 : i32 to vector<16xi32>
    %add3A_103 = arith.addi %iota3A, %add3A_102 : vector<16xi32>
    %and3A_104 = arith.constant 15 : i32
    %and3A_105 = vector.broadcast %and3A_104 : i32 to vector<16xi32>
    %and3A_106 = arith.andi %add3A_103, %and3A_105 : vector<16xi32>
    %add3A_107 = arith.constant 14 : i32
    %add3A_108 = vector.broadcast %add3A_107 : i32 to vector<16xi32>
    %add3A_109 = arith.addi %iota3A, %add3A_108 : vector<16xi32>
    %and3A_110 = arith.constant 15 : i32
    %and3A_111 = vector.broadcast %and3A_110 : i32 to vector<16xi32>
    %and3A_112 = arith.andi %add3A_109, %and3A_111 : vector<16xi32>
    %add3A_113 = arith.constant 15 : i32
    %add3A_114 = vector.broadcast %add3A_113 : i32 to vector<16xi32>
    %add3A_115 = arith.addi %iota3A, %add3A_114 : vector<16xi32>
    %and3A_116 = arith.constant 15 : i32
    %and3A_117 = vector.broadcast %and3A_116 : i32 to vector<16xi32>
    %and3A_118 = arith.andi %add3A_115, %and3A_117 : vector<16xi32>
    %shift_right_arithmetic3A = arith.constant 1 : i32
    %shift_right_arithmetic3A_119 = vector.broadcast %shift_right_arithmetic3A : i32 to vector<16xi32>
    %shift_right_arithmetic3A_120 = arith.shrsi %and3A_28, %shift_right_arithmetic3A_119 : vector<16xi32>
    %shift_right_arithmetic3A_121 = arith.constant 1 : i32
    %shift_right_arithmetic3A_122 = vector.broadcast %shift_right_arithmetic3A_121 : i32 to vector<16xi32>
    %shift_right_arithmetic3A_123 = arith.shrsi %and3A_34, %shift_right_arithmetic3A_122 : vector<16xi32>
    %shift_right_arithmetic3A_124 = arith.constant 1 : i32
    %shift_right_arithmetic3A_125 = vector.broadcast %shift_right_arithmetic3A_124 : i32 to vector<16xi32>
    %shift_right_arithmetic3A_126 = arith.shrsi %and3A_40, %shift_right_arithmetic3A_125 : vector<16xi32>
    %shift_right_arithmetic3A_127 = arith.constant 1 : i32
    %shift_right_arithmetic3A_128 = vector.broadcast %shift_right_arithmetic3A_127 : i32 to vector<16xi32>
    %shift_right_arithmetic3A_129 = arith.shrsi %and3A_46, %shift_right_arithmetic3A_128 : vector<16xi32>
    %shift_right_arithmetic3A_130 = arith.constant 1 : i32
    %shift_right_arithmetic3A_131 = vector.broadcast %shift_right_arithmetic3A_130 : i32 to vector<16xi32>
    %shift_right_arithmetic3A_132 = arith.shrsi %and3A_52, %shift_right_arithmetic3A_131 : vector<16xi32>
    %shift_right_arithmetic3A_133 = arith.constant 1 : i32
    %shift_right_arithmetic3A_134 = vector.broadcast %shift_right_arithmetic3A_133 : i32 to vector<16xi32>
    %shift_right_arithmetic3A_135 = arith.shrsi %and3A_58, %shift_right_arithmetic3A_134 : vector<16xi32>
    %shift_right_arithmetic3A_136 = arith.constant 1 : i32
    %shift_right_arithmetic3A_137 = vector.broadcast %shift_right_arithmetic3A_136 : i32 to vector<16xi32>
    %shift_right_arithmetic3A_138 = arith.shrsi %and3A_64, %shift_right_arithmetic3A_137 : vector<16xi32>
    %shift_right_arithmetic3A_139 = arith.constant 1 : i32
    %shift_right_arithmetic3A_140 = vector.broadcast %shift_right_arithmetic3A_139 : i32 to vector<16xi32>
    %shift_right_arithmetic3A_141 = arith.shrsi %and3A_70, %shift_right_arithmetic3A_140 : vector<16xi32>
    %shift_right_arithmetic3A_142 = arith.constant 1 : i32
    %shift_right_arithmetic3A_143 = vector.broadcast %shift_right_arithmetic3A_142 : i32 to vector<16xi32>
    %shift_right_arithmetic3A_144 = arith.shrsi %and3A_76, %shift_right_arithmetic3A_143 : vector<16xi32>
    %shift_right_arithmetic3A_145 = arith.constant 1 : i32
    %shift_right_arithmetic3A_146 = vector.broadcast %shift_right_arithmetic3A_145 : i32 to vector<16xi32>
    %shift_right_arithmetic3A_147 = arith.shrsi %and3A_82, %shift_right_arithmetic3A_146 : vector<16xi32>
    %shift_right_arithmetic3A_148 = arith.constant 1 : i32
    %shift_right_arithmetic3A_149 = vector.broadcast %shift_right_arithmetic3A_148 : i32 to vector<16xi32>
    %shift_right_arithmetic3A_150 = arith.shrsi %and3A_88, %shift_right_arithmetic3A_149 : vector<16xi32>
    %shift_right_arithmetic3A_151 = arith.constant 1 : i32
    %shift_right_arithmetic3A_152 = vector.broadcast %shift_right_arithmetic3A_151 : i32 to vector<16xi32>
    %shift_right_arithmetic3A_153 = arith.shrsi %and3A_94, %shift_right_arithmetic3A_152 : vector<16xi32>
    %shift_right_arithmetic3A_154 = arith.constant 1 : i32
    %shift_right_arithmetic3A_155 = vector.broadcast %shift_right_arithmetic3A_154 : i32 to vector<16xi32>
    %shift_right_arithmetic3A_156 = arith.shrsi %and3A_100, %shift_right_arithmetic3A_155 : vector<16xi32>
    %shift_right_arithmetic3A_157 = arith.constant 1 : i32
    %shift_right_arithmetic3A_158 = vector.broadcast %shift_right_arithmetic3A_157 : i32 to vector<16xi32>
    %shift_right_arithmetic3A_159 = arith.shrsi %and3A_106, %shift_right_arithmetic3A_158 : vector<16xi32>
    %shift_right_arithmetic3A_160 = arith.constant 1 : i32
    %shift_right_arithmetic3A_161 = vector.broadcast %shift_right_arithmetic3A_160 : i32 to vector<16xi32>
    %shift_right_arithmetic3A_162 = arith.shrsi %and3A_112, %shift_right_arithmetic3A_161 : vector<16xi32>
    %shift_right_arithmetic3A_163 = arith.constant 1 : i32
    %shift_right_arithmetic3A_164 = vector.broadcast %shift_right_arithmetic3A_163 : i32 to vector<16xi32>
    %shift_right_arithmetic3A_165 = arith.shrsi %and3A_118, %shift_right_arithmetic3A_164 : vector<16xi32>
    %and3A_166 = arith.constant 1 : i32
    %and3A_167 = vector.broadcast %and3A_166 : i32 to vector<16xi32>
    %and3A_168 = arith.andi %and3A_28, %and3A_167 : vector<16xi32>
    %mul3A_169 = arith.constant 64 : i32
    %mul3A_170 = vector.broadcast %mul3A_169 : i32 to vector<16xi32>
    %mul3A_171 = arith.muli %and3A_168, %mul3A_170 : vector<16xi32>
    %and3A_172 = arith.constant 1 : i32
    %and3A_173 = vector.broadcast %and3A_172 : i32 to vector<16xi32>
    %and3A_174 = arith.andi %and3A_34, %and3A_173 : vector<16xi32>
    %mul3A_175 = arith.constant 64 : i32
    %mul3A_176 = vector.broadcast %mul3A_175 : i32 to vector<16xi32>
    %mul3A_177 = arith.muli %and3A_174, %mul3A_176 : vector<16xi32>
    %and3A_178 = arith.constant 1 : i32
    %and3A_179 = vector.broadcast %and3A_178 : i32 to vector<16xi32>
    %and3A_180 = arith.andi %and3A_40, %and3A_179 : vector<16xi32>
    %mul3A_181 = arith.constant 64 : i32
    %mul3A_182 = vector.broadcast %mul3A_181 : i32 to vector<16xi32>
    %mul3A_183 = arith.muli %and3A_180, %mul3A_182 : vector<16xi32>
    %and3A_184 = arith.constant 1 : i32
    %and3A_185 = vector.broadcast %and3A_184 : i32 to vector<16xi32>
    %and3A_186 = arith.andi %and3A_46, %and3A_185 : vector<16xi32>
    %mul3A_187 = arith.constant 64 : i32
    %mul3A_188 = vector.broadcast %mul3A_187 : i32 to vector<16xi32>
    %mul3A_189 = arith.muli %and3A_186, %mul3A_188 : vector<16xi32>
    %and3A_190 = arith.constant 1 : i32
    %and3A_191 = vector.broadcast %and3A_190 : i32 to vector<16xi32>
    %and3A_192 = arith.andi %and3A_52, %and3A_191 : vector<16xi32>
    %mul3A_193 = arith.constant 64 : i32
    %mul3A_194 = vector.broadcast %mul3A_193 : i32 to vector<16xi32>
    %mul3A_195 = arith.muli %and3A_192, %mul3A_194 : vector<16xi32>
    %and3A_196 = arith.constant 1 : i32
    %and3A_197 = vector.broadcast %and3A_196 : i32 to vector<16xi32>
    %and3A_198 = arith.andi %and3A_58, %and3A_197 : vector<16xi32>
    %mul3A_199 = arith.constant 64 : i32
    %mul3A_200 = vector.broadcast %mul3A_199 : i32 to vector<16xi32>
    %mul3A_201 = arith.muli %and3A_198, %mul3A_200 : vector<16xi32>
    %and3A_202 = arith.constant 1 : i32
    %and3A_203 = vector.broadcast %and3A_202 : i32 to vector<16xi32>
    %and3A_204 = arith.andi %and3A_64, %and3A_203 : vector<16xi32>
    %mul3A_205 = arith.constant 64 : i32
    %mul3A_206 = vector.broadcast %mul3A_205 : i32 to vector<16xi32>
    %mul3A_207 = arith.muli %and3A_204, %mul3A_206 : vector<16xi32>
    %and3A_208 = arith.constant 1 : i32
    %and3A_209 = vector.broadcast %and3A_208 : i32 to vector<16xi32>
    %and3A_210 = arith.andi %and3A_70, %and3A_209 : vector<16xi32>
    %mul3A_211 = arith.constant 64 : i32
    %mul3A_212 = vector.broadcast %mul3A_211 : i32 to vector<16xi32>
    %mul3A_213 = arith.muli %and3A_210, %mul3A_212 : vector<16xi32>
    %and3A_214 = arith.constant 1 : i32
    %and3A_215 = vector.broadcast %and3A_214 : i32 to vector<16xi32>
    %and3A_216 = arith.andi %and3A_76, %and3A_215 : vector<16xi32>
    %mul3A_217 = arith.constant 64 : i32
    %mul3A_218 = vector.broadcast %mul3A_217 : i32 to vector<16xi32>
    %mul3A_219 = arith.muli %and3A_216, %mul3A_218 : vector<16xi32>
    %and3A_220 = arith.constant 1 : i32
    %and3A_221 = vector.broadcast %and3A_220 : i32 to vector<16xi32>
    %and3A_222 = arith.andi %and3A_82, %and3A_221 : vector<16xi32>
    %mul3A_223 = arith.constant 64 : i32
    %mul3A_224 = vector.broadcast %mul3A_223 : i32 to vector<16xi32>
    %mul3A_225 = arith.muli %and3A_222, %mul3A_224 : vector<16xi32>
    %and3A_226 = arith.constant 1 : i32
    %and3A_227 = vector.broadcast %and3A_226 : i32 to vector<16xi32>
    %and3A_228 = arith.andi %and3A_88, %and3A_227 : vector<16xi32>
    %mul3A_229 = arith.constant 64 : i32
    %mul3A_230 = vector.broadcast %mul3A_229 : i32 to vector<16xi32>
    %mul3A_231 = arith.muli %and3A_228, %mul3A_230 : vector<16xi32>
    %and3A_232 = arith.constant 1 : i32
    %and3A_233 = vector.broadcast %and3A_232 : i32 to vector<16xi32>
    %and3A_234 = arith.andi %and3A_94, %and3A_233 : vector<16xi32>
    %mul3A_235 = arith.constant 64 : i32
    %mul3A_236 = vector.broadcast %mul3A_235 : i32 to vector<16xi32>
    %mul3A_237 = arith.muli %and3A_234, %mul3A_236 : vector<16xi32>
    %and3A_238 = arith.constant 1 : i32
    %and3A_239 = vector.broadcast %and3A_238 : i32 to vector<16xi32>
    %and3A_240 = arith.andi %and3A_100, %and3A_239 : vector<16xi32>
    %mul3A_241 = arith.constant 64 : i32
    %mul3A_242 = vector.broadcast %mul3A_241 : i32 to vector<16xi32>
    %mul3A_243 = arith.muli %and3A_240, %mul3A_242 : vector<16xi32>
    %and3A_244 = arith.constant 1 : i32
    %and3A_245 = vector.broadcast %and3A_244 : i32 to vector<16xi32>
    %and3A_246 = arith.andi %and3A_106, %and3A_245 : vector<16xi32>
    %mul3A_247 = arith.constant 64 : i32
    %mul3A_248 = vector.broadcast %mul3A_247 : i32 to vector<16xi32>
    %mul3A_249 = arith.muli %and3A_246, %mul3A_248 : vector<16xi32>
    %and3A_250 = arith.constant 1 : i32
    %and3A_251 = vector.broadcast %and3A_250 : i32 to vector<16xi32>
    %and3A_252 = arith.andi %and3A_112, %and3A_251 : vector<16xi32>
    %mul3A_253 = arith.constant 64 : i32
    %mul3A_254 = vector.broadcast %mul3A_253 : i32 to vector<16xi32>
    %mul3A_255 = arith.muli %and3A_252, %mul3A_254 : vector<16xi32>
    %and3A_256 = arith.constant 1 : i32
    %and3A_257 = vector.broadcast %and3A_256 : i32 to vector<16xi32>
    %and3A_258 = arith.andi %and3A_118, %and3A_257 : vector<16xi32>
    %mul3A_259 = arith.constant 64 : i32
    %mul3A_260 = vector.broadcast %mul3A_259 : i32 to vector<16xi32>
    %mul3A_261 = arith.muli %and3A_258, %mul3A_260 : vector<16xi32>
    %add3A_262 = arith.constant 0 : i32
    %add3A_263 = vector.broadcast %add3A_262 : i32 to vector<16xi32>
    %add3A_264 = arith.addi %add3A_263, %iota3A : vector<16xi32>
    %add3A_265 = arith.constant 16 : i32
    %add3A_266 = vector.broadcast %add3A_265 : i32 to vector<16xi32>
    %add3A_267 = arith.addi %add3A_266, %iota3A : vector<16xi32>
    %add3A_268 = arith.constant 32 : i32
    %add3A_269 = vector.broadcast %add3A_268 : i32 to vector<16xi32>
    %add3A_270 = arith.addi %add3A_269, %iota3A : vector<16xi32>
    %add3A_271 = arith.constant 48 : i32
    %add3A_272 = vector.broadcast %add3A_271 : i32 to vector<16xi32>
    %add3A_273 = arith.addi %add3A_272, %iota3A : vector<16xi32>
    %mul3A_274 = arith.constant 256 : i32
    %mul3A_275 = arith.muli %add3A, %mul3A_274 : i32
    %dma_start3A = arith.constant 0 : i32
    %dma_start3A_276 = arith.constant 0 : i32
    %dma_start3A_277 = arith.constant 0 : i32
    %dma_start3A_278 = tpu.memref_slice %arg5[%dma_start3A, %dma_start3A_276, %dma_start3A_277] : memref<2x64x256xf32, #tpu.memory_space<vmem>> -> memref<1x64x256xf32, #tpu.memory_space<vmem>>
    %dma_start3A_279 = tpu.memref_squeeze %dma_start3A_278 : memref<1x64x256xf32, #tpu.memory_space<vmem>> -> memref<64x256xf32, #tpu.memory_space<vmem>>
    %dma_start3A_280 = arith.constant 0 : i32
    %dma_start3A_281 = tpu.memref_slice %arg2[%dma_start3A_280, %mul3A_275] : memref<64x1000000xf32, #tpu.memory_space<hbm>> -> memref<64x256xf32, #tpu.memory_space<hbm>>
    %dma_start3A_282 = arith.constant 0 : i32
    %dma_start3A_283 = arith.constant 0 : i32
    %dma_start3A_284 = tpu.memref_slice %arg5[%dma_start3A, %dma_start3A_282, %dma_start3A_283] : memref<2x64x256xf32, #tpu.memory_space<vmem>> -> memref<1x64x256xf32, #tpu.memory_space<vmem>>
    %dma_start3A_285 = tpu.memref_squeeze %dma_start3A_284 : memref<1x64x256xf32, #tpu.memory_space<vmem>> -> memref<64x256xf32, #tpu.memory_space<vmem>>
    %dma_start3A_286 = arith.constant 0 : i32
    %dma_start3A_287 = tpu.memref_slice %arg2[%dma_start3A_286, %mul3A_275] : memref<64x1000000xf32, #tpu.memory_space<hbm>> -> memref<64x256xf32, #tpu.memory_space<hbm>>
    tpu.enqueue_dma source(%dma_start3A_287 : memref<64x256xf32, #tpu.memory_space<hbm>>) target(%dma_start3A_285 : memref<64x256xf32, #tpu.memory_space<vmem>>) target_semaphore(%arg7 : memref<!tpu.dma_semaphore, #tpu.memory_space<semaphore_mem>>)
    %scan3A = arith.constant 0 : i32
    %scan3A_288 = arith.constant 0 : i32
    %scan3A_289 = arith.constant 62 : i32
    %scan3A_290 = arith.addi %scan3A_288, %scan3A_289 : i32
    %scan3A_291 = arith.constant 1 : i32
    scf.for %scan3A_340 = %scan3A_288 to %scan3A_290 step %scan3A_291  : i32 {
      %mul3A_341 = arith.constant 2 : i32
      %mul3A_342 = arith.muli %scan3A_340, %mul3A_341 : i32
      %add3A_343 = arith.constant 0 : i32
      %add3A_344 = arith.addi %mul3A_342, %add3A_343 : i32
      %mul3A_345 = arith.constant 32 : i32
      %mul3A_346 = arith.muli %mul3A_345, %add3A_344 : i32
      %add3A_347 = arith.addi %add3A, %mul3A_346 : i32
      %lt3A_348 = arith.constant 3906 : i32
      %lt3A_349 = arith.cmpi slt, %add3A_347, %lt3A_348 : i32
      %convert_element_type3A_350 = arith.extui %lt3A_349 : i1 to i32
      %cond3A_351 = arith.constant 0 : i32
      %cond3A_352 = arith.cmpi ne, %convert_element_type3A_350, %cond3A_351 : i32
      scf.if %cond3A_352 {
        %add3A_365 = arith.constant 32 : i32
        %add3A_366 = arith.addi %add3A_347, %add3A_365 : i32
        %lt3A_367 = arith.constant 3906 : i32
        %lt3A_368 = arith.cmpi slt, %add3A_366, %lt3A_367 : i32
        %convert_element_type3A_369 = arith.extui %lt3A_368 : i1 to i32
        %cond3A_370 = arith.constant 0 : i32
        %cond3A_371 = arith.cmpi ne, %convert_element_type3A_369, %cond3A_370 : i32
        scf.if %cond3A_371 {
          %add3A_414 = arith.constant 32 : i32
          %add3A_415 = arith.addi %add3A_347, %add3A_414 : i32
          %mul3A_416 = arith.constant 256 : i32
          %mul3A_417 = arith.muli %add3A_415, %mul3A_416 : i32
          %dma_start3A_418 = arith.constant 1 : i32
          %dma_start3A_419 = arith.constant 0 : i32
          %dma_start3A_420 = arith.constant 0 : i32
          %dma_start3A_421 = tpu.memref_slice %arg5[%dma_start3A_418, %dma_start3A_419, %dma_start3A_420] : memref<2x64x256xf32, #tpu.memory_space<vmem>> -> memref<1x64x256xf32, #tpu.memory_space<vmem>>
          %dma_start3A_422 = tpu.memref_squeeze %dma_start3A_421 : memref<1x64x256xf32, #tpu.memory_space<vmem>> -> memref<64x256xf32, #tpu.memory_space<vmem>>
          %dma_start3A_423 = arith.constant 0 : i32
          %dma_start3A_424 = tpu.memref_slice %arg2[%dma_start3A_423, %mul3A_417] : memref<64x1000000xf32, #tpu.memory_space<hbm>> -> memref<64x256xf32, #tpu.memory_space<hbm>>
          %dma_start3A_425 = arith.constant 0 : i32
          %dma_start3A_426 = arith.constant 0 : i32
          %dma_start3A_427 = tpu.memref_slice %arg5[%dma_start3A_418, %dma_start3A_425, %dma_start3A_426] : memref<2x64x256xf32, #tpu.memory_space<vmem>> -> memref<1x64x256xf32, #tpu.memory_space<vmem>>
          %dma_start3A_428 = tpu.memref_squeeze %dma_start3A_427 : memref<1x64x256xf32, #tpu.memory_space<vmem>> -> memref<64x256xf32, #tpu.memory_space<vmem>>
          %dma_start3A_429 = arith.constant 0 : i32
          %dma_start3A_430 = tpu.memref_slice %arg2[%dma_start3A_429, %mul3A_417] : memref<64x1000000xf32, #tpu.memory_space<hbm>> -> memref<64x256xf32, #tpu.memory_space<hbm>>
          tpu.enqueue_dma source(%dma_start3A_430 : memref<64x256xf32, #tpu.memory_space<hbm>>) target(%dma_start3A_428 : memref<64x256xf32, #tpu.memory_space<vmem>>) target_semaphore(%arg8 : memref<!tpu.dma_semaphore, #tpu.memory_space<semaphore_mem>>)
        } else {
        }
        %mul3A_372 = arith.constant 256 : i32
        %mul3A_373 = arith.muli %add3A_347, %mul3A_372 : i32
        %dma_wait3A = arith.constant 0 : i32
        %dma_wait3A_374 = arith.constant 0 : i32
        %dma_wait3A_375 = arith.constant 0 : i32
        %dma_wait3A_376 = tpu.memref_slice %arg5[%dma_wait3A, %dma_wait3A_374, %dma_wait3A_375] : memref<2x64x256xf32, #tpu.memory_space<vmem>> -> memref<1x64x256xf32, #tpu.memory_space<vmem>>
        %dma_wait3A_377 = tpu.memref_squeeze %dma_wait3A_376 : memref<1x64x256xf32, #tpu.memory_space<vmem>> -> memref<64x256xf32, #tpu.memory_space<vmem>>
        %dma_wait3A_378 = arith.constant 0 : i32
        %dma_wait3A_379 = tpu.memref_slice %arg2[%dma_wait3A_378, %mul3A_373] : memref<64x1000000xf32, #tpu.memory_space<hbm>> -> memref<64x256xf32, #tpu.memory_space<hbm>>
        %dma_wait3A_380 = arith.constant 0 : i32
        %dma_wait3A_381 = arith.constant 0 : i32
        %dma_wait3A_382 = tpu.memref_slice %arg5[%dma_wait3A, %dma_wait3A_380, %dma_wait3A_381] : memref<2x64x256xf32, #tpu.memory_space<vmem>> -> memref<1x64x256xf32, #tpu.memory_space<vmem>>
        %dma_wait3A_383 = tpu.memref_squeeze %dma_wait3A_382 : memref<1x64x256xf32, #tpu.memory_space<vmem>> -> memref<64x256xf32, #tpu.memory_space<vmem>>
        %dma_wait3A_384 = arith.constant 0 : i32
        %dma_wait3A_385 = tpu.memref_slice %arg2[%dma_wait3A_384, %mul3A_373] : memref<64x1000000xf32, #tpu.memory_space<hbm>> -> memref<64x256xf32, #tpu.memory_space<hbm>>
        tpu.wait_dma2 semaphore(%arg7 : memref<!tpu.dma_semaphore, #tpu.memory_space<semaphore_mem>>) src(%dma_wait3A_385 : memref<64x256xf32, #tpu.memory_space<hbm>>) dst(%dma_wait3A_383 : memref<64x256xf32, #tpu.memory_space<vmem>>)
        %ge3A_386 = arith.constant 2 : i32
        %ge3A_387 = arith.cmpi sge, %add3A_344, %ge3A_386 : i32
        %convert_element_type3A_388 = arith.extui %ge3A_387 : i1 to i32
        %cond3A_389 = arith.constant 0 : i32
        %cond3A_390 = arith.cmpi ne, %convert_element_type3A_388, %cond3A_389 : i32
        scf.if %cond3A_390 {
          %mul3A_414 = arith.constant 128 : i32
          %mul3A_415 = arith.muli %add3A_347, %mul3A_414 : i32
          %dma_wait3A_416 = arith.constant 0 : i32
          %dma_wait3A_417 = arith.constant 0 : i32
          %dma_wait3A_418 = arith.constant 0 : i32
          %dma_wait3A_419 = tpu.memref_slice %arg6[%dma_wait3A_416, %dma_wait3A_417, %dma_wait3A_418] : memref<2x128x128xf32, #tpu.memory_space<vmem>> -> memref<1x128x128xf32, #tpu.memory_space<vmem>>
          %dma_wait3A_420 = tpu.memref_squeeze %dma_wait3A_419 : memref<1x128x128xf32, #tpu.memory_space<vmem>> -> memref<128x128xf32, #tpu.memory_space<vmem>>
          %dma_wait3A_421 = arith.constant 0 : i32
          %dma_wait3A_422 = tpu.memref_slice %arg4[%mul3A_415, %dma_wait3A_421] : memref<500000x128xf32, #tpu.memory_space<hbm>> -> memref<128x128xf32, #tpu.memory_space<hbm>>
          %dma_wait3A_423 = arith.constant 0 : i32
          %dma_wait3A_424 = tpu.memref_slice %arg4[%mul3A_415, %dma_wait3A_423] : memref<500000x128xf32, #tpu.memory_space<hbm>> -> memref<128x128xf32, #tpu.memory_space<hbm>>
          %dma_wait3A_425 = arith.constant 0 : i32
          %dma_wait3A_426 = arith.constant 0 : i32
          %dma_wait3A_427 = tpu.memref_slice %arg6[%dma_wait3A_416, %dma_wait3A_425, %dma_wait3A_426] : memref<2x128x128xf32, #tpu.memory_space<vmem>> -> memref<1x128x128xf32, #tpu.memory_space<vmem>>
          %dma_wait3A_428 = tpu.memref_squeeze %dma_wait3A_427 : memref<1x128x128xf32, #tpu.memory_space<vmem>> -> memref<128x128xf32, #tpu.memory_space<vmem>>
          tpu.wait_dma2 semaphore(%arg9 : memref<!tpu.dma_semaphore, #tpu.memory_space<semaphore_mem>>) src(%dma_wait3A_428 : memref<128x128xf32, #tpu.memory_space<vmem>>) dst(%dma_wait3A_424 : memref<128x128xf32, #tpu.memory_space<hbm>>)
        } else {
        }
        %scan3A_391 = arith.constant 0 : i32
        %scan3A_392 = arith.constant 0 : i32
        %scan3A_393 = arith.constant 0 : i32
        %scan3A_394 = arith.constant 0 : i32
        %scan3A_395 = arith.constant 16 : i32
        %scan3A_396 = arith.addi %scan3A_394, %scan3A_395 : i32
        %scan3A_397 = arith.constant 1 : i32
        scf.for %scan3A_414 = %scan3A_394 to %scan3A_396 step %scan3A_397  : i32 {
          %mul3A_415 = arith.constant 16 : i32
          %mul3A_416 = arith.muli %scan3A_414, %mul3A_415 : i32
          %mul3A_417 = arith.constant 8 : i32
          %mul3A_418 = arith.muli %scan3A_414, %mul3A_417 : i32
          %add3A_419 = vector.broadcast %mul3A_416 : i32 to vector<16xi32>
          %add3A_420 = arith.addi %add3A_419, %and3A_28 : vector<16xi32>
          %gather3A = arith.constant 0 : i32
          %gather3A_421 = arith.constant 0 : i32
          %gather3A_422 = tpu.memref_slice %arg5[%scan3A_392, %gather3A, %gather3A_421] : memref<2x64x256xf32, #tpu.memory_space<vmem>> -> memref<1x64x256xf32, #tpu.memory_space<vmem>>
          %gather3A_423 = tpu.memref_squeeze %gather3A_422 : memref<1x64x256xf32, #tpu.memory_space<vmem>> -> memref<64x256xf32, #tpu.memory_space<vmem>>
          %gather3A_424 = tpu.vector_load_idx %gather3A_423[%add3A_264, %add3A_420] : memref<64x256xf32, #tpu.memory_space<vmem>>[vector<16xi32>, vector<16xi32>], vector<16xf32>,
          %add3A_425 = vector.broadcast %mul3A_416 : i32 to vector<16xi32>
          %add3A_426 = arith.addi %add3A_425, %and3A_34 : vector<16xi32>
          %gather3A_427 = arith.constant 0 : i32
          %gather3A_428 = arith.constant 0 : i32
          %gather3A_429 = tpu.memref_slice %arg5[%scan3A_392, %gather3A_427, %gather3A_428] : memref<2x64x256xf32, #tpu.memory_space<vmem>> -> memref<1x64x256xf32, #tpu.memory_space<vmem>>
          %gather3A_430 = tpu.memref_squeeze %gather3A_429 : memref<1x64x256xf32, #tpu.memory_space<vmem>> -> memref<64x256xf32, #tpu.memory_space<vmem>>
          %gather3A_431 = tpu.vector_load_idx %gather3A_430[%add3A_264, %add3A_426] : memref<64x256xf32, #tpu.memory_space<vmem>>[vector<16xi32>, vector<16xi32>], vector<16xf32>,
          %add3A_432 = vector.broadcast %mul3A_416 : i32 to vector<16xi32>
          %add3A_433 = arith.addi %add3A_432, %and3A_40 : vector<16xi32>
          %gather3A_434 = arith.constant 0 : i32
          %gather3A_435 = arith.constant 0 : i32
          %gather3A_436 = tpu.memref_slice %arg5[%scan3A_392, %gather3A_434, %gather3A_435] : memref<2x64x256xf32, #tpu.memory_space<vmem>> -> memref<1x64x256xf32, #tpu.memory_space<vmem>>
          %gather3A_437 = tpu.memref_squeeze %gather3A_436 : memref<1x64x256xf32, #tpu.memory_space<vmem>> -> memref<64x256xf32, #tpu.memory_space<vmem>>
          %gather3A_438 = tpu.vector_load_idx %gather3A_437[%add3A_264, %add3A_433] : memref<64x256xf32, #tpu.memory_space<vmem>>[vector<16xi32>, vector<16xi32>], vector<16xf32>,
          %add3A_439 = vector.broadcast %mul3A_416 : i32 to vector<16xi32>
          %add3A_440 = arith.addi %add3A_439, %and3A_46 : vector<16xi32>
          %gather3A_441 = arith.constant 0 : i32
          %gather3A_442 = arith.constant 0 : i32
          %gather3A_443 = tpu.memref_slice %arg5[%scan3A_392, %gather3A_441, %gather3A_442] : memref<2x64x256xf32, #tpu.memory_space<vmem>> -> memref<1x64x256xf32, #tpu.memory_space<vmem>>
          %gather3A_444 = tpu.memref_squeeze %gather3A_443 : memref<1x64x256xf32, #tpu.memory_space<vmem>> -> memref<64x256xf32, #tpu.memory_space<vmem>>
          %gather3A_445 = tpu.vector_load_idx %gather3A_444[%add3A_264, %add3A_440] : memref<64x256xf32, #tpu.memory_space<vmem>>[vector<16xi32>, vector<16xi32>], vector<16xf32>,
          %add3A_446 = vector.broadcast %mul3A_416 : i32 to vector<16xi32>
          %add3A_447 = arith.addi %add3A_446, %and3A_52 : vector<16xi32>
          %gather3A_448 = arith.constant 0 : i32
          %gather3A_449 = arith.constant 0 : i32
          %gather3A_450 = tpu.memref_slice %arg5[%scan3A_392, %gather3A_448, %gather3A_449] : memref<2x64x256xf32, #tpu.memory_space<vmem>> -> memref<1x64x256xf32, #tpu.memory_space<vmem>>
          %gather3A_451 = tpu.memref_squeeze %gather3A_450 : memref<1x64x256xf32, #tpu.memory_space<vmem>> -> memref<64x256xf32, #tpu.memory_space<vmem>>
          %gather3A_452 = tpu.vector_load_idx %gather3A_451[%add3A_264, %add3A_447] : memref<64x256xf32, #tpu.memory_space<vmem>>[vector<16xi32>, vector<16xi32>], vector<16xf32>,
          %add3A_453 = vector.broadcast %mul3A_416 : i32 to vector<16xi32>
          %add3A_454 = arith.addi %add3A_453, %and3A_58 : vector<16xi32>
          %gather3A_455 = arith.constant 0 : i32
          %gather3A_456 = arith.constant 0 : i32
          %gather3A_457 = tpu.memref_slice %arg5[%scan3A_392, %gather3A_455, %gather3A_456] : memref<2x64x256xf32, #tpu.memory_space<vmem>> -> memref<1x64x256xf32, #tpu.memory_space<vmem>>
          %gather3A_458 = tpu.memref_squeeze %gather3A_457 : memref<1x64x256xf32, #tpu.memory_space<vmem>> -> memref<64x256xf32, #tpu.memory_space<vmem>>
          %gather3A_459 = tpu.vector_load_idx %gather3A_458[%add3A_264, %add3A_454] : memref<64x256xf32, #tpu.memory_space<vmem>>[vector<16xi32>, vector<16xi32>], vector<16xf32>,
          %add3A_460 = vector.broadcast %mul3A_416 : i32 to vector<16xi32>
          %add3A_461 = arith.addi %add3A_460, %and3A_64 : vector<16xi32>
          %gather3A_462 = arith.constant 0 : i32
          %gather3A_463 = arith.constant 0 : i32
          %gather3A_464 = tpu.memref_slice %arg5[%scan3A_392, %gather3A_462, %gather3A_463] : memref<2x64x256xf32, #tpu.memory_space<vmem>> -> memref<1x64x256xf32, #tpu.memory_space<vmem>>
          %gather3A_465 = tpu.memref_squeeze %gather3A_464 : memref<1x64x256xf32, #tpu.memory_space<vmem>> -> memref<64x256xf32, #tpu.memory_space<vmem>>
          %gather3A_466 = tpu.vector_load_idx %gather3A_465[%add3A_264, %add3A_461] : memref<64x256xf32, #tpu.memory_space<vmem>>[vector<16xi32>, vector<16xi32>], vector<16xf32>,
          %add3A_467 = vector.broadcast %mul3A_416 : i32 to vector<16xi32>
          %add3A_468 = arith.addi %add3A_467, %and3A_70 : vector<16xi32>
          %gather3A_469 = arith.constant 0 : i32
          %gather3A_470 = arith.constant 0 : i32
          %gather3A_471 = tpu.memref_slice %arg5[%scan3A_392, %gather3A_469, %gather3A_470] : memref<2x64x256xf32, #tpu.memory_space<vmem>> -> memref<1x64x256xf32, #tpu.memory_space<vmem>>
          %gather3A_472 = tpu.memref_squeeze %gather3A_471 : memref<1x64x256xf32, #tpu.memory_space<vmem>> -> memref<64x256xf32, #tpu.memory_space<vmem>>
          %gather3A_473 = tpu.vector_load_idx %gather3A_472[%add3A_264, %add3A_468] : memref<64x256xf32, #tpu.memory_space<vmem>>[vector<16xi32>, vector<16xi32>], vector<16xf32>,
          %add3A_474 = vector.broadcast %mul3A_416 : i32 to vector<16xi32>
          %add3A_475 = arith.addi %add3A_474, %and3A_76 : vector<16xi32>
          %gather3A_476 = arith.constant 0 : i32
          %gather3A_477 = arith.constant 0 : i32
          %gather3A_478 = tpu.memref_slice %arg5[%scan3A_392, %gather3A_476, %gather3A_477] : memref<2x64x256xf32, #tpu.memory_space<vmem>> -> memref<1x64x256xf32, #tpu.memory_space<vmem>>
          %gather3A_479 = tpu.memref_squeeze %gather3A_478 : memref<1x64x256xf32, #tpu.memory_space<vmem>> -> memref<64x256xf32, #tpu.memory_space<vmem>>
          %gather3A_480 = tpu.vector_load_idx %gather3A_479[%add3A_264, %add3A_475] : memref<64x256xf32, #tpu.memory_space<vmem>>[vector<16xi32>, vector<16xi32>], vector<16xf32>,
          %add3A_481 = vector.broadcast %mul3A_416 : i32 to vector<16xi32>
          %add3A_482 = arith.addi %add3A_481, %and3A_82 : vector<16xi32>
          %gather3A_483 = arith.constant 0 : i32
          %gather3A_484 = arith.constant 0 : i32
          %gather3A_485 = tpu.memref_slice %arg5[%scan3A_392, %gather3A_483, %gather3A_484] : memref<2x64x256xf32, #tpu.memory_space<vmem>> -> memref<1x64x256xf32, #tpu.memory_space<vmem>>
          %gather3A_486 = tpu.memref_squeeze %gather3A_485 : memref<1x64x256xf32, #tpu.memory_space<vmem>> -> memref<64x256xf32, #tpu.memory_space<vmem>>
          %gather3A_487 = tpu.vector_load_idx %gather3A_486[%add3A_264, %add3A_482] : memref<64x256xf32, #tpu.memory_space<vmem>>[vector<16xi32>, vector<16xi32>], vector<16xf32>,
          %add3A_488 = vector.broadcast %mul3A_416 : i32 to vector<16xi32>
          %add3A_489 = arith.addi %add3A_488, %and3A_88 : vector<16xi32>
          %gather3A_490 = arith.constant 0 : i32
          %gather3A_491 = arith.constant 0 : i32
          %gather3A_492 = tpu.memref_slice %arg5[%scan3A_392, %gather3A_490, %gather3A_491] : memref<2x64x256xf32, #tpu.memory_space<vmem>> -> memref<1x64x256xf32, #tpu.memory_space<vmem>>
          %gather3A_493 = tpu.memref_squeeze %gather3A_492 : memref<1x64x256xf32, #tpu.memory_space<vmem>> -> memref<64x256xf32, #tpu.memory_space<vmem>>
          %gather3A_494 = tpu.vector_load_idx %gather3A_493[%add3A_264, %add3A_489] : memref<64x256xf32, #tpu.memory_space<vmem>>[vector<16xi32>, vector<16xi32>], vector<16xf32>,
          %add3A_495 = vector.broadcast %mul3A_416 : i32 to vector<16xi32>
          %add3A_496 = arith.addi %add3A_495, %and3A_94 : vector<16xi32>
          %gather3A_497 = arith.constant 0 : i32
          %gather3A_498 = arith.constant 0 : i32
          %gather3A_499 = tpu.memref_slice %arg5[%scan3A_392, %gather3A_497, %gather3A_498] : memref<2x64x256xf32, #tpu.memory_space<vmem>> -> memref<1x64x256xf32, #tpu.memory_space<vmem>>
          %gather3A_500 = tpu.memref_squeeze %gather3A_499 : memref<1x64x256xf32, #tpu.memory_space<vmem>> -> memref<64x256xf32, #tpu.memory_space<vmem>>
          %gather3A_501 = tpu.vector_load_idx %gather3A_500[%add3A_264, %add3A_496] : memref<64x256xf32, #tpu.memory_space<vmem>>[vector<16xi32>, vector<16xi32>], vector<16xf32>,
          %add3A_502 = vector.broadcast %mul3A_416 : i32 to vector<16xi32>
          %add3A_503 = arith.addi %add3A_502, %and3A_100 : vector<16xi32>
          %gather3A_504 = arith.constant 0 : i32
          %gather3A_505 = arith.constant 0 : i32
          %gather3A_506 = tpu.memref_slice %arg5[%scan3A_392, %gather3A_504, %gather3A_505] : memref<2x64x256xf32, #tpu.memory_space<vmem>> -> memref<1x64x256xf32, #tpu.memory_space<vmem>>
          %gather3A_507 = tpu.memref_squeeze %gather3A_506 : memref<1x64x256xf32, #tpu.memory_space<vmem>> -> memref<64x256xf32, #tpu.memory_space<vmem>>
          %gather3A_508 = tpu.vector_load_idx %gather3A_507[%add3A_264, %add3A_503] : memref<64x256xf32, #tpu.memory_space<vmem>>[vector<16xi32>, vector<16xi32>], vector<16xf32>,
          %add3A_509 = vector.broadcast %mul3A_416 : i32 to vector<16xi32>
          %add3A_510 = arith.addi %add3A_509, %and3A_106 : vector<16xi32>
          %gather3A_511 = arith.constant 0 : i32
          %gather3A_512 = arith.constant 0 : i32
          %gather3A_513 = tpu.memref_slice %arg5[%scan3A_392, %gather3A_511, %gather3A_512] : memref<2x64x256xf32, #tpu.memory_space<vmem>> -> memref<1x64x256xf32, #tpu.memory_space<vmem>>
          %gather3A_514 = tpu.memref_squeeze %gather3A_513 : memref<1x64x256xf32, #tpu.memory_space<vmem>> -> memref<64x256xf32, #tpu.memory_space<vmem>>
          %gather3A_515 = tpu.vector_load_idx %gather3A_514[%add3A_264, %add3A_510] : memref<64x256xf32, #tpu.memory_space<vmem>>[vector<16xi32>, vector<16xi32>], vector<16xf32>,
          %add3A_516 = vector.broadcast %mul3A_416 : i32 to vector<16xi32>
          %add3A_517 = arith.addi %add3A_516, %and3A_112 : vector<16xi32>
          %gather3A_518 = arith.constant 0 : i32
          %gather3A_519 = arith.constant 0 : i32
          %gather3A_520 = tpu.memref_slice %arg5[%scan3A_392, %gather3A_518, %gather3A_519] : memref<2x64x256xf32, #tpu.memory_space<vmem>> -> memref<1x64x256xf32, #tpu.memory_space<vmem>>
          %gather3A_521 = tpu.memref_squeeze %gather3A_520 : memref<1x64x256xf32, #tpu.memory_space<vmem>> -> memref<64x256xf32, #tpu.memory_space<vmem>>
          %gather3A_522 = tpu.vector_load_idx %gather3A_521[%add3A_264, %add3A_517] : memref<64x256xf32, #tpu.memory_space<vmem>>[vector<16xi32>, vector<16xi32>], vector<16xf32>,
          %add3A_523 = vector.broadcast %mul3A_416 : i32 to vector<16xi32>
          %add3A_524 = arith.addi %add3A_523, %and3A_118 : vector<16xi32>
          %gather3A_525 = arith.constant 0 : i32
          %gather3A_526 = arith.constant 0 : i32
          %gather3A_527 = tpu.memref_slice %arg5[%scan3A_392, %gather3A_525, %gather3A_526] : memref<2x64x256xf32, #tpu.memory_space<vmem>> -> memref<1x64x256xf32, #tpu.memory_space<vmem>>
          %gather3A_528 = tpu.memref_squeeze %gather3A_527 : memref<1x64x256xf32, #tpu.memory_space<vmem>> -> memref<64x256xf32, #tpu.memory_space<vmem>>
          %gather3A_529 = tpu.vector_load_idx %gather3A_528[%add3A_264, %add3A_524] : memref<64x256xf32, #tpu.memory_space<vmem>>[vector<16xi32>, vector<16xi32>], vector<16xf32>,
          %add3A_530 = vector.broadcast %mul3A_418 : i32 to vector<16xi32>
          %add3A_531 = arith.addi %add3A_530, %shift_right_arithmetic3A_120 : vector<16xi32>
          %add3A_532 = arith.addi %mul3A_171, %add3A_264 : vector<16xi32>
          %scatter3A = arith.constant 0 : i32
          %scatter3A_533 = arith.constant 0 : i32
          %scatter3A_534 = tpu.memref_slice %arg6[%scan3A_393, %scatter3A, %scatter3A_533] : memref<2x128x128xf32, #tpu.memory_space<vmem>> -> memref<1x128x128xf32, #tpu.memory_space<vmem>>
          %scatter3A_535 = tpu.memref_squeeze %scatter3A_534 : memref<1x128x128xf32, #tpu.memory_space<vmem>> -> memref<128x128xf32, #tpu.memory_space<vmem>>
          tpu.vector_store_idx %scatter3A_535[%add3A_531, %add3A_532], %gather3A_424 : memref<128x128xf32, #tpu.memory_space<vmem>>[vector<16xi32>, vector<16xi32>], vector<16xf32>,
          %add3A_536 = vector.broadcast %mul3A_418 : i32 to vector<16xi32>
          %add3A_537 = arith.addi %add3A_536, %shift_right_arithmetic3A_123 : vector<16xi32>
          %add3A_538 = arith.addi %mul3A_177, %add3A_264 : vector<16xi32>
          %scatter3A_539 = arith.constant 0 : i32
          %scatter3A_540 = arith.constant 0 : i32
          %scatter3A_541 = tpu.memref_slice %arg6[%scan3A_393, %scatter3A_539, %scatter3A_540] : memref<2x128x128xf32, #tpu.memory_space<vmem>> -> memref<1x128x128xf32, #tpu.memory_space<vmem>>
          %scatter3A_542 = tpu.memref_squeeze %scatter3A_541 : memref<1x128x128xf32, #tpu.memory_space<vmem>> -> memref<128x128xf32, #tpu.memory_space<vmem>>
          tpu.vector_store_idx %scatter3A_542[%add3A_537, %add3A_538], %gather3A_431 : memref<128x128xf32, #tpu.memory_space<vmem>>[vector<16xi32>, vector<16xi32>], vector<16xf32>,
          %add3A_543 = vector.broadcast %mul3A_418 : i32 to vector<16xi32>
          %add3A_544 = arith.addi %add3A_543, %shift_right_arithmetic3A_126 : vector<16xi32>
          %add3A_545 = arith.addi %mul3A_183, %add3A_264 : vector<16xi32>
          %scatter3A_546 = arith.constant 0 : i32
          %scatter3A_547 = arith.constant 0 : i32
          %scatter3A_548 = tpu.memref_slice %arg6[%scan3A_393, %scatter3A_546, %scatter3A_547] : memref<2x128x128xf32, #tpu.memory_space<vmem>> -> memref<1x128x128xf32, #tpu.memory_space<vmem>>
          %scatter3A_549 = tpu.memref_squeeze %scatter3A_548 : memref<1x128x128xf32, #tpu.memory_space<vmem>> -> memref<128x128xf32, #tpu.memory_space<vmem>>
          tpu.vector_store_idx %scatter3A_549[%add3A_544, %add3A_545], %gather3A_438 : memref<128x128xf32, #tpu.memory_space<vmem>>[vector<16xi32>, vector<16xi32>], vector<16xf32>,
          %add3A_550 = vector.broadcast %mul3A_418 : i32 to vector<16xi32>
          %add3A_551 = arith.addi %add3A_550, %shift_right_arithmetic3A_129 : vector<16xi32>
          %add3A_552 = arith.addi %mul3A_189, %add3A_264 : vector<16xi32>
          %scatter3A_553 = arith.constant 0 : i32
          %scatter3A_554 = arith.constant 0 : i32
          %scatter3A_555 = tpu.memref_slice %arg6[%scan3A_393, %scatter3A_553, %scatter3A_554] : memref<2x128x128xf32, #tpu.memory_space<vmem>> -> memref<1x128x128xf32, #tpu.memory_space<vmem>>
          %scatter3A_556 = tpu.memref_squeeze %scatter3A_555 : memref<1x128x128xf32, #tpu.memory_space<vmem>> -> memref<128x128xf32, #tpu.memory_space<vmem>>
          tpu.vector_store_idx %scatter3A_556[%add3A_551, %add3A_552], %gather3A_445 : memref<128x128xf32, #tpu.memory_space<vmem>>[vector<16xi32>, vector<16xi32>], vector<16xf32>,
          %add3A_557 = vector.broadcast %mul3A_418 : i32 to vector<16xi32>
          %add3A_558 = arith.addi %add3A_557, %shift_right_arithmetic3A_132 : vector<16xi32>
          %add3A_559 = arith.addi %mul3A_195, %add3A_264 : vector<16xi32>
          %scatter3A_560 = arith.constant 0 : i32
          %scatter3A_561 = arith.constant 0 : i32
          %scatter3A_562 = tpu.memref_slice %arg6[%scan3A_393, %scatter3A_560, %scatter3A_561] : memref<2x128x128xf32, #tpu.memory_space<vmem>> -> memref<1x128x128xf32, #tpu.memory_space<vmem>>
          %scatter3A_563 = tpu.memref_squeeze %scatter3A_562 : memref<1x128x128xf32, #tpu.memory_space<vmem>> -> memref<128x128xf32, #tpu.memory_space<vmem>>
          tpu.vector_store_idx %scatter3A_563[%add3A_558, %add3A_559], %gather3A_452 : memref<128x128xf32, #tpu.memory_space<vmem>>[vector<16xi32>, vector<16xi32>], vector<16xf32>,
          %add3A_564 = vector.broadcast %mul3A_418 : i32 to vector<16xi32>
          %add3A_565 = arith.addi %add3A_564, %shift_right_arithmetic3A_135 : vector<16xi32>
          %add3A_566 = arith.addi %mul3A_201, %add3A_264 : vector<16xi32>
          %scatter3A_567 = arith.constant 0 : i32
          %scatter3A_568 = arith.constant 0 : i32
          %scatter3A_569 = tpu.memref_slice %arg6[%scan3A_393, %scatter3A_567, %scatter3A_568] : memref<2x128x128xf32, #tpu.memory_space<vmem>> -> memref<1x128x128xf32, #tpu.memory_space<vmem>>
          %scatter3A_570 = tpu.memref_squeeze %scatter3A_569 : memref<1x128x128xf32, #tpu.memory_space<vmem>> -> memref<128x128xf32, #tpu.memory_space<vmem>>
          tpu.vector_store_idx %scatter3A_570[%add3A_565, %add3A_566], %gather3A_459 : memref<128x128xf32, #tpu.memory_space<vmem>>[vector<16xi32>, vector<16xi32>], vector<16xf32>,
          %add3A_571 = vector.broadcast %mul3A_418 : i32 to vector<16xi32>
          %add3A_572 = arith.addi %add3A_571, %shift_right_arithmetic3A_138 : vector<16xi32>
          %add3A_573 = arith.addi %mul3A_207, %add3A_264 : vector<16xi32>
          %scatter3A_574 = arith.constant 0 : i32
          %scatter3A_575 = arith.constant 0 : i32
          %scatter3A_576 = tpu.memref_slice %arg6[%scan3A_393, %scatter3A_574, %scatter3A_575] : memref<2x128x128xf32, #tpu.memory_space<vmem>> -> memref<1x128x128xf32, #tpu.memory_space<vmem>>
          %scatter3A_577 = tpu.memref_squeeze %scatter3A_576 : memref<1x128x128xf32, #tpu.memory_space<vmem>> -> memref<128x128xf32, #tpu.memory_space<vmem>>
          tpu.vector_store_idx %scatter3A_577[%add3A_572, %add3A_573], %gather3A_466 : memref<128x128xf32, #tpu.memory_space<vmem>>[vector<16xi32>, vector<16xi32>], vector<16xf32>,
          %add3A_578 = vector.broadcast %mul3A_418 : i32 to vector<16xi32>
          %add3A_579 = arith.addi %add3A_578, %shift_right_arithmetic3A_141 : vector<16xi32>
          %add3A_580 = arith.addi %mul3A_213, %add3A_264 : vector<16xi32>
          %scatter3A_581 = arith.constant 0 : i32
          %scatter3A_582 = arith.constant 0 : i32
          %scatter3A_583 = tpu.memref_slice %arg6[%scan3A_393, %scatter3A_581, %scatter3A_582] : memref<2x128x128xf32, #tpu.memory_space<vmem>> -> memref<1x128x128xf32, #tpu.memory_space<vmem>>
          %scatter3A_584 = tpu.memref_squeeze %scatter3A_583 : memref<1x128x128xf32, #tpu.memory_space<vmem>> -> memref<128x128xf32, #tpu.memory_space<vmem>>
          tpu.vector_store_idx %scatter3A_584[%add3A_579, %add3A_580], %gather3A_473 : memref<128x128xf32, #tpu.memory_space<vmem>>[vector<16xi32>, vector<16xi32>], vector<16xf32>,
          %add3A_585 = vector.broadcast %mul3A_418 : i32 to vector<16xi32>
          %add3A_586 = arith.addi %add3A_585, %shift_right_arithmetic3A_144 : vector<16xi32>
          %add3A_587 = arith.addi %mul3A_219, %add3A_264 : vector<16xi32>
          %scatter3A_588 = arith.constant 0 : i32
          %scatter3A_589 = arith.constant 0 : i32
          %scatter3A_590 = tpu.memref_slice %arg6[%scan3A_393, %scatter3A_588, %scatter3A_589] : memref<2x128x128xf32, #tpu.memory_space<vmem>> -> memref<1x128x128xf32, #tpu.memory_space<vmem>>
          %scatter3A_591 = tpu.memref_squeeze %scatter3A_590 : memref<1x128x128xf32, #tpu.memory_space<vmem>> -> memref<128x128xf32, #tpu.memory_space<vmem>>
          tpu.vector_store_idx %scatter3A_591[%add3A_586, %add3A_587], %gather3A_480 : memref<128x128xf32, #tpu.memory_space<vmem>>[vector<16xi32>, vector<16xi32>], vector<16xf32>,
          %add3A_592 = vector.broadcast %mul3A_418 : i32 to vector<16xi32>
          %add3A_593 = arith.addi %add3A_592, %shift_right_arithmetic3A_147 : vector<16xi32>
          %add3A_594 = arith.addi %mul3A_225, %add3A_264 : vector<16xi32>
          %scatter3A_595 = arith.constant 0 : i32
          %scatter3A_596 = arith.constant 0 : i32
          %scatter3A_597 = tpu.memref_slice %arg6[%scan3A_393, %scatter3A_595, %scatter3A_596] : memref<2x128x128xf32, #tpu.memory_space<vmem>> -> memref<1x128x128xf32, #tpu.memory_space<vmem>>
          %scatter3A_598 = tpu.memref_squeeze %scatter3A_597 : memref<1x128x128xf32, #tpu.memory_space<vmem>> -> memref<128x128xf32, #tpu.memory_space<vmem>>
          tpu.vector_store_idx %scatter3A_598[%add3A_593, %add3A_594], %gather3A_487 : memref<128x128xf32, #tpu.memory_space<vmem>>[vector<16xi32>, vector<16xi32>], vector<16xf32>,
          %add3A_599 = vector.broadcast %mul3A_418 : i32 to vector<16xi32>
          %add3A_600 = arith.addi %add3A_599, %shift_right_arithmetic3A_150 : vector<16xi32>
          %add3A_601 = arith.addi %mul3A_231, %add3A_264 : vector<16xi32>
          %scatter3A_602 = arith.constant 0 : i32
          %scatter3A_603 = arith.constant 0 : i32
          %scatter3A_604 = tpu.memref_slice %arg6[%scan3A_393, %scatter3A_602, %scatter3A_603] : memref<2x128x128xf32, #tpu.memory_space<vmem>> -> memref<1x128x128xf32, #tpu.memory_space<vmem>>
          %scatter3A_605 = tpu.memref_squeeze %scatter3A_604 : memref<1x128x128xf32, #tpu.memory_space<vmem>> -> memref<128x128xf32, #tpu.memory_space<vmem>>
          tpu.vector_store_idx %scatter3A_605[%add3A_600, %add3A_601], %gather3A_494 : memref<128x128xf32, #tpu.memory_space<vmem>>[vector<16xi32>, vector<16xi32>], vector<16xf32>,
          %add3A_606 = vector.broadcast %mul3A_418 : i32 to vector<16xi32>
          %add3A_607 = arith.addi %add3A_606, %shift_right_arithmetic3A_153 : vector<16xi32>
          %add3A_608 = arith.addi %mul3A_237, %add3A_264 : vector<16xi32>
          %scatter3A_609 = arith.constant 0 : i32
          %scatter3A_610 = arith.constant 0 : i32
          %scatter3A_611 = tpu.memref_slice %arg6[%scan3A_393, %scatter3A_609, %scatter3A_610] : memref<2x128x128xf32, #tpu.memory_space<vmem>> -> memref<1x128x128xf32, #tpu.memory_space<vmem>>
          %scatter3A_612 = tpu.memref_squeeze %scatter3A_611 : memref<1x128x128xf32, #tpu.memory_space<vmem>> -> memref<128x128xf32, #tpu.memory_space<vmem>>
          tpu.vector_store_idx %scatter3A_612[%add3A_607, %add3A_608], %gather3A_501 : memref<128x128xf32, #tpu.memory_space<vmem>>[vector<16xi32>, vector<16xi32>], vector<16xf32>,
          %add3A_613 = vector.broadcast %mul3A_418 : i32 to vector<16xi32>
          %add3A_614 = arith.addi %add3A_613, %shift_right_arithmetic3A_156 : vector<16xi32>
          %add3A_615 = arith.addi %mul3A_243, %add3A_264 : vector<16xi32>
          %scatter3A_616 = arith.constant 0 : i32
          %scatter3A_617 = arith.constant 0 : i32
          %scatter3A_618 = tpu.memref_slice %arg6[%scan3A_393, %scatter3A_616, %scatter3A_617] : memref<2x128x128xf32, #tpu.memory_space<vmem>> -> memref<1x128x128xf32, #tpu.memory_space<vmem>>
          %scatter3A_619 = tpu.memref_squeeze %scatter3A_618 : memref<1x128x128xf32, #tpu.memory_space<vmem>> -> memref<128x128xf32, #tpu.memory_space<vmem>>
          tpu.vector_store_idx %scatter3A_619[%add3A_614, %add3A_615], %gather3A_508 : memref<128x128xf32, #tpu.memory_space<vmem>>[vector<16xi32>, vector<16xi32>], vector<16xf32>,
          %add3A_620 = vector.broadcast %mul3A_418 : i32 to vector<16xi32>
          %add3A_621 = arith.addi %add3A_620, %shift_right_arithmetic3A_159 : vector<16xi32>
          %add3A_622 = arith.addi %mul3A_249, %add3A_264 : vector<16xi32>
          %scatter3A_623 = arith.constant 0 : i32
          %scatter3A_624 = arith.constant 0 : i32
          %scatter3A_625 = tpu.memref_slice %arg6[%scan3A_393, %scatter3A_623, %scatter3A_624] : memref<2x128x128xf32, #tpu.memory_space<vmem>> -> memref<1x128x128xf32, #tpu.memory_space<vmem>>
          %scatter3A_626 = tpu.memref_squeeze %scatter3A_625 : memref<1x128x128xf32, #tpu.memory_space<vmem>> -> memref<128x128xf32, #tpu.memory_space<vmem>>
          tpu.vector_store_idx %scatter3A_626[%add3A_621, %add3A_622], %gather3A_515 : memref<128x128xf32, #tpu.memory_space<vmem>>[vector<16xi32>, vector<16xi32>], vector<16xf32>,
          %add3A_627 = vector.broadcast %mul3A_418 : i32 to vector<16xi32>
          %add3A_628 = arith.addi %add3A_627, %shift_right_arithmetic3A_162 : vector<16xi32>
          %add3A_629 = arith.addi %mul3A_255, %add3A_264 : vector<16xi32>
          %scatter3A_630 = arith.constant 0 : i32
          %scatter3A_631 = arith.constant 0 : i32
          %scatter3A_632 = tpu.memref_slice %arg6[%scan3A_393, %scatter3A_630, %scatter3A_631] : memref<2x128x128xf32, #tpu.memory_space<vmem>> -> memref<1x128x128xf32, #tpu.memory_space<vmem>>
          %scatter3A_633 = tpu.memref_squeeze %scatter3A_632 : memref<1x128x128xf32, #tpu.memory_space<vmem>> -> memref<128x128xf32, #tpu.memory_space<vmem>>
          tpu.vector_store_idx %scatter3A_633[%add3A_628, %add3A_629], %gather3A_522 : memref<128x128xf32, #tpu.memory_space<vmem>>[vector<16xi32>, vector<16xi32>], vector<16xf32>,
          %add3A_634 = vector.broadcast %mul3A_418 : i32 to vector<16xi32>
          %add3A_635 = arith.addi %add3A_634, %shift_right_arithmetic3A_165 : vector<16xi32>
          %add3A_636 = arith.addi %mul3A_261, %add3A_264 : vector<16xi32>
          %scatter3A_637 = arith.constant 0 : i32
          %scatter3A_638 = arith.constant 0 : i32
          %scatter3A_639 = tpu.memref_slice %arg6[%scan3A_393, %scatter3A_637, %scatter3A_638] : memref<2x128x128xf32, #tpu.memory_space<vmem>> -> memref<1x128x128xf32, #tpu.memory_space<vmem>>
          %scatter3A_640 = tpu.memref_squeeze %scatter3A_639 : memref<1x128x128xf32, #tpu.memory_space<vmem>> -> memref<128x128xf32, #tpu.memory_space<vmem>>
          tpu.vector_store_idx %scatter3A_640[%add3A_635, %add3A_636], %gather3A_529 : memref<128x128xf32, #tpu.memory_space<vmem>>[vector<16xi32>, vector<16xi32>], vector<16xf32>,
          %add3A_641 = vector.broadcast %mul3A_416 : i32 to vector<16xi32>
          %add3A_642 = arith.addi %add3A_641, %and3A_28 : vector<16xi32>
          %gather3A_643 = arith.constant 0 : i32
          %gather3A_644 = arith.constant 0 : i32
          %gather3A_645 = tpu.memref_slice %arg5[%scan3A_392, %gather3A_643, %gather3A_644] : memref<2x64x256xf32, #tpu.memory_space<vmem>> -> memref<1x64x256xf32, #tpu.memory_space<vmem>>
          %gather3A_646 = tpu.memref_squeeze %gather3A_645 : memref<1x64x256xf32, #tpu.memory_space<vmem>> -> memref<64x256xf32, #tpu.memory_space<vmem>>
          %gather3A_647 = tpu.vector_load_idx %gather3A_646[%add3A_267, %add3A_642] : memref<64x256xf32, #tpu.memory_space<vmem>>[vector<16xi32>, vector<16xi32>], vector<16xf32>,
          %add3A_648 = vector.broadcast %mul3A_416 : i32 to vector<16xi32>
          %add3A_649 = arith.addi %add3A_648, %and3A_34 : vector<16xi32>
          %gather3A_650 = arith.constant 0 : i32
          %gather3A_651 = arith.constant 0 : i32
          %gather3A_652 = tpu.memref_slice %arg5[%scan3A_392, %gather3A_650, %gather3A_651] : memref<2x64x256xf32, #tpu.memory_space<vmem>> -> memref<1x64x256xf32, #tpu.memory_space<vmem>>
          %gather3A_653 = tpu.memref_squeeze %gather3A_652 : memref<1x64x256xf32, #tpu.memory_space<vmem>> -> memref<64x256xf32, #tpu.memory_space<vmem>>
          %gather3A_654 = tpu.vector_load_idx %gather3A_653[%add3A_267, %add3A_649] : memref<64x256xf32, #tpu.memory_space<vmem>>[vector<16xi32>, vector<16xi32>], vector<16xf32>,
          %add3A_655 = vector.broadcast %mul3A_416 : i32 to vector<16xi32>
          %add3A_656 = arith.addi %add3A_655, %and3A_40 : vector<16xi32>
          %gather3A_657 = arith.constant 0 : i32
          %gather3A_658 = arith.constant 0 : i32
          %gather3A_659 = tpu.memref_slice %arg5[%scan3A_392, %gather3A_657, %gather3A_658] : memref<2x64x256xf32, #tpu.memory_space<vmem>> -> memref<1x64x256xf32, #tpu.memory_space<vmem>>
          %gather3A_660 = tpu.memref_squeeze %gather3A_659 : memref<1x64x256xf32, #tpu.memory_space<vmem>> -> memref<64x256xf32, #tpu.memory_space<vmem>>
          %gather3A_661 = tpu.vector_load_idx %gather3A_660[%add3A_267, %add3A_656] : memref<64x256xf32, #tpu.memory_space<vmem>>[vector<16xi32>, vector<16xi32>], vector<16xf32>,
          %add3A_662 = vector.broadcast %mul3A_416 : i32 to vector<16xi32>
          %add3A_663 = arith.addi %add3A_662, %and3A_46 : vector<16xi32>
          %gather3A_664 = arith.constant 0 : i32
          %gather3A_665 = arith.constant 0 : i32
          %gather3A_666 = tpu.memref_slice %arg5[%scan3A_392, %gather3A_664, %gather3A_665] : memref<2x64x256xf32, #tpu.memory_space<vmem>> -> memref<1x64x256xf32, #tpu.memory_space<vmem>>
          %gather3A_667 = tpu.memref_squeeze %gather3A_666 : memref<1x64x256xf32, #tpu.memory_space<vmem>> -> memref<64x256xf32, #tpu.memory_space<vmem>>
          %gather3A_668 = tpu.vector_load_idx %gather3A_667[%add3A_267, %add3A_663] : memref<64x256xf32, #tpu.memory_space<vmem>>[vector<16xi32>, vector<16xi32>], vector<16xf32>,
          %add3A_669 = vector.broadcast %mul3A_416 : i32 to vector<16xi32>
          %add3A_670 = arith.addi %add3A_669, %and3A_52 : vector<16xi32>
          %gather3A_671 = arith.constant 0 : i32
          %gather3A_672 = arith.constant 0 : i32
          %gather3A_673 = tpu.memref_slice %arg5[%scan3A_392, %gather3A_671, %gather3A_672] : memref<2x64x256xf32, #tpu.memory_space<vmem>> -> memref<1x64x256xf32, #tpu.memory_space<vmem>>
          %gather3A_674 = tpu.memref_squeeze %gather3A_673 : memref<1x64x256xf32, #tpu.memory_space<vmem>> -> memref<64x256xf32, #tpu.memory_space<vmem>>
          %gather3A_675 = tpu.vector_load_idx %gather3A_674[%add3A_267, %add3A_670] : memref<64x256xf32, #tpu.memory_space<vmem>>[vector<16xi32>, vector<16xi32>], vector<16xf32>,
          %add3A_676 = vector.broadcast %mul3A_416 : i32 to vector<16xi32>
          %add3A_677 = arith.addi %add3A_676, %and3A_58 : vector<16xi32>
          %gather3A_678 = arith.constant 0 : i32
          %gather3A_679 = arith.constant 0 : i32
          %gather3A_680 = tpu.memref_slice %arg5[%scan3A_392, %gather3A_678, %gather3A_679] : memref<2x64x256xf32, #tpu.memory_space<vmem>> -> memref<1x64x256xf32, #tpu.memory_space<vmem>>
          %gather3A_681 = tpu.memref_squeeze %gather3A_680 : memref<1x64x256xf32, #tpu.memory_space<vmem>> -> memref<64x256xf32, #tpu.memory_space<vmem>>
          %gather3A_682 = tpu.vector_load_idx %gather3A_681[%add3A_267, %add3A_677] : memref<64x256xf32, #tpu.memory_space<vmem>>[vector<16xi32>, vector<16xi32>], vector<16xf32>,
          %add3A_683 = vector.broadcast %mul3A_416 : i32 to vector<16xi32>
          %add3A_684 = arith.addi %add3A_683, %and3A_64 : vector<16xi32>
          %gather3A_685 = arith.constant 0 : i32
          %gather3A_686 = arith.constant 0 : i32
          %gather3A_687 = tpu.memref_slice %arg5[%scan3A_392, %gather3A_685, %gather3A_686] : memref<2x64x256xf32, #tpu.memory_space<vmem>> -> memref<1x64x256xf32, #tpu.memory_space<vmem>>
          %gather3A_688 = tpu.memref_squeeze %gather3A_687 : memref<1x64x256xf32, #tpu.memory_space<vmem>> -> memref<64x256xf32, #tpu.memory_space<vmem>>
          %gather3A_689 = tpu.vector_load_idx %gather3A_688[%add3A_267, %add3A_684] : memref<64x256xf32, #tpu.memory_space<vmem>>[vector<16xi32>, vector<16xi32>], vector<16xf32>,
          %add3A_690 = vector.broadcast %mul3A_416 : i32 to vector<16xi32>
          %add3A_691 = arith.addi %add3A_690, %and3A_70 : vector<16xi32>
          %gather3A_692 = arith.constant 0 : i32
          %gather3A_693 = arith.constant 0 : i32
          %gather3A_694 = tpu.memref_slice %arg5[%scan3A_392, %gather3A_692, %gather3A_693] : memref<2x64x256xf32, #tpu.memory_space<vmem>> -> memref<1x64x256xf32, #tpu.memory_space<vmem>>
          %gather3A_695 = tpu.memref_squeeze %gather3A_694 : memref<1x64x256xf32, #tpu.memory_space<vmem>> -> memref<64x256xf32, #tpu.memory_space<vmem>>
          %gather3A_696 = tpu.vector_load_idx %gather3A_695[%add3A_267, %add3A_691] : memref<64x256xf32, #tpu.memory_space<vmem>>[vector<16xi32>, vector<16xi32>], vector<16xf32>,
          %add3A_697 = vector.broadcast %mul3A_416 : i32 to vector<16xi32>
          %add3A_698 = arith.addi %add3A_697, %and3A_76 : vector<16xi32>
          %gather3A_699 = arith.constant 0 : i32
          %gather3A_700 = arith.constant 0 : i32
          %gather3A_701 = tpu.memref_slice %arg5[%scan3A_392, %gather3A_699, %gather3A_700] : memref<2x64x256xf32, #tpu.memory_space<vmem>> -> memref<1x64x256xf32, #tpu.memory_space<vmem>>
          %gather3A_702 = tpu.memref_squeeze %gather3A_701 : memref<1x64x256xf32, #tpu.memory_space<vmem>> -> memref<64x256xf32, #tpu.memory_space<vmem>>
          %gather3A_703 = tpu.vector_load_idx %gather3A_702[%add3A_267, %add3A_698] : memref<64x256xf32, #tpu.memory_space<vmem>>[vector<16xi32>, vector<16xi32>], vector<16xf32>,
          %add3A_704 = vector.broadcast %mul3A_416 : i32 to vector<16xi32>
          %add3A_705 = arith.addi %add3A_704, %and3A_82 : vector<16xi32>
          %gather3A_706 = arith.constant 0 : i32
          %gather3A_707 = arith.constant 0 : i32
          %gather3A_708 = tpu.memref_slice %arg5[%scan3A_392, %gather3A_706, %gather3A_707] : memref<2x64x256xf32, #tpu.memory_space<vmem>> -> memref<1x64x256xf32, #tpu.memory_space<vmem>>
          %gather3A_709 = tpu.memref_squeeze %gather3A_708 : memref<1x64x256xf32, #tpu.memory_space<vmem>> -> memref<64x256xf32, #tpu.memory_space<vmem>>
          %gather3A_710 = tpu.vector_load_idx %gather3A_709[%add3A_267, %add3A_705] : memref<64x256xf32, #tpu.memory_space<vmem>>[vector<16xi32>, vector<16xi32>], vector<16xf32>,
          %add3A_711 = vector.broadcast %mul3A_416 : i32 to vector<16xi32>
          %add3A_712 = arith.addi %add3A_711, %and3A_88 : vector<16xi32>
          %gather3A_713 = arith.constant 0 : i32
          %gather3A_714 = arith.constant 0 : i32
          %gather3A_715 = tpu.memref_slice %arg5[%scan3A_392, %gather3A_713, %gather3A_714] : memref<2x64x256xf32, #tpu.memory_space<vmem>> -> memref<1x64x256xf32, #tpu.memory_space<vmem>>
          %gather3A_716 = tpu.memref_squeeze %gather3A_715 : memref<1x64x256xf32, #tpu.memory_space<vmem>> -> memref<64x256xf32, #tpu.memory_space<vmem>>
          %gather3A_717 = tpu.vector_load_idx %gather3A_716[%add3A_267, %add3A_712] : memref<64x256xf32, #tpu.memory_space<vmem>>[vector<16xi32>, vector<16xi32>], vector<16xf32>,
          %add3A_718 = vector.broadcast %mul3A_416 : i32 to vector<16xi32>
          %add3A_719 = arith.addi %add3A_718, %and3A_94 : vector<16xi32>
          %gather3A_720 = arith.constant 0 : i32
          %gather3A_721 = arith.constant 0 : i32
          %gather3A_722 = tpu.memref_slice %arg5[%scan3A_392, %gather3A_720, %gather3A_721] : memref<2x64x256xf32, #tpu.memory_space<vmem>> -> memref<1x64x256xf32, #tpu.memory_space<vmem>>
          %gather3A_723 = tpu.memref_squeeze %gather3A_722 : memref<1x64x256xf32, #tpu.memory_space<vmem>> -> memref<64x256xf32, #tpu.memory_space<vmem>>
          %gather3A_724 = tpu.vector_load_idx %gather3A_723[%add3A_267, %add3A_719] : memref<64x256xf32, #tpu.memory_space<vmem>>[vector<16xi32>, vector<16xi32>], vector<16xf32>,
          %add3A_725 = vector.broadcast %mul3A_416 : i32 to vector<16xi32>
          %add3A_726 = arith.addi %add3A_725, %and3A_100 : vector<16xi32>
          %gather3A_727 = arith.constant 0 : i32
          %gather3A_728 = arith.constant 0 : i32
          %gather3A_729 = tpu.memref_slice %arg5[%scan3A_392, %gather3A_727, %gather3A_728] : memref<2x64x256xf32, #tpu.memory_space<vmem>> -> memref<1x64x256xf32, #tpu.memory_space<vmem>>
          %gather3A_730 = tpu.memref_squeeze %gather3A_729 : memref<1x64x256xf32, #tpu.memory_space<vmem>> -> memref<64x256xf32, #tpu.memory_space<vmem>>
          %gather3A_731 = tpu.vector_load_idx %gather3A_730[%add3A_267, %add3A_726] : memref<64x256xf32, #tpu.memory_space<vmem>>[vector<16xi32>, vector<16xi32>], vector<16xf32>,
          %add3A_732 = vector.broadcast %mul3A_416 : i32 to vector<16xi32>
          %add3A_733 = arith.addi %add3A_732, %and3A_106 : vector<16xi32>
          %gather3A_734 = arith.constant 0 : i32
          %gather3A_735 = arith.constant 0 : i32
          %gather3A_736 = tpu.memref_slice %arg5[%scan3A_392, %gather3A_734, %gather3A_735] : memref<2x64x256xf32, #tpu.memory_space<vmem>> -> memref<1x64x256xf32, #tpu.memory_space<vmem>>
          %gather3A_737 = tpu.memref_squeeze %gather3A_736 : memref<1x64x256xf32, #tpu.memory_space<vmem>> -> memref<64x256xf32, #tpu.memory_space<vmem>>
          %gather3A_738 = tpu.vector_load_idx %gather3A_737[%add3A_267, %add3A_733] : memref<64x256xf32, #tpu.memory_space<vmem>>[vector<16xi32>, vector<16xi32>], vector<16xf32>,
          %add3A_739 = vector.broadcast %mul3A_416 : i32 to vector<16xi32>
          %add3A_740 = arith.addi %add3A_739, %and3A_112 : vector<16xi32>
          %gather3A_741 = arith.constant 0 : i32
          %gather3A_742 = arith.constant 0 : i32
          %gather3A_743 = tpu.memref_slice %arg5[%scan3A_392, %gather3A_741, %gather3A_742] : memref<2x64x256xf32, #tpu.memory_space<vmem>> -> memref<1x64x256xf32, #tpu.memory_space<vmem>>
          %gather3A_744 = tpu.memref_squeeze %gather3A_743 : memref<1x64x256xf32, #tpu.memory_space<vmem>> -> memref<64x256xf32, #tpu.memory_space<vmem>>
          %gather3A_745 = tpu.vector_load_idx %gather3A_744[%add3A_267, %add3A_740] : memref<64x256xf32, #tpu.memory_space<vmem>>[vector<16xi32>, vector<16xi32>], vector<16xf32>,
          %add3A_746 = vector.broadcast %mul3A_416 : i32 to vector<16xi32>
          %add3A_747 = arith.addi %add3A_746, %and3A_118 : vector<16xi32>
          %gather3A_748 = arith.constant 0 : i32
          %gather3A_749 = arith.constant 0 : i32
          %gather3A_750 = tpu.memref_slice %arg5[%scan3A_392, %gather3A_748, %gather3A_749] : memref<2x64x256xf32, #tpu.memory_space<vmem>> -> memref<1x64x256xf32, #tpu.memory_space<vmem>>
          %gather3A_751 = tpu.memref_squeeze %gather3A_750 : memref<1x64x256xf32, #tpu.memory_space<vmem>> -> memref<64x256xf32, #tpu.memory_space<vmem>>
          %gather3A_752 = tpu.vector_load_idx %gather3A_751[%add3A_267, %add3A_747] : memref<64x256xf32, #tpu.memory_space<vmem>>[vector<16xi32>, vector<16xi32>], vector<16xf32>,
          %add3A_753 = vector.broadcast %mul3A_418 : i32 to vector<16xi32>
          %add3A_754 = arith.addi %add3A_753, %shift_right_arithmetic3A_120 : vector<16xi32>
          %add3A_755 = arith.addi %mul3A_171, %add3A_267 : vector<16xi32>
          %scatter3A_756 = arith.constant 0 : i32
          %scatter3A_757 = arith.constant 0 : i32
          %scatter3A_758 = tpu.memref_slice %arg6[%scan3A_393, %scatter3A_756, %scatter3A_757] : memref<2x128x128xf32, #tpu.memory_space<vmem>> -> memref<1x128x128xf32, #tpu.memory_space<vmem>>
          %scatter3A_759 = tpu.memref_squeeze %scatter3A_758 : memref<1x128x128xf32, #tpu.memory_space<vmem>> -> memref<128x128xf32, #tpu.memory_space<vmem>>
          tpu.vector_store_idx %scatter3A_759[%add3A_754, %add3A_755], %gather3A_647 : memref<128x128xf32, #tpu.memory_space<vmem>>[vector<16xi32>, vector<16xi32>], vector<16xf32>,
          %add3A_760 = vector.broadcast %mul3A_418 : i32 to vector<16xi32>
          %add3A_761 = arith.addi %add3A_760, %shift_right_arithmetic3A_123 : vector<16xi32>
          %add3A_762 = arith.addi %mul3A_177, %add3A_267 : vector<16xi32>
          %scatter3A_763 = arith.constant 0 : i32
          %scatter3A_764 = arith.constant 0 : i32
          %scatter3A_765 = tpu.memref_slice %arg6[%scan3A_393, %scatter3A_763, %scatter3A_764] : memref<2x128x128xf32, #tpu.memory_space<vmem>> -> memref<1x128x128xf32, #tpu.memory_space<vmem>>
          %scatter3A_766 = tpu.memref_squeeze %scatter3A_765 : memref<1x128x128xf32, #tpu.memory_space<vmem>> -> memref<128x128xf32, #tpu.memory_space<vmem>>
          tpu.vector_store_idx %scatter3A_766[%add3A_761, %add3A_762], %gather3A_654 : memref<128x128xf32, #tpu.memory_space<vmem>>[vector<16xi32>, vector<16xi32>], vector<16xf32>,
          %add3A_767 = vector.broadcast %mul3A_418 : i32 to vector<16xi32>
          %add3A_768 = arith.addi %add3A_767, %shift_right_arithmetic3A_126 : vector<16xi32>
          %add3A_769 = arith.addi %mul3A_183, %add3A_267 : vector<16xi32>
          %scatter3A_770 = arith.constant 0 : i32
          %scatter3A_771 = arith.constant 0 : i32
          %scatter3A_772 = tpu.memref_slice %arg6[%scan3A_393, %scatter3A_770, %scatter3A_771] : memref<2x128x128xf32, #tpu.memory_space<vmem>> -> memref<1x128x128xf32, #tpu.memory_space<vmem>>
          %scatter3A_773 = tpu.memref_squeeze %scatter3A_772 : memref<1x128x128xf32, #tpu.memory_space<vmem>> -> memref<128x128xf32, #tpu.memory_space<vmem>>
          tpu.vector_store_idx %scatter3A_773[%add3A_768, %add3A_769], %gather3A_661 : memref<128x128xf32, #tpu.memory_space<vmem>>[vector<16xi32>, vector<16xi32>], vector<16xf32>,
          %add3A_774 = vector.broadcast %mul3A_418 : i32 to vector<16xi32>
          %add3A_775 = arith.addi %add3A_774, %shift_right_arithmetic3A_129 : vector<16xi32>
          %add3A_776 = arith.addi %mul3A_189, %add3A_267 : vector<16xi32>
          %scatter3A_777 = arith.constant 0 : i32
          %scatter3A_778 = arith.constant 0 : i32
          %scatter3A_779 = tpu.memref_slice %arg6[%scan3A_393, %scatter3A_777, %scatter3A_778] : memref<2x128x128xf32, #tpu.memory_space<vmem>> -> memref<1x128x128xf32, #tpu.memory_space<vmem>>
          %scatter3A_780 = tpu.memref_squeeze %scatter3A_779 : memref<1x128x128xf32, #tpu.memory_space<vmem>> -> memref<128x128xf32, #tpu.memory_space<vmem>>
          tpu.vector_store_idx %scatter3A_780[%add3A_775, %add3A_776], %gather3A_668 : memref<128x128xf32, #tpu.memory_space<vmem>>[vector<16xi32>, vector<16xi32>], vector<16xf32>,
          %add3A_781 = vector.broadcast %mul3A_418 : i32 to vector<16xi32>
          %add3A_782 = arith.addi %add3A_781, %shift_right_arithmetic3A_132 : vector<16xi32>
          %add3A_783 = arith.addi %mul3A_195, %add3A_267 : vector<16xi32>
          %scatter3A_784 = arith.constant 0 : i32
          %scatter3A_785 = arith.constant 0 : i32
          %scatter3A_786 = tpu.memref_slice %arg6[%scan3A_393, %scatter3A_784, %scatter3A_785] : memref<2x128x128xf32, #tpu.memory_space<vmem>> -> memref<1x128x128xf32, #tpu.memory_space<vmem>>
          %scatter3A_787 = tpu.memref_squeeze %scatter3A_786 : memref<1x128x128xf32, #tpu.memory_space<vmem>> -> memref<128x128xf32, #tpu.memory_space<vmem>>
          tpu.vector_store_idx %scatter3A_787[%add3A_782, %add3A_783], %gather3A_675 : memref<128x128xf32, #tpu.memory_space<vmem>>[vector<16xi32>, vector<16xi32>], vector<16xf32>,
          %add3A_788 = vector.broadcast %mul3A_418 : i32 to vector<16xi32>
          %add3A_789 = arith.addi %add3A_788, %shift_right_arithmetic3A_135 : vector<16xi32>
          %add3A_790 = arith.addi %mul3A_201, %add3A_267 : vector<16xi32>
          %scatter3A_791 = arith.constant 0 : i32
          %scatter3A_792 = arith.constant 0 : i32
          %scatter3A_793 = tpu.memref_slice %arg6[%scan3A_393, %scatter3A_791, %scatter3A_792] : memref<2x128x128xf32, #tpu.memory_space<vmem>> -> memref<1x128x128xf32, #tpu.memory_space<vmem>>
          %scatter3A_794 = tpu.memref_squeeze %scatter3A_793 : memref<1x128x128xf32, #tpu.memory_space<vmem>> -> memref<128x128xf32, #tpu.memory_space<vmem>>
          tpu.vector_store_idx %scatter3A_794[%add3A_789, %add3A_790], %gather3A_682 : memref<128x128xf32, #tpu.memory_space<vmem>>[vector<16xi32>, vector<16xi32>], vector<16xf32>,
          %add3A_795 = vector.broadcast %mul3A_418 : i32 to vector<16xi32>
          %add3A_796 = arith.addi %add3A_795, %shift_right_arithmetic3A_138 : vector<16xi32>
          %add3A_797 = arith.addi %mul3A_207, %add3A_267 : vector<16xi32>
          %scatter3A_798 = arith.constant 0 : i32
          %scatter3A_799 = arith.constant 0 : i32
          %scatter3A_800 = tpu.memref_slice %arg6[%scan3A_393, %scatter3A_798, %scatter3A_799] : memref<2x128x128xf32, #tpu.memory_space<vmem>> -> memref<1x128x128xf32, #tpu.memory_space<vmem>>
          %scatter3A_801 = tpu.memref_squeeze %scatter3A_800 : memref<1x128x128xf32, #tpu.memory_space<vmem>> -> memref<128x128xf32, #tpu.memory_space<vmem>>
          tpu.vector_store_idx %scatter3A_801[%add3A_796, %add3A_797], %gather3A_689 : memref<128x128xf32, #tpu.memory_space<vmem>>[vector<16xi32>, vector<16xi32>], vector<16xf32>,
          %add3A_802 = vector.broadcast %mul3A_418 : i32 to vector<16xi32>
          %add3A_803 = arith.addi %add3A_802, %shift_right_arithmetic3A_141 : vector<16xi32>
          %add3A_804 = arith.addi %mul3A_213, %add3A_267 : vector<16xi32>
          %scatter3A_805 = arith.constant 0 : i32
          %scatter3A_806 = arith.constant 0 : i32
          %scatter3A_807 = tpu.memref_slice %arg6[%scan3A_393, %scatter3A_805, %scatter3A_806] : memref<2x128x128xf32, #tpu.memory_space<vmem>> -> memref<1x128x128xf32, #tpu.memory_space<vmem>>
          %scatter3A_808 = tpu.memref_squeeze %scatter3A_807 : memref<1x128x128xf32, #tpu.memory_space<vmem>> -> memref<128x128xf32, #tpu.memory_space<vmem>>
          tpu.vector_store_idx %scatter3A_808[%add3A_803, %add3A_804], %gather3A_696 : memref<128x128xf32, #tpu.memory_space<vmem>>[vector<16xi32>, vector<16xi32>], vector<16xf32>,
          %add3A_809 = vector.broadcast %mul3A_418 : i32 to vector<16xi32>
          %add3A_810 = arith.addi %add3A_809, %shift_right_arithmetic3A_144 : vector<16xi32>
          %add3A_811 = arith.addi %mul3A_219, %add3A_267 : vector<16xi32>
          %scatter3A_812 = arith.constant 0 : i32
          %scatter3A_813 = arith.constant 0 : i32
          %scatter3A_814 = tpu.memref_slice %arg6[%scan3A_393, %scatter3A_812, %scatter3A_813] : memref<2x128x128xf32, #tpu.memory_space<vmem>> -> memref<1x128x128xf32, #tpu.memory_space<vmem>>
          %scatter3A_815 = tpu.memref_squeeze %scatter3A_814 : memref<1x128x128xf32, #tpu.memory_space<vmem>> -> memref<128x128xf32, #tpu.memory_space<vmem>>
          tpu.vector_store_idx %scatter3A_815[%add3A_810, %add3A_811], %gather3A_703 : memref<128x128xf32, #tpu.memory_space<vmem>>[vector<16xi32>, vector<16xi32>], vector<16xf32>,
          %add3A_816 = vector.broadcast %mul3A_418 : i32 to vector<16xi32>
          %add3A_817 = arith.addi %add3A_816, %shift_right_arithmetic3A_147 : vector<16xi32>
          %add3A_818 = arith.addi %mul3A_225, %add3A_267 : vector<16xi32>
          %scatter3A_819 = arith.constant 0 : i32
          %scatter3A_820 = arith.constant 0 : i32
          %scatter3A_821 = tpu.memref_slice %arg6[%scan3A_393, %scatter3A_819, %scatter3A_820] : memref<2x128x128xf32, #tpu.memory_space<vmem>> -> memref<1x128x128xf32, #tpu.memory_space<vmem>>
          %scatter3A_822 = tpu.memref_squeeze %scatter3A_821 : memref<1x128x128xf32, #tpu.memory_space<vmem>> -> memref<128x128xf32, #tpu.memory_space<vmem>>
          tpu.vector_store_idx %scatter3A_822[%add3A_817, %add3A_818], %gather3A_710 : memref<128x128xf32, #tpu.memory_space<vmem>>[vector<16xi32>, vector<16xi32>], vector<16xf32>,
          %add3A_823 = vector.broadcast %mul3A_418 : i32 to vector<16xi32>
          %add3A_824 = arith.addi %add3A_823, %shift_right_arithmetic3A_150 : vector<16xi32>
          %add3A_825 = arith.addi %mul3A_231, %add3A_267 : vector<16xi32>
          %scatter3A_826 = arith.constant 0 : i32
          %scatter3A_827 = arith.constant 0 : i32
          %scatter3A_828 = tpu.memref_slice %arg6[%scan3A_393, %scatter3A_826, %scatter3A_827] : memref<2x128x128xf32, #tpu.memory_space<vmem>> -> memref<1x128x128xf32, #tpu.memory_space<vmem>>
          %scatter3A_829 = tpu.memref_squeeze %scatter3A_828 : memref<1x128x128xf32, #tpu.memory_space<vmem>> -> memref<128x128xf32, #tpu.memory_space<vmem>>
          tpu.vector_store_idx %scatter3A_829[%add3A_824, %add3A_825], %gather3A_717 : memref<128x128xf32, #tpu.memory_space<vmem>>[vector<16xi32>, vector<16xi32>], vector<16xf32>,
          %add3A_830 = vector.broadcast %mul3A_418 : i32 to vector<16xi32>
          %add3A_831 = arith.addi %add3A_830, %shift_right_arithmetic3A_153 : vector<16xi32>
          %add3A_832 = arith.addi %mul3A_237, %add3A_267 : vector<16xi32>
          %scatter3A_833 = arith.constant 0 : i32
          %scatter3A_834 = arith.constant 0 : i32
          %scatter3A_835 = tpu.memref_slice %arg6[%scan3A_393, %scatter3A_833, %scatter3A_834] : memref<2x128x128xf32, #tpu.memory_space<vmem>> -> memref<1x128x128xf32, #tpu.memory_space<vmem>>
          %scatter3A_836 = tpu.memref_squeeze %scatter3A_835 : memref<1x128x128xf32, #tpu.memory_space<vmem>> -> memref<128x128xf32, #tpu.memory_space<vmem>>
          tpu.vector_store_idx %scatter3A_836[%add3A_831, %add3A_832], %gather3A_724 : memref<128x128xf32, #tpu.memory_space<vmem>>[vector<16xi32>, vector<16xi32>], vector<16xf32>,
          %add3A_837 = vector.broadcast %mul3A_418 : i32 to vector<16xi32>
          %add3A_838 = arith.addi %add3A_837, %shift_right_arithmetic3A_156 : vector<16xi32>
          %add3A_839 = arith.addi %mul3A_243, %add3A_267 : vector<16xi32>
          %scatter3A_840 = arith.constant 0 : i32
          %scatter3A_841 = arith.constant 0 : i32
          %scatter3A_842 = tpu.memref_slice %arg6[%scan3A_393, %scatter3A_840, %scatter3A_841] : memref<2x128x128xf32, #tpu.memory_space<vmem>> -> memref<1x128x128xf32, #tpu.memory_space<vmem>>
          %scatter3A_843 = tpu.memref_squeeze %scatter3A_842 : memref<1x128x128xf32, #tpu.memory_space<vmem>> -> memref<128x128xf32, #tpu.memory_space<vmem>>
          tpu.vector_store_idx %scatter3A_843[%add3A_838, %add3A_839], %gather3A_731 : memref<128x128xf32, #tpu.memory_space<vmem>>[vector<16xi32>, vector<16xi32>], vector<16xf32>,
          %add3A_844 = vector.broadcast %mul3A_418 : i32 to vector<16xi32>
          %add3A_845 = arith.addi %add3A_844, %shift_right_arithmetic3A_159 : vector<16xi32>
          %add3A_846 = arith.addi %mul3A_249, %add3A_267 : vector<16xi32>
          %scatter3A_847 = arith.constant 0 : i32
          %scatter3A_848 = arith.constant 0 : i32
          %scatter3A_849 = tpu.memref_slice %arg6[%scan3A_393, %scatter3A_847, %scatter3A_848] : memref<2x128x128xf32, #tpu.memory_space<vmem>> -> memref<1x128x128xf32, #tpu.memory_space<vmem>>
          %scatter3A_850 = tpu.memref_squeeze %scatter3A_849 : memref<1x128x128xf32, #tpu.memory_space<vmem>> -> memref<128x128xf32, #tpu.memory_space<vmem>>
          tpu.vector_store_idx %scatter3A_850[%add3A_845, %add3A_846], %gather3A_738 : memref<128x128xf32, #tpu.memory_space<vmem>>[vector<16xi32>, vector<16xi32>], vector<16xf32>,
          %add3A_851 = vector.broadcast %mul3A_418 : i32 to vector<16xi32>
          %add3A_852 = arith.addi %add3A_851, %shift_right_arithmetic3A_162 : vector<16xi32>
          %add3A_853 = arith.addi %mul3A_255, %add3A_267 : vector<16xi32>
          %scatter3A_854 = arith.constant 0 : i32
          %scatter3A_855 = arith.constant 0 : i32
          %scatter3A_856 = tpu.memref_slice %arg6[%scan3A_393, %scatter3A_854, %scatter3A_855] : memref<2x128x128xf32, #tpu.memory_space<vmem>> -> memref<1x128x128xf32, #tpu.memory_space<vmem>>
          %scatter3A_857 = tpu.memref_squeeze %scatter3A_856 : memref<1x128x128xf32, #tpu.memory_space<vmem>> -> memref<128x128xf32, #tpu.memory_space<vmem>>
          tpu.vector_store_idx %scatter3A_857[%add3A_852, %add3A_853], %gather3A_745 : memref<128x128xf32, #tpu.memory_space<vmem>>[vector<16xi32>, vector<16xi32>], vector<16xf32>,
          %add3A_858 = vector.broadcast %mul3A_418 : i32 to vector<16xi32>
          %add3A_859 = arith.addi %add3A_858, %shift_right_arithmetic3A_165 : vector<16xi32>
          %add3A_860 = arith.addi %mul3A_261, %add3A_267 : vector<16xi32>
          %scatter3A_861 = arith.constant 0 : i32
          %scatter3A_862 = arith.constant 0 : i32
          %scatter3A_863 = tpu.memref_slice %arg6[%scan3A_393, %scatter3A_861, %scatter3A_862] : memref<2x128x128xf32, #tpu.memory_space<vmem>> -> memref<1x128x128xf32, #tpu.memory_space<vmem>>
          %scatter3A_864 = tpu.memref_squeeze %scatter3A_863 : memref<1x128x128xf32, #tpu.memory_space<vmem>> -> memref<128x128xf32, #tpu.memory_space<vmem>>
          tpu.vector_store_idx %scatter3A_864[%add3A_859, %add3A_860], %gather3A_752 : memref<128x128xf32, #tpu.memory_space<vmem>>[vector<16xi32>, vector<16xi32>], vector<16xf32>,
          %add3A_865 = vector.broadcast %mul3A_416 : i32 to vector<16xi32>
          %add3A_866 = arith.addi %add3A_865, %and3A_28 : vector<16xi32>
          %gather3A_867 = arith.constant 0 : i32
          %gather3A_868 = arith.constant 0 : i32
          %gather3A_869 = tpu.memref_slice %arg5[%scan3A_392, %gather3A_867, %gather3A_868] : memref<2x64x256xf32, #tpu.memory_space<vmem>> -> memref<1x64x256xf32, #tpu.memory_space<vmem>>
          %gather3A_870 = tpu.memref_squeeze %gather3A_869 : memref<1x64x256xf32, #tpu.memory_space<vmem>> -> memref<64x256xf32, #tpu.memory_space<vmem>>
          %gather3A_871 = tpu.vector_load_idx %gather3A_870[%add3A_270, %add3A_866] : memref<64x256xf32, #tpu.memory_space<vmem>>[vector<16xi32>, vector<16xi32>], vector<16xf32>,
          %add3A_872 = vector.broadcast %mul3A_416 : i32 to vector<16xi32>
          %add3A_873 = arith.addi %add3A_872, %and3A_34 : vector<16xi32>
          %gather3A_874 = arith.constant 0 : i32
          %gather3A_875 = arith.constant 0 : i32
          %gather3A_876 = tpu.memref_slice %arg5[%scan3A_392, %gather3A_874, %gather3A_875] : memref<2x64x256xf32, #tpu.memory_space<vmem>> -> memref<1x64x256xf32, #tpu.memory_space<vmem>>
          %gather3A_877 = tpu.memref_squeeze %gather3A_876 : memref<1x64x256xf32, #tpu.memory_space<vmem>> -> memref<64x256xf32, #tpu.memory_space<vmem>>
          %gather3A_878 = tpu.vector_load_idx %gather3A_877[%add3A_270, %add3A_873] : memref<64x256xf32, #tpu.memory_space<vmem>>[vector<16xi32>, vector<16xi32>], vector<16xf32>,
          %add3A_879 = vector.broadcast %mul3A_416 : i32 to vector<16xi32>
          %add3A_880 = arith.addi %add3A_879, %and3A_40 : vector<16xi32>
          %gather3A_881 = arith.constant 0 : i32
          %gather3A_882 = arith.constant 0 : i32
          %gather3A_883 = tpu.memref_slice %arg5[%scan3A_392, %gather3A_881, %gather3A_882] : memref<2x64x256xf32, #tpu.memory_space<vmem>> -> memref<1x64x256xf32, #tpu.memory_space<vmem>>
          %gather3A_884 = tpu.memref_squeeze %gather3A_883 : memref<1x64x256xf32, #tpu.memory_space<vmem>> -> memref<64x256xf32, #tpu.memory_space<vmem>>
          %gather3A_885 = tpu.vector_load_idx %gather3A_884[%add3A_270, %add3A_880] : memref<64x256xf32, #tpu.memory_space<vmem>>[vector<16xi32>, vector<16xi32>], vector<16xf32>,
          %add3A_886 = vector.broadcast %mul3A_416 : i32 to vector<16xi32>
          %add3A_887 = arith.addi %add3A_886, %and3A_46 : vector<16xi32>
          %gather3A_888 = arith.constant 0 : i32
          %gather3A_889 = arith.constant 0 : i32
          %gather3A_890 = tpu.memref_slice %arg5[%scan3A_392, %gather3A_888, %gather3A_889] : memref<2x64x256xf32, #tpu.memory_space<vmem>> -> memref<1x64x256xf32, #tpu.memory_space<vmem>>
          %gather3A_891 = tpu.memref_squeeze %gather3A_890 : memref<1x64x256xf32, #tpu.memory_space<vmem>> -> memref<64x256xf32, #tpu.memory_space<vmem>>
          %gather3A_892 = tpu.vector_load_idx %gather3A_891[%add3A_270, %add3A_887] : memref<64x256xf32, #tpu.memory_space<vmem>>[vector<16xi32>, vector<16xi32>], vector<16xf32>,
          %add3A_893 = vector.broadcast %mul3A_416 : i32 to vector<16xi32>
          %add3A_894 = arith.addi %add3A_893, %and3A_52 : vector<16xi32>
          %gather3A_895 = arith.constant 0 : i32
          %gather3A_896 = arith.constant 0 : i32
          %gather3A_897 = tpu.memref_slice %arg5[%scan3A_392, %gather3A_895, %gather3A_896] : memref<2x64x256xf32, #tpu.memory_space<vmem>> -> memref<1x64x256xf32, #tpu.memory_space<vmem>>
          %gather3A_898 = tpu.memref_squeeze %gather3A_897 : memref<1x64x256xf32, #tpu.memory_space<vmem>> -> memref<64x256xf32, #tpu.memory_space<vmem>>
          %gather3A_899 = tpu.vector_load_idx %gather3A_898[%add3A_270, %add3A_894] : memref<64x256xf32, #tpu.memory_space<vmem>>[vector<16xi32>, vector<16xi32>], vector<16xf32>,
          %add3A_900 = vector.broadcast %mul3A_416 : i32 to vector<16xi32>
          %add3A_901 = arith.addi %add3A_900, %and3A_58 : vector<16xi32>
          %gather3A_902 = arith.constant 0 : i32
          %gather3A_903 = arith.constant 0 : i32
          %gather3A_904 = tpu.memref_slice %arg5[%scan3A_392, %gather3A_902, %gather3A_903] : memref<2x64x256xf32, #tpu.memory_space<vmem>> -> memref<1x64x256xf32, #tpu.memory_space<vmem>>
          %gather3A_905 = tpu.memref_squeeze %gather3A_904 : memref<1x64x256xf32, #tpu.memory_space<vmem>> -> memref<64x256xf32, #tpu.memory_space<vmem>>
          %gather3A_906 = tpu.vector_load_idx %gather3A_905[%add3A_270, %add3A_901] : memref<64x256xf32, #tpu.memory_space<vmem>>[vector<16xi32>, vector<16xi32>], vector<16xf32>,
          %add3A_907 = vector.broadcast %mul3A_416 : i32 to vector<16xi32>
          %add3A_908 = arith.addi %add3A_907, %and3A_64 : vector<16xi32>
          %gather3A_909 = arith.constant 0 : i32
          %gather3A_910 = arith.constant 0 : i32
          %gather3A_911 = tpu.memref_slice %arg5[%scan3A_392, %gather3A_909, %gather3A_910] : memref<2x64x256xf32, #tpu.memory_space<vmem>> -> memref<1x64x256xf32, #tpu.memory_space<vmem>>
          %gather3A_912 = tpu.memref_squeeze %gather3A_911 : memref<1x64x256xf32, #tpu.memory_space<vmem>> -> memref<64x256xf32, #tpu.memory_space<vmem>>
          %gather3A_913 = tpu.vector_load_idx %gather3A_912[%add3A_270, %add3A_908] : memref<64x256xf32, #tpu.memory_space<vmem>>[vector<16xi32>, vector<16xi32>], vector<16xf32>,
          %add3A_914 = vector.broadcast %mul3A_416 : i32 to vector<16xi32>
          %add3A_915 = arith.addi %add3A_914, %and3A_70 : vector<16xi32>
          %gather3A_916 = arith.constant 0 : i32
          %gather3A_917 = arith.constant 0 : i32
          %gather3A_918 = tpu.memref_slice %arg5[%scan3A_392, %gather3A_916, %gather3A_917] : memref<2x64x256xf32, #tpu.memory_space<vmem>> -> memref<1x64x256xf32, #tpu.memory_space<vmem>>
          %gather3A_919 = tpu.memref_squeeze %gather3A_918 : memref<1x64x256xf32, #tpu.memory_space<vmem>> -> memref<64x256xf32, #tpu.memory_space<vmem>>
          %gather3A_920 = tpu.vector_load_idx %gather3A_919[%add3A_270, %add3A_915] : memref<64x256xf32, #tpu.memory_space<vmem>>[vector<16xi32>, vector<16xi32>], vector<16xf32>,
          %add3A_921 = vector.broadcast %mul3A_416 : i32 to vector<16xi32>
          %add3A_922 = arith.addi %add3A_921, %and3A_76 : vector<16xi32>
          %gather3A_923 = arith.constant 0 : i32
          %gather3A_924 = arith.constant 0 : i32
          %gather3A_925 = tpu.memref_slice %arg5[%scan3A_392, %gather3A_923, %gather3A_924] : memref<2x64x256xf32, #tpu.memory_space<vmem>> -> memref<1x64x256xf32, #tpu.memory_space<vmem>>
          %gather3A_926 = tpu.memref_squeeze %gather3A_925 : memref<1x64x256xf32, #tpu.memory_space<vmem>> -> memref<64x256xf32, #tpu.memory_space<vmem>>
          %gather3A_927 = tpu.vector_load_idx %gather3A_926[%add3A_270, %add3A_922] : memref<64x256xf32, #tpu.memory_space<vmem>>[vector<16xi32>, vector<16xi32>], vector<16xf32>,
          %add3A_928 = vector.broadcast %mul3A_416 : i32 to vector<16xi32>
          %add3A_929 = arith.addi %add3A_928, %and3A_82 : vector<16xi32>
          %gather3A_930 = arith.constant 0 : i32
          %gather3A_931 = arith.constant 0 : i32
          %gather3A_932 = tpu.memref_slice %arg5[%scan3A_392, %gather3A_930, %gather3A_931] : memref<2x64x256xf32, #tpu.memory_space<vmem>> -> memref<1x64x256xf32, #tpu.memory_space<vmem>>
          %gather3A_933 = tpu.memref_squeeze %gather3A_932 : memref<1x64x256xf32, #tpu.memory_space<vmem>> -> memref<64x256xf32, #tpu.memory_space<vmem>>
          %gather3A_934 = tpu.vector_load_idx %gather3A_933[%add3A_270, %add3A_929] : memref<64x256xf32, #tpu.memory_space<vmem>>[vector<16xi32>, vector<16xi32>], vector<16xf32>,
          %add3A_935 = vector.broadcast %mul3A_416 : i32 to vector<16xi32>
          %add3A_936 = arith.addi %add3A_935, %and3A_88 : vector<16xi32>
          %gather3A_937 = arith.constant 0 : i32
          %gather3A_938 = arith.constant 0 : i32
          %gather3A_939 = tpu.memref_slice %arg5[%scan3A_392, %gather3A_937, %gather3A_938] : memref<2x64x256xf32, #tpu.memory_space<vmem>> -> memref<1x64x256xf32, #tpu.memory_space<vmem>>
          %gather3A_940 = tpu.memref_squeeze %gather3A_939 : memref<1x64x256xf32, #tpu.memory_space<vmem>> -> memref<64x256xf32, #tpu.memory_space<vmem>>
          %gather3A_941 = tpu.vector_load_idx %gather3A_940[%add3A_270, %add3A_936] : memref<64x256xf32, #tpu.memory_space<vmem>>[vector<16xi32>, vector<16xi32>], vector<16xf32>,
          %add3A_942 = vector.broadcast %mul3A_416 : i32 to vector<16xi32>
          %add3A_943 = arith.addi %add3A_942, %and3A_94 : vector<16xi32>
          %gather3A_944 = arith.constant 0 : i32
          %gather3A_945 = arith.constant 0 : i32
          %gather3A_946 = tpu.memref_slice %arg5[%scan3A_392, %gather3A_944, %gather3A_945] : memref<2x64x256xf32, #tpu.memory_space<vmem>> -> memref<1x64x256xf32, #tpu.memory_space<vmem>>
          %gather3A_947 = tpu.memref_squeeze %gather3A_946 : memref<1x64x256xf32, #tpu.memory_space<vmem>> -> memref<64x256xf32, #tpu.memory_space<vmem>>
          %gather3A_948 = tpu.vector_load_idx %gather3A_947[%add3A_270, %add3A_943] : memref<64x256xf32, #tpu.memory_space<vmem>>[vector<16xi32>, vector<16xi32>], vector<16xf32>,
          %add3A_949 = vector.broadcast %mul3A_416 : i32 to vector<16xi32>
          %add3A_950 = arith.addi %add3A_949, %and3A_100 : vector<16xi32>
          %gather3A_951 = arith.constant 0 : i32
          %gather3A_952 = arith.constant 0 : i32
          %gather3A_953 = tpu.memref_slice %arg5[%scan3A_392, %gather3A_951, %gather3A_952] : memref<2x64x256xf32, #tpu.memory_space<vmem>> -> memref<1x64x256xf32, #tpu.memory_space<vmem>>
          %gather3A_954 = tpu.memref_squeeze %gather3A_953 : memref<1x64x256xf32, #tpu.memory_space<vmem>> -> memref<64x256xf32, #tpu.memory_space<vmem>>
          %gather3A_955 = tpu.vector_load_idx %gather3A_954[%add3A_270, %add3A_950] : memref<64x256xf32, #tpu.memory_space<vmem>>[vector<16xi32>, vector<16xi32>], vector<16xf32>,
          %add3A_956 = vector.broadcast %mul3A_416 : i32 to vector<16xi32>
          %add3A_957 = arith.addi %add3A_956, %and3A_106 : vector<16xi32>
          %gather3A_958 = arith.constant 0 : i32
          %gather3A_959 = arith.constant 0 : i32
          %gather3A_960 = tpu.memref_slice %arg5[%scan3A_392, %gather3A_958, %gather3A_959] : memref<2x64x256xf32, #tpu.memory_space<vmem>> -> memref<1x64x256xf32, #tpu.memory_space<vmem>>
          %gather3A_961 = tpu.memref_squeeze %gather3A_960 : memref<1x64x256xf32, #tpu.memory_space<vmem>> -> memref<64x256xf32, #tpu.memory_space<vmem>>
          %gather3A_962 = tpu.vector_load_idx %gather3A_961[%add3A_270, %add3A_957] : memref<64x256xf32, #tpu.memory_space<vmem>>[vector<16xi32>, vector<16xi32>], vector<16xf32>,
          %add3A_963 = vector.broadcast %mul3A_416 : i32 to vector<16xi32>
          %add3A_964 = arith.addi %add3A_963, %and3A_112 : vector<16xi32>
          %gather3A_965 = arith.constant 0 : i32
          %gather3A_966 = arith.constant 0 : i32
          %gather3A_967 = tpu.memref_slice %arg5[%scan3A_392, %gather3A_965, %gather3A_966] : memref<2x64x256xf32, #tpu.memory_space<vmem>> -> memref<1x64x256xf32, #tpu.memory_space<vmem>>
          %gather3A_968 = tpu.memref_squeeze %gather3A_967 : memref<1x64x256xf32, #tpu.memory_space<vmem>> -> memref<64x256xf32, #tpu.memory_space<vmem>>
          %gather3A_969 = tpu.vector_load_idx %gather3A_968[%add3A_270, %add3A_964] : memref<64x256xf32, #tpu.memory_space<vmem>>[vector<16xi32>, vector<16xi32>], vector<16xf32>,
          %add3A_970 = vector.broadcast %mul3A_416 : i32 to vector<16xi32>
          %add3A_971 = arith.addi %add3A_970, %and3A_118 : vector<16xi32>
          %gather3A_972 = arith.constant 0 : i32
          %gather3A_973 = arith.constant 0 : i32
          %gather3A_974 = tpu.memref_slice %arg5[%scan3A_392, %gather3A_972, %gather3A_973] : memref<2x64x256xf32, #tpu.memory_space<vmem>> -> memref<1x64x256xf32, #tpu.memory_space<vmem>>
          %gather3A_975 = tpu.memref_squeeze %gather3A_974 : memref<1x64x256xf32, #tpu.memory_space<vmem>> -> memref<64x256xf32, #tpu.memory_space<vmem>>
          %gather3A_976 = tpu.vector_load_idx %gather3A_975[%add3A_270, %add3A_971] : memref<64x256xf32, #tpu.memory_space<vmem>>[vector<16xi32>, vector<16xi32>], vector<16xf32>,
          %add3A_977 = vector.broadcast %mul3A_418 : i32 to vector<16xi32>
          %add3A_978 = arith.addi %add3A_977, %shift_right_arithmetic3A_120 : vector<16xi32>
          %add3A_979 = arith.addi %mul3A_171, %add3A_270 : vector<16xi32>
          %scatter3A_980 = arith.constant 0 : i32
          %scatter3A_981 = arith.constant 0 : i32
          %scatter3A_982 = tpu.memref_slice %arg6[%scan3A_393, %scatter3A_980, %scatter3A_981] : memref<2x128x128xf32, #tpu.memory_space<vmem>> -> memref<1x128x128xf32, #tpu.memory_space<vmem>>
          %scatter3A_983 = tpu.memref_squeeze %scatter3A_982 : memref<1x128x128xf32, #tpu.memory_space<vmem>> -> memref<128x128xf32, #tpu.memory_space<vmem>>
          tpu.vector_store_idx %scatter3A_983[%add3A_978, %add3A_979], %gather3A_871 : memref<128x128xf32, #tpu.memory_space<vmem>>[vector<16xi32>, vector<16xi32>], vector<16xf32>,
          %add3A_984 = vector.broadcast %mul3A_418 : i32 to vector<16xi32>
          %add3A_985 = arith.addi %add3A_984, %shift_right_arithmetic3A_123 : vector<16xi32>
          %add3A_986 = arith.addi %mul3A_177, %add3A_270 : vector<16xi32>
          %scatter3A_987 = arith.constant 0 : i32
          %scatter3A_988 = arith.constant 0 : i32
          %scatter3A_989 = tpu.memref_slice %arg6[%scan3A_393, %scatter3A_987, %scatter3A_988] : memref<2x128x128xf32, #tpu.memory_space<vmem>> -> memref<1x128x128xf32, #tpu.memory_space<vmem>>
          %scatter3A_990 = tpu.memref_squeeze %scatter3A_989 : memref<1x128x128xf32, #tpu.memory_space<vmem>> -> memref<128x128xf32, #tpu.memory_space<vmem>>
          tpu.vector_store_idx %scatter3A_990[%add3A_985, %add3A_986], %gather3A_878 : memref<128x128xf32, #tpu.memory_space<vmem>>[vector<16xi32>, vector<16xi32>], vector<16xf32>,
          %add3A_991 = vector.broadcast %mul3A_418 : i32 to vector<16xi32>
          %add3A_992 = arith.addi %add3A_991, %shift_right_arithmetic3A_126 : vector<16xi32>
          %add3A_993 = arith.addi %mul3A_183, %add3A_270 : vector<16xi32>
          %scatter3A_994 = arith.constant 0 : i32
          %scatter3A_995 = arith.constant 0 : i32
          %scatter3A_996 = tpu.memref_slice %arg6[%scan3A_393, %scatter3A_994, %scatter3A_995] : memref<2x128x128xf32, #tpu.memory_space<vmem>> -> memref<1x128x128xf32, #tpu.memory_space<vmem>>
          %scatter3A_997 = tpu.memref_squeeze %scatter3A_996 : memref<1x128x128xf32, #tpu.memory_space<vmem>> -> memref<128x128xf32, #tpu.memory_space<vmem>>
          tpu.vector_store_idx %scatter3A_997[%add3A_992, %add3A_993], %gather3A_885 : memref<128x128xf32, #tpu.memory_space<vmem>>[vector<16xi32>, vector<16xi32>], vector<16xf32>,
          %add3A_998 = vector.broadcast %mul3A_418 : i32 to vector<16xi32>
          %add3A_999 = arith.addi %add3A_998, %shift_right_arithmetic3A_129 : vector<16xi32>
          %add3A_1000 = arith.addi %mul3A_189, %add3A_270 : vector<16xi32>
          %scatter3A_1001 = arith.constant 0 : i32
          %scatter3A_1002 = arith.constant 0 : i32
          %scatter3A_1003 = tpu.memref_slice %arg6[%scan3A_393, %scatter3A_1001, %scatter3A_1002] : memref<2x128x128xf32, #tpu.memory_space<vmem>> -> memref<1x128x128xf32, #tpu.memory_space<vmem>>
          %scatter3A_1004 = tpu.memref_squeeze %scatter3A_1003 : memref<1x128x128xf32, #tpu.memory_space<vmem>> -> memref<128x128xf32, #tpu.memory_space<vmem>>
          tpu.vector_store_idx %scatter3A_1004[%add3A_999, %add3A_1000], %gather3A_892 : memref<128x128xf32, #tpu.memory_space<vmem>>[vector<16xi32>, vector<16xi32>], vector<16xf32>,
          %add3A_1005 = vector.broadcast %mul3A_418 : i32 to vector<16xi32>
          %add3A_1006 = arith.addi %add3A_1005, %shift_right_arithmetic3A_132 : vector<16xi32>
          %add3A_1007 = arith.addi %mul3A_195, %add3A_270 : vector<16xi32>
          %scatter3A_1008 = arith.constant 0 : i32
          %scatter3A_1009 = arith.constant 0 : i32
          %scatter3A_1010 = tpu.memref_slice %arg6[%scan3A_393, %scatter3A_1008, %scatter3A_1009] : memref<2x128x128xf32, #tpu.memory_space<vmem>> -> memref<1x128x128xf32, #tpu.memory_space<vmem>>
          %scatter3A_1011 = tpu.memref_squeeze %scatter3A_1010 : memref<1x128x128xf32, #tpu.memory_space<vmem>> -> memref<128x128xf32, #tpu.memory_space<vmem>>
          tpu.vector_store_idx %scatter3A_1011[%add3A_1006, %add3A_1007], %gather3A_899 : memref<128x128xf32, #tpu.memory_space<vmem>>[vector<16xi32>, vector<16xi32>], vector<16xf32>,
          %add3A_1012 = vector.broadcast %mul3A_418 : i32 to vector<16xi32>
          %add3A_1013 = arith.addi %add3A_1012, %shift_right_arithmetic3A_135 : vector<16xi32>
          %add3A_1014 = arith.addi %mul3A_201, %add3A_270 : vector<16xi32>
          %scatter3A_1015 = arith.constant 0 : i32
          %scatter3A_1016 = arith.constant 0 : i32
          %scatter3A_1017 = tpu.memref_slice %arg6[%scan3A_393, %scatter3A_1015, %scatter3A_1016] : memref<2x128x128xf32, #tpu.memory_space<vmem>> -> memref<1x128x128xf32, #tpu.memory_space<vmem>>
          %scatter3A_1018 = tpu.memref_squeeze %scatter3A_1017 : memref<1x128x128xf32, #tpu.memory_space<vmem>> -> memref<128x128xf32, #tpu.memory_space<vmem>>
          tpu.vector_store_idx %scatter3A_1018[%add3A_1013, %add3A_1014], %gather3A_906 : memref<128x128xf32, #tpu.memory_space<vmem>>[vector<16xi32>, vector<16xi32>], vector<16xf32>,
          %add3A_1019 = vector.broadcast %mul3A_418 : i32 to vector<16xi32>
          %add3A_1020 = arith.addi %add3A_1019, %shift_right_arithmetic3A_138 : vector<16xi32>
          %add3A_1021 = arith.addi %mul3A_207, %add3A_270 : vector<16xi32>
          %scatter3A_1022 = arith.constant 0 : i32
          %scatter3A_1023 = arith.constant 0 : i32
          %scatter3A_1024 = tpu.memref_slice %arg6[%scan3A_393, %scatter3A_1022, %scatter3A_1023] : memref<2x128x128xf32, #tpu.memory_space<vmem>> -> memref<1x128x128xf32, #tpu.memory_space<vmem>>
          %scatter3A_1025 = tpu.memref_squeeze %scatter3A_1024 : memref<1x128x128xf32, #tpu.memory_space<vmem>> -> memref<128x128xf32, #tpu.memory_space<vmem>>
          tpu.vector_store_idx %scatter3A_1025[%add3A_1020, %add3A_1021], %gather3A_913 : memref<128x128xf32, #tpu.memory_space<vmem>>[vector<16xi32>, vector<16xi32>], vector<16xf32>,
          %add3A_1026 = vector.broadcast %mul3A_418 : i32 to vector<16xi32>
          %add3A_1027 = arith.addi %add3A_1026, %shift_right_arithmetic3A_141 : vector<16xi32>
          %add3A_1028 = arith.addi %mul3A_213, %add3A_270 : vector<16xi32>
          %scatter3A_1029 = arith.constant 0 : i32
          %scatter3A_1030 = arith.constant 0 : i32
          %scatter3A_1031 = tpu.memref_slice %arg6[%scan3A_393, %scatter3A_1029, %scatter3A_1030] : memref<2x128x128xf32, #tpu.memory_space<vmem>> -> memref<1x128x128xf32, #tpu.memory_space<vmem>>
          %scatter3A_1032 = tpu.memref_squeeze %scatter3A_1031 : memref<1x128x128xf32, #tpu.memory_space<vmem>> -> memref<128x128xf32, #tpu.memory_space<vmem>>
          tpu.vector_store_idx %scatter3A_1032[%add3A_1027, %add3A_1028], %gather3A_920 : memref<128x128xf32, #tpu.memory_space<vmem>>[vector<16xi32>, vector<16xi32>], vector<16xf32>,
          %add3A_1033 = vector.broadcast %mul3A_418 : i32 to vector<16xi32>
          %add3A_1034 = arith.addi %add3A_1033, %shift_right_arithmetic3A_144 : vector<16xi32>
          %add3A_1035 = arith.addi %mul3A_219, %add3A_270 : vector<16xi32>
          %scatter3A_1036 = arith.constant 0 : i32
          %scatter3A_1037 = arith.constant 0 : i32
          %scatter3A_1038 = tpu.memref_slice %arg6[%scan3A_393, %scatter3A_1036, %scatter3A_1037] : memref<2x128x128xf32, #tpu.memory_space<vmem>> -> memref<1x128x128xf32, #tpu.memory_space<vmem>>
          %scatter3A_1039 = tpu.memref_squeeze %scatter3A_1038 : memref<1x128x128xf32, #tpu.memory_space<vmem>> -> memref<128x128xf32, #tpu.memory_space<vmem>>
          tpu.vector_store_idx %scatter3A_1039[%add3A_1034, %add3A_1035], %gather3A_927 : memref<128x128xf32, #tpu.memory_space<vmem>>[vector<16xi32>, vector<16xi32>], vector<16xf32>,
          %add3A_1040 = vector.broadcast %mul3A_418 : i32 to vector<16xi32>
          %add3A_1041 = arith.addi %add3A_1040, %shift_right_arithmetic3A_147 : vector<16xi32>
          %add3A_1042 = arith.addi %mul3A_225, %add3A_270 : vector<16xi32>
          %scatter3A_1043 = arith.constant 0 : i32
          %scatter3A_1044 = arith.constant 0 : i32
          %scatter3A_1045 = tpu.memref_slice %arg6[%scan3A_393, %scatter3A_1043, %scatter3A_1044] : memref<2x128x128xf32, #tpu.memory_space<vmem>> -> memref<1x128x128xf32, #tpu.memory_space<vmem>>
          %scatter3A_1046 = tpu.memref_squeeze %scatter3A_1045 : memref<1x128x128xf32, #tpu.memory_space<vmem>> -> memref<128x128xf32, #tpu.memory_space<vmem>>
          tpu.vector_store_idx %scatter3A_1046[%add3A_1041, %add3A_1042], %gather3A_934 : memref<128x128xf32, #tpu.memory_space<vmem>>[vector<16xi32>, vector<16xi32>], vector<16xf32>,
          %add3A_1047 = vector.broadcast %mul3A_418 : i32 to vector<16xi32>
          %add3A_1048 = arith.addi %add3A_1047, %shift_right_arithmetic3A_150 : vector<16xi32>
          %add3A_1049 = arith.addi %mul3A_231, %add3A_270 : vector<16xi32>
          %scatter3A_1050 = arith.constant 0 : i32
          %scatter3A_1051 = arith.constant 0 : i32
          %scatter3A_1052 = tpu.memref_slice %arg6[%scan3A_393, %scatter3A_1050, %scatter3A_1051] : memref<2x128x128xf32, #tpu.memory_space<vmem>> -> memref<1x128x128xf32, #tpu.memory_space<vmem>>
          %scatter3A_1053 = tpu.memref_squeeze %scatter3A_1052 : memref<1x128x128xf32, #tpu.memory_space<vmem>> -> memref<128x128xf32, #tpu.memory_space<vmem>>
          tpu.vector_store_idx %scatter3A_1053[%add3A_1048, %add3A_1049], %gather3A_941 : memref<128x128xf32, #tpu.memory_space<vmem>>[vector<16xi32>, vector<16xi32>], vector<16xf32>,
          %add3A_1054 = vector.broadcast %mul3A_418 : i32 to vector<16xi32>
          %add3A_1055 = arith.addi %add3A_1054, %shift_right_arithmetic3A_153 : vector<16xi32>
          %add3A_1056 = arith.addi %mul3A_237, %add3A_270 : vector<16xi32>
          %scatter3A_1057 = arith.constant 0 : i32
          %scatter3A_1058 = arith.constant 0 : i32
          %scatter3A_1059 = tpu.memref_slice %arg6[%scan3A_393, %scatter3A_1057, %scatter3A_1058] : memref<2x128x128xf32, #tpu.memory_space<vmem>> -> memref<1x128x128xf32, #tpu.memory_space<vmem>>
          %scatter3A_1060 = tpu.memref_squeeze %scatter3A_1059 : memref<1x128x128xf32, #tpu.memory_space<vmem>> -> memref<128x128xf32, #tpu.memory_space<vmem>>
          tpu.vector_store_idx %scatter3A_1060[%add3A_1055, %add3A_1056], %gather3A_948 : memref<128x128xf32, #tpu.memory_space<vmem>>[vector<16xi32>, vector<16xi32>], vector<16xf32>,
          %add3A_1061 = vector.broadcast %mul3A_418 : i32 to vector<16xi32>
          %add3A_1062 = arith.addi %add3A_1061, %shift_right_arithmetic3A_156 : vector<16xi32>
          %add3A_1063 = arith.addi %mul3A_243, %add3A_270 : vector<16xi32>
          %scatter3A_1064 = arith.constant 0 : i32
          %scatter3A_1065 = arith.constant 0 : i32
          %scatter3A_1066 = tpu.memref_slice %arg6[%scan3A_393, %scatter3A_1064, %scatter3A_1065] : memref<2x128x128xf32, #tpu.memory_space<vmem>> -> memref<1x128x128xf32, #tpu.memory_space<vmem>>
          %scatter3A_1067 = tpu.memref_squeeze %scatter3A_1066 : memref<1x128x128xf32, #tpu.memory_space<vmem>> -> memref<128x128xf32, #tpu.memory_space<vmem>>
          tpu.vector_store_idx %scatter3A_1067[%add3A_1062, %add3A_1063], %gather3A_955 : memref<128x128xf32, #tpu.memory_space<vmem>>[vector<16xi32>, vector<16xi32>], vector<16xf32>,
          %add3A_1068 = vector.broadcast %mul3A_418 : i32 to vector<16xi32>
          %add3A_1069 = arith.addi %add3A_1068, %shift_right_arithmetic3A_159 : vector<16xi32>
          %add3A_1070 = arith.addi %mul3A_249, %add3A_270 : vector<16xi32>
          %scatter3A_1071 = arith.constant 0 : i32
          %scatter3A_1072 = arith.constant 0 : i32
          %scatter3A_1073 = tpu.memref_slice %arg6[%scan3A_393, %scatter3A_1071, %scatter3A_1072] : memref<2x128x128xf32, #tpu.memory_space<vmem>> -> memref<1x128x128xf32, #tpu.memory_space<vmem>>
          %scatter3A_1074 = tpu.memref_squeeze %scatter3A_1073 : memref<1x128x128xf32, #tpu.memory_space<vmem>> -> memref<128x128xf32, #tpu.memory_space<vmem>>
          tpu.vector_store_idx %scatter3A_1074[%add3A_1069, %add3A_1070], %gather3A_962 : memref<128x128xf32, #tpu.memory_space<vmem>>[vector<16xi32>, vector<16xi32>], vector<16xf32>,
          %add3A_1075 = vector.broadcast %mul3A_418 : i32 to vector<16xi32>
          %add3A_1076 = arith.addi %add3A_1075, %shift_right_arithmetic3A_162 : vector<16xi32>
          %add3A_1077 = arith.addi %mul3A_255, %add3A_270 : vector<16xi32>
          %scatter3A_1078 = arith.constant 0 : i32
          %scatter3A_1079 = arith.constant 0 : i32
          %scatter3A_1080 = tpu.memref_slice %arg6[%scan3A_393, %scatter3A_1078, %scatter3A_1079] : memref<2x128x128xf32, #tpu.memory_space<vmem>> -> memref<1x128x128xf32, #tpu.memory_space<vmem>>
          %scatter3A_1081 = tpu.memref_squeeze %scatter3A_1080 : memref<1x128x128xf32, #tpu.memory_space<vmem>> -> memref<128x128xf32, #tpu.memory_space<vmem>>
          tpu.vector_store_idx %scatter3A_1081[%add3A_1076, %add3A_1077], %gather3A_969 : memref<128x128xf32, #tpu.memory_space<vmem>>[vector<16xi32>, vector<16xi32>], vector<16xf32>,
          %add3A_1082 = vector.broadcast %mul3A_418 : i32 to vector<16xi32>
          %add3A_1083 = arith.addi %add3A_1082, %shift_right_arithmetic3A_165 : vector<16xi32>
          %add3A_1084 = arith.addi %mul3A_261, %add3A_270 : vector<16xi32>
          %scatter3A_1085 = arith.constant 0 : i32
          %scatter3A_1086 = arith.constant 0 : i32
          %scatter3A_1087 = tpu.memref_slice %arg6[%scan3A_393, %scatter3A_1085, %scatter3A_1086] : memref<2x128x128xf32, #tpu.memory_space<vmem>> -> memref<1x128x128xf32, #tpu.memory_space<vmem>>
          %scatter3A_1088 = tpu.memref_squeeze %scatter3A_1087 : memref<1x128x128xf32, #tpu.memory_space<vmem>> -> memref<128x128xf32, #tpu.memory_space<vmem>>
          tpu.vector_store_idx %scatter3A_1088[%add3A_1083, %add3A_1084], %gather3A_976 : memref<128x128xf32, #tpu.memory_space<vmem>>[vector<16xi32>, vector<16xi32>], vector<16xf32>,
          %add3A_1089 = vector.broadcast %mul3A_416 : i32 to vector<16xi32>
          %add3A_1090 = arith.addi %add3A_1089, %and3A_28 : vector<16xi32>
          %gather3A_1091 = arith.constant 0 : i32
          %gather3A_1092 = arith.constant 0 : i32
          %gather3A_1093 = tpu.memref_slice %arg5[%scan3A_392, %gather3A_1091, %gather3A_1092] : memref<2x64x256xf32, #tpu.memory_space<vmem>> -> memref<1x64x256xf32, #tpu.memory_space<vmem>>
          %gather3A_1094 = tpu.memref_squeeze %gather3A_1093 : memref<1x64x256xf32, #tpu.memory_space<vmem>> -> memref<64x256xf32, #tpu.memory_space<vmem>>
          %gather3A_1095 = tpu.vector_load_idx %gather3A_1094[%add3A_273, %add3A_1090] : memref<64x256xf32, #tpu.memory_space<vmem>>[vector<16xi32>, vector<16xi32>], vector<16xf32>,
          %add3A_1096 = vector.broadcast %mul3A_416 : i32 to vector<16xi32>
          %add3A_1097 = arith.addi %add3A_1096, %and3A_34 : vector<16xi32>
          %gather3A_1098 = arith.constant 0 : i32
          %gather3A_1099 = arith.constant 0 : i32
          %gather3A_1100 = tpu.memref_slice %arg5[%scan3A_392, %gather3A_1098, %gather3A_1099] : memref<2x64x256xf32, #tpu.memory_space<vmem>> -> memref<1x64x256xf32, #tpu.memory_space<vmem>>
          %gather3A_1101 = tpu.memref_squeeze %gather3A_1100 : memref<1x64x256xf32, #tpu.memory_space<vmem>> -> memref<64x256xf32, #tpu.memory_space<vmem>>
          %gather3A_1102 = tpu.vector_load_idx %gather3A_1101[%add3A_273, %add3A_1097] : memref<64x256xf32, #tpu.memory_space<vmem>>[vector<16xi32>, vector<16xi32>], vector<16xf32>,
          %add3A_1103 = vector.broadcast %mul3A_416 : i32 to vector<16xi32>
          %add3A_1104 = arith.addi %add3A_1103, %and3A_40 : vector<16xi32>
          %gather3A_1105 = arith.constant 0 : i32
          %gather3A_1106 = arith.constant 0 : i32
          %gather3A_1107 = tpu.memref_slice %arg5[%scan3A_392, %gather3A_1105, %gather3A_1106] : memref<2x64x256xf32, #tpu.memory_space<vmem>> -> memref<1x64x256xf32, #tpu.memory_space<vmem>>
          %gather3A_1108 = tpu.memref_squeeze %gather3A_1107 : memref<1x64x256xf32, #tpu.memory_space<vmem>> -> memref<64x256xf32, #tpu.memory_space<vmem>>
          %gather3A_1109 = tpu.vector_load_idx %gather3A_1108[%add3A_273, %add3A_1104] : memref<64x256xf32, #tpu.memory_space<vmem>>[vector<16xi32>, vector<16xi32>], vector<16xf32>,
          %add3A_1110 = vector.broadcast %mul3A_416 : i32 to vector<16xi32>
          %add3A_1111 = arith.addi %add3A_1110, %and3A_46 : vector<16xi32>
          %gather3A_1112 = arith.constant 0 : i32
          %gather3A_1113 = arith.constant 0 : i32
          %gather3A_1114 = tpu.memref_slice %arg5[%scan3A_392, %gather3A_1112, %gather3A_1113] : memref<2x64x256xf32, #tpu.memory_space<vmem>> -> memref<1x64x256xf32, #tpu.memory_space<vmem>>
          %gather3A_1115 = tpu.memref_squeeze %gather3A_1114 : memref<1x64x256xf32, #tpu.memory_space<vmem>> -> memref<64x256xf32, #tpu.memory_space<vmem>>
          %gather3A_1116 = tpu.vector_load_idx %gather3A_1115[%add3A_273, %add3A_1111] : memref<64x256xf32, #tpu.memory_space<vmem>>[vector<16xi32>, vector<16xi32>], vector<16xf32>,
          %add3A_1117 = vector.broadcast %mul3A_416 : i32 to vector<16xi32>
          %add3A_1118 = arith.addi %add3A_1117, %and3A_52 : vector<16xi32>
          %gather3A_1119 = arith.constant 0 : i32
          %gather3A_1120 = arith.constant 0 : i32
          %gather3A_1121 = tpu.memref_slice %arg5[%scan3A_392, %gather3A_1119, %gather3A_1120] : memref<2x64x256xf32, #tpu.memory_space<vmem>> -> memref<1x64x256xf32, #tpu.memory_space<vmem>>
          %gather3A_1122 = tpu.memref_squeeze %gather3A_1121 : memref<1x64x256xf32, #tpu.memory_space<vmem>> -> memref<64x256xf32, #tpu.memory_space<vmem>>
          %gather3A_1123 = tpu.vector_load_idx %gather3A_1122[%add3A_273, %add3A_1118] : memref<64x256xf32, #tpu.memory_space<vmem>>[vector<16xi32>, vector<16xi32>], vector<16xf32>,
          %add3A_1124 = vector.broadcast %mul3A_416 : i32 to vector<16xi32>
          %add3A_1125 = arith.addi %add3A_1124, %and3A_58 : vector<16xi32>
          %gather3A_1126 = arith.constant 0 : i32
          %gather3A_1127 = arith.constant 0 : i32
          %gather3A_1128 = tpu.memref_slice %arg5[%scan3A_392, %gather3A_1126, %gather3A_1127] : memref<2x64x256xf32, #tpu.memory_space<vmem>> -> memref<1x64x256xf32, #tpu.memory_space<vmem>>
          %gather3A_1129 = tpu.memref_squeeze %gather3A_1128 : memref<1x64x256xf32, #tpu.memory_space<vmem>> -> memref<64x256xf32, #tpu.memory_space<vmem>>
          %gather3A_1130 = tpu.vector_load_idx %gather3A_1129[%add3A_273, %add3A_1125] : memref<64x256xf32, #tpu.memory_space<vmem>>[vector<16xi32>, vector<16xi32>], vector<16xf32>,
          %add3A_1131 = vector.broadcast %mul3A_416 : i32 to vector<16xi32>
          %add3A_1132 = arith.addi %add3A_1131, %and3A_64 : vector<16xi32>
          %gather3A_1133 = arith.constant 0 : i32
          %gather3A_1134 = arith.constant 0 : i32
          %gather3A_1135 = tpu.memref_slice %arg5[%scan3A_392, %gather3A_1133, %gather3A_1134] : memref<2x64x256xf32, #tpu.memory_space<vmem>> -> memref<1x64x256xf32, #tpu.memory_space<vmem>>
          %gather3A_1136 = tpu.memref_squeeze %gather3A_1135 : memref<1x64x256xf32, #tpu.memory_space<vmem>> -> memref<64x256xf32, #tpu.memory_space<vmem>>
          %gather3A_1137 = tpu.vector_load_idx %gather3A_1136[%add3A_273, %add3A_1132] : memref<64x256xf32, #tpu.memory_space<vmem>>[vector<16xi32>, vector<16xi32>], vector<16xf32>,
          %add3A_1138 = vector.broadcast %mul3A_416 : i32 to vector<16xi32>
          %add3A_1139 = arith.addi %add3A_1138, %and3A_70 : vector<16xi32>
          %gather3A_1140 = arith.constant 0 : i32
          %gather3A_1141 = arith.constant 0 : i32
          %gather3A_1142 = tpu.memref_slice %arg5[%scan3A_392, %gather3A_1140, %gather3A_1141] : memref<2x64x256xf32, #tpu.memory_space<vmem>> -> memref<1x64x256xf32, #tpu.memory_space<vmem>>
          %gather3A_1143 = tpu.memref_squeeze %gather3A_1142 : memref<1x64x256xf32, #tpu.memory_space<vmem>> -> memref<64x256xf32, #tpu.memory_space<vmem>>
          %gather3A_1144 = tpu.vector_load_idx %gather3A_1143[%add3A_273, %add3A_1139] : memref<64x256xf32, #tpu.memory_space<vmem>>[vector<16xi32>, vector<16xi32>], vector<16xf32>,
          %add3A_1145 = vector.broadcast %mul3A_416 : i32 to vector<16xi32>
          %add3A_1146 = arith.addi %add3A_1145, %and3A_76 : vector<16xi32>
          %gather3A_1147 = arith.constant 0 : i32
          %gather3A_1148 = arith.constant 0 : i32
          %gather3A_1149 = tpu.memref_slice %arg5[%scan3A_392, %gather3A_1147, %gather3A_1148] : memref<2x64x256xf32, #tpu.memory_space<vmem>> -> memref<1x64x256xf32, #tpu.memory_space<vmem>>
          %gather3A_1150 = tpu.memref_squeeze %gather3A_1149 : memref<1x64x256xf32, #tpu.memory_space<vmem>> -> memref<64x256xf32, #tpu.memory_space<vmem>>
          %gather3A_1151 = tpu.vector_load_idx %gather3A_1150[%add3A_273, %add3A_1146] : memref<64x256xf32, #tpu.memory_space<vmem>>[vector<16xi32>, vector<16xi32>], vector<16xf32>,
          %add3A_1152 = vector.broadcast %mul3A_416 : i32 to vector<16xi32>
          %add3A_1153 = arith.addi %add3A_1152, %and3A_82 : vector<16xi32>
          %gather3A_1154 = arith.constant 0 : i32
          %gather3A_1155 = arith.constant 0 : i32
          %gather3A_1156 = tpu.memref_slice %arg5[%scan3A_392, %gather3A_1154, %gather3A_1155] : memref<2x64x256xf32, #tpu.memory_space<vmem>> -> memref<1x64x256xf32, #tpu.memory_space<vmem>>
          %gather3A_1157 = tpu.memref_squeeze %gather3A_1156 : memref<1x64x256xf32, #tpu.memory_space<vmem>> -> memref<64x256xf32, #tpu.memory_space<vmem>>
          %gather3A_1158 = tpu.vector_load_idx %gather3A_1157[%add3A_273, %add3A_1153] : memref<64x256xf32, #tpu.memory_space<vmem>>[vector<16xi32>, vector<16xi32>], vector<16xf32>,
          %add3A_1159 = vector.broadcast %mul3A_416 : i32 to vector<16xi32>
          %add3A_1160 = arith.addi %add3A_1159, %and3A_88 : vector<16xi32>
          %gather3A_1161 = arith.constant 0 : i32
          %gather3A_1162 = arith.constant 0 : i32
          %gather3A_1163 = tpu.memref_slice %arg5[%scan3A_392, %gather3A_1161, %gather3A_1162] : memref<2x64x256xf32, #tpu.memory_space<vmem>> -> memref<1x64x256xf32, #tpu.memory_space<vmem>>
          %gather3A_1164 = tpu.memref_squeeze %gather3A_1163 : memref<1x64x256xf32, #tpu.memory_space<vmem>> -> memref<64x256xf32, #tpu.memory_space<vmem>>
          %gather3A_1165 = tpu.vector_load_idx %gather3A_1164[%add3A_273, %add3A_1160] : memref<64x256xf32, #tpu.memory_space<vmem>>[vector<16xi32>, vector<16xi32>], vector<16xf32>,
          %add3A_1166 = vector.broadcast %mul3A_416 : i32 to vector<16xi32>
          %add3A_1167 = arith.addi %add3A_1166, %and3A_94 : vector<16xi32>
          %gather3A_1168 = arith.constant 0 : i32
          %gather3A_1169 = arith.constant 0 : i32
          %gather3A_1170 = tpu.memref_slice %arg5[%scan3A_392, %gather3A_1168, %gather3A_1169] : memref<2x64x256xf32, #tpu.memory_space<vmem>> -> memref<1x64x256xf32, #tpu.memory_space<vmem>>
          %gather3A_1171 = tpu.memref_squeeze %gather3A_1170 : memref<1x64x256xf32, #tpu.memory_space<vmem>> -> memref<64x256xf32, #tpu.memory_space<vmem>>
          %gather3A_1172 = tpu.vector_load_idx %gather3A_1171[%add3A_273, %add3A_1167] : memref<64x256xf32, #tpu.memory_space<vmem>>[vector<16xi32>, vector<16xi32>], vector<16xf32>,
          %add3A_1173 = vector.broadcast %mul3A_416 : i32 to vector<16xi32>
          %add3A_1174 = arith.addi %add3A_1173, %and3A_100 : vector<16xi32>
          %gather3A_1175 = arith.constant 0 : i32
          %gather3A_1176 = arith.constant 0 : i32
          %gather3A_1177 = tpu.memref_slice %arg5[%scan3A_392, %gather3A_1175, %gather3A_1176] : memref<2x64x256xf32, #tpu.memory_space<vmem>> -> memref<1x64x256xf32, #tpu.memory_space<vmem>>
          %gather3A_1178 = tpu.memref_squeeze %gather3A_1177 : memref<1x64x256xf32, #tpu.memory_space<vmem>> -> memref<64x256xf32, #tpu.memory_space<vmem>>
          %gather3A_1179 = tpu.vector_load_idx %gather3A_1178[%add3A_273, %add3A_1174] : memref<64x256xf32, #tpu.memory_space<vmem>>[vector<16xi32>, vector<16xi32>], vector<16xf32>,
          %add3A_1180 = vector.broadcast %mul3A_416 : i32 to vector<16xi32>
          %add3A_1181 = arith.addi %add3A_1180, %and3A_106 : vector<16xi32>
          %gather3A_1182 = arith.constant 0 : i32
          %gather3A_1183 = arith.constant 0 : i32
          %gather3A_1184 = tpu.memref_slice %arg5[%scan3A_392, %gather3A_1182, %gather3A_1183] : memref<2x64x256xf32, #tpu.memory_space<vmem>> -> memref<1x64x256xf32, #tpu.memory_space<vmem>>
          %gather3A_1185 = tpu.memref_squeeze %gather3A_1184 : memref<1x64x256xf32, #tpu.memory_space<vmem>> -> memref<64x256xf32, #tpu.memory_space<vmem>>
          %gather3A_1186 = tpu.vector_load_idx %gather3A_1185[%add3A_273, %add3A_1181] : memref<64x256xf32, #tpu.memory_space<vmem>>[vector<16xi32>, vector<16xi32>], vector<16xf32>,
          %add3A_1187 = vector.broadcast %mul3A_416 : i32 to vector<16xi32>
          %add3A_1188 = arith.addi %add3A_1187, %and3A_112 : vector<16xi32>
          %gather3A_1189 = arith.constant 0 : i32
          %gather3A_1190 = arith.constant 0 : i32
          %gather3A_1191 = tpu.memref_slice %arg5[%scan3A_392, %gather3A_1189, %gather3A_1190] : memref<2x64x256xf32, #tpu.memory_space<vmem>> -> memref<1x64x256xf32, #tpu.memory_space<vmem>>
          %gather3A_1192 = tpu.memref_squeeze %gather3A_1191 : memref<1x64x256xf32, #tpu.memory_space<vmem>> -> memref<64x256xf32, #tpu.memory_space<vmem>>
          %gather3A_1193 = tpu.vector_load_idx %gather3A_1192[%add3A_273, %add3A_1188] : memref<64x256xf32, #tpu.memory_space<vmem>>[vector<16xi32>, vector<16xi32>], vector<16xf32>,
          %add3A_1194 = vector.broadcast %mul3A_416 : i32 to vector<16xi32>
          %add3A_1195 = arith.addi %add3A_1194, %and3A_118 : vector<16xi32>
          %gather3A_1196 = arith.constant 0 : i32
          %gather3A_1197 = arith.constant 0 : i32
          %gather3A_1198 = tpu.memref_slice %arg5[%scan3A_392, %gather3A_1196, %gather3A_1197] : memref<2x64x256xf32, #tpu.memory_space<vmem>> -> memref<1x64x256xf32, #tpu.memory_space<vmem>>
          %gather3A_1199 = tpu.memref_squeeze %gather3A_1198 : memref<1x64x256xf32, #tpu.memory_space<vmem>> -> memref<64x256xf32, #tpu.memory_space<vmem>>
          %gather3A_1200 = tpu.vector_load_idx %gather3A_1199[%add3A_273, %add3A_1195] : memref<64x256xf32, #tpu.memory_space<vmem>>[vector<16xi32>, vector<16xi32>], vector<16xf32>,
          %add3A_1201 = vector.broadcast %mul3A_418 : i32 to vector<16xi32>
          %add3A_1202 = arith.addi %add3A_1201, %shift_right_arithmetic3A_120 : vector<16xi32>
          %add3A_1203 = arith.addi %mul3A_171, %add3A_273 : vector<16xi32>
          %scatter3A_1204 = arith.constant 0 : i32
          %scatter3A_1205 = arith.constant 0 : i32
          %scatter3A_1206 = tpu.memref_slice %arg6[%scan3A_393, %scatter3A_1204, %scatter3A_1205] : memref<2x128x128xf32, #tpu.memory_space<vmem>> -> memref<1x128x128xf32, #tpu.memory_space<vmem>>
          %scatter3A_1207 = tpu.memref_squeeze %scatter3A_1206 : memref<1x128x128xf32, #tpu.memory_space<vmem>> -> memref<128x128xf32, #tpu.memory_space<vmem>>
          tpu.vector_store_idx %scatter3A_1207[%add3A_1202, %add3A_1203], %gather3A_1095 : memref<128x128xf32, #tpu.memory_space<vmem>>[vector<16xi32>, vector<16xi32>], vector<16xf32>,
          %add3A_1208 = vector.broadcast %mul3A_418 : i32 to vector<16xi32>
          %add3A_1209 = arith.addi %add3A_1208, %shift_right_arithmetic3A_123 : vector<16xi32>
          %add3A_1210 = arith.addi %mul3A_177, %add3A_273 : vector<16xi32>
          %scatter3A_1211 = arith.constant 0 : i32
          %scatter3A_1212 = arith.constant 0 : i32
          %scatter3A_1213 = tpu.memref_slice %arg6[%scan3A_393, %scatter3A_1211, %scatter3A_1212] : memref<2x128x128xf32, #tpu.memory_space<vmem>> -> memref<1x128x128xf32, #tpu.memory_space<vmem>>
          %scatter3A_1214 = tpu.memref_squeeze %scatter3A_1213 : memref<1x128x128xf32, #tpu.memory_space<vmem>> -> memref<128x128xf32, #tpu.memory_space<vmem>>
          tpu.vector_store_idx %scatter3A_1214[%add3A_1209, %add3A_1210], %gather3A_1102 : memref<128x128xf32, #tpu.memory_space<vmem>>[vector<16xi32>, vector<16xi32>], vector<16xf32>,
          %add3A_1215 = vector.broadcast %mul3A_418 : i32 to vector<16xi32>
          %add3A_1216 = arith.addi %add3A_1215, %shift_right_arithmetic3A_126 : vector<16xi32>
          %add3A_1217 = arith.addi %mul3A_183, %add3A_273 : vector<16xi32>
          %scatter3A_1218 = arith.constant 0 : i32
          %scatter3A_1219 = arith.constant 0 : i32
          %scatter3A_1220 = tpu.memref_slice %arg6[%scan3A_393, %scatter3A_1218, %scatter3A_1219] : memref<2x128x128xf32, #tpu.memory_space<vmem>> -> memref<1x128x128xf32, #tpu.memory_space<vmem>>
          %scatter3A_1221 = tpu.memref_squeeze %scatter3A_1220 : memref<1x128x128xf32, #tpu.memory_space<vmem>> -> memref<128x128xf32, #tpu.memory_space<vmem>>
          tpu.vector_store_idx %scatter3A_1221[%add3A_1216, %add3A_1217], %gather3A_1109 : memref<128x128xf32, #tpu.memory_space<vmem>>[vector<16xi32>, vector<16xi32>], vector<16xf32>,
          %add3A_1222 = vector.broadcast %mul3A_418 : i32 to vector<16xi32>
          %add3A_1223 = arith.addi %add3A_1222, %shift_right_arithmetic3A_129 : vector<16xi32>
          %add3A_1224 = arith.addi %mul3A_189, %add3A_273 : vector<16xi32>
          %scatter3A_1225 = arith.constant 0 : i32
          %scatter3A_1226 = arith.constant 0 : i32
          %scatter3A_1227 = tpu.memref_slice %arg6[%scan3A_393, %scatter3A_1225, %scatter3A_1226] : memref<2x128x128xf32, #tpu.memory_space<vmem>> -> memref<1x128x128xf32, #tpu.memory_space<vmem>>
          %scatter3A_1228 = tpu.memref_squeeze %scatter3A_1227 : memref<1x128x128xf32, #tpu.memory_space<vmem>> -> memref<128x128xf32, #tpu.memory_space<vmem>>
          tpu.vector_store_idx %scatter3A_1228[%add3A_1223, %add3A_1224], %gather3A_1116 : memref<128x128xf32, #tpu.memory_space<vmem>>[vector<16xi32>, vector<16xi32>], vector<16xf32>,
          %add3A_1229 = vector.broadcast %mul3A_418 : i32 to vector<16xi32>
          %add3A_1230 = arith.addi %add3A_1229, %shift_right_arithmetic3A_132 : vector<16xi32>
          %add3A_1231 = arith.addi %mul3A_195, %add3A_273 : vector<16xi32>
          %scatter3A_1232 = arith.constant 0 : i32
          %scatter3A_1233 = arith.constant 0 : i32
          %scatter3A_1234 = tpu.memref_slice %arg6[%scan3A_393, %scatter3A_1232, %scatter3A_1233] : memref<2x128x128xf32, #tpu.memory_space<vmem>> -> memref<1x128x128xf32, #tpu.memory_space<vmem>>
          %scatter3A_1235 = tpu.memref_squeeze %scatter3A_1234 : memref<1x128x128xf32, #tpu.memory_space<vmem>> -> memref<128x128xf32, #tpu.memory_space<vmem>>
          tpu.vector_store_idx %scatter3A_1235[%add3A_1230, %add3A_1231], %gather3A_1123 : memref<128x128xf32, #tpu.memory_space<vmem>>[vector<16xi32>, vector<16xi32>], vector<16xf32>,
          %add3A_1236 = vector.broadcast %mul3A_418 : i32 to vector<16xi32>
          %add3A_1237 = arith.addi %add3A_1236, %shift_right_arithmetic3A_135 : vector<16xi32>
          %add3A_1238 = arith.addi %mul3A_201, %add3A_273 : vector<16xi32>
          %scatter3A_1239 = arith.constant 0 : i32
          %scatter3A_1240 = arith.constant 0 : i32
          %scatter3A_1241 = tpu.memref_slice %arg6[%scan3A_393, %scatter3A_1239, %scatter3A_1240] : memref<2x128x128xf32, #tpu.memory_space<vmem>> -> memref<1x128x128xf32, #tpu.memory_space<vmem>>
          %scatter3A_1242 = tpu.memref_squeeze %scatter3A_1241 : memref<1x128x128xf32, #tpu.memory_space<vmem>> -> memref<128x128xf32, #tpu.memory_space<vmem>>
          tpu.vector_store_idx %scatter3A_1242[%add3A_1237, %add3A_1238], %gather3A_1130 : memref<128x128xf32, #tpu.memory_space<vmem>>[vector<16xi32>, vector<16xi32>], vector<16xf32>,
          %add3A_1243 = vector.broadcast %mul3A_418 : i32 to vector<16xi32>
          %add3A_1244 = arith.addi %add3A_1243, %shift_right_arithmetic3A_138 : vector<16xi32>
          %add3A_1245 = arith.addi %mul3A_207, %add3A_273 : vector<16xi32>
          %scatter3A_1246 = arith.constant 0 : i32
          %scatter3A_1247 = arith.constant 0 : i32
          %scatter3A_1248 = tpu.memref_slice %arg6[%scan3A_393, %scatter3A_1246, %scatter3A_1247] : memref<2x128x128xf32, #tpu.memory_space<vmem>> -> memref<1x128x128xf32, #tpu.memory_space<vmem>>
          %scatter3A_1249 = tpu.memref_squeeze %scatter3A_1248 : memref<1x128x128xf32, #tpu.memory_space<vmem>> -> memref<128x128xf32, #tpu.memory_space<vmem>>
          tpu.vector_store_idx %scatter3A_1249[%add3A_1244, %add3A_1245], %gather3A_1137 : memref<128x128xf32, #tpu.memory_space<vmem>>[vector<16xi32>, vector<16xi32>], vector<16xf32>,
          %add3A_1250 = vector.broadcast %mul3A_418 : i32 to vector<16xi32>
          %add3A_1251 = arith.addi %add3A_1250, %shift_right_arithmetic3A_141 : vector<16xi32>
          %add3A_1252 = arith.addi %mul3A_213, %add3A_273 : vector<16xi32>
          %scatter3A_1253 = arith.constant 0 : i32
          %scatter3A_1254 = arith.constant 0 : i32
          %scatter3A_1255 = tpu.memref_slice %arg6[%scan3A_393, %scatter3A_1253, %scatter3A_1254] : memref<2x128x128xf32, #tpu.memory_space<vmem>> -> memref<1x128x128xf32, #tpu.memory_space<vmem>>
          %scatter3A_1256 = tpu.memref_squeeze %scatter3A_1255 : memref<1x128x128xf32, #tpu.memory_space<vmem>> -> memref<128x128xf32, #tpu.memory_space<vmem>>
          tpu.vector_store_idx %scatter3A_1256[%add3A_1251, %add3A_1252], %gather3A_1144 : memref<128x128xf32, #tpu.memory_space<vmem>>[vector<16xi32>, vector<16xi32>], vector<16xf32>,
          %add3A_1257 = vector.broadcast %mul3A_418 : i32 to vector<16xi32>
          %add3A_1258 = arith.addi %add3A_1257, %shift_right_arithmetic3A_144 : vector<16xi32>
          %add3A_1259 = arith.addi %mul3A_219, %add3A_273 : vector<16xi32>
          %scatter3A_1260 = arith.constant 0 : i32
          %scatter3A_1261 = arith.constant 0 : i32
          %scatter3A_1262 = tpu.memref_slice %arg6[%scan3A_393, %scatter3A_1260, %scatter3A_1261] : memref<2x128x128xf32, #tpu.memory_space<vmem>> -> memref<1x128x128xf32, #tpu.memory_space<vmem>>
          %scatter3A_1263 = tpu.memref_squeeze %scatter3A_1262 : memref<1x128x128xf32, #tpu.memory_space<vmem>> -> memref<128x128xf32, #tpu.memory_space<vmem>>
          tpu.vector_store_idx %scatter3A_1263[%add3A_1258, %add3A_1259], %gather3A_1151 : memref<128x128xf32, #tpu.memory_space<vmem>>[vector<16xi32>, vector<16xi32>], vector<16xf32>,
          %add3A_1264 = vector.broadcast %mul3A_418 : i32 to vector<16xi32>
          %add3A_1265 = arith.addi %add3A_1264, %shift_right_arithmetic3A_147 : vector<16xi32>
          %add3A_1266 = arith.addi %mul3A_225, %add3A_273 : vector<16xi32>
          %scatter3A_1267 = arith.constant 0 : i32
          %scatter3A_1268 = arith.constant 0 : i32
          %scatter3A_1269 = tpu.memref_slice %arg6[%scan3A_393, %scatter3A_1267, %scatter3A_1268] : memref<2x128x128xf32, #tpu.memory_space<vmem>> -> memref<1x128x128xf32, #tpu.memory_space<vmem>>
          %scatter3A_1270 = tpu.memref_squeeze %scatter3A_1269 : memref<1x128x128xf32, #tpu.memory_space<vmem>> -> memref<128x128xf32, #tpu.memory_space<vmem>>
          tpu.vector_store_idx %scatter3A_1270[%add3A_1265, %add3A_1266], %gather3A_1158 : memref<128x128xf32, #tpu.memory_space<vmem>>[vector<16xi32>, vector<16xi32>], vector<16xf32>,
          %add3A_1271 = vector.broadcast %mul3A_418 : i32 to vector<16xi32>
          %add3A_1272 = arith.addi %add3A_1271, %shift_right_arithmetic3A_150 : vector<16xi32>
          %add3A_1273 = arith.addi %mul3A_231, %add3A_273 : vector<16xi32>
          %scatter3A_1274 = arith.constant 0 : i32
          %scatter3A_1275 = arith.constant 0 : i32
          %scatter3A_1276 = tpu.memref_slice %arg6[%scan3A_393, %scatter3A_1274, %scatter3A_1275] : memref<2x128x128xf32, #tpu.memory_space<vmem>> -> memref<1x128x128xf32, #tpu.memory_space<vmem>>
          %scatter3A_1277 = tpu.memref_squeeze %scatter3A_1276 : memref<1x128x128xf32, #tpu.memory_space<vmem>> -> memref<128x128xf32, #tpu.memory_space<vmem>>
          tpu.vector_store_idx %scatter3A_1277[%add3A_1272, %add3A_1273], %gather3A_1165 : memref<128x128xf32, #tpu.memory_space<vmem>>[vector<16xi32>, vector<16xi32>], vector<16xf32>,
          %add3A_1278 = vector.broadcast %mul3A_418 : i32 to vector<16xi32>
          %add3A_1279 = arith.addi %add3A_1278, %shift_right_arithmetic3A_153 : vector<16xi32>
          %add3A_1280 = arith.addi %mul3A_237, %add3A_273 : vector<16xi32>
          %scatter3A_1281 = arith.constant 0 : i32
          %scatter3A_1282 = arith.constant 0 : i32
          %scatter3A_1283 = tpu.memref_slice %arg6[%scan3A_393, %scatter3A_1281, %scatter3A_1282] : memref<2x128x128xf32, #tpu.memory_space<vmem>> -> memref<1x128x128xf32, #tpu.memory_space<vmem>>
          %scatter3A_1284 = tpu.memref_squeeze %scatter3A_1283 : memref<1x128x128xf32, #tpu.memory_space<vmem>> -> memref<128x128xf32, #tpu.memory_space<vmem>>
          tpu.vector_store_idx %scatter3A_1284[%add3A_1279, %add3A_1280], %gather3A_1172 : memref<128x128xf32, #tpu.memory_space<vmem>>[vector<16xi32>, vector<16xi32>], vector<16xf32>,
          %add3A_1285 = vector.broadcast %mul3A_418 : i32 to vector<16xi32>
          %add3A_1286 = arith.addi %add3A_1285, %shift_right_arithmetic3A_156 : vector<16xi32>
          %add3A_1287 = arith.addi %mul3A_243, %add3A_273 : vector<16xi32>
          %scatter3A_1288 = arith.constant 0 : i32
          %scatter3A_1289 = arith.constant 0 : i32
          %scatter3A_1290 = tpu.memref_slice %arg6[%scan3A_393, %scatter3A_1288, %scatter3A_1289] : memref<2x128x128xf32, #tpu.memory_space<vmem>> -> memref<1x128x128xf32, #tpu.memory_space<vmem>>
          %scatter3A_1291 = tpu.memref_squeeze %scatter3A_1290 : memref<1x128x128xf32, #tpu.memory_space<vmem>> -> memref<128x128xf32, #tpu.memory_space<vmem>>
          tpu.vector_store_idx %scatter3A_1291[%add3A_1286, %add3A_1287], %gather3A_1179 : memref<128x128xf32, #tpu.memory_space<vmem>>[vector<16xi32>, vector<16xi32>], vector<16xf32>,
          %add3A_1292 = vector.broadcast %mul3A_418 : i32 to vector<16xi32>
          %add3A_1293 = arith.addi %add3A_1292, %shift_right_arithmetic3A_159 : vector<16xi32>
          %add3A_1294 = arith.addi %mul3A_249, %add3A_273 : vector<16xi32>
          %scatter3A_1295 = arith.constant 0 : i32
          %scatter3A_1296 = arith.constant 0 : i32
          %scatter3A_1297 = tpu.memref_slice %arg6[%scan3A_393, %scatter3A_1295, %scatter3A_1296] : memref<2x128x128xf32, #tpu.memory_space<vmem>> -> memref<1x128x128xf32, #tpu.memory_space<vmem>>
          %scatter3A_1298 = tpu.memref_squeeze %scatter3A_1297 : memref<1x128x128xf32, #tpu.memory_space<vmem>> -> memref<128x128xf32, #tpu.memory_space<vmem>>
          tpu.vector_store_idx %scatter3A_1298[%add3A_1293, %add3A_1294], %gather3A_1186 : memref<128x128xf32, #tpu.memory_space<vmem>>[vector<16xi32>, vector<16xi32>], vector<16xf32>,
          %add3A_1299 = vector.broadcast %mul3A_418 : i32 to vector<16xi32>
          %add3A_1300 = arith.addi %add3A_1299, %shift_right_arithmetic3A_162 : vector<16xi32>
          %add3A_1301 = arith.addi %mul3A_255, %add3A_273 : vector<16xi32>
          %scatter3A_1302 = arith.constant 0 : i32
          %scatter3A_1303 = arith.constant 0 : i32
          %scatter3A_1304 = tpu.memref_slice %arg6[%scan3A_393, %scatter3A_1302, %scatter3A_1303] : memref<2x128x128xf32, #tpu.memory_space<vmem>> -> memref<1x128x128xf32, #tpu.memory_space<vmem>>
          %scatter3A_1305 = tpu.memref_squeeze %scatter3A_1304 : memref<1x128x128xf32, #tpu.memory_space<vmem>> -> memref<128x128xf32, #tpu.memory_space<vmem>>
          tpu.vector_store_idx %scatter3A_1305[%add3A_1300, %add3A_1301], %gather3A_1193 : memref<128x128xf32, #tpu.memory_space<vmem>>[vector<16xi32>, vector<16xi32>], vector<16xf32>,
          %add3A_1306 = vector.broadcast %mul3A_418 : i32 to vector<16xi32>
          %add3A_1307 = arith.addi %add3A_1306, %shift_right_arithmetic3A_165 : vector<16xi32>
          %add3A_1308 = arith.addi %mul3A_261, %add3A_273 : vector<16xi32>
          %scatter3A_1309 = arith.constant 0 : i32
          %scatter3A_1310 = arith.constant 0 : i32
          %scatter3A_1311 = tpu.memref_slice %arg6[%scan3A_393, %scatter3A_1309, %scatter3A_1310] : memref<2x128x128xf32, #tpu.memory_space<vmem>> -> memref<1x128x128xf32, #tpu.memory_space<vmem>>
          %scatter3A_1312 = tpu.memref_squeeze %scatter3A_1311 : memref<1x128x128xf32, #tpu.memory_space<vmem>> -> memref<128x128xf32, #tpu.memory_space<vmem>>
          tpu.vector_store_idx %scatter3A_1312[%add3A_1307, %add3A_1308], %gather3A_1200 : memref<128x128xf32, #tpu.memory_space<vmem>>[vector<16xi32>, vector<16xi32>], vector<16xf32>,
        }
        %scan3A_398 = arith.constant 16 : i32
        %mul3A_399 = arith.constant 128 : i32
        %mul3A_400 = arith.muli %add3A_347, %mul3A_399 : i32
        %dma_start3A_401 = arith.constant 0 : i32
        %dma_start3A_402 = arith.constant 0 : i32
        %dma_start3A_403 = arith.constant 0 : i32
        %dma_start3A_404 = tpu.memref_slice %arg6[%dma_start3A_401, %dma_start3A_402, %dma_start3A_403] : memref<2x128x128xf32, #tpu.memory_space<vmem>> -> memref<1x128x128xf32, #tpu.memory_space<vmem>>
        %dma_start3A_405 = tpu.memref_squeeze %dma_start3A_404 : memref<1x128x128xf32, #tpu.memory_space<vmem>> -> memref<128x128xf32, #tpu.memory_space<vmem>>
        %dma_start3A_406 = arith.constant 0 : i32
        %dma_start3A_407 = tpu.memref_slice %arg4[%mul3A_400, %dma_start3A_406] : memref<500000x128xf32, #tpu.memory_space<hbm>> -> memref<128x128xf32, #tpu.memory_space<hbm>>
        %dma_start3A_408 = arith.constant 0 : i32
        %dma_start3A_409 = tpu.memref_slice %arg4[%mul3A_400, %dma_start3A_408] : memref<500000x128xf32, #tpu.memory_space<hbm>> -> memref<128x128xf32, #tpu.memory_space<hbm>>
        %dma_start3A_410 = arith.constant 0 : i32
        %dma_start3A_411 = arith.constant 0 : i32
        %dma_start3A_412 = tpu.memref_slice %arg6[%dma_start3A_401, %dma_start3A_410, %dma_start3A_411] : memref<2x128x128xf32, #tpu.memory_space<vmem>> -> memref<1x128x128xf32, #tpu.memory_space<vmem>>
        %dma_start3A_413 = tpu.memref_squeeze %dma_start3A_412 : memref<1x128x128xf32, #tpu.memory_space<vmem>> -> memref<128x128xf32, #tpu.memory_space<vmem>>
        tpu.enqueue_dma source(%dma_start3A_413 : memref<128x128xf32, #tpu.memory_space<vmem>>) target(%dma_start3A_409 : memref<128x128xf32, #tpu.memory_space<hbm>>) target_semaphore(%arg9 : memref<!tpu.dma_semaphore, #tpu.memory_space<semaphore_mem>>)
      } else {
      }
      %mul3A_353 = arith.constant 2 : i32
      %mul3A_354 = arith.muli %scan3A_340, %mul3A_353 : i32
      %add3A_355 = arith.constant 1 : i32
      %add3A_356 = arith.addi %mul3A_354, %add3A_355 : i32
      %mul3A_357 = arith.constant 32 : i32
      %mul3A_358 = arith.muli %mul3A_357, %add3A_356 : i32
      %add3A_359 = arith.addi %add3A, %mul3A_358 : i32
      %lt3A_360 = arith.constant 3906 : i32
      %lt3A_361 = arith.cmpi slt, %add3A_359, %lt3A_360 : i32
      %convert_element_type3A_362 = arith.extui %lt3A_361 : i1 to i32
      %cond3A_363 = arith.constant 0 : i32
      %cond3A_364 = arith.cmpi ne, %convert_element_type3A_362, %cond3A_363 : i32
      scf.if %cond3A_364 {
        %add3A_365 = arith.constant 32 : i32
        %add3A_366 = arith.addi %add3A_359, %add3A_365 : i32
        %lt3A_367 = arith.constant 3906 : i32
        %lt3A_368 = arith.cmpi slt, %add3A_366, %lt3A_367 : i32
        %convert_element_type3A_369 = arith.extui %lt3A_368 : i1 to i32
        %cond3A_370 = arith.constant 0 : i32
        %cond3A_371 = arith.cmpi ne, %convert_element_type3A_369, %cond3A_370 : i32
        scf.if %cond3A_371 {
          %add3A_414 = arith.constant 32 : i32
          %add3A_415 = arith.addi %add3A_359, %add3A_414 : i32
          %mul3A_416 = arith.constant 256 : i32
          %mul3A_417 = arith.muli %add3A_415, %mul3A_416 : i32
          %dma_start3A_418 = arith.constant 0 : i32
          %dma_start3A_419 = arith.constant 0 : i32
          %dma_start3A_420 = arith.constant 0 : i32
          %dma_start3A_421 = tpu.memref_slice %arg5[%dma_start3A_418, %dma_start3A_419, %dma_start3A_420] : memref<2x64x256xf32, #tpu.memory_space<vmem>> -> memref<1x64x256xf32, #tpu.memory_space<vmem>>
          %dma_start3A_422 = tpu.memref_squeeze %dma_start3A_421 : memref<1x64x256xf32, #tpu.memory_space<vmem>> -> memref<64x256xf32, #tpu.memory_space<vmem>>
          %dma_start3A_423 = arith.constant 0 : i32
          %dma_start3A_424 = tpu.memref_slice %arg2[%dma_start3A_423, %mul3A_417] : memref<64x1000000xf32, #tpu.memory_space<hbm>> -> memref<64x256xf32, #tpu.memory_space<hbm>>
          %dma_start3A_425 = arith.constant 0 : i32
          %dma_start3A_426 = arith.constant 0 : i32
          %dma_start3A_427 = tpu.memref_slice %arg5[%dma_start3A_418, %dma_start3A_425, %dma_start3A_426] : memref<2x64x256xf32, #tpu.memory_space<vmem>> -> memref<1x64x256xf32, #tpu.memory_space<vmem>>
          %dma_start3A_428 = tpu.memref_squeeze %dma_start3A_427 : memref<1x64x256xf32, #tpu.memory_space<vmem>> -> memref<64x256xf32, #tpu.memory_space<vmem>>
          %dma_start3A_429 = arith.constant 0 : i32
          %dma_start3A_430 = tpu.memref_slice %arg2[%dma_start3A_429, %mul3A_417] : memref<64x1000000xf32, #tpu.memory_space<hbm>> -> memref<64x256xf32, #tpu.memory_space<hbm>>
          tpu.enqueue_dma source(%dma_start3A_430 : memref<64x256xf32, #tpu.memory_space<hbm>>) target(%dma_start3A_428 : memref<64x256xf32, #tpu.memory_space<vmem>>) target_semaphore(%arg7 : memref<!tpu.dma_semaphore, #tpu.memory_space<semaphore_mem>>)
        } else {
        }
        %mul3A_372 = arith.constant 256 : i32
        %mul3A_373 = arith.muli %add3A_359, %mul3A_372 : i32
        %dma_wait3A = arith.constant 1 : i32
        %dma_wait3A_374 = arith.constant 0 : i32
        %dma_wait3A_375 = arith.constant 0 : i32
        %dma_wait3A_376 = tpu.memref_slice %arg5[%dma_wait3A, %dma_wait3A_374, %dma_wait3A_375] : memref<2x64x256xf32, #tpu.memory_space<vmem>> -> memref<1x64x256xf32, #tpu.memory_space<vmem>>
        %dma_wait3A_377 = tpu.memref_squeeze %dma_wait3A_376 : memref<1x64x256xf32, #tpu.memory_space<vmem>> -> memref<64x256xf32, #tpu.memory_space<vmem>>
        %dma_wait3A_378 = arith.constant 0 : i32
        %dma_wait3A_379 = tpu.memref_slice %arg2[%dma_wait3A_378, %mul3A_373] : memref<64x1000000xf32, #tpu.memory_space<hbm>> -> memref<64x256xf32, #tpu.memory_space<hbm>>
        %dma_wait3A_380 = arith.constant 0 : i32
        %dma_wait3A_381 = arith.constant 0 : i32
        %dma_wait3A_382 = tpu.memref_slice %arg5[%dma_wait3A, %dma_wait3A_380, %dma_wait3A_381] : memref<2x64x256xf32, #tpu.memory_space<vmem>> -> memref<1x64x256xf32, #tpu.memory_space<vmem>>
        %dma_wait3A_383 = tpu.memref_squeeze %dma_wait3A_382 : memref<1x64x256xf32, #tpu.memory_space<vmem>> -> memref<64x256xf32, #tpu.memory_space<vmem>>
        %dma_wait3A_384 = arith.constant 0 : i32
        %dma_wait3A_385 = tpu.memref_slice %arg2[%dma_wait3A_384, %mul3A_373] : memref<64x1000000xf32, #tpu.memory_space<hbm>> -> memref<64x256xf32, #tpu.memory_space<hbm>>
        tpu.wait_dma2 semaphore(%arg8 : memref<!tpu.dma_semaphore, #tpu.memory_space<semaphore_mem>>) src(%dma_wait3A_385 : memref<64x256xf32, #tpu.memory_space<hbm>>) dst(%dma_wait3A_383 : memref<64x256xf32, #tpu.memory_space<vmem>>)
        %ge3A_386 = arith.constant 2 : i32
        %ge3A_387 = arith.cmpi sge, %add3A_356, %ge3A_386 : i32
        %convert_element_type3A_388 = arith.extui %ge3A_387 : i1 to i32
        %cond3A_389 = arith.constant 0 : i32
        %cond3A_390 = arith.cmpi ne, %convert_element_type3A_388, %cond3A_389 : i32
        scf.if %cond3A_390 {
          %mul3A_414 = arith.constant 128 : i32
          %mul3A_415 = arith.muli %add3A_359, %mul3A_414 : i32
          %dma_wait3A_416 = arith.constant 1 : i32
          %dma_wait3A_417 = arith.constant 0 : i32
          %dma_wait3A_418 = arith.constant 0 : i32
          %dma_wait3A_419 = tpu.memref_slice %arg6[%dma_wait3A_416, %dma_wait3A_417, %dma_wait3A_418] : memref<2x128x128xf32, #tpu.memory_space<vmem>> -> memref<1x128x128xf32, #tpu.memory_space<vmem>>
          %dma_wait3A_420 = tpu.memref_squeeze %dma_wait3A_419 : memref<1x128x128xf32, #tpu.memory_space<vmem>> -> memref<128x128xf32, #tpu.memory_space<vmem>>
          %dma_wait3A_421 = arith.constant 0 : i32
          %dma_wait3A_422 = tpu.memref_slice %arg4[%mul3A_415, %dma_wait3A_421] : memref<500000x128xf32, #tpu.memory_space<hbm>> -> memref<128x128xf32, #tpu.memory_space<hbm>>
          %dma_wait3A_423 = arith.constant 0 : i32
          %dma_wait3A_424 = tpu.memref_slice %arg4[%mul3A_415, %dma_wait3A_423] : memref<500000x128xf32, #tpu.memory_space<hbm>> -> memref<128x128xf32, #tpu.memory_space<hbm>>
          %dma_wait3A_425 = arith.constant 0 : i32
          %dma_wait3A_426 = arith.constant 0 : i32
          %dma_wait3A_427 = tpu.memref_slice %arg6[%dma_wait3A_416, %dma_wait3A_425, %dma_wait3A_426] : memref<2x128x128xf32, #tpu.memory_space<vmem>> -> memref<1x128x128xf32, #tpu.memory_space<vmem>>
          %dma_wait3A_428 = tpu.memref_squeeze %dma_wait3A_427 : memref<1x128x128xf32, #tpu.memory_space<vmem>> -> memref<128x128xf32, #tpu.memory_space<vmem>>
          tpu.wait_dma2 semaphore(%arg10 : memref<!tpu.dma_semaphore, #tpu.memory_space<semaphore_mem>>) src(%dma_wait3A_428 : memref<128x128xf32, #tpu.memory_space<vmem>>) dst(%dma_wait3A_424 : memref<128x128xf32, #tpu.memory_space<hbm>>)
        } else {
        }
        %scan3A_391 = arith.constant 0 : i32
        %scan3A_392 = arith.constant 1 : i32
        %scan3A_393 = arith.constant 1 : i32
        %scan3A_394 = arith.constant 0 : i32
        %scan3A_395 = arith.constant 16 : i32
        %scan3A_396 = arith.addi %scan3A_394, %scan3A_395 : i32
        %scan3A_397 = arith.constant 1 : i32
        scf.for %scan3A_414 = %scan3A_394 to %scan3A_396 step %scan3A_397  : i32 {
          %mul3A_415 = arith.constant 16 : i32
          %mul3A_416 = arith.muli %scan3A_414, %mul3A_415 : i32
          %mul3A_417 = arith.constant 8 : i32
          %mul3A_418 = arith.muli %scan3A_414, %mul3A_417 : i32
          %add3A_419 = vector.broadcast %mul3A_416 : i32 to vector<16xi32>
          %add3A_420 = arith.addi %add3A_419, %and3A_28 : vector<16xi32>
          %gather3A = arith.constant 0 : i32
          %gather3A_421 = arith.constant 0 : i32
          %gather3A_422 = tpu.memref_slice %arg5[%scan3A_392, %gather3A, %gather3A_421] : memref<2x64x256xf32, #tpu.memory_space<vmem>> -> memref<1x64x256xf32, #tpu.memory_space<vmem>>
          %gather3A_423 = tpu.memref_squeeze %gather3A_422 : memref<1x64x256xf32, #tpu.memory_space<vmem>> -> memref<64x256xf32, #tpu.memory_space<vmem>>
          %gather3A_424 = tpu.vector_load_idx %gather3A_423[%add3A_264, %add3A_420] : memref<64x256xf32, #tpu.memory_space<vmem>>[vector<16xi32>, vector<16xi32>], vector<16xf32>,
          %add3A_425 = vector.broadcast %mul3A_416 : i32 to vector<16xi32>
          %add3A_426 = arith.addi %add3A_425, %and3A_34 : vector<16xi32>
          %gather3A_427 = arith.constant 0 : i32
          %gather3A_428 = arith.constant 0 : i32
          %gather3A_429 = tpu.memref_slice %arg5[%scan3A_392, %gather3A_427, %gather3A_428] : memref<2x64x256xf32, #tpu.memory_space<vmem>> -> memref<1x64x256xf32, #tpu.memory_space<vmem>>
          %gather3A_430 = tpu.memref_squeeze %gather3A_429 : memref<1x64x256xf32, #tpu.memory_space<vmem>> -> memref<64x256xf32, #tpu.memory_space<vmem>>
          %gather3A_431 = tpu.vector_load_idx %gather3A_430[%add3A_264, %add3A_426] : memref<64x256xf32, #tpu.memory_space<vmem>>[vector<16xi32>, vector<16xi32>], vector<16xf32>,
          %add3A_432 = vector.broadcast %mul3A_416 : i32 to vector<16xi32>
          %add3A_433 = arith.addi %add3A_432, %and3A_40 : vector<16xi32>
          %gather3A_434 = arith.constant 0 : i32
          %gather3A_435 = arith.constant 0 : i32
          %gather3A_436 = tpu.memref_slice %arg5[%scan3A_392, %gather3A_434, %gather3A_435] : memref<2x64x256xf32, #tpu.memory_space<vmem>> -> memref<1x64x256xf32, #tpu.memory_space<vmem>>
          %gather3A_437 = tpu.memref_squeeze %gather3A_436 : memref<1x64x256xf32, #tpu.memory_space<vmem>> -> memref<64x256xf32, #tpu.memory_space<vmem>>
          %gather3A_438 = tpu.vector_load_idx %gather3A_437[%add3A_264, %add3A_433] : memref<64x256xf32, #tpu.memory_space<vmem>>[vector<16xi32>, vector<16xi32>], vector<16xf32>,
          %add3A_439 = vector.broadcast %mul3A_416 : i32 to vector<16xi32>
          %add3A_440 = arith.addi %add3A_439, %and3A_46 : vector<16xi32>
          %gather3A_441 = arith.constant 0 : i32
          %gather3A_442 = arith.constant 0 : i32
          %gather3A_443 = tpu.memref_slice %arg5[%scan3A_392, %gather3A_441, %gather3A_442] : memref<2x64x256xf32, #tpu.memory_space<vmem>> -> memref<1x64x256xf32, #tpu.memory_space<vmem>>
          %gather3A_444 = tpu.memref_squeeze %gather3A_443 : memref<1x64x256xf32, #tpu.memory_space<vmem>> -> memref<64x256xf32, #tpu.memory_space<vmem>>
          %gather3A_445 = tpu.vector_load_idx %gather3A_444[%add3A_264, %add3A_440] : memref<64x256xf32, #tpu.memory_space<vmem>>[vector<16xi32>, vector<16xi32>], vector<16xf32>,
          %add3A_446 = vector.broadcast %mul3A_416 : i32 to vector<16xi32>
          %add3A_447 = arith.addi %add3A_446, %and3A_52 : vector<16xi32>
          %gather3A_448 = arith.constant 0 : i32
          %gather3A_449 = arith.constant 0 : i32
          %gather3A_450 = tpu.memref_slice %arg5[%scan3A_392, %gather3A_448, %gather3A_449] : memref<2x64x256xf32, #tpu.memory_space<vmem>> -> memref<1x64x256xf32, #tpu.memory_space<vmem>>
          %gather3A_451 = tpu.memref_squeeze %gather3A_450 : memref<1x64x256xf32, #tpu.memory_space<vmem>> -> memref<64x256xf32, #tpu.memory_space<vmem>>
          %gather3A_452 = tpu.vector_load_idx %gather3A_451[%add3A_264, %add3A_447] : memref<64x256xf32, #tpu.memory_space<vmem>>[vector<16xi32>, vector<16xi32>], vector<16xf32>,
          %add3A_453 = vector.broadcast %mul3A_416 : i32 to vector<16xi32>
          %add3A_454 = arith.addi %add3A_453, %and3A_58 : vector<16xi32>
          %gather3A_455 = arith.constant 0 : i32
          %gather3A_456 = arith.constant 0 : i32
          %gather3A_457 = tpu.memref_slice %arg5[%scan3A_392, %gather3A_455, %gather3A_456] : memref<2x64x256xf32, #tpu.memory_space<vmem>> -> memref<1x64x256xf32, #tpu.memory_space<vmem>>
          %gather3A_458 = tpu.memref_squeeze %gather3A_457 : memref<1x64x256xf32, #tpu.memory_space<vmem>> -> memref<64x256xf32, #tpu.memory_space<vmem>>
          %gather3A_459 = tpu.vector_load_idx %gather3A_458[%add3A_264, %add3A_454] : memref<64x256xf32, #tpu.memory_space<vmem>>[vector<16xi32>, vector<16xi32>], vector<16xf32>,
          %add3A_460 = vector.broadcast %mul3A_416 : i32 to vector<16xi32>
          %add3A_461 = arith.addi %add3A_460, %and3A_64 : vector<16xi32>
          %gather3A_462 = arith.constant 0 : i32
          %gather3A_463 = arith.constant 0 : i32
          %gather3A_464 = tpu.memref_slice %arg5[%scan3A_392, %gather3A_462, %gather3A_463] : memref<2x64x256xf32, #tpu.memory_space<vmem>> -> memref<1x64x256xf32, #tpu.memory_space<vmem>>
          %gather3A_465 = tpu.memref_squeeze %gather3A_464 : memref<1x64x256xf32, #tpu.memory_space<vmem>> -> memref<64x256xf32, #tpu.memory_space<vmem>>
          %gather3A_466 = tpu.vector_load_idx %gather3A_465[%add3A_264, %add3A_461] : memref<64x256xf32, #tpu.memory_space<vmem>>[vector<16xi32>, vector<16xi32>], vector<16xf32>,
          %add3A_467 = vector.broadcast %mul3A_416 : i32 to vector<16xi32>
          %add3A_468 = arith.addi %add3A_467, %and3A_70 : vector<16xi32>
          %gather3A_469 = arith.constant 0 : i32
          %gather3A_470 = arith.constant 0 : i32
          %gather3A_471 = tpu.memref_slice %arg5[%scan3A_392, %gather3A_469, %gather3A_470] : memref<2x64x256xf32, #tpu.memory_space<vmem>> -> memref<1x64x256xf32, #tpu.memory_space<vmem>>
          %gather3A_472 = tpu.memref_squeeze %gather3A_471 : memref<1x64x256xf32, #tpu.memory_space<vmem>> -> memref<64x256xf32, #tpu.memory_space<vmem>>
          %gather3A_473 = tpu.vector_load_idx %gather3A_472[%add3A_264, %add3A_468] : memref<64x256xf32, #tpu.memory_space<vmem>>[vector<16xi32>, vector<16xi32>], vector<16xf32>,
          %add3A_474 = vector.broadcast %mul3A_416 : i32 to vector<16xi32>
          %add3A_475 = arith.addi %add3A_474, %and3A_76 : vector<16xi32>
          %gather3A_476 = arith.constant 0 : i32
          %gather3A_477 = arith.constant 0 : i32
          %gather3A_478 = tpu.memref_slice %arg5[%scan3A_392, %gather3A_476, %gather3A_477] : memref<2x64x256xf32, #tpu.memory_space<vmem>> -> memref<1x64x256xf32, #tpu.memory_space<vmem>>
          %gather3A_479 = tpu.memref_squeeze %gather3A_478 : memref<1x64x256xf32, #tpu.memory_space<vmem>> -> memref<64x256xf32, #tpu.memory_space<vmem>>
          %gather3A_480 = tpu.vector_load_idx %gather3A_479[%add3A_264, %add3A_475] : memref<64x256xf32, #tpu.memory_space<vmem>>[vector<16xi32>, vector<16xi32>], vector<16xf32>,
          %add3A_481 = vector.broadcast %mul3A_416 : i32 to vector<16xi32>
          %add3A_482 = arith.addi %add3A_481, %and3A_82 : vector<16xi32>
          %gather3A_483 = arith.constant 0 : i32
          %gather3A_484 = arith.constant 0 : i32
          %gather3A_485 = tpu.memref_slice %arg5[%scan3A_392, %gather3A_483, %gather3A_484] : memref<2x64x256xf32, #tpu.memory_space<vmem>> -> memref<1x64x256xf32, #tpu.memory_space<vmem>>
          %gather3A_486 = tpu.memref_squeeze %gather3A_485 : memref<1x64x256xf32, #tpu.memory_space<vmem>> -> memref<64x256xf32, #tpu.memory_space<vmem>>
          %gather3A_487 = tpu.vector_load_idx %gather3A_486[%add3A_264, %add3A_482] : memref<64x256xf32, #tpu.memory_space<vmem>>[vector<16xi32>, vector<16xi32>], vector<16xf32>,
          %add3A_488 = vector.broadcast %mul3A_416 : i32 to vector<16xi32>
          %add3A_489 = arith.addi %add3A_488, %and3A_88 : vector<16xi32>
          %gather3A_490 = arith.constant 0 : i32
          %gather3A_491 = arith.constant 0 : i32
          %gather3A_492 = tpu.memref_slice %arg5[%scan3A_392, %gather3A_490, %gather3A_491] : memref<2x64x256xf32, #tpu.memory_space<vmem>> -> memref<1x64x256xf32, #tpu.memory_space<vmem>>
          %gather3A_493 = tpu.memref_squeeze %gather3A_492 : memref<1x64x256xf32, #tpu.memory_space<vmem>> -> memref<64x256xf32, #tpu.memory_space<vmem>>
          %gather3A_494 = tpu.vector_load_idx %gather3A_493[%add3A_264, %add3A_489] : memref<64x256xf32, #tpu.memory_space<vmem>>[vector<16xi32>, vector<16xi32>], vector<16xf32>,
          %add3A_495 = vector.broadcast %mul3A_416 : i32 to vector<16xi32>
          %add3A_496 = arith.addi %add3A_495, %and3A_94 : vector<16xi32>
          %gather3A_497 = arith.constant 0 : i32
          %gather3A_498 = arith.constant 0 : i32
          %gather3A_499 = tpu.memref_slice %arg5[%scan3A_392, %gather3A_497, %gather3A_498] : memref<2x64x256xf32, #tpu.memory_space<vmem>> -> memref<1x64x256xf32, #tpu.memory_space<vmem>>
          %gather3A_500 = tpu.memref_squeeze %gather3A_499 : memref<1x64x256xf32, #tpu.memory_space<vmem>> -> memref<64x256xf32, #tpu.memory_space<vmem>>
          %gather3A_501 = tpu.vector_load_idx %gather3A_500[%add3A_264, %add3A_496] : memref<64x256xf32, #tpu.memory_space<vmem>>[vector<16xi32>, vector<16xi32>], vector<16xf32>,
          %add3A_502 = vector.broadcast %mul3A_416 : i32 to vector<16xi32>
          %add3A_503 = arith.addi %add3A_502, %and3A_100 : vector<16xi32>
          %gather3A_504 = arith.constant 0 : i32
          %gather3A_505 = arith.constant 0 : i32
          %gather3A_506 = tpu.memref_slice %arg5[%scan3A_392, %gather3A_504, %gather3A_505] : memref<2x64x256xf32, #tpu.memory_space<vmem>> -> memref<1x64x256xf32, #tpu.memory_space<vmem>>
          %gather3A_507 = tpu.memref_squeeze %gather3A_506 : memref<1x64x256xf32, #tpu.memory_space<vmem>> -> memref<64x256xf32, #tpu.memory_space<vmem>>
          %gather3A_508 = tpu.vector_load_idx %gather3A_507[%add3A_264, %add3A_503] : memref<64x256xf32, #tpu.memory_space<vmem>>[vector<16xi32>, vector<16xi32>], vector<16xf32>,
          %add3A_509 = vector.broadcast %mul3A_416 : i32 to vector<16xi32>
          %add3A_510 = arith.addi %add3A_509, %and3A_106 : vector<16xi32>
          %gather3A_511 = arith.constant 0 : i32
          %gather3A_512 = arith.constant 0 : i32
          %gather3A_513 = tpu.memref_slice %arg5[%scan3A_392, %gather3A_511, %gather3A_512] : memref<2x64x256xf32, #tpu.memory_space<vmem>> -> memref<1x64x256xf32, #tpu.memory_space<vmem>>
          %gather3A_514 = tpu.memref_squeeze %gather3A_513 : memref<1x64x256xf32, #tpu.memory_space<vmem>> -> memref<64x256xf32, #tpu.memory_space<vmem>>
          %gather3A_515 = tpu.vector_load_idx %gather3A_514[%add3A_264, %add3A_510] : memref<64x256xf32, #tpu.memory_space<vmem>>[vector<16xi32>, vector<16xi32>], vector<16xf32>,
          %add3A_516 = vector.broadcast %mul3A_416 : i32 to vector<16xi32>
          %add3A_517 = arith.addi %add3A_516, %and3A_112 : vector<16xi32>
          %gather3A_518 = arith.constant 0 : i32
          %gather3A_519 = arith.constant 0 : i32
          %gather3A_520 = tpu.memref_slice %arg5[%scan3A_392, %gather3A_518, %gather3A_519] : memref<2x64x256xf32, #tpu.memory_space<vmem>> -> memref<1x64x256xf32, #tpu.memory_space<vmem>>
          %gather3A_521 = tpu.memref_squeeze %gather3A_520 : memref<1x64x256xf32, #tpu.memory_space<vmem>> -> memref<64x256xf32, #tpu.memory_space<vmem>>
          %gather3A_522 = tpu.vector_load_idx %gather3A_521[%add3A_264, %add3A_517] : memref<64x256xf32, #tpu.memory_space<vmem>>[vector<16xi32>, vector<16xi32>], vector<16xf32>,
          %add3A_523 = vector.broadcast %mul3A_416 : i32 to vector<16xi32>
          %add3A_524 = arith.addi %add3A_523, %and3A_118 : vector<16xi32>
          %gather3A_525 = arith.constant 0 : i32
          %gather3A_526 = arith.constant 0 : i32
          %gather3A_527 = tpu.memref_slice %arg5[%scan3A_392, %gather3A_525, %gather3A_526] : memref<2x64x256xf32, #tpu.memory_space<vmem>> -> memref<1x64x256xf32, #tpu.memory_space<vmem>>
          %gather3A_528 = tpu.memref_squeeze %gather3A_527 : memref<1x64x256xf32, #tpu.memory_space<vmem>> -> memref<64x256xf32, #tpu.memory_space<vmem>>
          %gather3A_529 = tpu.vector_load_idx %gather3A_528[%add3A_264, %add3A_524] : memref<64x256xf32, #tpu.memory_space<vmem>>[vector<16xi32>, vector<16xi32>], vector<16xf32>,
          %add3A_530 = vector.broadcast %mul3A_418 : i32 to vector<16xi32>
          %add3A_531 = arith.addi %add3A_530, %shift_right_arithmetic3A_120 : vector<16xi32>
          %add3A_532 = arith.addi %mul3A_171, %add3A_264 : vector<16xi32>
          %scatter3A = arith.constant 0 : i32
          %scatter3A_533 = arith.constant 0 : i32
          %scatter3A_534 = tpu.memref_slice %arg6[%scan3A_393, %scatter3A, %scatter3A_533] : memref<2x128x128xf32, #tpu.memory_space<vmem>> -> memref<1x128x128xf32, #tpu.memory_space<vmem>>
          %scatter3A_535 = tpu.memref_squeeze %scatter3A_534 : memref<1x128x128xf32, #tpu.memory_space<vmem>> -> memref<128x128xf32, #tpu.memory_space<vmem>>
          tpu.vector_store_idx %scatter3A_535[%add3A_531, %add3A_532], %gather3A_424 : memref<128x128xf32, #tpu.memory_space<vmem>>[vector<16xi32>, vector<16xi32>], vector<16xf32>,
          %add3A_536 = vector.broadcast %mul3A_418 : i32 to vector<16xi32>
          %add3A_537 = arith.addi %add3A_536, %shift_right_arithmetic3A_123 : vector<16xi32>
          %add3A_538 = arith.addi %mul3A_177, %add3A_264 : vector<16xi32>
          %scatter3A_539 = arith.constant 0 : i32
          %scatter3A_540 = arith.constant 0 : i32
          %scatter3A_541 = tpu.memref_slice %arg6[%scan3A_393, %scatter3A_539, %scatter3A_540] : memref<2x128x128xf32, #tpu.memory_space<vmem>> -> memref<1x128x128xf32, #tpu.memory_space<vmem>>
          %scatter3A_542 = tpu.memref_squeeze %scatter3A_541 : memref<1x128x128xf32, #tpu.memory_space<vmem>> -> memref<128x128xf32, #tpu.memory_space<vmem>>
          tpu.vector_store_idx %scatter3A_542[%add3A_537, %add3A_538], %gather3A_431 : memref<128x128xf32, #tpu.memory_space<vmem>>[vector<16xi32>, vector<16xi32>], vector<16xf32>,
          %add3A_543 = vector.broadcast %mul3A_418 : i32 to vector<16xi32>
          %add3A_544 = arith.addi %add3A_543, %shift_right_arithmetic3A_126 : vector<16xi32>
          %add3A_545 = arith.addi %mul3A_183, %add3A_264 : vector<16xi32>
          %scatter3A_546 = arith.constant 0 : i32
          %scatter3A_547 = arith.constant 0 : i32
          %scatter3A_548 = tpu.memref_slice %arg6[%scan3A_393, %scatter3A_546, %scatter3A_547] : memref<2x128x128xf32, #tpu.memory_space<vmem>> -> memref<1x128x128xf32, #tpu.memory_space<vmem>>
          %scatter3A_549 = tpu.memref_squeeze %scatter3A_548 : memref<1x128x128xf32, #tpu.memory_space<vmem>> -> memref<128x128xf32, #tpu.memory_space<vmem>>
          tpu.vector_store_idx %scatter3A_549[%add3A_544, %add3A_545], %gather3A_438 : memref<128x128xf32, #tpu.memory_space<vmem>>[vector<16xi32>, vector<16xi32>], vector<16xf32>,
          %add3A_550 = vector.broadcast %mul3A_418 : i32 to vector<16xi32>
          %add3A_551 = arith.addi %add3A_550, %shift_right_arithmetic3A_129 : vector<16xi32>
          %add3A_552 = arith.addi %mul3A_189, %add3A_264 : vector<16xi32>
          %scatter3A_553 = arith.constant 0 : i32
          %scatter3A_554 = arith.constant 0 : i32
          %scatter3A_555 = tpu.memref_slice %arg6[%scan3A_393, %scatter3A_553, %scatter3A_554] : memref<2x128x128xf32, #tpu.memory_space<vmem>> -> memref<1x128x128xf32, #tpu.memory_space<vmem>>
          %scatter3A_556 = tpu.memref_squeeze %scatter3A_555 : memref<1x128x128xf32, #tpu.memory_space<vmem>> -> memref<128x128xf32, #tpu.memory_space<vmem>>
          tpu.vector_store_idx %scatter3A_556[%add3A_551, %add3A_552], %gather3A_445 : memref<128x128xf32, #tpu.memory_space<vmem>>[vector<16xi32>, vector<16xi32>], vector<16xf32>,
          %add3A_557 = vector.broadcast %mul3A_418 : i32 to vector<16xi32>
          %add3A_558 = arith.addi %add3A_557, %shift_right_arithmetic3A_132 : vector<16xi32>
          %add3A_559 = arith.addi %mul3A_195, %add3A_264 : vector<16xi32>
          %scatter3A_560 = arith.constant 0 : i32
          %scatter3A_561 = arith.constant 0 : i32
          %scatter3A_562 = tpu.memref_slice %arg6[%scan3A_393, %scatter3A_560, %scatter3A_561] : memref<2x128x128xf32, #tpu.memory_space<vmem>> -> memref<1x128x128xf32, #tpu.memory_space<vmem>>
          %scatter3A_563 = tpu.memref_squeeze %scatter3A_562 : memref<1x128x128xf32, #tpu.memory_space<vmem>> -> memref<128x128xf32, #tpu.memory_space<vmem>>
          tpu.vector_store_idx %scatter3A_563[%add3A_558, %add3A_559], %gather3A_452 : memref<128x128xf32, #tpu.memory_space<vmem>>[vector<16xi32>, vector<16xi32>], vector<16xf32>,
          %add3A_564 = vector.broadcast %mul3A_418 : i32 to vector<16xi32>
          %add3A_565 = arith.addi %add3A_564, %shift_right_arithmetic3A_135 : vector<16xi32>
          %add3A_566 = arith.addi %mul3A_201, %add3A_264 : vector<16xi32>
          %scatter3A_567 = arith.constant 0 : i32
          %scatter3A_568 = arith.constant 0 : i32
          %scatter3A_569 = tpu.memref_slice %arg6[%scan3A_393, %scatter3A_567, %scatter3A_568] : memref<2x128x128xf32, #tpu.memory_space<vmem>> -> memref<1x128x128xf32, #tpu.memory_space<vmem>>
          %scatter3A_570 = tpu.memref_squeeze %scatter3A_569 : memref<1x128x128xf32, #tpu.memory_space<vmem>> -> memref<128x128xf32, #tpu.memory_space<vmem>>
          tpu.vector_store_idx %scatter3A_570[%add3A_565, %add3A_566], %gather3A_459 : memref<128x128xf32, #tpu.memory_space<vmem>>[vector<16xi32>, vector<16xi32>], vector<16xf32>,
          %add3A_571 = vector.broadcast %mul3A_418 : i32 to vector<16xi32>
          %add3A_572 = arith.addi %add3A_571, %shift_right_arithmetic3A_138 : vector<16xi32>
          %add3A_573 = arith.addi %mul3A_207, %add3A_264 : vector<16xi32>
          %scatter3A_574 = arith.constant 0 : i32
          %scatter3A_575 = arith.constant 0 : i32
          %scatter3A_576 = tpu.memref_slice %arg6[%scan3A_393, %scatter3A_574, %scatter3A_575] : memref<2x128x128xf32, #tpu.memory_space<vmem>> -> memref<1x128x128xf32, #tpu.memory_space<vmem>>
          %scatter3A_577 = tpu.memref_squeeze %scatter3A_576 : memref<1x128x128xf32, #tpu.memory_space<vmem>> -> memref<128x128xf32, #tpu.memory_space<vmem>>
          tpu.vector_store_idx %scatter3A_577[%add3A_572, %add3A_573], %gather3A_466 : memref<128x128xf32, #tpu.memory_space<vmem>>[vector<16xi32>, vector<16xi32>], vector<16xf32>,
          %add3A_578 = vector.broadcast %mul3A_418 : i32 to vector<16xi32>
          %add3A_579 = arith.addi %add3A_578, %shift_right_arithmetic3A_141 : vector<16xi32>
          %add3A_580 = arith.addi %mul3A_213, %add3A_264 : vector<16xi32>
          %scatter3A_581 = arith.constant 0 : i32
          %scatter3A_582 = arith.constant 0 : i32
          %scatter3A_583 = tpu.memref_slice %arg6[%scan3A_393, %scatter3A_581, %scatter3A_582] : memref<2x128x128xf32, #tpu.memory_space<vmem>> -> memref<1x128x128xf32, #tpu.memory_space<vmem>>
          %scatter3A_584 = tpu.memref_squeeze %scatter3A_583 : memref<1x128x128xf32, #tpu.memory_space<vmem>> -> memref<128x128xf32, #tpu.memory_space<vmem>>
          tpu.vector_store_idx %scatter3A_584[%add3A_579, %add3A_580], %gather3A_473 : memref<128x128xf32, #tpu.memory_space<vmem>>[vector<16xi32>, vector<16xi32>], vector<16xf32>,
          %add3A_585 = vector.broadcast %mul3A_418 : i32 to vector<16xi32>
          %add3A_586 = arith.addi %add3A_585, %shift_right_arithmetic3A_144 : vector<16xi32>
          %add3A_587 = arith.addi %mul3A_219, %add3A_264 : vector<16xi32>
          %scatter3A_588 = arith.constant 0 : i32
          %scatter3A_589 = arith.constant 0 : i32
          %scatter3A_590 = tpu.memref_slice %arg6[%scan3A_393, %scatter3A_588, %scatter3A_589] : memref<2x128x128xf32, #tpu.memory_space<vmem>> -> memref<1x128x128xf32, #tpu.memory_space<vmem>>
          %scatter3A_591 = tpu.memref_squeeze %scatter3A_590 : memref<1x128x128xf32, #tpu.memory_space<vmem>> -> memref<128x128xf32, #tpu.memory_space<vmem>>
          tpu.vector_store_idx %scatter3A_591[%add3A_586, %add3A_587], %gather3A_480 : memref<128x128xf32, #tpu.memory_space<vmem>>[vector<16xi32>, vector<16xi32>], vector<16xf32>,
          %add3A_592 = vector.broadcast %mul3A_418 : i32 to vector<16xi32>
          %add3A_593 = arith.addi %add3A_592, %shift_right_arithmetic3A_147 : vector<16xi32>
          %add3A_594 = arith.addi %mul3A_225, %add3A_264 : vector<16xi32>
          %scatter3A_595 = arith.constant 0 : i32
          %scatter3A_596 = arith.constant 0 : i32
          %scatter3A_597 = tpu.memref_slice %arg6[%scan3A_393, %scatter3A_595, %scatter3A_596] : memref<2x128x128xf32, #tpu.memory_space<vmem>> -> memref<1x128x128xf32, #tpu.memory_space<vmem>>
          %scatter3A_598 = tpu.memref_squeeze %scatter3A_597 : memref<1x128x128xf32, #tpu.memory_space<vmem>> -> memref<128x128xf32, #tpu.memory_space<vmem>>
          tpu.vector_store_idx %scatter3A_598[%add3A_593, %add3A_594], %gather3A_487 : memref<128x128xf32, #tpu.memory_space<vmem>>[vector<16xi32>, vector<16xi32>], vector<16xf32>,
          %add3A_599 = vector.broadcast %mul3A_418 : i32 to vector<16xi32>
          %add3A_600 = arith.addi %add3A_599, %shift_right_arithmetic3A_150 : vector<16xi32>
          %add3A_601 = arith.addi %mul3A_231, %add3A_264 : vector<16xi32>
          %scatter3A_602 = arith.constant 0 : i32
          %scatter3A_603 = arith.constant 0 : i32
          %scatter3A_604 = tpu.memref_slice %arg6[%scan3A_393, %scatter3A_602, %scatter3A_603] : memref<2x128x128xf32, #tpu.memory_space<vmem>> -> memref<1x128x128xf32, #tpu.memory_space<vmem>>
          %scatter3A_605 = tpu.memref_squeeze %scatter3A_604 : memref<1x128x128xf32, #tpu.memory_space<vmem>> -> memref<128x128xf32, #tpu.memory_space<vmem>>
          tpu.vector_store_idx %scatter3A_605[%add3A_600, %add3A_601], %gather3A_494 : memref<128x128xf32, #tpu.memory_space<vmem>>[vector<16xi32>, vector<16xi32>], vector<16xf32>,
          %add3A_606 = vector.broadcast %mul3A_418 : i32 to vector<16xi32>
          %add3A_607 = arith.addi %add3A_606, %shift_right_arithmetic3A_153 : vector<16xi32>
          %add3A_608 = arith.addi %mul3A_237, %add3A_264 : vector<16xi32>
          %scatter3A_609 = arith.constant 0 : i32
          %scatter3A_610 = arith.constant 0 : i32
          %scatter3A_611 = tpu.memref_slice %arg6[%scan3A_393, %scatter3A_609, %scatter3A_610] : memref<2x128x128xf32, #tpu.memory_space<vmem>> -> memref<1x128x128xf32, #tpu.memory_space<vmem>>
          %scatter3A_612 = tpu.memref_squeeze %scatter3A_611 : memref<1x128x128xf32, #tpu.memory_space<vmem>> -> memref<128x128xf32, #tpu.memory_space<vmem>>
          tpu.vector_store_idx %scatter3A_612[%add3A_607, %add3A_608], %gather3A_501 : memref<128x128xf32, #tpu.memory_space<vmem>>[vector<16xi32>, vector<16xi32>], vector<16xf32>,
          %add3A_613 = vector.broadcast %mul3A_418 : i32 to vector<16xi32>
          %add3A_614 = arith.addi %add3A_613, %shift_right_arithmetic3A_156 : vector<16xi32>
          %add3A_615 = arith.addi %mul3A_243, %add3A_264 : vector<16xi32>
          %scatter3A_616 = arith.constant 0 : i32
          %scatter3A_617 = arith.constant 0 : i32
          %scatter3A_618 = tpu.memref_slice %arg6[%scan3A_393, %scatter3A_616, %scatter3A_617] : memref<2x128x128xf32, #tpu.memory_space<vmem>> -> memref<1x128x128xf32, #tpu.memory_space<vmem>>
          %scatter3A_619 = tpu.memref_squeeze %scatter3A_618 : memref<1x128x128xf32, #tpu.memory_space<vmem>> -> memref<128x128xf32, #tpu.memory_space<vmem>>
          tpu.vector_store_idx %scatter3A_619[%add3A_614, %add3A_615], %gather3A_508 : memref<128x128xf32, #tpu.memory_space<vmem>>[vector<16xi32>, vector<16xi32>], vector<16xf32>,
          %add3A_620 = vector.broadcast %mul3A_418 : i32 to vector<16xi32>
          %add3A_621 = arith.addi %add3A_620, %shift_right_arithmetic3A_159 : vector<16xi32>
          %add3A_622 = arith.addi %mul3A_249, %add3A_264 : vector<16xi32>
          %scatter3A_623 = arith.constant 0 : i32
          %scatter3A_624 = arith.constant 0 : i32
          %scatter3A_625 = tpu.memref_slice %arg6[%scan3A_393, %scatter3A_623, %scatter3A_624] : memref<2x128x128xf32, #tpu.memory_space<vmem>> -> memref<1x128x128xf32, #tpu.memory_space<vmem>>
          %scatter3A_626 = tpu.memref_squeeze %scatter3A_625 : memref<1x128x128xf32, #tpu.memory_space<vmem>> -> memref<128x128xf32, #tpu.memory_space<vmem>>
          tpu.vector_store_idx %scatter3A_626[%add3A_621, %add3A_622], %gather3A_515 : memref<128x128xf32, #tpu.memory_space<vmem>>[vector<16xi32>, vector<16xi32>], vector<16xf32>,
          %add3A_627 = vector.broadcast %mul3A_418 : i32 to vector<16xi32>
          %add3A_628 = arith.addi %add3A_627, %shift_right_arithmetic3A_162 : vector<16xi32>
          %add3A_629 = arith.addi %mul3A_255, %add3A_264 : vector<16xi32>
          %scatter3A_630 = arith.constant 0 : i32
          %scatter3A_631 = arith.constant 0 : i32
          %scatter3A_632 = tpu.memref_slice %arg6[%scan3A_393, %scatter3A_630, %scatter3A_631] : memref<2x128x128xf32, #tpu.memory_space<vmem>> -> memref<1x128x128xf32, #tpu.memory_space<vmem>>
          %scatter3A_633 = tpu.memref_squeeze %scatter3A_632 : memref<1x128x128xf32, #tpu.memory_space<vmem>> -> memref<128x128xf32, #tpu.memory_space<vmem>>
          tpu.vector_store_idx %scatter3A_633[%add3A_628, %add3A_629], %gather3A_522 : memref<128x128xf32, #tpu.memory_space<vmem>>[vector<16xi32>, vector<16xi32>], vector<16xf32>,
          %add3A_634 = vector.broadcast %mul3A_418 : i32 to vector<16xi32>
          %add3A_635 = arith.addi %add3A_634, %shift_right_arithmetic3A_165 : vector<16xi32>
          %add3A_636 = arith.addi %mul3A_261, %add3A_264 : vector<16xi32>
          %scatter3A_637 = arith.constant 0 : i32
          %scatter3A_638 = arith.constant 0 : i32
          %scatter3A_639 = tpu.memref_slice %arg6[%scan3A_393, %scatter3A_637, %scatter3A_638] : memref<2x128x128xf32, #tpu.memory_space<vmem>> -> memref<1x128x128xf32, #tpu.memory_space<vmem>>
          %scatter3A_640 = tpu.memref_squeeze %scatter3A_639 : memref<1x128x128xf32, #tpu.memory_space<vmem>> -> memref<128x128xf32, #tpu.memory_space<vmem>>
          tpu.vector_store_idx %scatter3A_640[%add3A_635, %add3A_636], %gather3A_529 : memref<128x128xf32, #tpu.memory_space<vmem>>[vector<16xi32>, vector<16xi32>], vector<16xf32>,
          %add3A_641 = vector.broadcast %mul3A_416 : i32 to vector<16xi32>
          %add3A_642 = arith.addi %add3A_641, %and3A_28 : vector<16xi32>
          %gather3A_643 = arith.constant 0 : i32
          %gather3A_644 = arith.constant 0 : i32
          %gather3A_645 = tpu.memref_slice %arg5[%scan3A_392, %gather3A_643, %gather3A_644] : memref<2x64x256xf32, #tpu.memory_space<vmem>> -> memref<1x64x256xf32, #tpu.memory_space<vmem>>
          %gather3A_646 = tpu.memref_squeeze %gather3A_645 : memref<1x64x256xf32, #tpu.memory_space<vmem>> -> memref<64x256xf32, #tpu.memory_space<vmem>>
          %gather3A_647 = tpu.vector_load_idx %gather3A_646[%add3A_267, %add3A_642] : memref<64x256xf32, #tpu.memory_space<vmem>>[vector<16xi32>, vector<16xi32>], vector<16xf32>,
          %add3A_648 = vector.broadcast %mul3A_416 : i32 to vector<16xi32>
          %add3A_649 = arith.addi %add3A_648, %and3A_34 : vector<16xi32>
          %gather3A_650 = arith.constant 0 : i32
          %gather3A_651 = arith.constant 0 : i32
          %gather3A_652 = tpu.memref_slice %arg5[%scan3A_392, %gather3A_650, %gather3A_651] : memref<2x64x256xf32, #tpu.memory_space<vmem>> -> memref<1x64x256xf32, #tpu.memory_space<vmem>>
          %gather3A_653 = tpu.memref_squeeze %gather3A_652 : memref<1x64x256xf32, #tpu.memory_space<vmem>> -> memref<64x256xf32, #tpu.memory_space<vmem>>
          %gather3A_654 = tpu.vector_load_idx %gather3A_653[%add3A_267, %add3A_649] : memref<64x256xf32, #tpu.memory_space<vmem>>[vector<16xi32>, vector<16xi32>], vector<16xf32>,
          %add3A_655 = vector.broadcast %mul3A_416 : i32 to vector<16xi32>
          %add3A_656 = arith.addi %add3A_655, %and3A_40 : vector<16xi32>
          %gather3A_657 = arith.constant 0 : i32
          %gather3A_658 = arith.constant 0 : i32
          %gather3A_659 = tpu.memref_slice %arg5[%scan3A_392, %gather3A_657, %gather3A_658] : memref<2x64x256xf32, #tpu.memory_space<vmem>> -> memref<1x64x256xf32, #tpu.memory_space<vmem>>
          %gather3A_660 = tpu.memref_squeeze %gather3A_659 : memref<1x64x256xf32, #tpu.memory_space<vmem>> -> memref<64x256xf32, #tpu.memory_space<vmem>>
          %gather3A_661 = tpu.vector_load_idx %gather3A_660[%add3A_267, %add3A_656] : memref<64x256xf32, #tpu.memory_space<vmem>>[vector<16xi32>, vector<16xi32>], vector<16xf32>,
          %add3A_662 = vector.broadcast %mul3A_416 : i32 to vector<16xi32>
          %add3A_663 = arith.addi %add3A_662, %and3A_46 : vector<16xi32>
          %gather3A_664 = arith.constant 0 : i32
          %gather3A_665 = arith.constant 0 : i32
          %gather3A_666 = tpu.memref_slice %arg5[%scan3A_392, %gather3A_664, %gather3A_665] : memref<2x64x256xf32, #tpu.memory_space<vmem>> -> memref<1x64x256xf32, #tpu.memory_space<vmem>>
          %gather3A_667 = tpu.memref_squeeze %gather3A_666 : memref<1x64x256xf32, #tpu.memory_space<vmem>> -> memref<64x256xf32, #tpu.memory_space<vmem>>
          %gather3A_668 = tpu.vector_load_idx %gather3A_667[%add3A_267, %add3A_663] : memref<64x256xf32, #tpu.memory_space<vmem>>[vector<16xi32>, vector<16xi32>], vector<16xf32>,
          %add3A_669 = vector.broadcast %mul3A_416 : i32 to vector<16xi32>
          %add3A_670 = arith.addi %add3A_669, %and3A_52 : vector<16xi32>
          %gather3A_671 = arith.constant 0 : i32
          %gather3A_672 = arith.constant 0 : i32
          %gather3A_673 = tpu.memref_slice %arg5[%scan3A_392, %gather3A_671, %gather3A_672] : memref<2x64x256xf32, #tpu.memory_space<vmem>> -> memref<1x64x256xf32, #tpu.memory_space<vmem>>
          %gather3A_674 = tpu.memref_squeeze %gather3A_673 : memref<1x64x256xf32, #tpu.memory_space<vmem>> -> memref<64x256xf32, #tpu.memory_space<vmem>>
          %gather3A_675 = tpu.vector_load_idx %gather3A_674[%add3A_267, %add3A_670] : memref<64x256xf32, #tpu.memory_space<vmem>>[vector<16xi32>, vector<16xi32>], vector<16xf32>,
          %add3A_676 = vector.broadcast %mul3A_416 : i32 to vector<16xi32>
          %add3A_677 = arith.addi %add3A_676, %and3A_58 : vector<16xi32>
          %gather3A_678 = arith.constant 0 : i32
          %gather3A_679 = arith.constant 0 : i32
          %gather3A_680 = tpu.memref_slice %arg5[%scan3A_392, %gather3A_678, %gather3A_679] : memref<2x64x256xf32, #tpu.memory_space<vmem>> -> memref<1x64x256xf32, #tpu.memory_space<vmem>>
          %gather3A_681 = tpu.memref_squeeze %gather3A_680 : memref<1x64x256xf32, #tpu.memory_space<vmem>> -> memref<64x256xf32, #tpu.memory_space<vmem>>
          %gather3A_682 = tpu.vector_load_idx %gather3A_681[%add3A_267, %add3A_677] : memref<64x256xf32, #tpu.memory_space<vmem>>[vector<16xi32>, vector<16xi32>], vector<16xf32>,
          %add3A_683 = vector.broadcast %mul3A_416 : i32 to vector<16xi32>
          %add3A_684 = arith.addi %add3A_683, %and3A_64 : vector<16xi32>
          %gather3A_685 = arith.constant 0 : i32
          %gather3A_686 = arith.constant 0 : i32
          %gather3A_687 = tpu.memref_slice %arg5[%scan3A_392, %gather3A_685, %gather3A_686] : memref<2x64x256xf32, #tpu.memory_space<vmem>> -> memref<1x64x256xf32, #tpu.memory_space<vmem>>
          %gather3A_688 = tpu.memref_squeeze %gather3A_687 : memref<1x64x256xf32, #tpu.memory_space<vmem>> -> memref<64x256xf32, #tpu.memory_space<vmem>>
          %gather3A_689 = tpu.vector_load_idx %gather3A_688[%add3A_267, %add3A_684] : memref<64x256xf32, #tpu.memory_space<vmem>>[vector<16xi32>, vector<16xi32>], vector<16xf32>,
          %add3A_690 = vector.broadcast %mul3A_416 : i32 to vector<16xi32>
          %add3A_691 = arith.addi %add3A_690, %and3A_70 : vector<16xi32>
          %gather3A_692 = arith.constant 0 : i32
          %gather3A_693 = arith.constant 0 : i32
          %gather3A_694 = tpu.memref_slice %arg5[%scan3A_392, %gather3A_692, %gather3A_693] : memref<2x64x256xf32, #tpu.memory_space<vmem>> -> memref<1x64x256xf32, #tpu.memory_space<vmem>>
          %gather3A_695 = tpu.memref_squeeze %gather3A_694 : memref<1x64x256xf32, #tpu.memory_space<vmem>> -> memref<64x256xf32, #tpu.memory_space<vmem>>
          %gather3A_696 = tpu.vector_load_idx %gather3A_695[%add3A_267, %add3A_691] : memref<64x256xf32, #tpu.memory_space<vmem>>[vector<16xi32>, vector<16xi32>], vector<16xf32>,
          %add3A_697 = vector.broadcast %mul3A_416 : i32 to vector<16xi32>
          %add3A_698 = arith.addi %add3A_697, %and3A_76 : vector<16xi32>
          %gather3A_699 = arith.constant 0 : i32
          %gather3A_700 = arith.constant 0 : i32
          %gather3A_701 = tpu.memref_slice %arg5[%scan3A_392, %gather3A_699, %gather3A_700] : memref<2x64x256xf32, #tpu.memory_space<vmem>> -> memref<1x64x256xf32, #tpu.memory_space<vmem>>
          %gather3A_702 = tpu.memref_squeeze %gather3A_701 : memref<1x64x256xf32, #tpu.memory_space<vmem>> -> memref<64x256xf32, #tpu.memory_space<vmem>>
          %gather3A_703 = tpu.vector_load_idx %gather3A_702[%add3A_267, %add3A_698] : memref<64x256xf32, #tpu.memory_space<vmem>>[vector<16xi32>, vector<16xi32>], vector<16xf32>,
          %add3A_704 = vector.broadcast %mul3A_416 : i32 to vector<16xi32>
          %add3A_705 = arith.addi %add3A_704, %and3A_82 : vector<16xi32>
          %gather3A_706 = arith.constant 0 : i32
          %gather3A_707 = arith.constant 0 : i32
          %gather3A_708 = tpu.memref_slice %arg5[%scan3A_392, %gather3A_706, %gather3A_707] : memref<2x64x256xf32, #tpu.memory_space<vmem>> -> memref<1x64x256xf32, #tpu.memory_space<vmem>>
          %gather3A_709 = tpu.memref_squeeze %gather3A_708 : memref<1x64x256xf32, #tpu.memory_space<vmem>> -> memref<64x256xf32, #tpu.memory_space<vmem>>
          %gather3A_710 = tpu.vector_load_idx %gather3A_709[%add3A_267, %add3A_705] : memref<64x256xf32, #tpu.memory_space<vmem>>[vector<16xi32>, vector<16xi32>], vector<16xf32>,
          %add3A_711 = vector.broadcast %mul3A_416 : i32 to vector<16xi32>
          %add3A_712 = arith.addi %add3A_711, %and3A_88 : vector<16xi32>
          %gather3A_713 = arith.constant 0 : i32
          %gather3A_714 = arith.constant 0 : i32
          %gather3A_715 = tpu.memref_slice %arg5[%scan3A_392, %gather3A_713, %gather3A_714] : memref<2x64x256xf32, #tpu.memory_space<vmem>> -> memref<1x64x256xf32, #tpu.memory_space<vmem>>
          %gather3A_716 = tpu.memref_squeeze %gather3A_715 : memref<1x64x256xf32, #tpu.memory_space<vmem>> -> memref<64x256xf32, #tpu.memory_space<vmem>>
          %gather3A_717 = tpu.vector_load_idx %gather3A_716[%add3A_267, %add3A_712] : memref<64x256xf32, #tpu.memory_space<vmem>>[vector<16xi32>, vector<16xi32>], vector<16xf32>,
          %add3A_718 = vector.broadcast %mul3A_416 : i32 to vector<16xi32>
          %add3A_719 = arith.addi %add3A_718, %and3A_94 : vector<16xi32>
          %gather3A_720 = arith.constant 0 : i32
          %gather3A_721 = arith.constant 0 : i32
          %gather3A_722 = tpu.memref_slice %arg5[%scan3A_392, %gather3A_720, %gather3A_721] : memref<2x64x256xf32, #tpu.memory_space<vmem>> -> memref<1x64x256xf32, #tpu.memory_space<vmem>>
          %gather3A_723 = tpu.memref_squeeze %gather3A_722 : memref<1x64x256xf32, #tpu.memory_space<vmem>> -> memref<64x256xf32, #tpu.memory_space<vmem>>
          %gather3A_724 = tpu.vector_load_idx %gather3A_723[%add3A_267, %add3A_719] : memref<64x256xf32, #tpu.memory_space<vmem>>[vector<16xi32>, vector<16xi32>], vector<16xf32>,
          %add3A_725 = vector.broadcast %mul3A_416 : i32 to vector<16xi32>
          %add3A_726 = arith.addi %add3A_725, %and3A_100 : vector<16xi32>
          %gather3A_727 = arith.constant 0 : i32
          %gather3A_728 = arith.constant 0 : i32
          %gather3A_729 = tpu.memref_slice %arg5[%scan3A_392, %gather3A_727, %gather3A_728] : memref<2x64x256xf32, #tpu.memory_space<vmem>> -> memref<1x64x256xf32, #tpu.memory_space<vmem>>
          %gather3A_730 = tpu.memref_squeeze %gather3A_729 : memref<1x64x256xf32, #tpu.memory_space<vmem>> -> memref<64x256xf32, #tpu.memory_space<vmem>>
          %gather3A_731 = tpu.vector_load_idx %gather3A_730[%add3A_267, %add3A_726] : memref<64x256xf32, #tpu.memory_space<vmem>>[vector<16xi32>, vector<16xi32>], vector<16xf32>,
          %add3A_732 = vector.broadcast %mul3A_416 : i32 to vector<16xi32>
          %add3A_733 = arith.addi %add3A_732, %and3A_106 : vector<16xi32>
          %gather3A_734 = arith.constant 0 : i32
          %gather3A_735 = arith.constant 0 : i32
          %gather3A_736 = tpu.memref_slice %arg5[%scan3A_392, %gather3A_734, %gather3A_735] : memref<2x64x256xf32, #tpu.memory_space<vmem>> -> memref<1x64x256xf32, #tpu.memory_space<vmem>>
          %gather3A_737 = tpu.memref_squeeze %gather3A_736 : memref<1x64x256xf32, #tpu.memory_space<vmem>> -> memref<64x256xf32, #tpu.memory_space<vmem>>
          %gather3A_738 = tpu.vector_load_idx %gather3A_737[%add3A_267, %add3A_733] : memref<64x256xf32, #tpu.memory_space<vmem>>[vector<16xi32>, vector<16xi32>], vector<16xf32>,
          %add3A_739 = vector.broadcast %mul3A_416 : i32 to vector<16xi32>
          %add3A_740 = arith.addi %add3A_739, %and3A_112 : vector<16xi32>
          %gather3A_741 = arith.constant 0 : i32
          %gather3A_742 = arith.constant 0 : i32
          %gather3A_743 = tpu.memref_slice %arg5[%scan3A_392, %gather3A_741, %gather3A_742] : memref<2x64x256xf32, #tpu.memory_space<vmem>> -> memref<1x64x256xf32, #tpu.memory_space<vmem>>
          %gather3A_744 = tpu.memref_squeeze %gather3A_743 : memref<1x64x256xf32, #tpu.memory_space<vmem>> -> memref<64x256xf32, #tpu.memory_space<vmem>>
          %gather3A_745 = tpu.vector_load_idx %gather3A_744[%add3A_267, %add3A_740] : memref<64x256xf32, #tpu.memory_space<vmem>>[vector<16xi32>, vector<16xi32>], vector<16xf32>,
          %add3A_746 = vector.broadcast %mul3A_416 : i32 to vector<16xi32>
          %add3A_747 = arith.addi %add3A_746, %and3A_118 : vector<16xi32>
          %gather3A_748 = arith.constant 0 : i32
          %gather3A_749 = arith.constant 0 : i32
          %gather3A_750 = tpu.memref_slice %arg5[%scan3A_392, %gather3A_748, %gather3A_749] : memref<2x64x256xf32, #tpu.memory_space<vmem>> -> memref<1x64x256xf32, #tpu.memory_space<vmem>>
          %gather3A_751 = tpu.memref_squeeze %gather3A_750 : memref<1x64x256xf32, #tpu.memory_space<vmem>> -> memref<64x256xf32, #tpu.memory_space<vmem>>
          %gather3A_752 = tpu.vector_load_idx %gather3A_751[%add3A_267, %add3A_747] : memref<64x256xf32, #tpu.memory_space<vmem>>[vector<16xi32>, vector<16xi32>], vector<16xf32>,
          %add3A_753 = vector.broadcast %mul3A_418 : i32 to vector<16xi32>
          %add3A_754 = arith.addi %add3A_753, %shift_right_arithmetic3A_120 : vector<16xi32>
          %add3A_755 = arith.addi %mul3A_171, %add3A_267 : vector<16xi32>
          %scatter3A_756 = arith.constant 0 : i32
          %scatter3A_757 = arith.constant 0 : i32
          %scatter3A_758 = tpu.memref_slice %arg6[%scan3A_393, %scatter3A_756, %scatter3A_757] : memref<2x128x128xf32, #tpu.memory_space<vmem>> -> memref<1x128x128xf32, #tpu.memory_space<vmem>>
          %scatter3A_759 = tpu.memref_squeeze %scatter3A_758 : memref<1x128x128xf32, #tpu.memory_space<vmem>> -> memref<128x128xf32, #tpu.memory_space<vmem>>
          tpu.vector_store_idx %scatter3A_759[%add3A_754, %add3A_755], %gather3A_647 : memref<128x128xf32, #tpu.memory_space<vmem>>[vector<16xi32>, vector<16xi32>], vector<16xf32>,
          %add3A_760 = vector.broadcast %mul3A_418 : i32 to vector<16xi32>
          %add3A_761 = arith.addi %add3A_760, %shift_right_arithmetic3A_123 : vector<16xi32>
          %add3A_762 = arith.addi %mul3A_177, %add3A_267 : vector<16xi32>
          %scatter3A_763 = arith.constant 0 : i32
          %scatter3A_764 = arith.constant 0 : i32
          %scatter3A_765 = tpu.memref_slice %arg6[%scan3A_393, %scatter3A_763, %scatter3A_764] : memref<2x128x128xf32, #tpu.memory_space<vmem>> -> memref<1x128x128xf32, #tpu.memory_space<vmem>>
          %scatter3A_766 = tpu.memref_squeeze %scatter3A_765 : memref<1x128x128xf32, #tpu.memory_space<vmem>> -> memref<128x128xf32, #tpu.memory_space<vmem>>
          tpu.vector_store_idx %scatter3A_766[%add3A_761, %add3A_762], %gather3A_654 : memref<128x128xf32, #tpu.memory_space<vmem>>[vector<16xi32>, vector<16xi32>], vector<16xf32>,
          %add3A_767 = vector.broadcast %mul3A_418 : i32 to vector<16xi32>
          %add3A_768 = arith.addi %add3A_767, %shift_right_arithmetic3A_126 : vector<16xi32>
          %add3A_769 = arith.addi %mul3A_183, %add3A_267 : vector<16xi32>
          %scatter3A_770 = arith.constant 0 : i32
          %scatter3A_771 = arith.constant 0 : i32
          %scatter3A_772 = tpu.memref_slice %arg6[%scan3A_393, %scatter3A_770, %scatter3A_771] : memref<2x128x128xf32, #tpu.memory_space<vmem>> -> memref<1x128x128xf32, #tpu.memory_space<vmem>>
          %scatter3A_773 = tpu.memref_squeeze %scatter3A_772 : memref<1x128x128xf32, #tpu.memory_space<vmem>> -> memref<128x128xf32, #tpu.memory_space<vmem>>
          tpu.vector_store_idx %scatter3A_773[%add3A_768, %add3A_769], %gather3A_661 : memref<128x128xf32, #tpu.memory_space<vmem>>[vector<16xi32>, vector<16xi32>], vector<16xf32>,
          %add3A_774 = vector.broadcast %mul3A_418 : i32 to vector<16xi32>
          %add3A_775 = arith.addi %add3A_774, %shift_right_arithmetic3A_129 : vector<16xi32>
          %add3A_776 = arith.addi %mul3A_189, %add3A_267 : vector<16xi32>
          %scatter3A_777 = arith.constant 0 : i32
          %scatter3A_778 = arith.constant 0 : i32
          %scatter3A_779 = tpu.memref_slice %arg6[%scan3A_393, %scatter3A_777, %scatter3A_778] : memref<2x128x128xf32, #tpu.memory_space<vmem>> -> memref<1x128x128xf32, #tpu.memory_space<vmem>>
          %scatter3A_780 = tpu.memref_squeeze %scatter3A_779 : memref<1x128x128xf32, #tpu.memory_space<vmem>> -> memref<128x128xf32, #tpu.memory_space<vmem>>
          tpu.vector_store_idx %scatter3A_780[%add3A_775, %add3A_776], %gather3A_668 : memref<128x128xf32, #tpu.memory_space<vmem>>[vector<16xi32>, vector<16xi32>], vector<16xf32>,
          %add3A_781 = vector.broadcast %mul3A_418 : i32 to vector<16xi32>
          %add3A_782 = arith.addi %add3A_781, %shift_right_arithmetic3A_132 : vector<16xi32>
          %add3A_783 = arith.addi %mul3A_195, %add3A_267 : vector<16xi32>
          %scatter3A_784 = arith.constant 0 : i32
          %scatter3A_785 = arith.constant 0 : i32
          %scatter3A_786 = tpu.memref_slice %arg6[%scan3A_393, %scatter3A_784, %scatter3A_785] : memref<2x128x128xf32, #tpu.memory_space<vmem>> -> memref<1x128x128xf32, #tpu.memory_space<vmem>>
          %scatter3A_787 = tpu.memref_squeeze %scatter3A_786 : memref<1x128x128xf32, #tpu.memory_space<vmem>> -> memref<128x128xf32, #tpu.memory_space<vmem>>
          tpu.vector_store_idx %scatter3A_787[%add3A_782, %add3A_783], %gather3A_675 : memref<128x128xf32, #tpu.memory_space<vmem>>[vector<16xi32>, vector<16xi32>], vector<16xf32>,
          %add3A_788 = vector.broadcast %mul3A_418 : i32 to vector<16xi32>
          %add3A_789 = arith.addi %add3A_788, %shift_right_arithmetic3A_135 : vector<16xi32>
          %add3A_790 = arith.addi %mul3A_201, %add3A_267 : vector<16xi32>
          %scatter3A_791 = arith.constant 0 : i32
          %scatter3A_792 = arith.constant 0 : i32
          %scatter3A_793 = tpu.memref_slice %arg6[%scan3A_393, %scatter3A_791, %scatter3A_792] : memref<2x128x128xf32, #tpu.memory_space<vmem>> -> memref<1x128x128xf32, #tpu.memory_space<vmem>>
          %scatter3A_794 = tpu.memref_squeeze %scatter3A_793 : memref<1x128x128xf32, #tpu.memory_space<vmem>> -> memref<128x128xf32, #tpu.memory_space<vmem>>
          tpu.vector_store_idx %scatter3A_794[%add3A_789, %add3A_790], %gather3A_682 : memref<128x128xf32, #tpu.memory_space<vmem>>[vector<16xi32>, vector<16xi32>], vector<16xf32>,
          %add3A_795 = vector.broadcast %mul3A_418 : i32 to vector<16xi32>
          %add3A_796 = arith.addi %add3A_795, %shift_right_arithmetic3A_138 : vector<16xi32>
          %add3A_797 = arith.addi %mul3A_207, %add3A_267 : vector<16xi32>
          %scatter3A_798 = arith.constant 0 : i32
          %scatter3A_799 = arith.constant 0 : i32
          %scatter3A_800 = tpu.memref_slice %arg6[%scan3A_393, %scatter3A_798, %scatter3A_799] : memref<2x128x128xf32, #tpu.memory_space<vmem>> -> memref<1x128x128xf32, #tpu.memory_space<vmem>>
          %scatter3A_801 = tpu.memref_squeeze %scatter3A_800 : memref<1x128x128xf32, #tpu.memory_space<vmem>> -> memref<128x128xf32, #tpu.memory_space<vmem>>
          tpu.vector_store_idx %scatter3A_801[%add3A_796, %add3A_797], %gather3A_689 : memref<128x128xf32, #tpu.memory_space<vmem>>[vector<16xi32>, vector<16xi32>], vector<16xf32>,
          %add3A_802 = vector.broadcast %mul3A_418 : i32 to vector<16xi32>
          %add3A_803 = arith.addi %add3A_802, %shift_right_arithmetic3A_141 : vector<16xi32>
          %add3A_804 = arith.addi %mul3A_213, %add3A_267 : vector<16xi32>
          %scatter3A_805 = arith.constant 0 : i32
          %scatter3A_806 = arith.constant 0 : i32
          %scatter3A_807 = tpu.memref_slice %arg6[%scan3A_393, %scatter3A_805, %scatter3A_806] : memref<2x128x128xf32, #tpu.memory_space<vmem>> -> memref<1x128x128xf32, #tpu.memory_space<vmem>>
          %scatter3A_808 = tpu.memref_squeeze %scatter3A_807 : memref<1x128x128xf32, #tpu.memory_space<vmem>> -> memref<128x128xf32, #tpu.memory_space<vmem>>
          tpu.vector_store_idx %scatter3A_808[%add3A_803, %add3A_804], %gather3A_696 : memref<128x128xf32, #tpu.memory_space<vmem>>[vector<16xi32>, vector<16xi32>], vector<16xf32>,
          %add3A_809 = vector.broadcast %mul3A_418 : i32 to vector<16xi32>
          %add3A_810 = arith.addi %add3A_809, %shift_right_arithmetic3A_144 : vector<16xi32>
          %add3A_811 = arith.addi %mul3A_219, %add3A_267 : vector<16xi32>
          %scatter3A_812 = arith.constant 0 : i32
          %scatter3A_813 = arith.constant 0 : i32
          %scatter3A_814 = tpu.memref_slice %arg6[%scan3A_393, %scatter3A_812, %scatter3A_813] : memref<2x128x128xf32, #tpu.memory_space<vmem>> -> memref<1x128x128xf32, #tpu.memory_space<vmem>>
          %scatter3A_815 = tpu.memref_squeeze %scatter3A_814 : memref<1x128x128xf32, #tpu.memory_space<vmem>> -> memref<128x128xf32, #tpu.memory_space<vmem>>
          tpu.vector_store_idx %scatter3A_815[%add3A_810, %add3A_811], %gather3A_703 : memref<128x128xf32, #tpu.memory_space<vmem>>[vector<16xi32>, vector<16xi32>], vector<16xf32>,
          %add3A_816 = vector.broadcast %mul3A_418 : i32 to vector<16xi32>
          %add3A_817 = arith.addi %add3A_816, %shift_right_arithmetic3A_147 : vector<16xi32>
          %add3A_818 = arith.addi %mul3A_225, %add3A_267 : vector<16xi32>
          %scatter3A_819 = arith.constant 0 : i32
          %scatter3A_820 = arith.constant 0 : i32
          %scatter3A_821 = tpu.memref_slice %arg6[%scan3A_393, %scatter3A_819, %scatter3A_820] : memref<2x128x128xf32, #tpu.memory_space<vmem>> -> memref<1x128x128xf32, #tpu.memory_space<vmem>>
          %scatter3A_822 = tpu.memref_squeeze %scatter3A_821 : memref<1x128x128xf32, #tpu.memory_space<vmem>> -> memref<128x128xf32, #tpu.memory_space<vmem>>
          tpu.vector_store_idx %scatter3A_822[%add3A_817, %add3A_818], %gather3A_710 : memref<128x128xf32, #tpu.memory_space<vmem>>[vector<16xi32>, vector<16xi32>], vector<16xf32>,
          %add3A_823 = vector.broadcast %mul3A_418 : i32 to vector<16xi32>
          %add3A_824 = arith.addi %add3A_823, %shift_right_arithmetic3A_150 : vector<16xi32>
          %add3A_825 = arith.addi %mul3A_231, %add3A_267 : vector<16xi32>
          %scatter3A_826 = arith.constant 0 : i32
          %scatter3A_827 = arith.constant 0 : i32
          %scatter3A_828 = tpu.memref_slice %arg6[%scan3A_393, %scatter3A_826, %scatter3A_827] : memref<2x128x128xf32, #tpu.memory_space<vmem>> -> memref<1x128x128xf32, #tpu.memory_space<vmem>>
          %scatter3A_829 = tpu.memref_squeeze %scatter3A_828 : memref<1x128x128xf32, #tpu.memory_space<vmem>> -> memref<128x128xf32, #tpu.memory_space<vmem>>
          tpu.vector_store_idx %scatter3A_829[%add3A_824, %add3A_825], %gather3A_717 : memref<128x128xf32, #tpu.memory_space<vmem>>[vector<16xi32>, vector<16xi32>], vector<16xf32>,
          %add3A_830 = vector.broadcast %mul3A_418 : i32 to vector<16xi32>
          %add3A_831 = arith.addi %add3A_830, %shift_right_arithmetic3A_153 : vector<16xi32>
          %add3A_832 = arith.addi %mul3A_237, %add3A_267 : vector<16xi32>
          %scatter3A_833 = arith.constant 0 : i32
          %scatter3A_834 = arith.constant 0 : i32
          %scatter3A_835 = tpu.memref_slice %arg6[%scan3A_393, %scatter3A_833, %scatter3A_834] : memref<2x128x128xf32, #tpu.memory_space<vmem>> -> memref<1x128x128xf32, #tpu.memory_space<vmem>>
          %scatter3A_836 = tpu.memref_squeeze %scatter3A_835 : memref<1x128x128xf32, #tpu.memory_space<vmem>> -> memref<128x128xf32, #tpu.memory_space<vmem>>
          tpu.vector_store_idx %scatter3A_836[%add3A_831, %add3A_832], %gather3A_724 : memref<128x128xf32, #tpu.memory_space<vmem>>[vector<16xi32>, vector<16xi32>], vector<16xf32>,
          %add3A_837 = vector.broadcast %mul3A_418 : i32 to vector<16xi32>
          %add3A_838 = arith.addi %add3A_837, %shift_right_arithmetic3A_156 : vector<16xi32>
          %add3A_839 = arith.addi %mul3A_243, %add3A_267 : vector<16xi32>
          %scatter3A_840 = arith.constant 0 : i32
          %scatter3A_841 = arith.constant 0 : i32
          %scatter3A_842 = tpu.memref_slice %arg6[%scan3A_393, %scatter3A_840, %scatter3A_841] : memref<2x128x128xf32, #tpu.memory_space<vmem>> -> memref<1x128x128xf32, #tpu.memory_space<vmem>>
          %scatter3A_843 = tpu.memref_squeeze %scatter3A_842 : memref<1x128x128xf32, #tpu.memory_space<vmem>> -> memref<128x128xf32, #tpu.memory_space<vmem>>
          tpu.vector_store_idx %scatter3A_843[%add3A_838, %add3A_839], %gather3A_731 : memref<128x128xf32, #tpu.memory_space<vmem>>[vector<16xi32>, vector<16xi32>], vector<16xf32>,
          %add3A_844 = vector.broadcast %mul3A_418 : i32 to vector<16xi32>
          %add3A_845 = arith.addi %add3A_844, %shift_right_arithmetic3A_159 : vector<16xi32>
          %add3A_846 = arith.addi %mul3A_249, %add3A_267 : vector<16xi32>
          %scatter3A_847 = arith.constant 0 : i32
          %scatter3A_848 = arith.constant 0 : i32
          %scatter3A_849 = tpu.memref_slice %arg6[%scan3A_393, %scatter3A_847, %scatter3A_848] : memref<2x128x128xf32, #tpu.memory_space<vmem>> -> memref<1x128x128xf32, #tpu.memory_space<vmem>>
          %scatter3A_850 = tpu.memref_squeeze %scatter3A_849 : memref<1x128x128xf32, #tpu.memory_space<vmem>> -> memref<128x128xf32, #tpu.memory_space<vmem>>
          tpu.vector_store_idx %scatter3A_850[%add3A_845, %add3A_846], %gather3A_738 : memref<128x128xf32, #tpu.memory_space<vmem>>[vector<16xi32>, vector<16xi32>], vector<16xf32>,
          %add3A_851 = vector.broadcast %mul3A_418 : i32 to vector<16xi32>
          %add3A_852 = arith.addi %add3A_851, %shift_right_arithmetic3A_162 : vector<16xi32>
          %add3A_853 = arith.addi %mul3A_255, %add3A_267 : vector<16xi32>
          %scatter3A_854 = arith.constant 0 : i32
          %scatter3A_855 = arith.constant 0 : i32
          %scatter3A_856 = tpu.memref_slice %arg6[%scan3A_393, %scatter3A_854, %scatter3A_855] : memref<2x128x128xf32, #tpu.memory_space<vmem>> -> memref<1x128x128xf32, #tpu.memory_space<vmem>>
          %scatter3A_857 = tpu.memref_squeeze %scatter3A_856 : memref<1x128x128xf32, #tpu.memory_space<vmem>> -> memref<128x128xf32, #tpu.memory_space<vmem>>
          tpu.vector_store_idx %scatter3A_857[%add3A_852, %add3A_853], %gather3A_745 : memref<128x128xf32, #tpu.memory_space<vmem>>[vector<16xi32>, vector<16xi32>], vector<16xf32>,
          %add3A_858 = vector.broadcast %mul3A_418 : i32 to vector<16xi32>
          %add3A_859 = arith.addi %add3A_858, %shift_right_arithmetic3A_165 : vector<16xi32>
          %add3A_860 = arith.addi %mul3A_261, %add3A_267 : vector<16xi32>
          %scatter3A_861 = arith.constant 0 : i32
          %scatter3A_862 = arith.constant 0 : i32
          %scatter3A_863 = tpu.memref_slice %arg6[%scan3A_393, %scatter3A_861, %scatter3A_862] : memref<2x128x128xf32, #tpu.memory_space<vmem>> -> memref<1x128x128xf32, #tpu.memory_space<vmem>>
          %scatter3A_864 = tpu.memref_squeeze %scatter3A_863 : memref<1x128x128xf32, #tpu.memory_space<vmem>> -> memref<128x128xf32, #tpu.memory_space<vmem>>
          tpu.vector_store_idx %scatter3A_864[%add3A_859, %add3A_860], %gather3A_752 : memref<128x128xf32, #tpu.memory_space<vmem>>[vector<16xi32>, vector<16xi32>], vector<16xf32>,
          %add3A_865 = vector.broadcast %mul3A_416 : i32 to vector<16xi32>
          %add3A_866 = arith.addi %add3A_865, %and3A_28 : vector<16xi32>
          %gather3A_867 = arith.constant 0 : i32
          %gather3A_868 = arith.constant 0 : i32
          %gather3A_869 = tpu.memref_slice %arg5[%scan3A_392, %gather3A_867, %gather3A_868] : memref<2x64x256xf32, #tpu.memory_space<vmem>> -> memref<1x64x256xf32, #tpu.memory_space<vmem>>
          %gather3A_870 = tpu.memref_squeeze %gather3A_869 : memref<1x64x256xf32, #tpu.memory_space<vmem>> -> memref<64x256xf32, #tpu.memory_space<vmem>>
          %gather3A_871 = tpu.vector_load_idx %gather3A_870[%add3A_270, %add3A_866] : memref<64x256xf32, #tpu.memory_space<vmem>>[vector<16xi32>, vector<16xi32>], vector<16xf32>,
          %add3A_872 = vector.broadcast %mul3A_416 : i32 to vector<16xi32>
          %add3A_873 = arith.addi %add3A_872, %and3A_34 : vector<16xi32>
          %gather3A_874 = arith.constant 0 : i32
          %gather3A_875 = arith.constant 0 : i32
          %gather3A_876 = tpu.memref_slice %arg5[%scan3A_392, %gather3A_874, %gather3A_875] : memref<2x64x256xf32, #tpu.memory_space<vmem>> -> memref<1x64x256xf32, #tpu.memory_space<vmem>>
          %gather3A_877 = tpu.memref_squeeze %gather3A_876 : memref<1x64x256xf32, #tpu.memory_space<vmem>> -> memref<64x256xf32, #tpu.memory_space<vmem>>
          %gather3A_878 = tpu.vector_load_idx %gather3A_877[%add3A_270, %add3A_873] : memref<64x256xf32, #tpu.memory_space<vmem>>[vector<16xi32>, vector<16xi32>], vector<16xf32>,
          %add3A_879 = vector.broadcast %mul3A_416 : i32 to vector<16xi32>
          %add3A_880 = arith.addi %add3A_879, %and3A_40 : vector<16xi32>
          %gather3A_881 = arith.constant 0 : i32
          %gather3A_882 = arith.constant 0 : i32
          %gather3A_883 = tpu.memref_slice %arg5[%scan3A_392, %gather3A_881, %gather3A_882] : memref<2x64x256xf32, #tpu.memory_space<vmem>> -> memref<1x64x256xf32, #tpu.memory_space<vmem>>
          %gather3A_884 = tpu.memref_squeeze %gather3A_883 : memref<1x64x256xf32, #tpu.memory_space<vmem>> -> memref<64x256xf32, #tpu.memory_space<vmem>>
          %gather3A_885 = tpu.vector_load_idx %gather3A_884[%add3A_270, %add3A_880] : memref<64x256xf32, #tpu.memory_space<vmem>>[vector<16xi32>, vector<16xi32>], vector<16xf32>,
          %add3A_886 = vector.broadcast %mul3A_416 : i32 to vector<16xi32>
          %add3A_887 = arith.addi %add3A_886, %and3A_46 : vector<16xi32>
          %gather3A_888 = arith.constant 0 : i32
          %gather3A_889 = arith.constant 0 : i32
          %gather3A_890 = tpu.memref_slice %arg5[%scan3A_392, %gather3A_888, %gather3A_889] : memref<2x64x256xf32, #tpu.memory_space<vmem>> -> memref<1x64x256xf32, #tpu.memory_space<vmem>>
          %gather3A_891 = tpu.memref_squeeze %gather3A_890 : memref<1x64x256xf32, #tpu.memory_space<vmem>> -> memref<64x256xf32, #tpu.memory_space<vmem>>
          %gather3A_892 = tpu.vector_load_idx %gather3A_891[%add3A_270, %add3A_887] : memref<64x256xf32, #tpu.memory_space<vmem>>[vector<16xi32>, vector<16xi32>], vector<16xf32>,
          %add3A_893 = vector.broadcast %mul3A_416 : i32 to vector<16xi32>
          %add3A_894 = arith.addi %add3A_893, %and3A_52 : vector<16xi32>
          %gather3A_895 = arith.constant 0 : i32
          %gather3A_896 = arith.constant 0 : i32
          %gather3A_897 = tpu.memref_slice %arg5[%scan3A_392, %gather3A_895, %gather3A_896] : memref<2x64x256xf32, #tpu.memory_space<vmem>> -> memref<1x64x256xf32, #tpu.memory_space<vmem>>
          %gather3A_898 = tpu.memref_squeeze %gather3A_897 : memref<1x64x256xf32, #tpu.memory_space<vmem>> -> memref<64x256xf32, #tpu.memory_space<vmem>>
          %gather3A_899 = tpu.vector_load_idx %gather3A_898[%add3A_270, %add3A_894] : memref<64x256xf32, #tpu.memory_space<vmem>>[vector<16xi32>, vector<16xi32>], vector<16xf32>,
          %add3A_900 = vector.broadcast %mul3A_416 : i32 to vector<16xi32>
          %add3A_901 = arith.addi %add3A_900, %and3A_58 : vector<16xi32>
          %gather3A_902 = arith.constant 0 : i32
          %gather3A_903 = arith.constant 0 : i32
          %gather3A_904 = tpu.memref_slice %arg5[%scan3A_392, %gather3A_902, %gather3A_903] : memref<2x64x256xf32, #tpu.memory_space<vmem>> -> memref<1x64x256xf32, #tpu.memory_space<vmem>>
          %gather3A_905 = tpu.memref_squeeze %gather3A_904 : memref<1x64x256xf32, #tpu.memory_space<vmem>> -> memref<64x256xf32, #tpu.memory_space<vmem>>
          %gather3A_906 = tpu.vector_load_idx %gather3A_905[%add3A_270, %add3A_901] : memref<64x256xf32, #tpu.memory_space<vmem>>[vector<16xi32>, vector<16xi32>], vector<16xf32>,
          %add3A_907 = vector.broadcast %mul3A_416 : i32 to vector<16xi32>
          %add3A_908 = arith.addi %add3A_907, %and3A_64 : vector<16xi32>
          %gather3A_909 = arith.constant 0 : i32
          %gather3A_910 = arith.constant 0 : i32
          %gather3A_911 = tpu.memref_slice %arg5[%scan3A_392, %gather3A_909, %gather3A_910] : memref<2x64x256xf32, #tpu.memory_space<vmem>> -> memref<1x64x256xf32, #tpu.memory_space<vmem>>
          %gather3A_912 = tpu.memref_squeeze %gather3A_911 : memref<1x64x256xf32, #tpu.memory_space<vmem>> -> memref<64x256xf32, #tpu.memory_space<vmem>>
          %gather3A_913 = tpu.vector_load_idx %gather3A_912[%add3A_270, %add3A_908] : memref<64x256xf32, #tpu.memory_space<vmem>>[vector<16xi32>, vector<16xi32>], vector<16xf32>,
          %add3A_914 = vector.broadcast %mul3A_416 : i32 to vector<16xi32>
          %add3A_915 = arith.addi %add3A_914, %and3A_70 : vector<16xi32>
          %gather3A_916 = arith.constant 0 : i32
          %gather3A_917 = arith.constant 0 : i32
          %gather3A_918 = tpu.memref_slice %arg5[%scan3A_392, %gather3A_916, %gather3A_917] : memref<2x64x256xf32, #tpu.memory_space<vmem>> -> memref<1x64x256xf32, #tpu.memory_space<vmem>>
          %gather3A_919 = tpu.memref_squeeze %gather3A_918 : memref<1x64x256xf32, #tpu.memory_space<vmem>> -> memref<64x256xf32, #tpu.memory_space<vmem>>
          %gather3A_920 = tpu.vector_load_idx %gather3A_919[%add3A_270, %add3A_915] : memref<64x256xf32, #tpu.memory_space<vmem>>[vector<16xi32>, vector<16xi32>], vector<16xf32>,
          %add3A_921 = vector.broadcast %mul3A_416 : i32 to vector<16xi32>
          %add3A_922 = arith.addi %add3A_921, %and3A_76 : vector<16xi32>
          %gather3A_923 = arith.constant 0 : i32
          %gather3A_924 = arith.constant 0 : i32
          %gather3A_925 = tpu.memref_slice %arg5[%scan3A_392, %gather3A_923, %gather3A_924] : memref<2x64x256xf32, #tpu.memory_space<vmem>> -> memref<1x64x256xf32, #tpu.memory_space<vmem>>
          %gather3A_926 = tpu.memref_squeeze %gather3A_925 : memref<1x64x256xf32, #tpu.memory_space<vmem>> -> memref<64x256xf32, #tpu.memory_space<vmem>>
          %gather3A_927 = tpu.vector_load_idx %gather3A_926[%add3A_270, %add3A_922] : memref<64x256xf32, #tpu.memory_space<vmem>>[vector<16xi32>, vector<16xi32>], vector<16xf32>,
          %add3A_928 = vector.broadcast %mul3A_416 : i32 to vector<16xi32>
          %add3A_929 = arith.addi %add3A_928, %and3A_82 : vector<16xi32>
          %gather3A_930 = arith.constant 0 : i32
          %gather3A_931 = arith.constant 0 : i32
          %gather3A_932 = tpu.memref_slice %arg5[%scan3A_392, %gather3A_930, %gather3A_931] : memref<2x64x256xf32, #tpu.memory_space<vmem>> -> memref<1x64x256xf32, #tpu.memory_space<vmem>>
          %gather3A_933 = tpu.memref_squeeze %gather3A_932 : memref<1x64x256xf32, #tpu.memory_space<vmem>> -> memref<64x256xf32, #tpu.memory_space<vmem>>
          %gather3A_934 = tpu.vector_load_idx %gather3A_933[%add3A_270, %add3A_929] : memref<64x256xf32, #tpu.memory_space<vmem>>[vector<16xi32>, vector<16xi32>], vector<16xf32>,
          %add3A_935 = vector.broadcast %mul3A_416 : i32 to vector<16xi32>
          %add3A_936 = arith.addi %add3A_935, %and3A_88 : vector<16xi32>
          %gather3A_937 = arith.constant 0 : i32
          %gather3A_938 = arith.constant 0 : i32
          %gather3A_939 = tpu.memref_slice %arg5[%scan3A_392, %gather3A_937, %gather3A_938] : memref<2x64x256xf32, #tpu.memory_space<vmem>> -> memref<1x64x256xf32, #tpu.memory_space<vmem>>
          %gather3A_940 = tpu.memref_squeeze %gather3A_939 : memref<1x64x256xf32, #tpu.memory_space<vmem>> -> memref<64x256xf32, #tpu.memory_space<vmem>>
          %gather3A_941 = tpu.vector_load_idx %gather3A_940[%add3A_270, %add3A_936] : memref<64x256xf32, #tpu.memory_space<vmem>>[vector<16xi32>, vector<16xi32>], vector<16xf32>,
          %add3A_942 = vector.broadcast %mul3A_416 : i32 to vector<16xi32>
          %add3A_943 = arith.addi %add3A_942, %and3A_94 : vector<16xi32>
          %gather3A_944 = arith.constant 0 : i32
          %gather3A_945 = arith.constant 0 : i32
          %gather3A_946 = tpu.memref_slice %arg5[%scan3A_392, %gather3A_944, %gather3A_945] : memref<2x64x256xf32, #tpu.memory_space<vmem>> -> memref<1x64x256xf32, #tpu.memory_space<vmem>>
          %gather3A_947 = tpu.memref_squeeze %gather3A_946 : memref<1x64x256xf32, #tpu.memory_space<vmem>> -> memref<64x256xf32, #tpu.memory_space<vmem>>
          %gather3A_948 = tpu.vector_load_idx %gather3A_947[%add3A_270, %add3A_943] : memref<64x256xf32, #tpu.memory_space<vmem>>[vector<16xi32>, vector<16xi32>], vector<16xf32>,
          %add3A_949 = vector.broadcast %mul3A_416 : i32 to vector<16xi32>
          %add3A_950 = arith.addi %add3A_949, %and3A_100 : vector<16xi32>
          %gather3A_951 = arith.constant 0 : i32
          %gather3A_952 = arith.constant 0 : i32
          %gather3A_953 = tpu.memref_slice %arg5[%scan3A_392, %gather3A_951, %gather3A_952] : memref<2x64x256xf32, #tpu.memory_space<vmem>> -> memref<1x64x256xf32, #tpu.memory_space<vmem>>
          %gather3A_954 = tpu.memref_squeeze %gather3A_953 : memref<1x64x256xf32, #tpu.memory_space<vmem>> -> memref<64x256xf32, #tpu.memory_space<vmem>>
          %gather3A_955 = tpu.vector_load_idx %gather3A_954[%add3A_270, %add3A_950] : memref<64x256xf32, #tpu.memory_space<vmem>>[vector<16xi32>, vector<16xi32>], vector<16xf32>,
          %add3A_956 = vector.broadcast %mul3A_416 : i32 to vector<16xi32>
          %add3A_957 = arith.addi %add3A_956, %and3A_106 : vector<16xi32>
          %gather3A_958 = arith.constant 0 : i32
          %gather3A_959 = arith.constant 0 : i32
          %gather3A_960 = tpu.memref_slice %arg5[%scan3A_392, %gather3A_958, %gather3A_959] : memref<2x64x256xf32, #tpu.memory_space<vmem>> -> memref<1x64x256xf32, #tpu.memory_space<vmem>>
          %gather3A_961 = tpu.memref_squeeze %gather3A_960 : memref<1x64x256xf32, #tpu.memory_space<vmem>> -> memref<64x256xf32, #tpu.memory_space<vmem>>
          %gather3A_962 = tpu.vector_load_idx %gather3A_961[%add3A_270, %add3A_957] : memref<64x256xf32, #tpu.memory_space<vmem>>[vector<16xi32>, vector<16xi32>], vector<16xf32>,
          %add3A_963 = vector.broadcast %mul3A_416 : i32 to vector<16xi32>
          %add3A_964 = arith.addi %add3A_963, %and3A_112 : vector<16xi32>
          %gather3A_965 = arith.constant 0 : i32
          %gather3A_966 = arith.constant 0 : i32
          %gather3A_967 = tpu.memref_slice %arg5[%scan3A_392, %gather3A_965, %gather3A_966] : memref<2x64x256xf32, #tpu.memory_space<vmem>> -> memref<1x64x256xf32, #tpu.memory_space<vmem>>
          %gather3A_968 = tpu.memref_squeeze %gather3A_967 : memref<1x64x256xf32, #tpu.memory_space<vmem>> -> memref<64x256xf32, #tpu.memory_space<vmem>>
          %gather3A_969 = tpu.vector_load_idx %gather3A_968[%add3A_270, %add3A_964] : memref<64x256xf32, #tpu.memory_space<vmem>>[vector<16xi32>, vector<16xi32>], vector<16xf32>,
          %add3A_970 = vector.broadcast %mul3A_416 : i32 to vector<16xi32>
          %add3A_971 = arith.addi %add3A_970, %and3A_118 : vector<16xi32>
          %gather3A_972 = arith.constant 0 : i32
          %gather3A_973 = arith.constant 0 : i32
          %gather3A_974 = tpu.memref_slice %arg5[%scan3A_392, %gather3A_972, %gather3A_973] : memref<2x64x256xf32, #tpu.memory_space<vmem>> -> memref<1x64x256xf32, #tpu.memory_space<vmem>>
          %gather3A_975 = tpu.memref_squeeze %gather3A_974 : memref<1x64x256xf32, #tpu.memory_space<vmem>> -> memref<64x256xf32, #tpu.memory_space<vmem>>
          %gather3A_976 = tpu.vector_load_idx %gather3A_975[%add3A_270, %add3A_971] : memref<64x256xf32, #tpu.memory_space<vmem>>[vector<16xi32>, vector<16xi32>], vector<16xf32>,
          %add3A_977 = vector.broadcast %mul3A_418 : i32 to vector<16xi32>
          %add3A_978 = arith.addi %add3A_977, %shift_right_arithmetic3A_120 : vector<16xi32>
          %add3A_979 = arith.addi %mul3A_171, %add3A_270 : vector<16xi32>
          %scatter3A_980 = arith.constant 0 : i32
          %scatter3A_981 = arith.constant 0 : i32
          %scatter3A_982 = tpu.memref_slice %arg6[%scan3A_393, %scatter3A_980, %scatter3A_981] : memref<2x128x128xf32, #tpu.memory_space<vmem>> -> memref<1x128x128xf32, #tpu.memory_space<vmem>>
          %scatter3A_983 = tpu.memref_squeeze %scatter3A_982 : memref<1x128x128xf32, #tpu.memory_space<vmem>> -> memref<128x128xf32, #tpu.memory_space<vmem>>
          tpu.vector_store_idx %scatter3A_983[%add3A_978, %add3A_979], %gather3A_871 : memref<128x128xf32, #tpu.memory_space<vmem>>[vector<16xi32>, vector<16xi32>], vector<16xf32>,
          %add3A_984 = vector.broadcast %mul3A_418 : i32 to vector<16xi32>
          %add3A_985 = arith.addi %add3A_984, %shift_right_arithmetic3A_123 : vector<16xi32>
          %add3A_986 = arith.addi %mul3A_177, %add3A_270 : vector<16xi32>
          %scatter3A_987 = arith.constant 0 : i32
          %scatter3A_988 = arith.constant 0 : i32
          %scatter3A_989 = tpu.memref_slice %arg6[%scan3A_393, %scatter3A_987, %scatter3A_988] : memref<2x128x128xf32, #tpu.memory_space<vmem>> -> memref<1x128x128xf32, #tpu.memory_space<vmem>>
          %scatter3A_990 = tpu.memref_squeeze %scatter3A_989 : memref<1x128x128xf32, #tpu.memory_space<vmem>> -> memref<128x128xf32, #tpu.memory_space<vmem>>
          tpu.vector_store_idx %scatter3A_990[%add3A_985, %add3A_986], %gather3A_878 : memref<128x128xf32, #tpu.memory_space<vmem>>[vector<16xi32>, vector<16xi32>], vector<16xf32>,
          %add3A_991 = vector.broadcast %mul3A_418 : i32 to vector<16xi32>
          %add3A_992 = arith.addi %add3A_991, %shift_right_arithmetic3A_126 : vector<16xi32>
          %add3A_993 = arith.addi %mul3A_183, %add3A_270 : vector<16xi32>
          %scatter3A_994 = arith.constant 0 : i32
          %scatter3A_995 = arith.constant 0 : i32
          %scatter3A_996 = tpu.memref_slice %arg6[%scan3A_393, %scatter3A_994, %scatter3A_995] : memref<2x128x128xf32, #tpu.memory_space<vmem>> -> memref<1x128x128xf32, #tpu.memory_space<vmem>>
          %scatter3A_997 = tpu.memref_squeeze %scatter3A_996 : memref<1x128x128xf32, #tpu.memory_space<vmem>> -> memref<128x128xf32, #tpu.memory_space<vmem>>
          tpu.vector_store_idx %scatter3A_997[%add3A_992, %add3A_993], %gather3A_885 : memref<128x128xf32, #tpu.memory_space<vmem>>[vector<16xi32>, vector<16xi32>], vector<16xf32>,
          %add3A_998 = vector.broadcast %mul3A_418 : i32 to vector<16xi32>
          %add3A_999 = arith.addi %add3A_998, %shift_right_arithmetic3A_129 : vector<16xi32>
          %add3A_1000 = arith.addi %mul3A_189, %add3A_270 : vector<16xi32>
          %scatter3A_1001 = arith.constant 0 : i32
          %scatter3A_1002 = arith.constant 0 : i32
          %scatter3A_1003 = tpu.memref_slice %arg6[%scan3A_393, %scatter3A_1001, %scatter3A_1002] : memref<2x128x128xf32, #tpu.memory_space<vmem>> -> memref<1x128x128xf32, #tpu.memory_space<vmem>>
          %scatter3A_1004 = tpu.memref_squeeze %scatter3A_1003 : memref<1x128x128xf32, #tpu.memory_space<vmem>> -> memref<128x128xf32, #tpu.memory_space<vmem>>
          tpu.vector_store_idx %scatter3A_1004[%add3A_999, %add3A_1000], %gather3A_892 : memref<128x128xf32, #tpu.memory_space<vmem>>[vector<16xi32>, vector<16xi32>], vector<16xf32>,
          %add3A_1005 = vector.broadcast %mul3A_418 : i32 to vector<16xi32>
          %add3A_1006 = arith.addi %add3A_1005, %shift_right_arithmetic3A_132 : vector<16xi32>
          %add3A_1007 = arith.addi %mul3A_195, %add3A_270 : vector<16xi32>
          %scatter3A_1008 = arith.constant 0 : i32
          %scatter3A_1009 = arith.constant 0 : i32
          %scatter3A_1010 = tpu.memref_slice %arg6[%scan3A_393, %scatter3A_1008, %scatter3A_1009] : memref<2x128x128xf32, #tpu.memory_space<vmem>> -> memref<1x128x128xf32, #tpu.memory_space<vmem>>
          %scatter3A_1011 = tpu.memref_squeeze %scatter3A_1010 : memref<1x128x128xf32, #tpu.memory_space<vmem>> -> memref<128x128xf32, #tpu.memory_space<vmem>>
          tpu.vector_store_idx %scatter3A_1011[%add3A_1006, %add3A_1007], %gather3A_899 : memref<128x128xf32, #tpu.memory_space<vmem>>[vector<16xi32>, vector<16xi32>], vector<16xf32>,
          %add3A_1012 = vector.broadcast %mul3A_418 : i32 to vector<16xi32>
          %add3A_1013 = arith.addi %add3A_1012, %shift_right_arithmetic3A_135 : vector<16xi32>
          %add3A_1014 = arith.addi %mul3A_201, %add3A_270 : vector<16xi32>
          %scatter3A_1015 = arith.constant 0 : i32
          %scatter3A_1016 = arith.constant 0 : i32
          %scatter3A_1017 = tpu.memref_slice %arg6[%scan3A_393, %scatter3A_1015, %scatter3A_1016] : memref<2x128x128xf32, #tpu.memory_space<vmem>> -> memref<1x128x128xf32, #tpu.memory_space<vmem>>
          %scatter3A_1018 = tpu.memref_squeeze %scatter3A_1017 : memref<1x128x128xf32, #tpu.memory_space<vmem>> -> memref<128x128xf32, #tpu.memory_space<vmem>>
          tpu.vector_store_idx %scatter3A_1018[%add3A_1013, %add3A_1014], %gather3A_906 : memref<128x128xf32, #tpu.memory_space<vmem>>[vector<16xi32>, vector<16xi32>], vector<16xf32>,
          %add3A_1019 = vector.broadcast %mul3A_418 : i32 to vector<16xi32>
          %add3A_1020 = arith.addi %add3A_1019, %shift_right_arithmetic3A_138 : vector<16xi32>
          %add3A_1021 = arith.addi %mul3A_207, %add3A_270 : vector<16xi32>
          %scatter3A_1022 = arith.constant 0 : i32
          %scatter3A_1023 = arith.constant 0 : i32
          %scatter3A_1024 = tpu.memref_slice %arg6[%scan3A_393, %scatter3A_1022, %scatter3A_1023] : memref<2x128x128xf32, #tpu.memory_space<vmem>> -> memref<1x128x128xf32, #tpu.memory_space<vmem>>
          %scatter3A_1025 = tpu.memref_squeeze %scatter3A_1024 : memref<1x128x128xf32, #tpu.memory_space<vmem>> -> memref<128x128xf32, #tpu.memory_space<vmem>>
          tpu.vector_store_idx %scatter3A_1025[%add3A_1020, %add3A_1021], %gather3A_913 : memref<128x128xf32, #tpu.memory_space<vmem>>[vector<16xi32>, vector<16xi32>], vector<16xf32>,
          %add3A_1026 = vector.broadcast %mul3A_418 : i32 to vector<16xi32>
          %add3A_1027 = arith.addi %add3A_1026, %shift_right_arithmetic3A_141 : vector<16xi32>
          %add3A_1028 = arith.addi %mul3A_213, %add3A_270 : vector<16xi32>
          %scatter3A_1029 = arith.constant 0 : i32
          %scatter3A_1030 = arith.constant 0 : i32
          %scatter3A_1031 = tpu.memref_slice %arg6[%scan3A_393, %scatter3A_1029, %scatter3A_1030] : memref<2x128x128xf32, #tpu.memory_space<vmem>> -> memref<1x128x128xf32, #tpu.memory_space<vmem>>
          %scatter3A_1032 = tpu.memref_squeeze %scatter3A_1031 : memref<1x128x128xf32, #tpu.memory_space<vmem>> -> memref<128x128xf32, #tpu.memory_space<vmem>>
          tpu.vector_store_idx %scatter3A_1032[%add3A_1027, %add3A_1028], %gather3A_920 : memref<128x128xf32, #tpu.memory_space<vmem>>[vector<16xi32>, vector<16xi32>], vector<16xf32>,
          %add3A_1033 = vector.broadcast %mul3A_418 : i32 to vector<16xi32>
          %add3A_1034 = arith.addi %add3A_1033, %shift_right_arithmetic3A_144 : vector<16xi32>
          %add3A_1035 = arith.addi %mul3A_219, %add3A_270 : vector<16xi32>
          %scatter3A_1036 = arith.constant 0 : i32
          %scatter3A_1037 = arith.constant 0 : i32
          %scatter3A_1038 = tpu.memref_slice %arg6[%scan3A_393, %scatter3A_1036, %scatter3A_1037] : memref<2x128x128xf32, #tpu.memory_space<vmem>> -> memref<1x128x128xf32, #tpu.memory_space<vmem>>
          %scatter3A_1039 = tpu.memref_squeeze %scatter3A_1038 : memref<1x128x128xf32, #tpu.memory_space<vmem>> -> memref<128x128xf32, #tpu.memory_space<vmem>>
          tpu.vector_store_idx %scatter3A_1039[%add3A_1034, %add3A_1035], %gather3A_927 : memref<128x128xf32, #tpu.memory_space<vmem>>[vector<16xi32>, vector<16xi32>], vector<16xf32>,
          %add3A_1040 = vector.broadcast %mul3A_418 : i32 to vector<16xi32>
          %add3A_1041 = arith.addi %add3A_1040, %shift_right_arithmetic3A_147 : vector<16xi32>
          %add3A_1042 = arith.addi %mul3A_225, %add3A_270 : vector<16xi32>
          %scatter3A_1043 = arith.constant 0 : i32
          %scatter3A_1044 = arith.constant 0 : i32
          %scatter3A_1045 = tpu.memref_slice %arg6[%scan3A_393, %scatter3A_1043, %scatter3A_1044] : memref<2x128x128xf32, #tpu.memory_space<vmem>> -> memref<1x128x128xf32, #tpu.memory_space<vmem>>
          %scatter3A_1046 = tpu.memref_squeeze %scatter3A_1045 : memref<1x128x128xf32, #tpu.memory_space<vmem>> -> memref<128x128xf32, #tpu.memory_space<vmem>>
          tpu.vector_store_idx %scatter3A_1046[%add3A_1041, %add3A_1042], %gather3A_934 : memref<128x128xf32, #tpu.memory_space<vmem>>[vector<16xi32>, vector<16xi32>], vector<16xf32>,
          %add3A_1047 = vector.broadcast %mul3A_418 : i32 to vector<16xi32>
          %add3A_1048 = arith.addi %add3A_1047, %shift_right_arithmetic3A_150 : vector<16xi32>
          %add3A_1049 = arith.addi %mul3A_231, %add3A_270 : vector<16xi32>
          %scatter3A_1050 = arith.constant 0 : i32
          %scatter3A_1051 = arith.constant 0 : i32
          %scatter3A_1052 = tpu.memref_slice %arg6[%scan3A_393, %scatter3A_1050, %scatter3A_1051] : memref<2x128x128xf32, #tpu.memory_space<vmem>> -> memref<1x128x128xf32, #tpu.memory_space<vmem>>
          %scatter3A_1053 = tpu.memref_squeeze %scatter3A_1052 : memref<1x128x128xf32, #tpu.memory_space<vmem>> -> memref<128x128xf32, #tpu.memory_space<vmem>>
          tpu.vector_store_idx %scatter3A_1053[%add3A_1048, %add3A_1049], %gather3A_941 : memref<128x128xf32, #tpu.memory_space<vmem>>[vector<16xi32>, vector<16xi32>], vector<16xf32>,
          %add3A_1054 = vector.broadcast %mul3A_418 : i32 to vector<16xi32>
          %add3A_1055 = arith.addi %add3A_1054, %shift_right_arithmetic3A_153 : vector<16xi32>
          %add3A_1056 = arith.addi %mul3A_237, %add3A_270 : vector<16xi32>
          %scatter3A_1057 = arith.constant 0 : i32
          %scatter3A_1058 = arith.constant 0 : i32
          %scatter3A_1059 = tpu.memref_slice %arg6[%scan3A_393, %scatter3A_1057, %scatter3A_1058] : memref<2x128x128xf32, #tpu.memory_space<vmem>> -> memref<1x128x128xf32, #tpu.memory_space<vmem>>
          %scatter3A_1060 = tpu.memref_squeeze %scatter3A_1059 : memref<1x128x128xf32, #tpu.memory_space<vmem>> -> memref<128x128xf32, #tpu.memory_space<vmem>>
          tpu.vector_store_idx %scatter3A_1060[%add3A_1055, %add3A_1056], %gather3A_948 : memref<128x128xf32, #tpu.memory_space<vmem>>[vector<16xi32>, vector<16xi32>], vector<16xf32>,
          %add3A_1061 = vector.broadcast %mul3A_418 : i32 to vector<16xi32>
          %add3A_1062 = arith.addi %add3A_1061, %shift_right_arithmetic3A_156 : vector<16xi32>
          %add3A_1063 = arith.addi %mul3A_243, %add3A_270 : vector<16xi32>
          %scatter3A_1064 = arith.constant 0 : i32
          %scatter3A_1065 = arith.constant 0 : i32
          %scatter3A_1066 = tpu.memref_slice %arg6[%scan3A_393, %scatter3A_1064, %scatter3A_1065] : memref<2x128x128xf32, #tpu.memory_space<vmem>> -> memref<1x128x128xf32, #tpu.memory_space<vmem>>
          %scatter3A_1067 = tpu.memref_squeeze %scatter3A_1066 : memref<1x128x128xf32, #tpu.memory_space<vmem>> -> memref<128x128xf32, #tpu.memory_space<vmem>>
          tpu.vector_store_idx %scatter3A_1067[%add3A_1062, %add3A_1063], %gather3A_955 : memref<128x128xf32, #tpu.memory_space<vmem>>[vector<16xi32>, vector<16xi32>], vector<16xf32>,
          %add3A_1068 = vector.broadcast %mul3A_418 : i32 to vector<16xi32>
          %add3A_1069 = arith.addi %add3A_1068, %shift_right_arithmetic3A_159 : vector<16xi32>
          %add3A_1070 = arith.addi %mul3A_249, %add3A_270 : vector<16xi32>
          %scatter3A_1071 = arith.constant 0 : i32
          %scatter3A_1072 = arith.constant 0 : i32
          %scatter3A_1073 = tpu.memref_slice %arg6[%scan3A_393, %scatter3A_1071, %scatter3A_1072] : memref<2x128x128xf32, #tpu.memory_space<vmem>> -> memref<1x128x128xf32, #tpu.memory_space<vmem>>
          %scatter3A_1074 = tpu.memref_squeeze %scatter3A_1073 : memref<1x128x128xf32, #tpu.memory_space<vmem>> -> memref<128x128xf32, #tpu.memory_space<vmem>>
          tpu.vector_store_idx %scatter3A_1074[%add3A_1069, %add3A_1070], %gather3A_962 : memref<128x128xf32, #tpu.memory_space<vmem>>[vector<16xi32>, vector<16xi32>], vector<16xf32>,
          %add3A_1075 = vector.broadcast %mul3A_418 : i32 to vector<16xi32>
          %add3A_1076 = arith.addi %add3A_1075, %shift_right_arithmetic3A_162 : vector<16xi32>
          %add3A_1077 = arith.addi %mul3A_255, %add3A_270 : vector<16xi32>
          %scatter3A_1078 = arith.constant 0 : i32
          %scatter3A_1079 = arith.constant 0 : i32
          %scatter3A_1080 = tpu.memref_slice %arg6[%scan3A_393, %scatter3A_1078, %scatter3A_1079] : memref<2x128x128xf32, #tpu.memory_space<vmem>> -> memref<1x128x128xf32, #tpu.memory_space<vmem>>
          %scatter3A_1081 = tpu.memref_squeeze %scatter3A_1080 : memref<1x128x128xf32, #tpu.memory_space<vmem>> -> memref<128x128xf32, #tpu.memory_space<vmem>>
          tpu.vector_store_idx %scatter3A_1081[%add3A_1076, %add3A_1077], %gather3A_969 : memref<128x128xf32, #tpu.memory_space<vmem>>[vector<16xi32>, vector<16xi32>], vector<16xf32>,
          %add3A_1082 = vector.broadcast %mul3A_418 : i32 to vector<16xi32>
          %add3A_1083 = arith.addi %add3A_1082, %shift_right_arithmetic3A_165 : vector<16xi32>
          %add3A_1084 = arith.addi %mul3A_261, %add3A_270 : vector<16xi32>
          %scatter3A_1085 = arith.constant 0 : i32
          %scatter3A_1086 = arith.constant 0 : i32
          %scatter3A_1087 = tpu.memref_slice %arg6[%scan3A_393, %scatter3A_1085, %scatter3A_1086] : memref<2x128x128xf32, #tpu.memory_space<vmem>> -> memref<1x128x128xf32, #tpu.memory_space<vmem>>
          %scatter3A_1088 = tpu.memref_squeeze %scatter3A_1087 : memref<1x128x128xf32, #tpu.memory_space<vmem>> -> memref<128x128xf32, #tpu.memory_space<vmem>>
          tpu.vector_store_idx %scatter3A_1088[%add3A_1083, %add3A_1084], %gather3A_976 : memref<128x128xf32, #tpu.memory_space<vmem>>[vector<16xi32>, vector<16xi32>], vector<16xf32>,
          %add3A_1089 = vector.broadcast %mul3A_416 : i32 to vector<16xi32>
          %add3A_1090 = arith.addi %add3A_1089, %and3A_28 : vector<16xi32>
          %gather3A_1091 = arith.constant 0 : i32
          %gather3A_1092 = arith.constant 0 : i32
          %gather3A_1093 = tpu.memref_slice %arg5[%scan3A_392, %gather3A_1091, %gather3A_1092] : memref<2x64x256xf32, #tpu.memory_space<vmem>> -> memref<1x64x256xf32, #tpu.memory_space<vmem>>
          %gather3A_1094 = tpu.memref_squeeze %gather3A_1093 : memref<1x64x256xf32, #tpu.memory_space<vmem>> -> memref<64x256xf32, #tpu.memory_space<vmem>>
          %gather3A_1095 = tpu.vector_load_idx %gather3A_1094[%add3A_273, %add3A_1090] : memref<64x256xf32, #tpu.memory_space<vmem>>[vector<16xi32>, vector<16xi32>], vector<16xf32>,
          %add3A_1096 = vector.broadcast %mul3A_416 : i32 to vector<16xi32>
          %add3A_1097 = arith.addi %add3A_1096, %and3A_34 : vector<16xi32>
          %gather3A_1098 = arith.constant 0 : i32
          %gather3A_1099 = arith.constant 0 : i32
          %gather3A_1100 = tpu.memref_slice %arg5[%scan3A_392, %gather3A_1098, %gather3A_1099] : memref<2x64x256xf32, #tpu.memory_space<vmem>> -> memref<1x64x256xf32, #tpu.memory_space<vmem>>
          %gather3A_1101 = tpu.memref_squeeze %gather3A_1100 : memref<1x64x256xf32, #tpu.memory_space<vmem>> -> memref<64x256xf32, #tpu.memory_space<vmem>>
          %gather3A_1102 = tpu.vector_load_idx %gather3A_1101[%add3A_273, %add3A_1097] : memref<64x256xf32, #tpu.memory_space<vmem>>[vector<16xi32>, vector<16xi32>], vector<16xf32>,
          %add3A_1103 = vector.broadcast %mul3A_416 : i32 to vector<16xi32>
          %add3A_1104 = arith.addi %add3A_1103, %and3A_40 : vector<16xi32>
          %gather3A_1105 = arith.constant 0 : i32
          %gather3A_1106 = arith.constant 0 : i32
          %gather3A_1107 = tpu.memref_slice %arg5[%scan3A_392, %gather3A_1105, %gather3A_1106] : memref<2x64x256xf32, #tpu.memory_space<vmem>> -> memref<1x64x256xf32, #tpu.memory_space<vmem>>
          %gather3A_1108 = tpu.memref_squeeze %gather3A_1107 : memref<1x64x256xf32, #tpu.memory_space<vmem>> -> memref<64x256xf32, #tpu.memory_space<vmem>>
          %gather3A_1109 = tpu.vector_load_idx %gather3A_1108[%add3A_273, %add3A_1104] : memref<64x256xf32, #tpu.memory_space<vmem>>[vector<16xi32>, vector<16xi32>], vector<16xf32>,
          %add3A_1110 = vector.broadcast %mul3A_416 : i32 to vector<16xi32>
          %add3A_1111 = arith.addi %add3A_1110, %and3A_46 : vector<16xi32>
          %gather3A_1112 = arith.constant 0 : i32
          %gather3A_1113 = arith.constant 0 : i32
          %gather3A_1114 = tpu.memref_slice %arg5[%scan3A_392, %gather3A_1112, %gather3A_1113] : memref<2x64x256xf32, #tpu.memory_space<vmem>> -> memref<1x64x256xf32, #tpu.memory_space<vmem>>
          %gather3A_1115 = tpu.memref_squeeze %gather3A_1114 : memref<1x64x256xf32, #tpu.memory_space<vmem>> -> memref<64x256xf32, #tpu.memory_space<vmem>>
          %gather3A_1116 = tpu.vector_load_idx %gather3A_1115[%add3A_273, %add3A_1111] : memref<64x256xf32, #tpu.memory_space<vmem>>[vector<16xi32>, vector<16xi32>], vector<16xf32>,
          %add3A_1117 = vector.broadcast %mul3A_416 : i32 to vector<16xi32>
          %add3A_1118 = arith.addi %add3A_1117, %and3A_52 : vector<16xi32>
          %gather3A_1119 = arith.constant 0 : i32
          %gather3A_1120 = arith.constant 0 : i32
          %gather3A_1121 = tpu.memref_slice %arg5[%scan3A_392, %gather3A_1119, %gather3A_1120] : memref<2x64x256xf32, #tpu.memory_space<vmem>> -> memref<1x64x256xf32, #tpu.memory_space<vmem>>
          %gather3A_1122 = tpu.memref_squeeze %gather3A_1121 : memref<1x64x256xf32, #tpu.memory_space<vmem>> -> memref<64x256xf32, #tpu.memory_space<vmem>>
          %gather3A_1123 = tpu.vector_load_idx %gather3A_1122[%add3A_273, %add3A_1118] : memref<64x256xf32, #tpu.memory_space<vmem>>[vector<16xi32>, vector<16xi32>], vector<16xf32>,
          %add3A_1124 = vector.broadcast %mul3A_416 : i32 to vector<16xi32>
          %add3A_1125 = arith.addi %add3A_1124, %and3A_58 : vector<16xi32>
          %gather3A_1126 = arith.constant 0 : i32
          %gather3A_1127 = arith.constant 0 : i32
          %gather3A_1128 = tpu.memref_slice %arg5[%scan3A_392, %gather3A_1126, %gather3A_1127] : memref<2x64x256xf32, #tpu.memory_space<vmem>> -> memref<1x64x256xf32, #tpu.memory_space<vmem>>
          %gather3A_1129 = tpu.memref_squeeze %gather3A_1128 : memref<1x64x256xf32, #tpu.memory_space<vmem>> -> memref<64x256xf32, #tpu.memory_space<vmem>>
          %gather3A_1130 = tpu.vector_load_idx %gather3A_1129[%add3A_273, %add3A_1125] : memref<64x256xf32, #tpu.memory_space<vmem>>[vector<16xi32>, vector<16xi32>], vector<16xf32>,
          %add3A_1131 = vector.broadcast %mul3A_416 : i32 to vector<16xi32>
          %add3A_1132 = arith.addi %add3A_1131, %and3A_64 : vector<16xi32>
          %gather3A_1133 = arith.constant 0 : i32
          %gather3A_1134 = arith.constant 0 : i32
          %gather3A_1135 = tpu.memref_slice %arg5[%scan3A_392, %gather3A_1133, %gather3A_1134] : memref<2x64x256xf32, #tpu.memory_space<vmem>> -> memref<1x64x256xf32, #tpu.memory_space<vmem>>
          %gather3A_1136 = tpu.memref_squeeze %gather3A_1135 : memref<1x64x256xf32, #tpu.memory_space<vmem>> -> memref<64x256xf32, #tpu.memory_space<vmem>>
          %gather3A_1137 = tpu.vector_load_idx %gather3A_1136[%add3A_273, %add3A_1132] : memref<64x256xf32, #tpu.memory_space<vmem>>[vector<16xi32>, vector<16xi32>], vector<16xf32>,
          %add3A_1138 = vector.broadcast %mul3A_416 : i32 to vector<16xi32>
          %add3A_1139 = arith.addi %add3A_1138, %and3A_70 : vector<16xi32>
          %gather3A_1140 = arith.constant 0 : i32
          %gather3A_1141 = arith.constant 0 : i32
          %gather3A_1142 = tpu.memref_slice %arg5[%scan3A_392, %gather3A_1140, %gather3A_1141] : memref<2x64x256xf32, #tpu.memory_space<vmem>> -> memref<1x64x256xf32, #tpu.memory_space<vmem>>
          %gather3A_1143 = tpu.memref_squeeze %gather3A_1142 : memref<1x64x256xf32, #tpu.memory_space<vmem>> -> memref<64x256xf32, #tpu.memory_space<vmem>>
          %gather3A_1144 = tpu.vector_load_idx %gather3A_1143[%add3A_273, %add3A_1139] : memref<64x256xf32, #tpu.memory_space<vmem>>[vector<16xi32>, vector<16xi32>], vector<16xf32>,
          %add3A_1145 = vector.broadcast %mul3A_416 : i32 to vector<16xi32>
          %add3A_1146 = arith.addi %add3A_1145, %and3A_76 : vector<16xi32>
          %gather3A_1147 = arith.constant 0 : i32
          %gather3A_1148 = arith.constant 0 : i32
          %gather3A_1149 = tpu.memref_slice %arg5[%scan3A_392, %gather3A_1147, %gather3A_1148] : memref<2x64x256xf32, #tpu.memory_space<vmem>> -> memref<1x64x256xf32, #tpu.memory_space<vmem>>
          %gather3A_1150 = tpu.memref_squeeze %gather3A_1149 : memref<1x64x256xf32, #tpu.memory_space<vmem>> -> memref<64x256xf32, #tpu.memory_space<vmem>>
          %gather3A_1151 = tpu.vector_load_idx %gather3A_1150[%add3A_273, %add3A_1146] : memref<64x256xf32, #tpu.memory_space<vmem>>[vector<16xi32>, vector<16xi32>], vector<16xf32>,
          %add3A_1152 = vector.broadcast %mul3A_416 : i32 to vector<16xi32>
          %add3A_1153 = arith.addi %add3A_1152, %and3A_82 : vector<16xi32>
          %gather3A_1154 = arith.constant 0 : i32
          %gather3A_1155 = arith.constant 0 : i32
          %gather3A_1156 = tpu.memref_slice %arg5[%scan3A_392, %gather3A_1154, %gather3A_1155] : memref<2x64x256xf32, #tpu.memory_space<vmem>> -> memref<1x64x256xf32, #tpu.memory_space<vmem>>
          %gather3A_1157 = tpu.memref_squeeze %gather3A_1156 : memref<1x64x256xf32, #tpu.memory_space<vmem>> -> memref<64x256xf32, #tpu.memory_space<vmem>>
          %gather3A_1158 = tpu.vector_load_idx %gather3A_1157[%add3A_273, %add3A_1153] : memref<64x256xf32, #tpu.memory_space<vmem>>[vector<16xi32>, vector<16xi32>], vector<16xf32>,
          %add3A_1159 = vector.broadcast %mul3A_416 : i32 to vector<16xi32>
          %add3A_1160 = arith.addi %add3A_1159, %and3A_88 : vector<16xi32>
          %gather3A_1161 = arith.constant 0 : i32
          %gather3A_1162 = arith.constant 0 : i32
          %gather3A_1163 = tpu.memref_slice %arg5[%scan3A_392, %gather3A_1161, %gather3A_1162] : memref<2x64x256xf32, #tpu.memory_space<vmem>> -> memref<1x64x256xf32, #tpu.memory_space<vmem>>
          %gather3A_1164 = tpu.memref_squeeze %gather3A_1163 : memref<1x64x256xf32, #tpu.memory_space<vmem>> -> memref<64x256xf32, #tpu.memory_space<vmem>>
          %gather3A_1165 = tpu.vector_load_idx %gather3A_1164[%add3A_273, %add3A_1160] : memref<64x256xf32, #tpu.memory_space<vmem>>[vector<16xi32>, vector<16xi32>], vector<16xf32>,
          %add3A_1166 = vector.broadcast %mul3A_416 : i32 to vector<16xi32>
          %add3A_1167 = arith.addi %add3A_1166, %and3A_94 : vector<16xi32>
          %gather3A_1168 = arith.constant 0 : i32
          %gather3A_1169 = arith.constant 0 : i32
          %gather3A_1170 = tpu.memref_slice %arg5[%scan3A_392, %gather3A_1168, %gather3A_1169] : memref<2x64x256xf32, #tpu.memory_space<vmem>> -> memref<1x64x256xf32, #tpu.memory_space<vmem>>
          %gather3A_1171 = tpu.memref_squeeze %gather3A_1170 : memref<1x64x256xf32, #tpu.memory_space<vmem>> -> memref<64x256xf32, #tpu.memory_space<vmem>>
          %gather3A_1172 = tpu.vector_load_idx %gather3A_1171[%add3A_273, %add3A_1167] : memref<64x256xf32, #tpu.memory_space<vmem>>[vector<16xi32>, vector<16xi32>], vector<16xf32>,
          %add3A_1173 = vector.broadcast %mul3A_416 : i32 to vector<16xi32>
          %add3A_1174 = arith.addi %add3A_1173, %and3A_100 : vector<16xi32>
          %gather3A_1175 = arith.constant 0 : i32
          %gather3A_1176 = arith.constant 0 : i32
          %gather3A_1177 = tpu.memref_slice %arg5[%scan3A_392, %gather3A_1175, %gather3A_1176] : memref<2x64x256xf32, #tpu.memory_space<vmem>> -> memref<1x64x256xf32, #tpu.memory_space<vmem>>
          %gather3A_1178 = tpu.memref_squeeze %gather3A_1177 : memref<1x64x256xf32, #tpu.memory_space<vmem>> -> memref<64x256xf32, #tpu.memory_space<vmem>>
          %gather3A_1179 = tpu.vector_load_idx %gather3A_1178[%add3A_273, %add3A_1174] : memref<64x256xf32, #tpu.memory_space<vmem>>[vector<16xi32>, vector<16xi32>], vector<16xf32>,
          %add3A_1180 = vector.broadcast %mul3A_416 : i32 to vector<16xi32>
          %add3A_1181 = arith.addi %add3A_1180, %and3A_106 : vector<16xi32>
          %gather3A_1182 = arith.constant 0 : i32
          %gather3A_1183 = arith.constant 0 : i32
          %gather3A_1184 = tpu.memref_slice %arg5[%scan3A_392, %gather3A_1182, %gather3A_1183] : memref<2x64x256xf32, #tpu.memory_space<vmem>> -> memref<1x64x256xf32, #tpu.memory_space<vmem>>
          %gather3A_1185 = tpu.memref_squeeze %gather3A_1184 : memref<1x64x256xf32, #tpu.memory_space<vmem>> -> memref<64x256xf32, #tpu.memory_space<vmem>>
          %gather3A_1186 = tpu.vector_load_idx %gather3A_1185[%add3A_273, %add3A_1181] : memref<64x256xf32, #tpu.memory_space<vmem>>[vector<16xi32>, vector<16xi32>], vector<16xf32>,
          %add3A_1187 = vector.broadcast %mul3A_416 : i32 to vector<16xi32>
          %add3A_1188 = arith.addi %add3A_1187, %and3A_112 : vector<16xi32>
          %gather3A_1189 = arith.constant 0 : i32
          %gather3A_1190 = arith.constant 0 : i32
          %gather3A_1191 = tpu.memref_slice %arg5[%scan3A_392, %gather3A_1189, %gather3A_1190] : memref<2x64x256xf32, #tpu.memory_space<vmem>> -> memref<1x64x256xf32, #tpu.memory_space<vmem>>
          %gather3A_1192 = tpu.memref_squeeze %gather3A_1191 : memref<1x64x256xf32, #tpu.memory_space<vmem>> -> memref<64x256xf32, #tpu.memory_space<vmem>>
          %gather3A_1193 = tpu.vector_load_idx %gather3A_1192[%add3A_273, %add3A_1188] : memref<64x256xf32, #tpu.memory_space<vmem>>[vector<16xi32>, vector<16xi32>], vector<16xf32>,
          %add3A_1194 = vector.broadcast %mul3A_416 : i32 to vector<16xi32>
          %add3A_1195 = arith.addi %add3A_1194, %and3A_118 : vector<16xi32>
          %gather3A_1196 = arith.constant 0 : i32
          %gather3A_1197 = arith.constant 0 : i32
          %gather3A_1198 = tpu.memref_slice %arg5[%scan3A_392, %gather3A_1196, %gather3A_1197] : memref<2x64x256xf32, #tpu.memory_space<vmem>> -> memref<1x64x256xf32, #tpu.memory_space<vmem>>
          %gather3A_1199 = tpu.memref_squeeze %gather3A_1198 : memref<1x64x256xf32, #tpu.memory_space<vmem>> -> memref<64x256xf32, #tpu.memory_space<vmem>>
          %gather3A_1200 = tpu.vector_load_idx %gather3A_1199[%add3A_273, %add3A_1195] : memref<64x256xf32, #tpu.memory_space<vmem>>[vector<16xi32>, vector<16xi32>], vector<16xf32>,
          %add3A_1201 = vector.broadcast %mul3A_418 : i32 to vector<16xi32>
          %add3A_1202 = arith.addi %add3A_1201, %shift_right_arithmetic3A_120 : vector<16xi32>
          %add3A_1203 = arith.addi %mul3A_171, %add3A_273 : vector<16xi32>
          %scatter3A_1204 = arith.constant 0 : i32
          %scatter3A_1205 = arith.constant 0 : i32
          %scatter3A_1206 = tpu.memref_slice %arg6[%scan3A_393, %scatter3A_1204, %scatter3A_1205] : memref<2x128x128xf32, #tpu.memory_space<vmem>> -> memref<1x128x128xf32, #tpu.memory_space<vmem>>
          %scatter3A_1207 = tpu.memref_squeeze %scatter3A_1206 : memref<1x128x128xf32, #tpu.memory_space<vmem>> -> memref<128x128xf32, #tpu.memory_space<vmem>>
          tpu.vector_store_idx %scatter3A_1207[%add3A_1202, %add3A_1203], %gather3A_1095 : memref<128x128xf32, #tpu.memory_space<vmem>>[vector<16xi32>, vector<16xi32>], vector<16xf32>,
          %add3A_1208 = vector.broadcast %mul3A_418 : i32 to vector<16xi32>
          %add3A_1209 = arith.addi %add3A_1208, %shift_right_arithmetic3A_123 : vector<16xi32>
          %add3A_1210 = arith.addi %mul3A_177, %add3A_273 : vector<16xi32>
          %scatter3A_1211 = arith.constant 0 : i32
          %scatter3A_1212 = arith.constant 0 : i32
          %scatter3A_1213 = tpu.memref_slice %arg6[%scan3A_393, %scatter3A_1211, %scatter3A_1212] : memref<2x128x128xf32, #tpu.memory_space<vmem>> -> memref<1x128x128xf32, #tpu.memory_space<vmem>>
          %scatter3A_1214 = tpu.memref_squeeze %scatter3A_1213 : memref<1x128x128xf32, #tpu.memory_space<vmem>> -> memref<128x128xf32, #tpu.memory_space<vmem>>
          tpu.vector_store_idx %scatter3A_1214[%add3A_1209, %add3A_1210], %gather3A_1102 : memref<128x128xf32, #tpu.memory_space<vmem>>[vector<16xi32>, vector<16xi32>], vector<16xf32>,
          %add3A_1215 = vector.broadcast %mul3A_418 : i32 to vector<16xi32>
          %add3A_1216 = arith.addi %add3A_1215, %shift_right_arithmetic3A_126 : vector<16xi32>
          %add3A_1217 = arith.addi %mul3A_183, %add3A_273 : vector<16xi32>
          %scatter3A_1218 = arith.constant 0 : i32
          %scatter3A_1219 = arith.constant 0 : i32
          %scatter3A_1220 = tpu.memref_slice %arg6[%scan3A_393, %scatter3A_1218, %scatter3A_1219] : memref<2x128x128xf32, #tpu.memory_space<vmem>> -> memref<1x128x128xf32, #tpu.memory_space<vmem>>
          %scatter3A_1221 = tpu.memref_squeeze %scatter3A_1220 : memref<1x128x128xf32, #tpu.memory_space<vmem>> -> memref<128x128xf32, #tpu.memory_space<vmem>>
          tpu.vector_store_idx %scatter3A_1221[%add3A_1216, %add3A_1217], %gather3A_1109 : memref<128x128xf32, #tpu.memory_space<vmem>>[vector<16xi32>, vector<16xi32>], vector<16xf32>,
          %add3A_1222 = vector.broadcast %mul3A_418 : i32 to vector<16xi32>
          %add3A_1223 = arith.addi %add3A_1222, %shift_right_arithmetic3A_129 : vector<16xi32>
          %add3A_1224 = arith.addi %mul3A_189, %add3A_273 : vector<16xi32>
          %scatter3A_1225 = arith.constant 0 : i32
          %scatter3A_1226 = arith.constant 0 : i32
          %scatter3A_1227 = tpu.memref_slice %arg6[%scan3A_393, %scatter3A_1225, %scatter3A_1226] : memref<2x128x128xf32, #tpu.memory_space<vmem>> -> memref<1x128x128xf32, #tpu.memory_space<vmem>>
          %scatter3A_1228 = tpu.memref_squeeze %scatter3A_1227 : memref<1x128x128xf32, #tpu.memory_space<vmem>> -> memref<128x128xf32, #tpu.memory_space<vmem>>
          tpu.vector_store_idx %scatter3A_1228[%add3A_1223, %add3A_1224], %gather3A_1116 : memref<128x128xf32, #tpu.memory_space<vmem>>[vector<16xi32>, vector<16xi32>], vector<16xf32>,
          %add3A_1229 = vector.broadcast %mul3A_418 : i32 to vector<16xi32>
          %add3A_1230 = arith.addi %add3A_1229, %shift_right_arithmetic3A_132 : vector<16xi32>
          %add3A_1231 = arith.addi %mul3A_195, %add3A_273 : vector<16xi32>
          %scatter3A_1232 = arith.constant 0 : i32
          %scatter3A_1233 = arith.constant 0 : i32
          %scatter3A_1234 = tpu.memref_slice %arg6[%scan3A_393, %scatter3A_1232, %scatter3A_1233] : memref<2x128x128xf32, #tpu.memory_space<vmem>> -> memref<1x128x128xf32, #tpu.memory_space<vmem>>
          %scatter3A_1235 = tpu.memref_squeeze %scatter3A_1234 : memref<1x128x128xf32, #tpu.memory_space<vmem>> -> memref<128x128xf32, #tpu.memory_space<vmem>>
          tpu.vector_store_idx %scatter3A_1235[%add3A_1230, %add3A_1231], %gather3A_1123 : memref<128x128xf32, #tpu.memory_space<vmem>>[vector<16xi32>, vector<16xi32>], vector<16xf32>,
          %add3A_1236 = vector.broadcast %mul3A_418 : i32 to vector<16xi32>
          %add3A_1237 = arith.addi %add3A_1236, %shift_right_arithmetic3A_135 : vector<16xi32>
          %add3A_1238 = arith.addi %mul3A_201, %add3A_273 : vector<16xi32>
          %scatter3A_1239 = arith.constant 0 : i32
          %scatter3A_1240 = arith.constant 0 : i32
          %scatter3A_1241 = tpu.memref_slice %arg6[%scan3A_393, %scatter3A_1239, %scatter3A_1240] : memref<2x128x128xf32, #tpu.memory_space<vmem>> -> memref<1x128x128xf32, #tpu.memory_space<vmem>>
          %scatter3A_1242 = tpu.memref_squeeze %scatter3A_1241 : memref<1x128x128xf32, #tpu.memory_space<vmem>> -> memref<128x128xf32, #tpu.memory_space<vmem>>
          tpu.vector_store_idx %scatter3A_1242[%add3A_1237, %add3A_1238], %gather3A_1130 : memref<128x128xf32, #tpu.memory_space<vmem>>[vector<16xi32>, vector<16xi32>], vector<16xf32>,
          %add3A_1243 = vector.broadcast %mul3A_418 : i32 to vector<16xi32>
          %add3A_1244 = arith.addi %add3A_1243, %shift_right_arithmetic3A_138 : vector<16xi32>
          %add3A_1245 = arith.addi %mul3A_207, %add3A_273 : vector<16xi32>
          %scatter3A_1246 = arith.constant 0 : i32
          %scatter3A_1247 = arith.constant 0 : i32
          %scatter3A_1248 = tpu.memref_slice %arg6[%scan3A_393, %scatter3A_1246, %scatter3A_1247] : memref<2x128x128xf32, #tpu.memory_space<vmem>> -> memref<1x128x128xf32, #tpu.memory_space<vmem>>
          %scatter3A_1249 = tpu.memref_squeeze %scatter3A_1248 : memref<1x128x128xf32, #tpu.memory_space<vmem>> -> memref<128x128xf32, #tpu.memory_space<vmem>>
          tpu.vector_store_idx %scatter3A_1249[%add3A_1244, %add3A_1245], %gather3A_1137 : memref<128x128xf32, #tpu.memory_space<vmem>>[vector<16xi32>, vector<16xi32>], vector<16xf32>,
          %add3A_1250 = vector.broadcast %mul3A_418 : i32 to vector<16xi32>
          %add3A_1251 = arith.addi %add3A_1250, %shift_right_arithmetic3A_141 : vector<16xi32>
          %add3A_1252 = arith.addi %mul3A_213, %add3A_273 : vector<16xi32>
          %scatter3A_1253 = arith.constant 0 : i32
          %scatter3A_1254 = arith.constant 0 : i32
          %scatter3A_1255 = tpu.memref_slice %arg6[%scan3A_393, %scatter3A_1253, %scatter3A_1254] : memref<2x128x128xf32, #tpu.memory_space<vmem>> -> memref<1x128x128xf32, #tpu.memory_space<vmem>>
          %scatter3A_1256 = tpu.memref_squeeze %scatter3A_1255 : memref<1x128x128xf32, #tpu.memory_space<vmem>> -> memref<128x128xf32, #tpu.memory_space<vmem>>
          tpu.vector_store_idx %scatter3A_1256[%add3A_1251, %add3A_1252], %gather3A_1144 : memref<128x128xf32, #tpu.memory_space<vmem>>[vector<16xi32>, vector<16xi32>], vector<16xf32>,
          %add3A_1257 = vector.broadcast %mul3A_418 : i32 to vector<16xi32>
          %add3A_1258 = arith.addi %add3A_1257, %shift_right_arithmetic3A_144 : vector<16xi32>
          %add3A_1259 = arith.addi %mul3A_219, %add3A_273 : vector<16xi32>
          %scatter3A_1260 = arith.constant 0 : i32
          %scatter3A_1261 = arith.constant 0 : i32
          %scatter3A_1262 = tpu.memref_slice %arg6[%scan3A_393, %scatter3A_1260, %scatter3A_1261] : memref<2x128x128xf32, #tpu.memory_space<vmem>> -> memref<1x128x128xf32, #tpu.memory_space<vmem>>
          %scatter3A_1263 = tpu.memref_squeeze %scatter3A_1262 : memref<1x128x128xf32, #tpu.memory_space<vmem>> -> memref<128x128xf32, #tpu.memory_space<vmem>>
          tpu.vector_store_idx %scatter3A_1263[%add3A_1258, %add3A_1259], %gather3A_1151 : memref<128x128xf32, #tpu.memory_space<vmem>>[vector<16xi32>, vector<16xi32>], vector<16xf32>,
          %add3A_1264 = vector.broadcast %mul3A_418 : i32 to vector<16xi32>
          %add3A_1265 = arith.addi %add3A_1264, %shift_right_arithmetic3A_147 : vector<16xi32>
          %add3A_1266 = arith.addi %mul3A_225, %add3A_273 : vector<16xi32>
          %scatter3A_1267 = arith.constant 0 : i32
          %scatter3A_1268 = arith.constant 0 : i32
          %scatter3A_1269 = tpu.memref_slice %arg6[%scan3A_393, %scatter3A_1267, %scatter3A_1268] : memref<2x128x128xf32, #tpu.memory_space<vmem>> -> memref<1x128x128xf32, #tpu.memory_space<vmem>>
          %scatter3A_1270 = tpu.memref_squeeze %scatter3A_1269 : memref<1x128x128xf32, #tpu.memory_space<vmem>> -> memref<128x128xf32, #tpu.memory_space<vmem>>
          tpu.vector_store_idx %scatter3A_1270[%add3A_1265, %add3A_1266], %gather3A_1158 : memref<128x128xf32, #tpu.memory_space<vmem>>[vector<16xi32>, vector<16xi32>], vector<16xf32>,
          %add3A_1271 = vector.broadcast %mul3A_418 : i32 to vector<16xi32>
          %add3A_1272 = arith.addi %add3A_1271, %shift_right_arithmetic3A_150 : vector<16xi32>
          %add3A_1273 = arith.addi %mul3A_231, %add3A_273 : vector<16xi32>
          %scatter3A_1274 = arith.constant 0 : i32
          %scatter3A_1275 = arith.constant 0 : i32
          %scatter3A_1276 = tpu.memref_slice %arg6[%scan3A_393, %scatter3A_1274, %scatter3A_1275] : memref<2x128x128xf32, #tpu.memory_space<vmem>> -> memref<1x128x128xf32, #tpu.memory_space<vmem>>
          %scatter3A_1277 = tpu.memref_squeeze %scatter3A_1276 : memref<1x128x128xf32, #tpu.memory_space<vmem>> -> memref<128x128xf32, #tpu.memory_space<vmem>>
          tpu.vector_store_idx %scatter3A_1277[%add3A_1272, %add3A_1273], %gather3A_1165 : memref<128x128xf32, #tpu.memory_space<vmem>>[vector<16xi32>, vector<16xi32>], vector<16xf32>,
          %add3A_1278 = vector.broadcast %mul3A_418 : i32 to vector<16xi32>
          %add3A_1279 = arith.addi %add3A_1278, %shift_right_arithmetic3A_153 : vector<16xi32>
          %add3A_1280 = arith.addi %mul3A_237, %add3A_273 : vector<16xi32>
          %scatter3A_1281 = arith.constant 0 : i32
          %scatter3A_1282 = arith.constant 0 : i32
          %scatter3A_1283 = tpu.memref_slice %arg6[%scan3A_393, %scatter3A_1281, %scatter3A_1282] : memref<2x128x128xf32, #tpu.memory_space<vmem>> -> memref<1x128x128xf32, #tpu.memory_space<vmem>>
          %scatter3A_1284 = tpu.memref_squeeze %scatter3A_1283 : memref<1x128x128xf32, #tpu.memory_space<vmem>> -> memref<128x128xf32, #tpu.memory_space<vmem>>
          tpu.vector_store_idx %scatter3A_1284[%add3A_1279, %add3A_1280], %gather3A_1172 : memref<128x128xf32, #tpu.memory_space<vmem>>[vector<16xi32>, vector<16xi32>], vector<16xf32>,
          %add3A_1285 = vector.broadcast %mul3A_418 : i32 to vector<16xi32>
          %add3A_1286 = arith.addi %add3A_1285, %shift_right_arithmetic3A_156 : vector<16xi32>
          %add3A_1287 = arith.addi %mul3A_243, %add3A_273 : vector<16xi32>
          %scatter3A_1288 = arith.constant 0 : i32
          %scatter3A_1289 = arith.constant 0 : i32
          %scatter3A_1290 = tpu.memref_slice %arg6[%scan3A_393, %scatter3A_1288, %scatter3A_1289] : memref<2x128x128xf32, #tpu.memory_space<vmem>> -> memref<1x128x128xf32, #tpu.memory_space<vmem>>
          %scatter3A_1291 = tpu.memref_squeeze %scatter3A_1290 : memref<1x128x128xf32, #tpu.memory_space<vmem>> -> memref<128x128xf32, #tpu.memory_space<vmem>>
          tpu.vector_store_idx %scatter3A_1291[%add3A_1286, %add3A_1287], %gather3A_1179 : memref<128x128xf32, #tpu.memory_space<vmem>>[vector<16xi32>, vector<16xi32>], vector<16xf32>,
          %add3A_1292 = vector.broadcast %mul3A_418 : i32 to vector<16xi32>
          %add3A_1293 = arith.addi %add3A_1292, %shift_right_arithmetic3A_159 : vector<16xi32>
          %add3A_1294 = arith.addi %mul3A_249, %add3A_273 : vector<16xi32>
          %scatter3A_1295 = arith.constant 0 : i32
          %scatter3A_1296 = arith.constant 0 : i32
          %scatter3A_1297 = tpu.memref_slice %arg6[%scan3A_393, %scatter3A_1295, %scatter3A_1296] : memref<2x128x128xf32, #tpu.memory_space<vmem>> -> memref<1x128x128xf32, #tpu.memory_space<vmem>>
          %scatter3A_1298 = tpu.memref_squeeze %scatter3A_1297 : memref<1x128x128xf32, #tpu.memory_space<vmem>> -> memref<128x128xf32, #tpu.memory_space<vmem>>
          tpu.vector_store_idx %scatter3A_1298[%add3A_1293, %add3A_1294], %gather3A_1186 : memref<128x128xf32, #tpu.memory_space<vmem>>[vector<16xi32>, vector<16xi32>], vector<16xf32>,
          %add3A_1299 = vector.broadcast %mul3A_418 : i32 to vector<16xi32>
          %add3A_1300 = arith.addi %add3A_1299, %shift_right_arithmetic3A_162 : vector<16xi32>
          %add3A_1301 = arith.addi %mul3A_255, %add3A_273 : vector<16xi32>
          %scatter3A_1302 = arith.constant 0 : i32
          %scatter3A_1303 = arith.constant 0 : i32
          %scatter3A_1304 = tpu.memref_slice %arg6[%scan3A_393, %scatter3A_1302, %scatter3A_1303] : memref<2x128x128xf32, #tpu.memory_space<vmem>> -> memref<1x128x128xf32, #tpu.memory_space<vmem>>
          %scatter3A_1305 = tpu.memref_squeeze %scatter3A_1304 : memref<1x128x128xf32, #tpu.memory_space<vmem>> -> memref<128x128xf32, #tpu.memory_space<vmem>>
          tpu.vector_store_idx %scatter3A_1305[%add3A_1300, %add3A_1301], %gather3A_1193 : memref<128x128xf32, #tpu.memory_space<vmem>>[vector<16xi32>, vector<16xi32>], vector<16xf32>,
          %add3A_1306 = vector.broadcast %mul3A_418 : i32 to vector<16xi32>
          %add3A_1307 = arith.addi %add3A_1306, %shift_right_arithmetic3A_165 : vector<16xi32>
          %add3A_1308 = arith.addi %mul3A_261, %add3A_273 : vector<16xi32>
          %scatter3A_1309 = arith.constant 0 : i32
          %scatter3A_1310 = arith.constant 0 : i32
          %scatter3A_1311 = tpu.memref_slice %arg6[%scan3A_393, %scatter3A_1309, %scatter3A_1310] : memref<2x128x128xf32, #tpu.memory_space<vmem>> -> memref<1x128x128xf32, #tpu.memory_space<vmem>>
          %scatter3A_1312 = tpu.memref_squeeze %scatter3A_1311 : memref<1x128x128xf32, #tpu.memory_space<vmem>> -> memref<128x128xf32, #tpu.memory_space<vmem>>
          tpu.vector_store_idx %scatter3A_1312[%add3A_1307, %add3A_1308], %gather3A_1200 : memref<128x128xf32, #tpu.memory_space<vmem>>[vector<16xi32>, vector<16xi32>], vector<16xf32>,
        }
        %scan3A_398 = arith.constant 16 : i32
        %mul3A_399 = arith.constant 128 : i32
        %mul3A_400 = arith.muli %add3A_359, %mul3A_399 : i32
        %dma_start3A_401 = arith.constant 1 : i32
        %dma_start3A_402 = arith.constant 0 : i32
        %dma_start3A_403 = arith.constant 0 : i32
        %dma_start3A_404 = tpu.memref_slice %arg6[%dma_start3A_401, %dma_start3A_402, %dma_start3A_403] : memref<2x128x128xf32, #tpu.memory_space<vmem>> -> memref<1x128x128xf32, #tpu.memory_space<vmem>>
        %dma_start3A_405 = tpu.memref_squeeze %dma_start3A_404 : memref<1x128x128xf32, #tpu.memory_space<vmem>> -> memref<128x128xf32, #tpu.memory_space<vmem>>
        %dma_start3A_406 = arith.constant 0 : i32
        %dma_start3A_407 = tpu.memref_slice %arg4[%mul3A_400, %dma_start3A_406] : memref<500000x128xf32, #tpu.memory_space<hbm>> -> memref<128x128xf32, #tpu.memory_space<hbm>>
        %dma_start3A_408 = arith.constant 0 : i32
        %dma_start3A_409 = tpu.memref_slice %arg4[%mul3A_400, %dma_start3A_408] : memref<500000x128xf32, #tpu.memory_space<hbm>> -> memref<128x128xf32, #tpu.memory_space<hbm>>
        %dma_start3A_410 = arith.constant 0 : i32
        %dma_start3A_411 = arith.constant 0 : i32
        %dma_start3A_412 = tpu.memref_slice %arg6[%dma_start3A_401, %dma_start3A_410, %dma_start3A_411] : memref<2x128x128xf32, #tpu.memory_space<vmem>> -> memref<1x128x128xf32, #tpu.memory_space<vmem>>
        %dma_start3A_413 = tpu.memref_squeeze %dma_start3A_412 : memref<1x128x128xf32, #tpu.memory_space<vmem>> -> memref<128x128xf32, #tpu.memory_space<vmem>>
        tpu.enqueue_dma source(%dma_start3A_413 : memref<128x128xf32, #tpu.memory_space<vmem>>) target(%dma_start3A_409 : memref<128x128xf32, #tpu.memory_space<hbm>>) target_semaphore(%arg10 : memref<!tpu.dma_semaphore, #tpu.memory_space<semaphore_mem>>)
      } else {
      }
    }
    %scan3A_292 = arith.constant 62 : i32
    %jit3A_293 = arith.constant 2 : i32
    %eq3A = arith.constant 0 : i32
    %eq3A_294 = arith.cmpi eq, %jit3A_293, %eq3A : i32
    %jit3A_295 = arith.constant 1 : i32
    %select_n3A_296 = arith.select %eq3A_294, %jit3A_295, %jit3A_293 : i32
    %rem3A_297 = arith.remsi %select_n3A, %select_n3A_296 : i32
    %ne3A_298 = arith.constant 0 : i32
    %ne3A_299 = arith.cmpi ne, %rem3A_297, %ne3A_298 : i32
    %lt3A = arith.constant 0 : i32
    %lt3A_300 = arith.cmpi slt, %rem3A_297, %lt3A : i32
    %lt3A_301 = arith.constant 0 : i32
    %lt3A_302 = arith.cmpi slt, %select_n3A_296, %lt3A_301 : i32
    %ne3A_303 = arith.xori %lt3A_300, %lt3A_302 : i1
    %and3A_304 = arith.andi %ne3A_303, %ne3A_299 : i1
    %add3A_305 = arith.addi %rem3A_297, %select_n3A_296 : i32
    %select_n3A_306 = arith.select %and3A_304, %add3A_305, %rem3A_297 : i32
    %eq3A_307 = arith.constant 1 : i32
    %eq3A_308 = arith.cmpi eq, %select_n3A_306, %eq3A_307 : i32
    %convert_element_type3A = arith.extui %eq3A_308 : i1 to i32
    %cond3A = arith.constant 0 : i32
    %cond3A_309 = arith.cmpi ne, %convert_element_type3A, %cond3A : i32
    scf.if %cond3A_309 {
      %dma_wait3A = arith.constant 0 : i32
      %dma_wait3A_340 = arith.constant 0 : i32
      %dma_wait3A_341 = arith.constant 0 : i32
      %dma_wait3A_342 = tpu.memref_slice %arg6[%dma_wait3A, %dma_wait3A_340, %dma_wait3A_341] : memref<2x128x128xf32, #tpu.memory_space<vmem>> -> memref<1x128x128xf32, #tpu.memory_space<vmem>>
      %dma_wait3A_343 = tpu.memref_squeeze %dma_wait3A_342 : memref<1x128x128xf32, #tpu.memory_space<vmem>> -> memref<128x128xf32, #tpu.memory_space<vmem>>
      %dma_wait3A_344 = arith.constant 0 : i32
      %dma_wait3A_345 = arith.constant 0 : i32
      %dma_wait3A_346 = tpu.memref_slice %arg4[%dma_wait3A_344, %dma_wait3A_345] : memref<500000x128xf32, #tpu.memory_space<hbm>> -> memref<128x128xf32, #tpu.memory_space<hbm>>
      %dma_wait3A_347 = arith.constant 0 : i32
      %dma_wait3A_348 = arith.constant 0 : i32
      %dma_wait3A_349 = tpu.memref_slice %arg4[%dma_wait3A_347, %dma_wait3A_348] : memref<500000x128xf32, #tpu.memory_space<hbm>> -> memref<128x128xf32, #tpu.memory_space<hbm>>
      %dma_wait3A_350 = arith.constant 0 : i32
      %dma_wait3A_351 = arith.constant 0 : i32
      %dma_wait3A_352 = tpu.memref_slice %arg6[%dma_wait3A, %dma_wait3A_350, %dma_wait3A_351] : memref<2x128x128xf32, #tpu.memory_space<vmem>> -> memref<1x128x128xf32, #tpu.memory_space<vmem>>
      %dma_wait3A_353 = tpu.memref_squeeze %dma_wait3A_352 : memref<1x128x128xf32, #tpu.memory_space<vmem>> -> memref<128x128xf32, #tpu.memory_space<vmem>>
      tpu.wait_dma2 semaphore(%arg9 : memref<!tpu.dma_semaphore, #tpu.memory_space<semaphore_mem>>) src(%dma_wait3A_353 : memref<128x128xf32, #tpu.memory_space<vmem>>) dst(%dma_wait3A_349 : memref<128x128xf32, #tpu.memory_space<hbm>>)
    } else {
    }
    %jit3A_310 = arith.constant 2 : i32
    %eq3A_311 = arith.constant 0 : i32
    %eq3A_312 = arith.cmpi eq, %jit3A_310, %eq3A_311 : i32
    %jit3A_313 = arith.constant 1 : i32
    %select_n3A_314 = arith.select %eq3A_312, %jit3A_313, %jit3A_310 : i32
    %rem3A_315 = arith.remsi %select_n3A, %select_n3A_314 : i32
    %ne3A_316 = arith.constant 0 : i32
    %ne3A_317 = arith.cmpi ne, %rem3A_315, %ne3A_316 : i32
    %lt3A_318 = arith.constant 0 : i32
    %lt3A_319 = arith.cmpi slt, %rem3A_315, %lt3A_318 : i32
    %lt3A_320 = arith.constant 0 : i32
    %lt3A_321 = arith.cmpi slt, %select_n3A_314, %lt3A_320 : i32
    %ne3A_322 = arith.xori %lt3A_319, %lt3A_321 : i1
    %and3A_323 = arith.andi %ne3A_322, %ne3A_317 : i1
    %add3A_324 = arith.addi %rem3A_315, %select_n3A_314 : i32
    %select_n3A_325 = arith.select %and3A_323, %add3A_324, %rem3A_315 : i32
    %eq3A_326 = arith.constant 0 : i32
    %eq3A_327 = arith.cmpi eq, %select_n3A_325, %eq3A_326 : i32
    %convert_element_type3A_328 = arith.extui %eq3A_327 : i1 to i32
    %cond3A_329 = arith.constant 0 : i32
    %cond3A_330 = arith.cmpi ne, %convert_element_type3A_328, %cond3A_329 : i32
    scf.if %cond3A_330 {
      %dma_wait3A = arith.constant 1 : i32
      %dma_wait3A_340 = arith.constant 0 : i32
      %dma_wait3A_341 = arith.constant 0 : i32
      %dma_wait3A_342 = tpu.memref_slice %arg6[%dma_wait3A, %dma_wait3A_340, %dma_wait3A_341] : memref<2x128x128xf32, #tpu.memory_space<vmem>> -> memref<1x128x128xf32, #tpu.memory_space<vmem>>
      %dma_wait3A_343 = tpu.memref_squeeze %dma_wait3A_342 : memref<1x128x128xf32, #tpu.memory_space<vmem>> -> memref<128x128xf32, #tpu.memory_space<vmem>>
      %dma_wait3A_344 = arith.constant 0 : i32
      %dma_wait3A_345 = arith.constant 0 : i32
      %dma_wait3A_346 = tpu.memref_slice %arg4[%dma_wait3A_344, %dma_wait3A_345] : memref<500000x128xf32, #tpu.memory_space<hbm>> -> memref<128x128xf32, #tpu.memory_space<hbm>>
      %dma_wait3A_347 = arith.constant 0 : i32
      %dma_wait3A_348 = arith.constant 0 : i32
      %dma_wait3A_349 = tpu.memref_slice %arg4[%dma_wait3A_347, %dma_wait3A_348] : memref<500000x128xf32, #tpu.memory_space<hbm>> -> memref<128x128xf32, #tpu.memory_space<hbm>>
      %dma_wait3A_350 = arith.constant 0 : i32
      %dma_wait3A_351 = arith.constant 0 : i32
      %dma_wait3A_352 = tpu.memref_slice %arg6[%dma_wait3A, %dma_wait3A_350, %dma_wait3A_351] : memref<2x128x128xf32, #tpu.memory_space<vmem>> -> memref<1x128x128xf32, #tpu.memory_space<vmem>>
      %dma_wait3A_353 = tpu.memref_squeeze %dma_wait3A_352 : memref<1x128x128xf32, #tpu.memory_space<vmem>> -> memref<128x128xf32, #tpu.memory_space<vmem>>
      tpu.wait_dma2 semaphore(%arg10 : memref<!tpu.dma_semaphore, #tpu.memory_space<semaphore_mem>>) src(%dma_wait3A_353 : memref<128x128xf32, #tpu.memory_space<vmem>>) dst(%dma_wait3A_349 : memref<128x128xf32, #tpu.memory_space<hbm>>)
    } else {
    }
    %ge3A = arith.constant 2 : i32
    %ge3A_331 = arith.cmpi sge, %select_n3A, %ge3A : i32
    %convert_element_type3A_332 = arith.extui %ge3A_331 : i1 to i32
    %cond3A_333 = arith.constant 0 : i32
    %cond3A_334 = arith.cmpi ne, %convert_element_type3A_332, %cond3A_333 : i32
    scf.if %cond3A_334 {
      %jit3A_340 = arith.constant 2 : i32
      %eq3A_341 = arith.constant 0 : i32
      %eq3A_342 = arith.cmpi eq, %jit3A_340, %eq3A_341 : i32
      %jit3A_343 = arith.constant 1 : i32
      %select_n3A_344 = arith.select %eq3A_342, %jit3A_343, %jit3A_340 : i32
      %rem3A_345 = arith.remsi %select_n3A, %select_n3A_344 : i32
      %ne3A_346 = arith.constant 0 : i32
      %ne3A_347 = arith.cmpi ne, %rem3A_345, %ne3A_346 : i32
      %lt3A_348 = arith.constant 0 : i32
      %lt3A_349 = arith.cmpi slt, %rem3A_345, %lt3A_348 : i32
      %lt3A_350 = arith.constant 0 : i32
      %lt3A_351 = arith.cmpi slt, %select_n3A_344, %lt3A_350 : i32
      %ne3A_352 = arith.xori %lt3A_349, %lt3A_351 : i1
      %and3A_353 = arith.andi %ne3A_352, %ne3A_347 : i1
      %add3A_354 = arith.addi %rem3A_345, %select_n3A_344 : i32
      %select_n3A_355 = arith.select %and3A_353, %add3A_354, %rem3A_345 : i32
      %eq3A_356 = arith.constant 1 : i32
      %eq3A_357 = arith.cmpi eq, %select_n3A_355, %eq3A_356 : i32
      %convert_element_type3A_358 = arith.extui %eq3A_357 : i1 to i32
      %cond3A_359 = arith.constant 0 : i32
      %cond3A_360 = arith.cmpi ne, %convert_element_type3A_358, %cond3A_359 : i32
      scf.if %cond3A_360 {
        %dma_wait3A = arith.constant 1 : i32
        %dma_wait3A_382 = arith.constant 0 : i32
        %dma_wait3A_383 = arith.constant 0 : i32
        %dma_wait3A_384 = tpu.memref_slice %arg6[%dma_wait3A, %dma_wait3A_382, %dma_wait3A_383] : memref<2x128x128xf32, #tpu.memory_space<vmem>> -> memref<1x128x128xf32, #tpu.memory_space<vmem>>
        %dma_wait3A_385 = tpu.memref_squeeze %dma_wait3A_384 : memref<1x128x128xf32, #tpu.memory_space<vmem>> -> memref<128x128xf32, #tpu.memory_space<vmem>>
        %dma_wait3A_386 = arith.constant 0 : i32
        %dma_wait3A_387 = arith.constant 0 : i32
        %dma_wait3A_388 = tpu.memref_slice %arg4[%dma_wait3A_386, %dma_wait3A_387] : memref<500000x128xf32, #tpu.memory_space<hbm>> -> memref<128x128xf32, #tpu.memory_space<hbm>>
        %dma_wait3A_389 = arith.constant 0 : i32
        %dma_wait3A_390 = arith.constant 0 : i32
        %dma_wait3A_391 = tpu.memref_slice %arg4[%dma_wait3A_389, %dma_wait3A_390] : memref<500000x128xf32, #tpu.memory_space<hbm>> -> memref<128x128xf32, #tpu.memory_space<hbm>>
        %dma_wait3A_392 = arith.constant 0 : i32
        %dma_wait3A_393 = arith.constant 0 : i32
        %dma_wait3A_394 = tpu.memref_slice %arg6[%dma_wait3A, %dma_wait3A_392, %dma_wait3A_393] : memref<2x128x128xf32, #tpu.memory_space<vmem>> -> memref<1x128x128xf32, #tpu.memory_space<vmem>>
        %dma_wait3A_395 = tpu.memref_squeeze %dma_wait3A_394 : memref<1x128x128xf32, #tpu.memory_space<vmem>> -> memref<128x128xf32, #tpu.memory_space<vmem>>
        tpu.wait_dma2 semaphore(%arg10 : memref<!tpu.dma_semaphore, #tpu.memory_space<semaphore_mem>>) src(%dma_wait3A_395 : memref<128x128xf32, #tpu.memory_space<vmem>>) dst(%dma_wait3A_391 : memref<128x128xf32, #tpu.memory_space<hbm>>)
      } else {
      }
      %jit3A_361 = arith.constant 2 : i32
      %eq3A_362 = arith.constant 0 : i32
      %eq3A_363 = arith.cmpi eq, %jit3A_361, %eq3A_362 : i32
      %jit3A_364 = arith.constant 1 : i32
      %select_n3A_365 = arith.select %eq3A_363, %jit3A_364, %jit3A_361 : i32
      %rem3A_366 = arith.remsi %select_n3A, %select_n3A_365 : i32
      %ne3A_367 = arith.constant 0 : i32
      %ne3A_368 = arith.cmpi ne, %rem3A_366, %ne3A_367 : i32
      %lt3A_369 = arith.constant 0 : i32
      %lt3A_370 = arith.cmpi slt, %rem3A_366, %lt3A_369 : i32
      %lt3A_371 = arith.constant 0 : i32
      %lt3A_372 = arith.cmpi slt, %select_n3A_365, %lt3A_371 : i32
      %ne3A_373 = arith.xori %lt3A_370, %lt3A_372 : i1
      %and3A_374 = arith.andi %ne3A_373, %ne3A_368 : i1
      %add3A_375 = arith.addi %rem3A_366, %select_n3A_365 : i32
      %select_n3A_376 = arith.select %and3A_374, %add3A_375, %rem3A_366 : i32
      %eq3A_377 = arith.constant 0 : i32
      %eq3A_378 = arith.cmpi eq, %select_n3A_376, %eq3A_377 : i32
      %convert_element_type3A_379 = arith.extui %eq3A_378 : i1 to i32
      %cond3A_380 = arith.constant 0 : i32
      %cond3A_381 = arith.cmpi ne, %convert_element_type3A_379, %cond3A_380 : i32
      scf.if %cond3A_381 {
        %dma_wait3A = arith.constant 0 : i32
        %dma_wait3A_382 = arith.constant 0 : i32
        %dma_wait3A_383 = arith.constant 0 : i32
        %dma_wait3A_384 = tpu.memref_slice %arg6[%dma_wait3A, %dma_wait3A_382, %dma_wait3A_383] : memref<2x128x128xf32, #tpu.memory_space<vmem>> -> memref<1x128x128xf32, #tpu.memory_space<vmem>>
        %dma_wait3A_385 = tpu.memref_squeeze %dma_wait3A_384 : memref<1x128x128xf32, #tpu.memory_space<vmem>> -> memref<128x128xf32, #tpu.memory_space<vmem>>
        %dma_wait3A_386 = arith.constant 0 : i32
        %dma_wait3A_387 = arith.constant 0 : i32
        %dma_wait3A_388 = tpu.memref_slice %arg4[%dma_wait3A_386, %dma_wait3A_387] : memref<500000x128xf32, #tpu.memory_space<hbm>> -> memref<128x128xf32, #tpu.memory_space<hbm>>
        %dma_wait3A_389 = arith.constant 0 : i32
        %dma_wait3A_390 = arith.constant 0 : i32
        %dma_wait3A_391 = tpu.memref_slice %arg4[%dma_wait3A_389, %dma_wait3A_390] : memref<500000x128xf32, #tpu.memory_space<hbm>> -> memref<128x128xf32, #tpu.memory_space<hbm>>
        %dma_wait3A_392 = arith.constant 0 : i32
        %dma_wait3A_393 = arith.constant 0 : i32
        %dma_wait3A_394 = tpu.memref_slice %arg6[%dma_wait3A, %dma_wait3A_392, %dma_wait3A_393] : memref<2x128x128xf32, #tpu.memory_space<vmem>> -> memref<1x128x128xf32, #tpu.memory_space<vmem>>
        %dma_wait3A_395 = tpu.memref_squeeze %dma_wait3A_394 : memref<1x128x128xf32, #tpu.memory_space<vmem>> -> memref<128x128xf32, #tpu.memory_space<vmem>>
        tpu.wait_dma2 semaphore(%arg9 : memref<!tpu.dma_semaphore, #tpu.memory_space<semaphore_mem>>) src(%dma_wait3A_395 : memref<128x128xf32, #tpu.memory_space<vmem>>) dst(%dma_wait3A_391 : memref<128x128xf32, #tpu.memory_space<hbm>>)
      } else {
      }
    } else {
    }
    %eq3A_335 = arith.constant 31 : i32
    %eq3A_336 = arith.cmpi eq, %add3A, %eq3A_335 : i32
    %convert_element_type3A_337 = arith.extui %eq3A_336 : i1 to i32
    %cond3A_338 = arith.constant 0 : i32
    %cond3A_339 = arith.cmpi ne, %convert_element_type3A_337, %cond3A_338 : i32
    scf.if %cond3A_339 {
      "tpu.region"() ({
        %run_scoped3A = tpu.sem_alloc : memref<!tpu.dma_semaphore, #tpu.memory_space<semaphore_mem>>
        %dma_start3A_340 = arith.constant 499968 : i32
        %dma_start3A_341 = arith.constant 0 : i32
        %dma_start3A_342 = tpu.memref_slice %arg4[%dma_start3A_340, %dma_start3A_341] : memref<500000x128xf32, #tpu.memory_space<hbm>> -> memref<32x128xf32, #tpu.memory_space<hbm>>
        tpu.enqueue_dma source(%arg3 : memref<32x128xf32, #tpu.memory_space<hbm>>) target(%dma_start3A_342 : memref<32x128xf32, #tpu.memory_space<hbm>>) target_semaphore(%run_scoped3A : memref<!tpu.dma_semaphore, #tpu.memory_space<semaphore_mem>>)
        %dma_wait3A = arith.constant 499968 : i32
        %dma_wait3A_343 = arith.constant 0 : i32
        %dma_wait3A_344 = tpu.memref_slice %arg4[%dma_wait3A, %dma_wait3A_343] : memref<500000x128xf32, #tpu.memory_space<hbm>> -> memref<32x128xf32, #tpu.memory_space<hbm>>
        tpu.wait_dma2 semaphore(%run_scoped3A : memref<!tpu.dma_semaphore, #tpu.memory_space<semaphore_mem>>) src(%arg3 : memref<32x128xf32, #tpu.memory_space<hbm>>) dst(%dma_wait3A_344 : memref<32x128xf32, #tpu.memory_space<hbm>>)
        tpu.yield
      }) : () -> ()
    } else {
    }
    return
  }
}

module attributes {stable_mosaic.version = 14 : i64} {
  func.func @_head_body(%arg0: memref<4096x128xf32, #tpu.memory_space<vmem>>, %arg1: memref<128x10xf32, #tpu.memory_space<vmem>>, %arg2: memref<1x10xf32, #tpu.memory_space<vmem>>, %arg3: memref<4096x10xf32, #tpu.memory_space<vmem>>) attributes {dimension_semantics = [], scalar_prefetch = 0 : i64, scratch_operands = 0 : i64, tpu.core_type = #tpu.core_type<tc>} {
    %get3A = arith.constant 0 : index
    %get3A_0 = arith.constant 0 : index
    %get3A_1 = vector.load %arg0[%get3A, %get3A_0] : memref<4096x128xf32, #tpu.memory_space<vmem>>, vector<4096x128xf32>
    %get3A_2 = arith.constant 0 : index
    %get3A_3 = arith.constant 0 : index
    %get3A_4 = vector.load %arg1[%get3A_2, %get3A_3] : memref<128x10xf32, #tpu.memory_space<vmem>>, vector<128x10xf32>
    %dot_general3A = arith.constant dense<0.000000e+00> : vector<4096x10xf32>
    %dot_general3A_5 = tpu.matmul %get3A_1, %get3A_4, %dot_general3A {dimension_numbers = #tpu.dot_dimension_numbers<[1], [0], [0], [1], [0, 0, 1, 1], [], []>, transpose_lhs_hint = false} : vector<4096x128xf32>, vector<128x10xf32>, vector<4096x10xf32> -> vector<4096x10xf32>
    %get3A_6 = arith.constant 0 : index
    %get3A_7 = arith.constant 0 : index
    %get3A_8 = vector.load %arg2[%get3A_6, %get3A_7] : memref<1x10xf32, #tpu.memory_space<vmem>>, vector<1x10xf32>
    %add3A = vector.broadcast %get3A_8 : vector<1x10xf32> to vector<4096x10xf32>
    %add3A_9 = arith.addf %dot_general3A_5, %add3A : vector<4096x10xf32>
    %reduce_max3A = arith.constant dense<0xFF800000> : vector<4096xf32>
    %reduce_max3A_10 = vector.multi_reduction <maximumf>, %add3A_9, %reduce_max3A [1] : vector<4096x10xf32> to vector<4096xf32>
    %broadcast_in_dim3A = vector.shape_cast %reduce_max3A_10 : vector<4096xf32> to vector<4096x1xf32>
    %sub3A = vector.broadcast %broadcast_in_dim3A : vector<4096x1xf32> to vector<4096x10xf32>
    %sub3A_11 = arith.subf %add3A_9, %sub3A : vector<4096x10xf32>
    %exp3A = math.exp %sub3A_11 : vector<4096x10xf32>
    %reduce_sum3A = arith.constant dense<0.000000e+00> : vector<4096xf32>
    %reduce_sum3A_12 = vector.multi_reduction <add>, %exp3A, %reduce_sum3A [1] : vector<4096x10xf32> to vector<4096xf32>
    %broadcast_in_dim3A_13 = vector.shape_cast %reduce_sum3A_12 : vector<4096xf32> to vector<4096x1xf32>
    %div3A = vector.broadcast %broadcast_in_dim3A_13 : vector<4096x1xf32> to vector<4096x10xf32>
    %div3A_14 = arith.divf %exp3A, %div3A : vector<4096x10xf32>
    %swap3A = arith.constant 0 : index
    %swap3A_15 = arith.constant 0 : index
    %swap3A_16 = vector.load %arg3[%swap3A, %swap3A_15] : memref<4096x10xf32, #tpu.memory_space<vmem>>, vector<4096x10xf32>
    tpu.vector_store %arg3[%swap3A, %swap3A_15], %div3A_14 {strides = array<i32>} : memref<4096x10xf32, #tpu.memory_space<vmem>>, vector<4096x10xf32>,
    return
  }
}

</mosaic_0001>

<sc_bundles>
// kernel: kernel.5.cloned.1.call-start
scs
__scs_entry_jumppad:
0x0: {  	(pc) =	sbr.rel $0x88, $3  }
0x1: {  	(tag) =	ssettag $0x0;
	lr =	simm.s32 $0x1  }
0x2: {  	[smem:$0x3F9D] =	sst lr;
	_ =	strace $0xD0000000  }
0x3: {  	_ = 	snop  }
0x4: {  	_ = 	snop  }
0x5: {  	_ = 	snop  }
0x6: {  	_ = 	snop  }
0x7: {  	_ = 	snop  }
__scs_overlays_trampoline_lowered:
0x8: {  	[smem:$0x3FAC] =	sst s0  }
0x9: {  	[smem:$0x3FAD] =	sst s1  }
0xa: {  	[smem:$0x3FAE] =	sst s2  }
0xb: {  	[smem:$0x3FAF] =	sst s3  }
0xc: {  	[smem:$0x3FB0] =	sst s4  }
0xd: {  	[smem:$0x3FB1] =	sst s5  }
0xe: {  	[smem:$0x3FB2] =	sst s6  }
0xf: {  	[smem:$0x3FB3] =	sst s7  }
0x10: {  	[smem:$0x3FB4] =	sst s8  }
0x11: {  	[smem:$0x3FB5] =	sst s9;
	s0 =	simm.s32 @!p0 $0x0  }
0x12: {  	s1 =	sld [smem:$0x3F9B];
	s0 =	simm.s32 @p0 $0x1  }
0x13: {  	[smem:$0x3FB6] =	sst s0;
	s0 =	simm.s32 @!p1 $0x0  }
0x14: {  	s2 =	sld [smem:$0x3F9A];
	s0 =	simm.s32 @p1 $0x1  }
0x15: {  	[smem:$0x3FB7] =	sst s0;
	s0 =	simm.s32 @!p2 $0x0  }
0x16: {  	s3 =	sld [smem:$0x3FDB];
	s0 =	simm.s32 @p2 $0x1  }
0x17: {  	s4 =	simm.s32 $0x1BF5;
	[smem:$0x3FB9] =	sst s0  }
0x18: {  	s0 =	sld [smem:$0x3F9C];
	_ =	swait.ge [sflag:s4], $0x0  }
0x19: {  	s7 =	sld [smem:$0x3F9D]  }
0x1a: {  	s8 =	sadd.s32 $0xFFFFE003, lr  }
0x1b: {  	s9 =	sadd.s32 $0xFFFFFEF7, lr;
	s5 =	simm.s32 $0xFFFFFFFF;
	p2 =	slt.u32 s8, $0xFFFFF086  }
0x1c: {  	p1 =	slt.u32 s9, $0xF7A;
	s5 =	simm.s32 @!p2 $0x0  }
0x1d: {  	s5 =	simm.s32 @p1 $0x1;
	p0 =	seq.s32 s7, s2  }
0x1e: {  	s7 =	smul.u32 @!p0 $0xF7A, s2;
	p2 =	seq.s32 @!p0 s5, $0x0  }
0x1f: {  	s9 =	smul.u32 $0xF7A, s1;
	s8 =	simm.s32 @!p0 $0x1BF5;
	p2 =	por !p2, p0  }
0x20: {  	[sflag:s8] =	ssyncset.s32 @!p0 $0xFFFFF086;
	s6 =	sadd.s32 @!p0 s3, s7;
	s7 =	simm.s32 @!p0 $0x108  }
0x21: {  	s3 =	sadd.s32 s3, s9;
	s6 =	sadd.s32 @!p0 $0x88, s6;
	s7 =	simm.s32 @p2 $0x1082  }
0x22: {  	[simem:s7], [sflag:s8] =	dma.local @!p0 [hbm:s6], $0xF7A  }
0x23: {  	s9 =	sor.u32 $0xD0000000, s2;
	s6 =	simm.s32 $0x108;
	_ =	swait.ge @!p0 [sflag:s8], $0x0  }
0x24: {  	s3 =	sadd.s32 $0x88, s3;
	s6 =	simm.s32 @!p1 $0x1082;
	[sflag:s4] =	ssyncset.s32 $0xFFFFF086  }
0x25: {  	[simem:s6], [sflag:s4] =	dma.local [hbm:s3], $0xF7A  }
0x26: {  	[smem:$0x3F9D] =	sst s1;
	(tag) =	ssettag s2;
	_ =	strace s9  }
0x27: {  	s1 =	sld [smem:$0x3FAD]  }
0x28: {  	s2 =	sld [smem:$0x3FAE]  }
0x29: {  	s4 =	sld [smem:$0x3FB0]  }
0x2a: {  	p0 =	seq.s32 s5, $0x0;
	s5 =	sld [smem:$0x3FB1]  }
0x2b: {  	s6 =	sld [smem:$0x3FB2]  }
0x2c: {  	s7 =	sld [smem:$0x3FB3]  }
0x2d: {  	s3 =	simm.s32 $0x108;
	s8 =	sld [smem:$0x3FB4]  }
0x2e: {  	s3 =	simm.s32 @!p0 $0x1082;
	s9 =	sld [smem:$0x3FB5]  }
0x2f: {  	lr =	sadd.s32 s0, s3;
	s0 =	sld [smem:$0x3FAC]  }
0x30: {  	s3 =	sld [smem:$0x3FAF]  }
0x31: {  	[smem:$0x3FB8] =	sst s10  }
0x32: {  	s10 =	sld [smem:$0x3FB6];
	_ =	sdelay $0x3  }
0x33: {  	p0 =	seq.s32 s10, $0x1;
	s10 =	sld [smem:$0x3FB8];
	_ =	sdelay $0x3  }
0x34: {  	[smem:$0x3FB8] =	sst s10  }
0x35: {  	s10 =	sld [smem:$0x3FB7];
	_ =	sdelay $0x3  }
0x36: {  	p1 =	seq.s32 s10, $0x1;
	s10 =	sld [smem:$0x3FB8];
	_ =	sdelay $0x3  }
0x37: {  	[smem:$0x3FB8] =	sst s10  }
0x38: {  	s10 =	sld [smem:$0x3FB9]  }
0x39: {  	_ = 	snop;
	(pc) =	sbr.ind lr, $3  }
0x3a: {  	_ = 	snop  }
0x3b: {  	_ = 	snop  }
0x3c: {  	p2 =	seq.s32 s10, $0x1;
	s10 =	sld [smem:$0x3FB8]  }
0x3d: {  	_ =	shalt  }
0x3e: {  	_ =	shalt  }
0x3f: {  	_ =	shalt  }
0x40: {  	_ =	shalt  }
0x41: {  	_ =	shalt  }
0x42: {  	_ =	shalt  }
0x43: {  	_ =	shalt  }
0x44: {  	_ =	shalt  }
0x45: {  	_ =	shalt  }
0x46: {  	_ =	shalt  }
0x47: {  	_ =	shalt  }
0x48: {  	_ =	shalt  }
0x49: {  	_ =	shalt  }
0x4a: {  	_ =	shalt  }
0x4b: {  	_ =	shalt  }
0x4c: {  	_ =	shalt  }
0x4d: {  	_ =	shalt  }
0x4e: {  	_ =	shalt  }
0x4f: {  	_ =	shalt  }
0x50: {  	_ =	shalt  }
0x51: {  	_ =	shalt  }
0x52: {  	_ =	shalt  }
0x53: {  	_ =	shalt  }
0x54: {  	_ =	shalt  }
0x55: {  	_ =	shalt  }
0x56: {  	_ =	shalt  }
0x57: {  	_ =	shalt  }
0x58: {  	_ =	shalt  }
0x59: {  	_ =	shalt  }
0x5a: {  	_ =	shalt  }
0x5b: {  	_ =	shalt  }
0x5c: {  	_ =	shalt  }
0x5d: {  	_ =	shalt  }
0x5e: {  	_ =	shalt  }
0x5f: {  	_ =	shalt  }
0x60: {  	_ =	shalt  }
0x61: {  	_ =	shalt  }
0x62: {  	_ =	shalt  }
0x63: {  	_ =	shalt  }
0x64: {  	_ =	shalt  }
0x65: {  	_ =	shalt  }
0x66: {  	_ =	shalt  }
0x67: {  	_ =	shalt  }
0x68: {  	_ =	shalt  }
0x69: {  	_ =	shalt  }
0x6a: {  	_ =	shalt  }
0x6b: {  	_ =	shalt  }
0x6c: {  	_ =	shalt  }
0x6d: {  	_ =	shalt  }
0x6e: {  	_ =	shalt  }
0x6f: {  	_ =	shalt  }
0x70: {  	_ =	shalt  }
0x71: {  	_ =	shalt  }
0x72: {  	_ =	shalt  }
0x73: {  	_ =	shalt  }
0x74: {  	_ =	shalt  }
0x75: {  	_ =	shalt  }
0x76: {  	_ =	shalt  }
0x77: {  	_ =	shalt  }
0x78: {  	_ =	shalt  }
0x79: {  	_ =	shalt  }
0x7a: {  	_ =	shalt  }
0x7b: {  	_ =	shalt  }
0x7c: {  	_ =	shalt  }
0x7d: {  	_ =	shalt  }
0x7e: {  	_ =	shalt  }
0x7f: {  	_ =	shalt  }
0x80: {  	_ =	shalt  }
0x81: {  	_ =	shalt  }
0x82: {  	_ =	shalt  }
0x83: {  	_ =	shalt  }
0x84: {  	_ =	shalt  }
0x85: {  	_ =	shalt  }
0x86: {  	_ =	shalt  }
0x87: {  	_ =	shalt  }
.Lfunc_end0:
.L_simem_size_0:
called_computation_lowered:
.L_overlay_start_0:
0x88: {  	s2 =	sld [smem:$0x3FD9]  }
0x89: {  	s3 =	sld [smem:$0x3FFE];
	_ =	sdelay $0x1  }
0x8a: {  	s1 =	srdreg.scid  }
0x8b: {  	s0 =	sand.u32 $0x1, s1  }
0x8c: {  	s17 =	sshll.u32 s0, $0xA;
	s2 =	sadd.s32 s3, s2  }
0x8d: {  	s2 =	sadd.s32 s2, s17  }
0x8e: {  	[smem:$0x3FC4] =	sst s2  }
0x8f: {  	_ = 	snop  }
0x90: {  	s2 =	sld [smem:$0x3FC8]  }
0x91: {  	s18 =	sld [smem:$0x3FD0];
	(tm) =	ssettm $0x1  }
0x92: {  	s4 =	sld [smem:$0x3FFB];
	_ =	sdelay $0x3  }
0x93: {  	_ =	strace s4  }
0x94: {  	s4 =	sld [smem:$0x3FFC];
	_ =	sdelay $0x3  }
0x95: {  	_ =	strace s4  }
0x96: {  	s4 =	sld [smem:$0x3FFD];
	_ =	sdelay $0x3  }
0x97: {  	_ =	strace s4  }
0x98: {  	_ =	strace $0x8FFFFFFF  }
0x99: {  	s19 =	sld [smem:$0x3FDB];
	_ =	sdelay $0x1  }
0x9a: {  	s5 =	simm.s32 $_scs_section_size  }
0x9b: {  	s6 =	simm.s32 $_size__tile_overlayer_lowered;
	s7 =	simm.s32 $_tile_overlayer_lowered  }
0x9c: {  	s22 =	simm.s32 $0x1BFF;
	s21 =	sshll.u32 s7, $0x1;
	s4 =	sadd.s32 s5, s19  }
0x9d: {  	s8 =	simm.s32 $0x0;
	s20 =	sshll.u32 s6, $0x1;
	s6 =	sadd.s32 s21, s4  }
0x9e: {  	[timem:s8], [sflag:s22] =	dma.local [hbm:s6], s20  }
0x9f: {  	_ =	swait.ge [sflag:s22], s20  }
0xa0: {  	s5 =	ssub.s32 $0x0, s20;
	[sflag:s22] =	ssyncset.done $0x0  }
0xa1: {  	[sflag:s22] =	ssyncadd.s32 s5;
	_ =	sdelay $0x1  }
0xa2: {  	s23 =	simm.s32 $0x1B8B  }
0xa3: {  	_ =	swait.ge [sflag:s23], $0x1  }
0xa4: {  	[sflag:s23] =	ssyncset.done $0x0  }
0xa5: {  	s25 =	simm.s32 $0x1B8E;
	s24 =	sld [smem:$0x3FFE];
	[sflag:s23] =	ssyncadd.s32 $0xFFFFFFFF  }
0xa6: {  	s26 =	simm.s32 $execute0_lowered;
	[smem:$0x3FD2] =	sst s25  }
0xa7: {  	s6 =	sshll.u32 s26, $0x1;
	_ =	strace $0x80000046;
	[dreg:$0x1] =	wrdreg $0xFFFFFFFF  }
0xa8: {  	s28 =	simm.s32 $_size_execute0_lowered;
	s4 =	sadd.s32 s4, s6;
	[dreg:$0x0] =	wrdreg $0x0  }
0xa9: {  	s6 =	sshll.u32 s28, $0x1;
	[dreg:$0x2] =	wrdreg s4  }
0xaa: {  	[dreg:$0x3] =	wrdreg s6  }
0xab: {  	[dreg:$0x4] =	wrdreg $0xC0  }
0xac: {  	_ =	task [dreg:s8], $0x5FFFF  }
0xad: {  	[dreg:$0x1] =	wrdreg $0xFFFFFFFF  }
0xae: {  	[dreg:$0x0] =	wrdreg $0x60  }
0xaf: {  	[dreg:$0x2] =	wrdreg s2  }
0xb0: {  	[dreg:$0x3] =	wrdreg s18  }
0xb1: {  	[dreg:$0x4] =	wrdreg s24  }
0xb2: {  	[dreg:$0x5] =	wrdreg $0x9  }
0xb3: {  	_ =	task.clear_ibuf [dreg:s8], $0x6FFFF;
	_ =	strace $0x90000046  }
0xb4: {  	s29 =	simm.s32 $0x9;
	_ =	strace $0x80000048  }
0xb5: {  	_ =	swait.ge [sflag:s29], $0x1  }
0xb6: {  	[sflag:s29] =	ssyncadd.s32 $0xFFFFFFFF  }
0xb7: {  	_ =	strace $0x90000048  }
0xb8: {  	_ =	sfence  }
0xb9: {  	s30 =	sld [smem:$0x0];
	_ =	sdelay $0x2  }
0xba: {  	s31 =	sshll.u32 s1, $0xD;
	s1 =	sshrl.u32 s1, $0x2  }
0xbb: {  	s3 =	sand.u32 $0x4000, s31;
	s1 =	sadd.s32 s1, s30  }
0xbc: {  	s0 =	sor.u32 s3, s0;
	s1 =	sshll.u32 s1, $0x11  }
0xbd: {  	s0 =	sor.u32 s1, s0  }
0xbe: {  	s0 =	sadd.s32 $0x8F2B, s0  }
0xbf: {  	[sflag:s0] =	ssyncadd.remote.s32 $0x1  }
0xc0: {  	_ =	sfence.sel $0xFFFF  }
0xc1: {  	[dreg:$0x0] =	wrdreg $0xFFFFFFFF;
	(pc) =	sbr.abs _section_cstart, $3  }
0xc2: {  	[dreg:$0x1] =	wrdreg $0xFFFFFFFF  }
0xc3: {  	_ =	task.clear_ibuf [dreg:s8], $0x2FFFF;
	_ =	strace $0x9FFFFFFF  }
0xc4: {  	(tm) =	ssettm $0x7FFFFFFF  }
0xc5: {  	_ =	shalt  }
tec
execute0_lowered:
.L_overlay_start_1:
0x0: {  	(tag) =	ssettag $0x1  }
0x1: {  	v0 =	vimm.s32 $0xB80;
	vm0 =	vcmask $0x300  }
0x2: {  	v1 =	vimm.s32 $0x300;
	vm2 =	vcmask $0x700;
	vm3 =	vcmask $0xF08  }
0x3: {  	vm1 =	vcmask $0x704;
	vm4 =	vcmask $0x1710;
	v3 =	vimm.s32 $0x280  }
0x4: {  	v5 =	vimm.s32 $0x200;
	v6 =	vimm.s32 $0x180;
	v9 =	vimm.s32 $0x100  }
0x5: {  	v11 =	vimm.s32 $0x80;
	v12 =	vimm.s32 $0x0;
	vm5 =	vcmask $0x1F18  }
0x6: {  	vm13 =	vcmask $0x2720;
	vm14 =	vcmask $0x2F28;
	vm15 =	vcmask $0x3730  }
0x7: {  	v15 =	vimm.s32 $0x380;
	vm8 =	vcmask $0xB04;
	vm9 =	vcmask $0x130C  }
0x8: {  	vm10 =	vcmask $0x1B14;
	vm11 =	vcmask $0x231C;
	vm12 =	vcmask $0x2B24  }
0x9: {  	v37 =	vimm.s32 $0x1B80;
	v38 =	vimm.s32 $0x2B80;
	v39 =	vimm.s32 $0x3B80  }
0xa: {  	vm6 =	vcmask $0x1B18;
	vm7 =	vcmask $0x1F1C;
	v40 =	vimm.s32 $0x43024100  }
0xb: {  	v41 =	vimm.s32 $0x47064504;
	v42 =	vimm.s32 $0xB4A0948;
	v19 =	vimm.s32 $0x210FEDCB  }
0xc: {  	v20 =	vimm.s32 $0xA9876543;
	v43 =	vimm.s32 $0x5B1A5918;
	v44 =	vimm.s32 $0x5F1E5D1C  }
0xd: {  	v45 =	vimm.s32 $0x53125110;
	v23 =	vimm.s32 $0x13521150;
	v24 =	vimm.s32 $0x17561554  }
0xe: {  	v25 =	vimm.s32 $0x6B2A6928;
	v26 =	vimm.s32 $0x6F2E6D2C;
	v27 =	vimm.s32 $0x63226120  }
0xf: {  	v28 =	vimm.s32 $0x67266524;
	v56 =	vimm.s32 $0x2B6A2968;
	v57 =	vimm.s32 $0x2F6E2D6C  }
0x10: {  	v58 =	vimm.s32 $0x23622160;
	v34 =	vimm.s32 $0x37763574;
	v59 =	vimm.s32 $0xFEDCBA98  }
0x11: {  	v60 =	vimm.s32 $0x76543210;
	v0 =	vsel vm0, $0x0, v0;
	v2 =	vsel vm2, $0x380, v1  }
0x12: {  	v4 =	vsel vm2, $0x300, v3;
	v7 =	vsel vm2, $0x280, v5;
	v8 =	vsel vm2, $0x200, v6  }
0x13: {  	v10 =	vsel vm2, $0x180, v9;
	v13 =	vsel vm2, $0x100, v11;
	v14 =	vsel vm2, $0x80, v12  }
0x14: {  	vm2 =	vcmask $0xB08;
	v36 =	vsel vm8, $0x0, v15;
	v1 =	vsel vm8, $0x380, v1  }
0x15: {  	v3 =	vsel vm8, $0x300, v3;
	v23 =	vunpack.c.0.s8.s32 v23;
	v24 =	vunpack.c.0.s8.s32 v24  }
0x16: {  	v25 =	vunpack.c.0.s8.s32 v25;
	v26 =	vunpack.c.0.s8.s32 v26;
	v27 =	vunpack.c.0.s8.s32 v27  }
0x17: {  	v28 =	vunpack.c.0.s8.s32 v28;
	v34 =	vunpack.c.0.s8.s32 v34;
	v19 =	vunpack.c.l.s4.s8 v19  }
0x18: {  	v20 =	vunpack.c.l.s4.s8 v20;
	v2 =	vsel vm3, $0x0, v2;
	v0 =	vsel vm1, $0x80, v0  }
0x19: {  	v4 =	vsel vm3, $0x380, v4;
	v7 =	vsel vm3, $0x300, v7;
	v8 =	vsel vm3, $0x280, v8  }
0x1a: {  	v10 =	vsel vm3, $0x200, v10;
	v13 =	vsel vm3, $0x180, v13;
	v14 =	vsel vm3, $0x100, v14  }
0x1b: {  	vm3 =	vcmask $0xF0C;
	v1 =	vsel vm9, $0x0, v1;
	v3 =	vsel vm9, $0x380, v3  }
0x1c: {  	v2 =	vsel vm4, $0x80, v2;
	v4 =	vsel vm4, $0x0, v4;
	v7 =	vsel vm4, $0x380, v7  }
0x1d: {  	v8 =	vsel vm4, $0x300, v8;
	v10 =	vsel vm4, $0x280, v10;
	v13 =	vsel vm4, $0x200, v13  }
0x1e: {  	v14 =	vsel vm4, $0x180, v14;
	v0 =	vsel vm2, $0x100, v0;
	v1 =	vsel vm10, $0x80, v1  }
0x1f: {  	v3 =	vsel vm10, $0x0, v3;
	v19 =	vunpack.c.0.s8.s32 v19;
	v20 =	vunpack.c.0.s8.s32 v20  }
0x20: {  	v2 =	vsel vm5, $0x100, v2;
	v4 =	vsel vm5, $0x80, v4;
	v7 =	vsel vm5, $0x0, v7  }
0x21: {  	v8 =	vsel vm5, $0x380, v8;
	v10 =	vsel vm5, $0x300, v10;
	v13 =	vsel vm5, $0x280, v13  }
0x22: {  	v14 =	vsel vm5, $0x200, v14;
	v1 =	vsel vm11, $0x100, v1;
	v3 =	vsel vm11, $0x80, v3  }
0x23: {  	v0 =	vsel vm3, $0x180, v0;
	vm5 =	vcmask $0x1714;
	v2 =	vsel vm13, $0x180, v2  }
0x24: {  	v4 =	vsel vm13, $0x100, v4;
	v7 =	vsel vm13, $0x80, v7;
	v8 =	vsel vm13, $0x0, v8  }
0x25: {  	v10 =	vsel vm13, $0x380, v10;
	v13 =	vsel vm13, $0x300, v13;
	v14 =	vsel vm13, $0x280, v14  }
0x26: {  	v1 =	vsel vm12, $0x180, v1;
	v3 =	vsel vm12, $0x100, v3;
	vm13 =	vcmask $0x332C  }
0x27: {  	v61 =	vcombine.low v20, v19;
	v2 =	vsel vm14, $0x200, v2;
	v4 =	vsel vm14, $0x180, v4  }
0x28: {  	v7 =	vsel vm14, $0x100, v7;
	v8 =	vsel vm14, $0x80, v8;
	v10 =	vsel vm14, $0x0, v10  }
0x29: {  	v13 =	vsel vm14, $0x380, v13;
	v14 =	vsel vm14, $0x300, v14;
	v1 =	vsel vm13, $0x200, v1  }
0x2a: {  	v3 =	vsel vm13, $0x180, v3;
	vm14 =	vcmask $0x3B34;
	v46 =	vsel vm15, $0x280, v2  }
0x2b: {  	v47 =	vsel vm15, $0x200, v4;
	v48 =	vsel vm15, $0x180, v7;
	v49 =	vsel vm15, $0x100, v8  }
0x2c: {  	v50 =	vsel vm15, $0x80, v10;
	v13 =	vsel vm15, $0x0, v13;
	v63 =	vsel vm15, $0x380, v14  }
0x2d: {  	v4 =	vsel vm8, $0x280, v5;
	v5 =	vsel vm8, $0x200, v6;
	v6 =	vsel vm8, $0x180, v9  }
0x2e: {  	v7 =	vsel vm8, $0x100, v11;
	v8 =	vsel vm8, $0x80, v12;
	v2 =	vsel vm9, $0x80, v36  }
0x2f: {  	v14 =	vsel vm14, $0x280, v1;
	v51 =	vsel vm14, $0x200, v3;
	vm15 =	vcmask $0x1310  }
0x30: {  	v1 =	vsel vm0, $0x1000, v37;
	v3 =	vsel vm0, $0x3000, v39;
	vm8 =	vcmask $0x2320  }
0x31: {  	v10 =	vimm.s32 $0x3420140;
	v11 =	vimm.s32 $0x7460544;
	v37 =	vimm.s32 $0xCBA98765  }
0x32: {  	v4 =	vsel vm9, $0x300, v4;
	v5 =	vsel vm9, $0x280, v5;
	v6 =	vsel vm9, $0x200, v6  }
0x33: {  	v7 =	vsel vm9, $0x180, v7;
	v8 =	vsel vm9, $0x100, v8;
	v2 =	vsel vm10, $0x100, v2  }
0x34: {  	v0 =	vsel vm15, $0x200, v0;
	v1 =	vsel vm1, $0x1080, v1;
	v3 =	vsel vm1, $0x3080, v3  }
0x35: {  	vm9 =	vcmask $0x2724;
	v10 =	vunpack.c.0.s8.s32 v10;
	v11 =	vunpack.c.0.s8.s32 v11  }
0x36: {  	v37 =	vunpack.c.l.s4.s8 v37;
	v4 =	vsel vm10, $0x380, v4;
	v5 =	vsel vm10, $0x300, v5  }
0x37: {  	v6 =	vsel vm10, $0x280, v6;
	v7 =	vsel vm10, $0x200, v7;
	v8 =	vsel vm10, $0x180, v8  }
0x38: {  	v2 =	vsel vm11, $0x180, v2;
	v0 =	vsel vm5, $0x280, v0;
	v1 =	vsel vm2, $0x1100, v1  }
0x39: {  	v3 =	vsel vm2, $0x3100, v3;
	vm10 =	vcmask $0x1F10;
	v4 =	vsel vm11, $0x0, v4  }
0x3a: {  	v5 =	vsel vm11, $0x380, v5;
	v6 =	vsel vm11, $0x300, v6;
	v7 =	vsel vm11, $0x280, v7  }
0x3b: {  	v8 =	vsel vm11, $0x200, v8;
	v2 =	vsel vm12, $0x200, v2;
	v1 =	vsel vm3, $0x1180, v1  }
0x3c: {  	v3 =	vsel vm3, $0x3180, v3;
	v0 =	vsel vm6, $0x300, v0;
	v23 =	vsel vm10, v24, v23  }
0x3d: {  	v24 =	vsel vm10, v26, v25;
	v25 =	vsel vm10, v28, v27;
	v28 =	vimm.s32 $0x3B7A3978  }
0x3e: {  	vm11 =	vcmask $0x2B28;
	v4 =	vsel vm12, $0x80, v4;
	v5 =	vsel vm12, $0x0, v5  }
0x3f: {  	v6 =	vsel vm12, $0x380, v6;
	v7 =	vsel vm12, $0x300, v7;
	v8 =	vsel vm12, $0x280, v8  }
0x40: {  	v2 =	vsel vm13, $0x280, v2;
	v1 =	vsel vm15, $0x1200, v1;
	v3 =	vsel vm15, $0x3200, v3  }
0x41: {  	v0 =	vsel vm7, $0x380, v0;
	v28 =	vunpack.c.0.s8.s32 v28;
	vm12 =	vcmask $0x2F2C  }
0x42: {  	v4 =	vsel vm13, $0x100, v4;
	v5 =	vsel vm13, $0x80, v5;
	v6 =	vsel vm13, $0x0, v6  }
0x43: {  	v7 =	vsel vm13, $0x380, v7;
	v8 =	vsel vm13, $0x300, v8;
	v12 =	vsel vm14, $0x300, v2  }
0x44: {  	v2 =	vsel vm0, $0x2000, v38;
	v1 =	vsel vm5, $0x1280, v1;
	v3 =	vsel vm5, $0x3280, v3  }
0x45: {  	v0 =	vsel vm8, $0x800, v0;
	v38 =	vimm.s32 $0x543210FE;
	vm13 =	vcmask $0x3330  }
0x46: {  	v52 =	vsel vm14, $0x180, v4;
	v53 =	vsel vm14, $0x100, v5;
	v54 =	vsel vm14, $0x80, v6  }
0x47: {  	v55 =	vsel vm14, $0x0, v7;
	v62 =	vsel vm14, $0x380, v8;
	v2 =	vsel vm1, $0x2080, v2  }
0x48: {  	v1 =	vsel vm6, $0x1300, v1;
	v3 =	vsel vm6, $0x3300, v3;
	v4 =	vimm.s32 $0xFEDCBA9  }
0x49: {  	v5 =	vimm.s32 $0x87654321;
	v0 =	vsel vm9, $0x880, v0;
	v6 =	vimm.s32 $0xF4E0D4C  }
0x4a: {  	vm14 =	vcmask $0x3734;
	v2 =	vsel vm2, $0x2100, v2;
	v1 =	vsel vm7, $0x1380, v1  }
0x4b: {  	v3 =	vsel vm7, $0x3380, v3;
	v4 =	vunpack.c.l.s4.s8 v4;
	v5 =	vunpack.c.l.s4.s8 v5  }
0x4c: {  	v6 =	vunpack.c.0.s8.s32 v6;
	v0 =	vsel vm11, $0x900, v0;
	v2 =	vsel vm3, $0x2180, v2  }
0x4d: {  	v1 =	vsel vm8, $0x1800, v1;
	v3 =	vsel vm8, $0x3800, v3;
	v0 =	vsel vm12, $0x980, v0  }
0x4e: {  	v2 =	vsel vm15, $0x2200, v2;
	v16 =	vunpack.c.0.s8.s32 v4;
	v4 =	vimm.s32 $0x10FEDCBA  }
0x4f: {  	v17 =	vunpack.c.0.s8.s32 v5;
	v5 =	vimm.s32 $0x4F0E4D0C;
	v7 =	vsel vm9, $0x1880, v1  }
0x50: {  	v9 =	vsel vm9, $0x3880, v3;
	v1 =	vunpack.c.0.s8.s32 v40;
	v3 =	vunpack.c.0.s8.s32 v42  }
0x51: {  	v0 =	vsel vm13, $0xA00, v0;
	vm15 =	vcmask $0x3B38;
	v2 =	vsel vm5, $0x2280, v2  }
0x52: {  	v15 =	vunpack.c.l.s4.s8 v4;
	v4 =	vimm.s32 $0x98765432;
	v5 =	vunpack.c.0.s8.s32 v5  }
0x53: {  	v7 =	vsel vm11, $0x1900, v7;
	v9 =	vsel vm11, $0x3900, v9;
	v0 =	vsel vm14, $0xA80, v0  }
0x54: {  	v2 =	vsel vm6, $0x2300, v2;
	v18 =	vunpack.c.l.s4.s8 v4;
	v4 =	vimm.s32 $0x4B0A4908  }
0x55: {  	v39 =	vcombine.low v16, v17;
	v7 =	vsel vm12, $0x1980, v7;
	v9 =	vsel vm12, $0x3980, v9  }
0x56: {  	v2 =	vsel vm7, $0x2380, v2;
	v4 =	vunpack.c.0.s8.s32 v4;
	v7 =	vsel vm13, $0x1A00, v7  }
0x57: {  	v9 =	vsel vm13, $0x3A00, v9;
	v2 =	vsel vm8, $0x2800, v2;
	v18 =	vunpack.c.0.s8.s32 v18  }
0x58: {  	v8 =	vsel vm9, $0x2880, v2;
	v2 =	vunpack.c.0.s8.s32 v41;
	v21 =	vsel vm10, v5, v4  }
0x59: {  	v4 =	vsel vm10, v6, v3;
	v6 =	vsel vm10, v11, v10;
	v3 =	vunpack.c.0.s8.s32 v45  }
0x5a: {  	v5 =	vimm.s32 $0x57165514;
	v10 =	vimm.s32 $0x1B5A1958;
	v11 =	vimm.s32 $0x1F5E1D5C  }
0x5b: {  	v45 =	vimm.s32 $0x43210FED;
	v5 =	vunpack.c.0.s8.s32 v5;
	v10 =	vunpack.c.0.s8.s32 v10  }
0x5c: {  	v11 =	vunpack.c.0.s8.s32 v11;
	v8 =	vsel vm11, $0x2900, v8;
	v22 =	vsel vm10, v2, v1  }
0x5d: {  	v1 =	vunpack.c.0.s8.s32 v43;
	v2 =	vunpack.c.0.s8.s32 v44;
	v8 =	vsel vm12, $0x2980, v8  }
0x5e: {  	s0 =	rddreg [dreg:$0x0];
	v30 =	vsel vm10, v5, v3;
	v31 =	vsel vm10, v11, v10;
	v3 =	vunpack.c.0.s8.s32 v58  }
0x5f: {  	s1 =	rddreg [dreg:$0x1];
	v5 =	vimm.s32 $0x27662564;
	v10 =	vimm.s32 $0x7B3A7938;
	v11 =	vimm.s32 $0x7F3E7D3C  }
0x60: {  	s9 =	rddreg [dreg:$0x2];
	s4 =	simm.s32 $0x0;
	v29 =	vsel vm10, v2, v1;
	v1 =	vunpack.c.0.s8.s32 v56;
	v2 =	vunpack.c.0.s8.s32 v57  }
0x61: {  	[smem:$0x7FF] =	sst s4;
	v5 =	vunpack.c.0.s8.s32 v5;
	v26 =	vunpack.c.0.s8.s32 v10;
	v10 =	vimm.s32 $0x73327130  }
0x62: {  	s2 =	rddreg [dreg:$0x3];
	_ =	strace $0x80000047;
	[tilespmem:$0x1FF10] =	vst v46;
	v27 =	vunpack.c.0.s8.s32 v11;
	v11 =	vimm.s32 $0x77367534;
	v32 =	vunpack.c.0.s8.s32 v10  }
0x63: {  	[tilespmem:$0x1FF20] =	vst v47;
	v33 =	vunpack.c.0.s8.s32 v11;
	v10 =	vimm.s32 $0x3F7E3D7C;
	v11 =	vimm.s32 $0x33723170  }
0x64: {  	[tilespmem:$0x1FF30] =	vst v48;
	v8 =	vsel vm13, $0x2A00, v8;
	v35 =	vunpack.c.0.s8.s32 v10;
	v36 =	vunpack.c.0.s8.s32 v11  }
0x65: {  	[tilespmem:$0x1FF40] =	vst v49;
	v10 =	vsel vm10, v2, v1;
	v11 =	vsel vm10, v5, v3;
	v1 =	vsel vm10, v27, v26  }
0x66: {  	[tilespmem:$0x1FF50] =	vst v50;
	v26 =	vcombine.low v17, v16;
	v27 =	vunpack.c.0.s8.s32 v15;
	v15 =	vimm.s32 $0x3210FEDC  }
0x67: {  	[tilespmem:$0x1FF60] =	vst v13;
	v17 =	vunpack.c.0.s8.s32 v37;
	v2 =	vsel vm10, v33, v32;
	v15 =	vunpack.c.l.s4.s8 v15  }
0x68: {  	[tilespmem:$0x1FF80] =	vst v14;
	v32 =	vunpack.c.l.s4.s8 v59;
	v33 =	vunpack.c.l.s4.s8 v60;
	v59 =	vcombine.low v19, v20  }
0x69: {  	[tilespmem:$0x1FF90] =	vst v51;
	v19 =	vimm.s32 $0xEDCBA987;
	v3 =	vsel vm10, v35, v28;
	v5 =	vsel vm10, v34, v36  }
0x6a: {  	[tilespmem:$0x1FF70] =	vst v12;
	v28 =	vimm.s32 $0xBA987654;
	v34 =	vcombine.low v18, v27;
	v58 =	vcombine.low v27, v18  }
0x6b: {  	[tilespmem:$0x1FFA0] =	vst v52;
	v44 =	vunpack.c.0.s8.s32 v15;
	v15 =	vunpack.c.0.s8.s32 v32;
	v32 =	vunpack.c.l.s4.s8 v45  }
0x6c: {  	[tilespmem:$0x1FFB0] =	vst v53;
	v18 =	vimm.s32 $0x6543210F;
	v19 =	vunpack.c.l.s4.s8 v19;
	v33 =	vunpack.c.0.s8.s32 v33  }
0x6d: {  	[tilespmem:$0x1FFC0] =	vst v54;
	v28 =	vunpack.c.l.s4.s8 v28;
	v15 =	vand.u32 $0xF, v15;
	v16 =	vunpack.c.0.s8.s32 v32  }
0x6e: {  	[tilespmem:$0x1FFD0] =	vst v55;
	v27 =	vand.u32 $0xF, v39;
	v18 =	vunpack.c.l.s4.s8 v18;
	v15 =	vcombine.low v15, v33  }
0x6f: {  	[tilespmem:$0x1FE90] =	vst v27;
	v28 =	vunpack.c.0.s8.s32 v28;
	v41 =	vcombine.low v17, v16;
	v42 =	vcombine.low v16, v17  }
0x70: {  	v16 =	vunpack.c.0.s8.s32 v18;
	v17 =	vunpack.c.0.s8.s32 v19;
	v18 =	vand.u32 $0xF, v34;
	[tilespmem:$0x1FDF0] =	vst v15  }
0x71: {  	v40 =	vcombine.low v28, v44;
	v36 =	vcombine.low v44, v28;
	v19 =	vand.u32 $0xF, v61;
	[tilespmem:$0x1FE30] =	vst v18  }
0x72: {  	v28 =	vand.u32 $0xF, v58;
	[tilespmem:$0x1FE40] =	vst v19;
	v60 =	vcombine.low v17, v16;
	v45 =	vcombine.low v16, v17  }
0x73: {  	[tilespmem:$0x1FEA0] =	vst v28;
	v17 =	vcombine.low v6, v4;
	v6 =	vsel vm14, $0x2A80, v8;
	v8 =	vsel vm15, $0xB00, v0  }
0x74: {  	v4 =	vsel vm14, $0x1A80, v7;
	v7 =	vsel vm14, $0x3A80, v9;
	v9 =	vand.u32 $0xF, v26;
	[tilespmem:$0x1FE00] =	vst v8  }
0x75: {  	v38 =	vunpack.c.l.s4.s8 v38;
	v56 =	vimm.s32 $0xDCBA9876;
	v20 =	vand.u32 $0xF, v40;
	[tilespmem:$0x1FE20] =	vst v9  }
0x76: {  	v33 =	vunpack.c.l.s4.s8 v56;
	v16 =	vcombine.low v22, v21;
	v21 =	vand.u32 $0xF, v41;
	[tilespmem:$0x1FE50] =	vst v20  }
0x77: {  	v22 =	vcombine.low v30, v29;
	v29 =	vand.u32 $0xF, v59;
	[tilespmem:$0x1FE60] =	vst v21  }
0x78: {  	v57 =	vunpack.c.0.s8.s32 v38;
	v33 =	vunpack.c.0.s8.s32 v33;
	v30 =	vand.u32 $0xF, v36;
	[tilespmem:$0x1FEB0] =	vst v29  }
0x79: {  	s5 =	srdreg.scid;
	s3 =	stileid.u32;
	v23 =	vcombine.low v23, v31;
	v31 =	vand.u32 $0xF, v42;
	[tilespmem:$0x1FEC0] =	vst v30  }
0x7a: {  	s10 =	simm.s32 $0x3;
	s11 =	simm.s32 $0x4;
	s13 =	simm.s32 $0x800;
	v43 =	vcombine.low v33, v57;
	v44 =	vcombine.low v57, v33;
	v33 =	vsel vm15, $0x1B00, v4;
	[tilespmem:$0x1FED0] =	vst v31  }
0x7b: {  	s14 =	simm.s32 $0x7A1400;
	s15 =	simm.s32 $0x1;
	s16 =	simm.s32 $0x8000;
	v4 =	vsel vm15, $0x2B00, v6;
	[tilespmem:$0x1FE10] =	vst v33  }
0x7c: {  	s17 =	simm.s32 $0x2;
	s18 =	simm.s32 $0x4000;
	s19 =	simm.s32 $0xC000;
	v6 =	vsel vm15, $0x3B00, v7;
	[tilespmem:$0x1FFE0] =	vst v4  }
0x7d: {  	s20 =	simm.s32 $0x0;
	s5 =	sand.u32 $0x1, s5;
	s6 =	sshll.u32 s3, $0x1;
	v26 =	vand.u32 $0xF, v60;
	[tilespmem:$0x1FFF0] =	vst v6  }
.Ltmp0:
0x7e: {  	p0 =	seq.s32 s3, $0x0;
	s7 =	ssub.s32 $0x2, s5;
	v7 =	vlaneseq.u32;
	v34 =	vand.u32 $0xF, v45;
	[tilespmem:$0x1FE80] =	vst v26;
	(pc) =	sbr.rel .LBB2_1-.Ltmp0, $4  }
0x7f: {  	s5 =	sor.u32 s5, s6;
	s6 =	sadd.s32 $0x1000, s9;
	s9 =	sadd.s32 $0x7A2000, s9;
	v24 =	vcombine.low v25, v24;
	v61 =	vshrl.u32 v7, $0x1;
	v25 =	vand.u32 $0xF, v43;
	[tilespmem:$0x1FEF0] =	vst v34  }
0x80: {  	s10 =	simm.s32 @!p0 $0x4;
	s11 =	simm.s32 @!p0 $0x3;
	s8 =	sshrl.u32 s7, $0x1;
	v32 =	vand.u32 $0xF, v44;
	v35 =	vmul.u32 $0x80, v61;
	[tilespmem:$0x1FE70] =	vst v25  }
0x81: {  	s31 =	sshll.u32 s5, $0x8;
	p0 =	sne.s32 s5, $0x1F;
	s12 =	ssub.s32 s7, s8;
	v40 =	vcombine.low v11, v10;
	[tilespmem:$0x1FEE0] =	vst v32  }
0x82: {  	s7 =	sadd.s32 s0, s31;
	s8 =	sadd.s32 $0x2000, s0;
	s12 =	smax.u32 s12, $0x1;
	v42 =	vcombine.low v2, v1;
	v43 =	vcombine.low v5, v3;
	[tilespmem:$0x1FF00] =	vst v35  }
.LBB2_10:
0x83: {  	_ =	swait.ge [sflag:s10], $0x4000  }
0x84: {  	[sflag:s10] =	ssyncset.done $0x0  }
0x85: {  	[sflag:s10] =	ssyncadd.s32 $0xFFFFC000  }
0x86: {  	_ =	swait.ge [sflag:s11], $0x4000  }
0x87: {  	s21 =	sshll.u32 @!p0 s3, $0x6;
	s20 =	sadd.s32 $0x1, s20;
	[sflag:s11] =	ssyncset.done $0x0  }
0x88: {  	s21 =	sor.u32 @!p0 $0x1C05, s21;
	p1 =	sne.s32 s20, s12;
	[sflag:s11] =	ssyncadd.s32 $0xFFFFC000  }
0x89: {  	[hbm:s9], [sflag:s21] =	dma.local @!p0 [hbm:s1], $0x200  }
.Ltmp1:
0x8a: {  	_ = 	snop;
	(pc) =	sbr.rel @!p1 .LBB2_11-.Ltmp1, $4  }
0x8b: {  	s21 =	simm.s32 @!p0 $0x5  }
0x8c: {  	_ =	swait.ge @!p0 [sflag:s21], $0x200  }
0x8d: {  	[sflag:s21] =	ssyncset.done @!p0 $0x0  }
0x8e: {  	[sflag:s21] =	ssyncadd.s32 @!p0 $0xFFFFFE00  }
.LBB2_1:
.Ltmp2:
0x8f: {  	(pc) =	sbr.rel .LBB2_2-.Ltmp2, $3  }
0x90: {  	_ =	sdelay $0x1  }
0x91: {  	[tilespmem:s4], [sflag:$0x1] =	stream.strided.gather [hbm4b:s7+s13], $0x4000, s14, s13, $0x38;
	[tilespmem:$0x10000] =	vst v63  }
0x92: {  	s21 =	simm.s32 $0x0  }
.LBB2_9:
0x93: {  	s21 =	sadd.s32 $0x1, s21  }
0x94: {  	p1 =	sne.s32 s21, $0x3E  }
.Ltmp3:
0x95: {  	_ = 	snop;
	(pc) =	sbr.rel @!p1 .LBB2_10-.Ltmp3, $1  }
0x96: {  	_ =	sdelay $0x3  }
.LBB2_2:
0x97: {  	s22 =	sshll.u32 s21, $0x6  }
0x98: {  	s23 =	sor.u32 s5, s22  }
0x99: {  	p1 =	sgt.u32 s23, $0xF41  }
.Ltmp4:
0x9a: {  	_ = 	snop;
	(pc) =	sbr.rel @p1 .LBB2_9-.Ltmp4, $1  }
0x9b: {  	_ =	sdelay $0x3  }
0x9c: {  	s22 =	sor.u32 $0x20, s23  }
0x9d: {  	p2 =	sgt.u32 s22, $0xF41  }
0x9e: {  	s24 =	sshll.u32 @!p2 s22, $0x8;
	s25 =	simm.s32 @!p2 $0x800  }
0x9f: {  	s26 =	simm.s32 @!p2 $0x7A1400;
	s28 =	simm.s32 @!p2 $0x4000;
	s24 =	sadd.s32 @!p2 s0, s24  }
0xa0: {  	[tilespmem:s28], [sflag:$0x2] =	stream.strided.gather @!p2 [hbm4b:s24+s25], $0x4000, s26, s25, $0x38;
	[tilespmem:$0x10000] =	vst v63  }
0xa1: {  	_ =	swait.ge [sflag:s15], $0x4000  }
0xa2: {  	p1 =	seq.s32 s21, $0x0;
	[sflag:s15] =	ssyncset.done $0x0  }
0xa3: {  	s24 =	simm.s32 @!p1 $0x3;
	[sflag:s15] =	ssyncadd.s32 $0xFFFFC000  }
0xa4: {  	_ =	swait.ge @!p1 [sflag:s24], $0x4000  }
0xa5: {  	[sflag:s24] =	ssyncset.done @!p1 $0x0  }
0xa6: {  	s25 =	simm.s32 $0x0;
	[sflag:s24] =	ssyncadd.s32 @!p1 $0xFFFFC000;
	s24 =	simm.s32 $0x0  }
.LBB2_4:
0xa7: {  	v0 =	vmov s25  }
0xa8: {  	v0 =	vshll.u32 v0, $0x3  }
0xa9: {  	v1 =	vor.u32 s25, v7;
	v45 =	vand.u32 $0x400, v0  }
0xaa: {  	v44 =	vand.u32 $0x7F, v1;
	v59 =	vor.u32 s25, v9;
	v1 =	vor.u32 v8, v45  }
0xab: {  	v3 =	vor.u32 s25, v18;
	v61 =	vor.u32 s25, v19;
	v4 =	vor.u32 s25, v20  }
0xac: {  	v6 =	vor.u32 s25, v21;
	v7 =	vor.u32 s25, v26;
	v9 =	vor.u32 s25, v15  }
0xad: {  	v10 =	vor.u32 s25, v28;
	v46 =	vand.u32 $0x7F, v59;
	v60 =	vor.u32 v44, v1  }
0xae: {  	v47 =	vand.u32 $0x7F, v3;
	v49 =	vand.u32 $0x7F, v61;
	v48 =	vand.u32 $0x7F, v4  }
0xaf: {  	v50 =	vand.u32 $0x7F, v6;
	v6 =	vor.u32 s25, v25;
	v2 =	vor.u32 v46, v1  }
0xb0: {  	v25 =	vor.u32 s25, v29;
	v5 =	vor.u32 v47, v1;
	v3 =	vor.u32 v49, v1  }
0xb1: {  	v4 =	vor.u32 v48, v1;
	v56 =	vand.u32 $0x7F, v25;
	v25 =	vor.u32 s25, v31  }
0xb2: {  	v57 =	vand.u32 $0x7F, v25;
	v25 =	vor.u32 s25, v32;
	v32 =	vor.u32 s25, v34;
	v8 =	vld.idx.msk [tilespmem:v60+s4+$0x0], $0xffff  }
0xb3: {  	v51 =	vand.u32 $0x7F, v7;
	v36 =	vor.u32 v50, v1;
	v60 =	vand.u32 $0x7F, v32;
	v32 =	vld [tilespmem:$0x1FFC0]  }
0xb4: {  	v53 =	vand.u32 $0x7F, v9;
	v52 =	vand.u32 $0x7F, v6;
	v7 =	vor.u32 v51, v1;
	v6 =	vld.idx.msk [tilespmem:v2+s4+$0x0], $0xffff  }
0xb5: {  	v39 =	vor.u32 s25, v30;
	v54 =	vand.u32 $0x7F, v10;
	v38 =	vor.u32 v53, v1;
	v5 =	vld.idx.msk [tilespmem:v5+s4+$0x0], $0xffff  }
0xb6: {  	v9 =	vor.u32 s25, v27;
	v58 =	vand.u32 $0x7F, v39;
	v10 =	vor.u32 v54, v1;
	v11 =	vld.idx.msk [tilespmem:v3+s4+$0x0], $0xffff  }
0xb7: {  	v55 =	vand.u32 $0x7F, v9;
	v0 =	vor.u32 v58, v1;
	v9 =	vld.idx.msk [tilespmem:v4+s4+$0x0], $0xffff  }
0xb8: {  	v12 =	vld.idx.msk [tilespmem:v36+s4+$0x0], $0xffff  }
0xb9: {  	v4 =	vor.u32 v55, v1;
	v14 =	vld.idx.msk [tilespmem:v7+s4+$0x0], $0xffff  }
0xba: {  	v37 =	vor.u32 v52, v1;
	v15 =	vld.idx.msk [tilespmem:v38+s4+$0x0], $0xffff  }
0xbb: {  	v41 =	vor.u32 v56, v1;
	v20 =	vld.idx.msk [tilespmem:v10+s4+$0x0], $0xffff  }
0xbc: {  	v26 =	vld.idx.msk [tilespmem:v0+s4+$0x0], $0xffff  }
0xbd: {  	v59 =	vand.u32 $0x7F, v25;
	v25 =	vmov s24;
	v7 =	vor.u32 v57, v1;
	v38 =	vld [tilespmem:$0x1FF60]  }
0xbe: {  	v19 =	vshll.u32 v25, $0x7;
	v18 =	vld.idx.msk [tilespmem:v4+s4+$0x0], $0xffff;
	v4 =	vor.u32 v59, v1  }
0xbf: {  	v61 =	vor.u32 v35, v19;
	v13 =	vld.idx.msk [tilespmem:v37+s4+$0x0], $0xffff;
	v1 =	vor.u32 v60, v1  }
0xc0: {  	v34 =	vor.u32 v16, v61;
	v21 =	vld.idx.msk [tilespmem:v41+s4+$0x0], $0xffff;
	v41 =	vmov v62;
	v62 =	vor.u32 v62, v19  }
0xc1: {  	v37 =	vld [tilespmem:$0x1FFD0];
	v35 =	vor.u32 v17, v62  }
0xc2: {  	v39 =	vmov v63;
	v63 =	vor.u32 v63, v19;
	v27 =	vld.idx.msk [tilespmem:v7+s4+$0x0], $0xffff  }
0xc3: {  	v7 =	vor.u32 v16, v63;
	v28 =	vld.idx.msk [tilespmem:v4+s4+$0x0], $0xffff  }
0xc4: {  	v29 =	vld.idx.msk [tilespmem:v1+s4+$0x0], $0xffff  }
0xc5: {  	[tilespmem:v34+s16+$0x0] =	vst.idx.msk $0xffff, v8;
	v34 =	vld [tilespmem:$0x1FF50]  }
0xc6: {  	[tilespmem:v35+s16+$0x0] =	vst.idx.msk $0xffff, v6;
	v35 =	vld [tilespmem:$0x1FFB0]  }
0xc7: {  	v25 =	vor.u32 v37, v19;
	v4 =	vld [tilespmem:$0x1FF40]  }
0xc8: {  	v0 =	vor.u32 v38, v19;
	v10 =	vor.u32 v17, v25;
	[tilespmem:v7+s16+$0x0] =	vst.idx.msk $0xffff, v5;
	v5 =	vld [tilespmem:$0x1FFA0]  }
0xc9: {  	v30 =	vor.u32 v16, v0;
	v1 =	vor.u32 v32, v19  }
0xca: {  	v8 =	vor.u32 v17, v1;
	v2 =	vor.u32 v34, v19  }
0xcb: {  	v31 =	vor.u32 v16, v2;
	v3 =	vor.u32 v35, v19  }
0xcc: {  	v4 =	vor.u32 v4, v19;
	v36 =	vor.u32 v17, v3  }
0xcd: {  	[tilespmem:v10+s16+$0x0] =	vst.idx.msk $0xffff, v11;
	v10 =	vor.u32 v16, v4;
	v5 =	vor.u32 v5, v19  }
0xce: {  	v6 =	vld [tilespmem:$0x1FF30];
	[tilespmem:v30+s16+$0x0] =	vst.idx.msk $0xffff, v9;
	v11 =	vor.u32 v17, v5  }
0xcf: {  	v7 =	vld [tilespmem:$0x1FF90];
	[tilespmem:v8+s16+$0x0] =	vst.idx.msk $0xffff, v12  }
0xd0: {  	v8 =	vld [tilespmem:$0x1FF20];
	[tilespmem:v31+s16+$0x0] =	vst.idx.msk $0xffff, v13  }
0xd1: {  	v9 =	vld [tilespmem:$0x1FF80];
	[tilespmem:v36+s16+$0x0] =	vst.idx.msk $0xffff, v14  }
0xd2: {  	[tilespmem:v10+s16+$0x0] =	vst.idx.msk $0xffff, v15;
	v10 =	vld [tilespmem:$0x1FF10]  }
0xd3: {  	v6 =	vor.u32 v6, v19;
	[tilespmem:v11+s16+$0x0] =	vst.idx.msk $0xffff, v18;
	v11 =	vld [tilespmem:$0x1FF70]  }
0xd4: {  	v12 =	vor.u32 v16, v6;
	v7 =	vor.u32 v7, v19  }
0xd5: {  	v13 =	vor.u32 v17, v7;
	v8 =	vor.u32 v8, v19  }
0xd6: {  	v9 =	vor.u32 v9, v19;
	v14 =	vor.u32 v16, v8  }
0xd7: {  	v15 =	vor.u32 v17, v9;
	v10 =	vor.u32 v10, v19  }
0xd8: {  	v18 =	vor.u32 v16, v10;
	v11 =	vor.u32 v11, v19  }
0xd9: {  	[tilespmem:v12+s16+$0x0] =	vst.idx.msk $0xffff, v20;
	v19 =	vor.u32 v33, v45;
	v12 =	vor.u32 v17, v11  }
0xda: {  	[tilespmem:v13+s16+$0x0] =	vst.idx.msk $0xffff, v21;
	v13 =	vor.u32 v44, v19  }
0xdb: {  	[tilespmem:v14+s16+$0x0] =	vst.idx.msk $0xffff, v26;
	v14 =	vor.u32 v46, v19  }
0xdc: {  	[tilespmem:v15+s16+$0x0] =	vst.idx.msk $0xffff, v27;
	v15 =	vor.u32 v47, v19  }
0xdd: {  	v20 =	vor.u32 v50, v19;
	[tilespmem:v18+s16+$0x0] =	vst.idx.msk $0xffff, v28  }
0xde: {  	v21 =	vor.u32 v52, v19;
	[tilespmem:v12+s16+$0x0] =	vst.idx.msk $0xffff, v29  }
0xdf: {  	v26 =	vor.u32 v51, v19;
	v13 =	vld.idx.msk [tilespmem:v13+s4+$0x0], $0xffff  }
0xe0: {  	v27 =	vor.u32 v53, v19;
	v14 =	vld.idx.msk [tilespmem:v14+s4+$0x0], $0xffff  }
0xe1: {  	v30 =	vor.u32 v56, v19;
	v15 =	vld.idx.msk [tilespmem:v15+s4+$0x0], $0xffff  }
0xe2: {  	v31 =	vor.u32 v58, v19;
	v20 =	vld.idx.msk [tilespmem:v20+s4+$0x0], $0xffff  }
0xe3: {  	v37 =	vor.u32 v57, v19;
	v21 =	vld.idx.msk [tilespmem:v21+s4+$0x0], $0xffff  }
0xe4: {  	v33 =	vor.u32 v59, v19;
	v26 =	vld.idx.msk [tilespmem:v26+s4+$0x0], $0xffff  }
0xe5: {  	v18 =	vor.u32 v49, v19;
	v27 =	vld.idx.msk [tilespmem:v27+s4+$0x0], $0xffff  }
0xe6: {  	v28 =	vor.u32 v55, v19;
	v30 =	vld.idx.msk [tilespmem:v30+s4+$0x0], $0xffff  }
0xe7: {  	v12 =	vor.u32 v48, v19;
	v31 =	vld.idx.msk [tilespmem:v31+s4+$0x0], $0xffff  }
0xe8: {  	v29 =	vor.u32 v54, v19;
	v32 =	vld.idx.msk [tilespmem:v37+s4+$0x0], $0xffff  }
0xe9: {  	v34 =	vor.u32 v22, v61;
	v19 =	vor.u32 v60, v19;
	v33 =	vld.idx.msk [tilespmem:v33+s4+$0x0], $0xffff  }
0xea: {  	v35 =	vor.u32 v23, v62;
	v18 =	vld.idx.msk [tilespmem:v18+s4+$0x0], $0xffff  }
0xeb: {  	v36 =	vor.u32 v22, v63;
	v28 =	vld.idx.msk [tilespmem:v28+s4+$0x0], $0xffff  }
0xec: {  	v37 =	vor.u32 v23, v25;
	v12 =	vld.idx.msk [tilespmem:v12+s4+$0x0], $0xffff  }
0xed: {  	v38 =	vor.u32 v22, v0;
	v29 =	vld.idx.msk [tilespmem:v29+s4+$0x0], $0xffff  }
0xee: {  	v19 =	vld.idx.msk [tilespmem:v19+s4+$0x0], $0xffff;
	[tilespmem:v34+s16+$0x0] =	vst.idx.msk $0xffff, v13;
	v13 =	vor.u32 v23, v1  }
0xef: {  	[tilespmem:v35+s16+$0x0] =	vst.idx.msk $0xffff, v14;
	v14 =	vor.u32 v22, v2  }
0xf0: {  	[tilespmem:v36+s16+$0x0] =	vst.idx.msk $0xffff, v15;
	v15 =	vor.u32 v23, v3  }
0xf1: {  	[tilespmem:v37+s16+$0x0] =	vst.idx.msk $0xffff, v18;
	v18 =	vor.u32 v22, v4  }
0xf2: {  	[tilespmem:v38+s16+$0x0] =	vst.idx.msk $0xffff, v12;
	v12 =	vor.u32 v23, v5  }
0xf3: {  	[tilespmem:v13+s16+$0x0] =	vst.idx.msk $0xffff, v20;
	v13 =	vor.u32 v22, v6;
	v20 =	vld [tilespmem:$0x1FFE0]  }
0xf4: {  	[tilespmem:v14+s16+$0x0] =	vst.idx.msk $0xffff, v21;
	v14 =	vor.u32 v23, v7  }
0xf5: {  	[tilespmem:v15+s16+$0x0] =	vst.idx.msk $0xffff, v26;
	v15 =	vor.u32 v22, v8  }
0xf6: {  	[tilespmem:v18+s16+$0x0] =	vst.idx.msk $0xffff, v27;
	v18 =	vor.u32 v23, v9  }
0xf7: {  	[tilespmem:v12+s16+$0x0] =	vst.idx.msk $0xffff, v28;
	v12 =	vor.u32 v22, v10  }
0xf8: {  	[tilespmem:v13+s16+$0x0] =	vst.idx.msk $0xffff, v29;
	v13 =	vor.u32 v23, v11;
	v20 =	vor.u32 v20, v45  }
0xf9: {  	[tilespmem:v14+s16+$0x0] =	vst.idx.msk $0xffff, v30;
	v14 =	vor.u32 v44, v20  }
0xfa: {  	v21 =	vor.u32 v52, v20;
	[tilespmem:v15+s16+$0x0] =	vst.idx.msk $0xffff, v31  }
0xfb: {  	v26 =	vor.u32 v51, v20;
	[tilespmem:v18+s16+$0x0] =	vst.idx.msk $0xffff, v32  }
0xfc: {  	v27 =	vor.u32 v53, v20;
	[tilespmem:v12+s16+$0x0] =	vst.idx.msk $0xffff, v33  }
0xfd: {  	v28 =	vor.u32 v55, v20;
	[tilespmem:v13+s16+$0x0] =	vst.idx.msk $0xffff, v19  }
0xfe: {  	v29 =	vor.u32 v54, v20;
	v14 =	vld.idx.msk [tilespmem:v14+s4+$0x0], $0xffff  }
0xff: {  	v30 =	vor.u32 v56, v20;
	v21 =	vld.idx.msk [tilespmem:v21+s4+$0x0], $0xffff  }
0x100: {  	v38 =	vor.u32 v57, v20;
	v26 =	vld.idx.msk [tilespmem:v26+s4+$0x0], $0xffff  }
0x101: {  	v15 =	vor.u32 v46, v20;
	v27 =	vld.idx.msk [tilespmem:v27+s4+$0x0], $0xffff  }
0x102: {  	v31 =	vor.u32 v58, v20;
	v28 =	vld.idx.msk [tilespmem:v28+s4+$0x0], $0xffff  }
0x103: {  	v18 =	vor.u32 v47, v20;
	v29 =	vld.idx.msk [tilespmem:v29+s4+$0x0], $0xffff  }
0x104: {  	v12 =	vor.u32 v49, v20;
	v30 =	vld.idx.msk [tilespmem:v30+s4+$0x0], $0xffff  }
0x105: {  	v33 =	vor.u32 v59, v20;
	v32 =	vld.idx.msk [tilespmem:v38+s4+$0x0], $0xffff  }
0x106: {  	v13 =	vor.u32 v48, v20;
	v15 =	vld.idx.msk [tilespmem:v15+s4+$0x0], $0xffff  }
0x107: {  	v19 =	vor.u32 v50, v20;
	v31 =	vld.idx.msk [tilespmem:v31+s4+$0x0], $0xffff  }
0x108: {  	v34 =	vor.u32 v24, v61;
	v20 =	vor.u32 v60, v20;
	v18 =	vld.idx.msk [tilespmem:v18+s4+$0x0], $0xffff  }
0x109: {  	v35 =	vor.u32 v40, v62;
	v12 =	vld.idx.msk [tilespmem:v12+s4+$0x0], $0xffff  }
0x10a: {  	v36 =	vor.u32 v24, v63;
	v33 =	vld.idx.msk [tilespmem:v33+s4+$0x0], $0xffff  }
0x10b: {  	v37 =	vor.u32 v40, v25;
	v13 =	vld.idx.msk [tilespmem:v13+s4+$0x0], $0xffff  }
0x10c: {  	v38 =	vor.u32 v24, v0;
	v19 =	vld.idx.msk [tilespmem:v19+s4+$0x0], $0xffff  }
0x10d: {  	v20 =	vld.idx.msk [tilespmem:v20+s4+$0x0], $0xffff;
	[tilespmem:v34+s16+$0x0] =	vst.idx.msk $0xffff, v14;
	v14 =	vor.u32 v40, v1  }
0x10e: {  	[tilespmem:v35+s16+$0x0] =	vst.idx.msk $0xffff, v15;
	v15 =	vor.u32 v24, v2  }
0x10f: {  	[tilespmem:v36+s16+$0x0] =	vst.idx.msk $0xffff, v18;
	v18 =	vor.u32 v40, v3  }
0x110: {  	[tilespmem:v37+s16+$0x0] =	vst.idx.msk $0xffff, v12;
	v12 =	vor.u32 v24, v4  }
0x111: {  	[tilespmem:v38+s16+$0x0] =	vst.idx.msk $0xffff, v13;
	v13 =	vor.u32 v40, v5  }
0x112: {  	[tilespmem:v14+s16+$0x0] =	vst.idx.msk $0xffff, v19;
	v14 =	vor.u32 v24, v6;
	v19 =	vld [tilespmem:$0x1FFF0]  }
0x113: {  	[tilespmem:v15+s16+$0x0] =	vst.idx.msk $0xffff, v21;
	v15 =	vor.u32 v40, v7  }
0x114: {  	[tilespmem:v18+s16+$0x0] =	vst.idx.msk $0xffff, v26;
	v18 =	vor.u32 v24, v8  }
0x115: {  	[tilespmem:v12+s16+$0x0] =	vst.idx.msk $0xffff, v27;
	v12 =	vor.u32 v40, v9  }
0x116: {  	[tilespmem:v13+s16+$0x0] =	vst.idx.msk $0xffff, v28;
	v13 =	vor.u32 v24, v10  }
0x117: {  	[tilespmem:v14+s16+$0x0] =	vst.idx.msk $0xffff, v29;
	v14 =	vor.u32 v40, v11;
	v19 =	vor.u32 v19, v45  }
0x118: {  	[tilespmem:v15+s16+$0x0] =	vst.idx.msk $0xffff, v30;
	v15 =	vor.u32 v44, v19  }
0x119: {  	v21 =	vor.u32 v52, v19;
	[tilespmem:v18+s16+$0x0] =	vst.idx.msk $0xffff, v31  }
0x11a: {  	v26 =	vor.u32 v51, v19;
	[tilespmem:v12+s16+$0x0] =	vst.idx.msk $0xffff, v32  }
0x11b: {  	v34 =	vld [tilespmem:$0x1FEF0];
	v27 =	vor.u32 v53, v19;
	[tilespmem:v13+s16+$0x0] =	vst.idx.msk $0xffff, v33  }
0x11c: {  	v35 =	vld [tilespmem:$0x1FF00];
	v28 =	vor.u32 v55, v19;
	[tilespmem:v14+s16+$0x0] =	vst.idx.msk $0xffff, v20  }
0x11d: {  	v29 =	vor.u32 v54, v19;
	v15 =	vld.idx.msk [tilespmem:v15+s4+$0x0], $0xffff  }
0x11e: {  	v30 =	vor.u32 v56, v19;
	v21 =	vld.idx.msk [tilespmem:v21+s4+$0x0], $0xffff  }
0x11f: {  	v51 =	vor.u32 v57, v19;
	v26 =	vld.idx.msk [tilespmem:v26+s4+$0x0], $0xffff  }
0x120: {  	v52 =	vor.u32 v59, v19;
	v27 =	vld.idx.msk [tilespmem:v27+s4+$0x0], $0xffff  }
0x121: {  	v18 =	vor.u32 v46, v19;
	v28 =	vld.idx.msk [tilespmem:v28+s4+$0x0], $0xffff  }
0x122: {  	v31 =	vor.u32 v58, v19;
	v29 =	vld.idx.msk [tilespmem:v29+s4+$0x0], $0xffff  }
0x123: {  	v12 =	vor.u32 v47, v19;
	v30 =	vld.idx.msk [tilespmem:v30+s4+$0x0], $0xffff  }
0x124: {  	v13 =	vor.u32 v49, v19;
	v32 =	vld.idx.msk [tilespmem:v51+s4+$0x0], $0xffff  }
0x125: {  	v14 =	vor.u32 v48, v19;
	v33 =	vld.idx.msk [tilespmem:v52+s4+$0x0], $0xffff  }
0x126: {  	v20 =	vor.u32 v50, v19;
	v18 =	vld.idx.msk [tilespmem:v18+s4+$0x0], $0xffff  }
0x127: {  	v53 =	vor.u32 v42, v61;
	v19 =	vor.u32 v60, v19;
	v31 =	vld.idx.msk [tilespmem:v31+s4+$0x0], $0xffff  }
0x128: {  	v54 =	vor.u32 v43, v62;
	v12 =	vld.idx.msk [tilespmem:v12+s4+$0x0], $0xffff  }
0x129: {  	v55 =	vor.u32 v42, v63;
	v13 =	vld.idx.msk [tilespmem:v13+s4+$0x0], $0xffff  }
0x12a: {  	v25 =	vor.u32 v43, v25;
	v14 =	vld.idx.msk [tilespmem:v14+s4+$0x0], $0xffff  }
0x12b: {  	v0 =	vor.u32 v42, v0;
	v20 =	vld.idx.msk [tilespmem:v20+s4+$0x0], $0xffff  }
0x12c: {  	v1 =	vor.u32 v43, v1;
	v19 =	vld.idx.msk [tilespmem:v19+s4+$0x0], $0xffff;
	[tilespmem:v53+s16+$0x0] =	vst.idx.msk $0xffff, v15  }
0x12d: {  	v2 =	vor.u32 v42, v2;
	v59 =	vor.u32 v42, v8;
	v8 =	vld [tilespmem:$0x1FE00];
	[tilespmem:v54+s16+$0x0] =	vst.idx.msk $0xffff, v18  }
0x12e: {  	v3 =	vor.u32 v43, v3;
	v15 =	vld [tilespmem:$0x1FDF0];
	[tilespmem:v55+s16+$0x0] =	vst.idx.msk $0xffff, v12  }
0x12f: {  	v4 =	vor.u32 v42, v4;
	v18 =	vld [tilespmem:$0x1FE30];
	[tilespmem:v25+s16+$0x0] =	vst.idx.msk $0xffff, v13  }
0x130: {  	v25 =	vld [tilespmem:$0x1FE70];
	[tilespmem:v0+s16+$0x0] =	vst.idx.msk $0xffff, v14  }
0x131: {  	v56 =	vor.u32 v43, v5;
	[tilespmem:v1+s16+$0x0] =	vst.idx.msk $0xffff, v20;
	v20 =	vld [tilespmem:$0x1FE50]  }
0x132: {  	v57 =	vor.u32 v42, v6;
	[tilespmem:v2+s16+$0x0] =	vst.idx.msk $0xffff, v21;
	v21 =	vld [tilespmem:$0x1FE60]  }
0x133: {  	v58 =	vor.u32 v43, v7;
	[tilespmem:v3+s16+$0x0] =	vst.idx.msk $0xffff, v26;
	v26 =	vld [tilespmem:$0x1FE80]  }
0x134: {  	[tilespmem:v4+s16+$0x0] =	vst.idx.msk $0xffff, v27;
	v27 =	vld [tilespmem:$0x1FE90]  }
0x135: {  	v4 =	vor.u32 v43, v9;
	v9 =	vld [tilespmem:$0x1FE20]  }
0x136: {  	v60 =	vor.u32 v42, v10;
	[tilespmem:v56+s16+$0x0] =	vst.idx.msk $0xffff, v28;
	v28 =	vld [tilespmem:$0x1FEA0]  }
0x137: {  	p3 =	sne.s32 s25, $0xF0;
	v61 =	vor.u32 v43, v11;
	[tilespmem:v57+s16+$0x0] =	vst.idx.msk $0xffff, v29;
	v29 =	vld [tilespmem:$0x1FEB0]  }
.Ltmp5:
0x138: {  	[tilespmem:v58+s16+$0x0] =	vst.idx.msk $0xffff, v30;
	v30 =	vld [tilespmem:$0x1FEC0];
	(pc) =	sbr.rel @p3 .LBB2_4-.Ltmp5, $4  }
0x139: {  	[tilespmem:v59+s16+$0x0] =	vst.idx.msk $0xffff, v31;
	v31 =	vld [tilespmem:$0x1FED0]  }
0x13a: {  	[tilespmem:v4+s16+$0x0] =	vst.idx.msk $0xffff, v32;
	v32 =	vld [tilespmem:$0x1FEE0]  }
0x13b: {  	[tilespmem:v60+s16+$0x0] =	vst.idx.msk $0xffff, v33;
	v33 =	vld [tilespmem:$0x1FE10]  }
0x13c: {  	s25 =	sadd.s32 $0x10, s25;
	s24 =	sadd.s32 $0x8, s24;
	v62 =	vmov v41;
	v63 =	vmov v39;
	v7 =	vlaneseq.u32;
	[tilespmem:v61+s16+$0x0] =	vst.idx.msk $0xffff, v19;
	v19 =	vld [tilespmem:$0x1FE40]  }
.Ltmp6:
0x13d: {  	(pc) =	sbr.rel @p2 .LBB2_9-.Ltmp6, $4  }
0x13e: {  	_ = 	snop  }
0x13f: {  	s23 =	sshll.u32 s23, $0xB  }
0x140: {  	s23 =	sadd.s32 s6, s23  }
0x141: {  	[hbm4b:s23+s4] =	stream.linear.scatter [tilespmem:s16], [sflag:$0x3], $0x4000, $0x38;
	[tilespmem:$0x10000] =	vst v63  }
0x142: {  	p2 =	sgt.u32 s22, $0xF21  }
0x143: {  	s23 =	sshll.u32 @!p2 s22, $0x8;
	s24 =	simm.s32 @!p2 $0x800  }
0x144: {  	s25 =	simm.s32 @!p2 $0x7A1400;
	s26 =	simm.s32 @!p2 $0x0;
	s23 =	sadd.s32 @!p2 s23, s8  }
0x145: {  	[tilespmem:s26], [sflag:$0x1] =	stream.strided.gather @!p2 [hbm4b:s23+s24], $0x4000, s25, s24, $0x38;
	[tilespmem:$0x10000] =	vst v63  }
0x146: {  	_ =	swait.ge [sflag:s17], $0x4000  }
0x147: {  	[sflag:s17] =	ssyncset.done $0x0  }
0x148: {  	s23 =	simm.s32 @!p1 $0x4;
	[sflag:s17] =	ssyncadd.s32 $0xFFFFC000  }
0x149: {  	_ =	swait.ge @!p1 [sflag:s23], $0x4000  }
0x14a: {  	[sflag:s23] =	ssyncset.done @!p1 $0x0  }
0x14b: {  	s24 =	simm.s32 $0x0;
	[sflag:s23] =	ssyncadd.s32 @!p1 $0xFFFFC000;
	s23 =	simm.s32 $0x0  }
.LBB2_7:
0x14c: {  	v0 =	vmov s24  }
0x14d: {  	v1 =	vor.u32 s24, v7;
	v0 =	vshll.u32 v0, $0x3  }
0x14e: {  	v44 =	vand.u32 $0x7F, v1;
	v45 =	vand.u32 $0x400, v0  }
0x14f: {  	v59 =	vor.u32 s24, v9;
	v1 =	vor.u32 v8, v45;
	v3 =	vor.u32 s24, v18  }
0x150: {  	v61 =	vor.u32 s24, v19;
	v4 =	vor.u32 s24, v20;
	v6 =	vor.u32 s24, v21  }
0x151: {  	v7 =	vor.u32 s24, v26;
	v9 =	vor.u32 s24, v15;
	v60 =	vor.u32 v44, v1  }
0x152: {  	v10 =	vor.u32 s24, v28;
	v37 =	vor.u32 s24, v30;
	v46 =	vand.u32 $0x7F, v59  }
0x153: {  	v15 =	vor.u32 s24, v32;
	v47 =	vand.u32 $0x7F, v3;
	v2 =	vor.u32 v46, v1  }
0x154: {  	v34 =	vor.u32 s24, v34;
	v32 =	vld [tilespmem:$0x1FFC0];
	v49 =	vand.u32 $0x7F, v61;
	v5 =	vor.u32 v47, v1  }
0x155: {  	v48 =	vand.u32 $0x7F, v4;
	v58 =	vand.u32 $0x7F, v37;
	v37 =	vld [tilespmem:$0x1FFD0];
	v3 =	vor.u32 v49, v1  }
0x156: {  	v50 =	vand.u32 $0x7F, v6;
	v6 =	vor.u32 s24, v25;
	v4 =	vor.u32 v48, v1;
	v8 =	vld.idx.msk [tilespmem:v60+s18+$0x0], $0xffff  }
0x157: {  	v51 =	vand.u32 $0x7F, v7;
	v62 =	vor.u32 v50, v1;
	v60 =	vand.u32 $0x7F, v34;
	v34 =	vld [tilespmem:$0x1FF50]  }
0x158: {  	v53 =	vand.u32 $0x7F, v9;
	v52 =	vand.u32 $0x7F, v6;
	v7 =	vor.u32 v51, v1;
	v6 =	vld.idx.msk [tilespmem:v2+s18+$0x0], $0xffff  }
0x159: {  	v12 =	vor.u32 s24, v29;
	v54 =	vand.u32 $0x7F, v10;
	v36 =	vor.u32 v53, v1;
	v5 =	vld.idx.msk [tilespmem:v5+s18+$0x0], $0xffff  }
0x15a: {  	v9 =	vor.u32 s24, v27;
	v56 =	vand.u32 $0x7F, v12;
	v10 =	vor.u32 v54, v1;
	v11 =	vld.idx.msk [tilespmem:v3+s18+$0x0], $0xffff  }
0x15b: {  	v55 =	vand.u32 $0x7F, v9;
	v38 =	vor.u32 v56, v1;
	v9 =	vld.idx.msk [tilespmem:v4+s18+$0x0], $0xffff  }
0x15c: {  	v12 =	vor.u32 s24, v31;
	v4 =	vor.u32 v55, v1;
	v13 =	vld.idx.msk [tilespmem:v62+s18+$0x0], $0xffff  }
0x15d: {  	v57 =	vand.u32 $0x7F, v12;
	v0 =	vor.u32 v58, v1;
	v12 =	vld.idx.msk [tilespmem:v7+s18+$0x0], $0xffff  }
0x15e: {  	v18 =	vld.idx.msk [tilespmem:v36+s18+$0x0], $0xffff  }
0x15f: {  	v63 =	vor.u32 v52, v1;
	v20 =	vld.idx.msk [tilespmem:v10+s18+$0x0], $0xffff  }
0x160: {  	v59 =	vand.u32 $0x7F, v15;
	v15 =	vmov s23;
	v7 =	vor.u32 v57, v1;
	v21 =	vld.idx.msk [tilespmem:v38+s18+$0x0], $0xffff  }
0x161: {  	v15 =	vshll.u32 v15, $0x7;
	v19 =	vld.idx.msk [tilespmem:v4+s18+$0x0], $0xffff;
	v4 =	vor.u32 v59, v1  }
0x162: {  	v61 =	vor.u32 v35, v15;
	v26 =	vld.idx.msk [tilespmem:v0+s18+$0x0], $0xffff;
	v1 =	vor.u32 v60, v1  }
0x163: {  	v35 =	vor.u32 v16, v61;
	v62 =	vor.u32 v41, v15;
	v38 =	vld [tilespmem:$0x1FF60]  }
0x164: {  	v14 =	vld.idx.msk [tilespmem:v63+s18+$0x0], $0xffff;
	v36 =	vor.u32 v17, v62;
	v63 =	vor.u32 v39, v15  }
0x165: {  	v27 =	vld.idx.msk [tilespmem:v7+s18+$0x0], $0xffff;
	v7 =	vor.u32 v16, v63  }
0x166: {  	v28 =	vld.idx.msk [tilespmem:v4+s18+$0x0], $0xffff  }
0x167: {  	v29 =	vld.idx.msk [tilespmem:v1+s18+$0x0], $0xffff  }
0x168: {  	[tilespmem:v35+s19+$0x0] =	vst.idx.msk $0xffff, v8;
	v35 =	vld [tilespmem:$0x1FFB0]  }
0x169: {  	v25 =	vor.u32 v37, v15;
	v4 =	vld [tilespmem:$0x1FF40];
	[tilespmem:v36+s19+$0x0] =	vst.idx.msk $0xffff, v6  }
0x16a: {  	v10 =	vor.u32 v17, v25;
	v0 =	vor.u32 v38, v15;
	[tilespmem:v7+s19+$0x0] =	vst.idx.msk $0xffff, v5;
	v5 =	vld [tilespmem:$0x1FFA0]  }
0x16b: {  	v30 =	vor.u32 v16, v0;
	v1 =	vor.u32 v32, v15  }
0x16c: {  	v2 =	vor.u32 v34, v15;
	v8 =	vor.u32 v17, v1  }
0x16d: {  	v31 =	vor.u32 v16, v2;
	v3 =	vor.u32 v35, v15  }
0x16e: {  	v4 =	vor.u32 v4, v15;
	v36 =	vor.u32 v17, v3  }
0x16f: {  	[tilespmem:v10+s19+$0x0] =	vst.idx.msk $0xffff, v11;
	v10 =	vor.u32 v16, v4;
	v5 =	vor.u32 v5, v15  }
0x170: {  	v6 =	vld [tilespmem:$0x1FF30];
	[tilespmem:v30+s19+$0x0] =	vst.idx.msk $0xffff, v9;
	v11 =	vor.u32 v17, v5  }
0x171: {  	v7 =	vld [tilespmem:$0x1FF90];
	[tilespmem:v8+s19+$0x0] =	vst.idx.msk $0xffff, v13  }
0x172: {  	v8 =	vld [tilespmem:$0x1FF20];
	[tilespmem:v31+s19+$0x0] =	vst.idx.msk $0xffff, v14  }
0x173: {  	v9 =	vld [tilespmem:$0x1FF80];
	[tilespmem:v36+s19+$0x0] =	vst.idx.msk $0xffff, v12  }
0x174: {  	[tilespmem:v10+s19+$0x0] =	vst.idx.msk $0xffff, v18;
	v10 =	vld [tilespmem:$0x1FF10]  }
0x175: {  	v6 =	vor.u32 v6, v15;
	[tilespmem:v11+s19+$0x0] =	vst.idx.msk $0xffff, v19;
	v11 =	vld [tilespmem:$0x1FF70]  }
0x176: {  	v13 =	vor.u32 v16, v6;
	v7 =	vor.u32 v7, v15  }
0x177: {  	v14 =	vor.u32 v17, v7;
	v8 =	vor.u32 v8, v15  }
0x178: {  	v9 =	vor.u32 v9, v15;
	v12 =	vor.u32 v16, v8  }
0x179: {  	v18 =	vor.u32 v17, v9;
	v10 =	vor.u32 v10, v15  }
0x17a: {  	v19 =	vor.u32 v16, v10;
	v11 =	vor.u32 v11, v15  }
0x17b: {  	[tilespmem:v13+s19+$0x0] =	vst.idx.msk $0xffff, v20;
	v15 =	vor.u32 v33, v45;
	v13 =	vor.u32 v17, v11  }
0x17c: {  	[tilespmem:v14+s19+$0x0] =	vst.idx.msk $0xffff, v21;
	v14 =	vor.u32 v44, v15  }
0x17d: {  	[tilespmem:v12+s19+$0x0] =	vst.idx.msk $0xffff, v26;
	v12 =	vor.u32 v46, v15  }
0x17e: {  	[tilespmem:v18+s19+$0x0] =	vst.idx.msk $0xffff, v27;
	v18 =	vor.u32 v47, v15  }
0x17f: {  	v20 =	vor.u32 v50, v15;
	[tilespmem:v19+s19+$0x0] =	vst.idx.msk $0xffff, v28  }
0x180: {  	v21 =	vor.u32 v52, v15;
	[tilespmem:v13+s19+$0x0] =	vst.idx.msk $0xffff, v29  }
0x181: {  	v26 =	vor.u32 v51, v15;
	v14 =	vld.idx.msk [tilespmem:v14+s18+$0x0], $0xffff  }
0x182: {  	v27 =	vor.u32 v53, v15;
	v12 =	vld.idx.msk [tilespmem:v12+s18+$0x0], $0xffff  }
0x183: {  	v30 =	vor.u32 v56, v15;
	v18 =	vld.idx.msk [tilespmem:v18+s18+$0x0], $0xffff  }
0x184: {  	v31 =	vor.u32 v58, v15;
	v20 =	vld.idx.msk [tilespmem:v20+s18+$0x0], $0xffff  }
0x185: {  	v37 =	vor.u32 v57, v15;
	v21 =	vld.idx.msk [tilespmem:v21+s18+$0x0], $0xffff  }
0x186: {  	v33 =	vor.u32 v59, v15;
	v26 =	vld.idx.msk [tilespmem:v26+s18+$0x0], $0xffff  }
0x187: {  	v19 =	vor.u32 v49, v15;
	v27 =	vld.idx.msk [tilespmem:v27+s18+$0x0], $0xffff  }
0x188: {  	v28 =	vor.u32 v55, v15;
	v30 =	vld.idx.msk [tilespmem:v30+s18+$0x0], $0xffff  }
0x189: {  	v13 =	vor.u32 v48, v15;
	v31 =	vld.idx.msk [tilespmem:v31+s18+$0x0], $0xffff  }
0x18a: {  	v29 =	vor.u32 v54, v15;
	v32 =	vld.idx.msk [tilespmem:v37+s18+$0x0], $0xffff  }
0x18b: {  	v34 =	vor.u32 v22, v61;
	v15 =	vor.u32 v60, v15;
	v33 =	vld.idx.msk [tilespmem:v33+s18+$0x0], $0xffff  }
0x18c: {  	v35 =	vor.u32 v23, v62;
	v19 =	vld.idx.msk [tilespmem:v19+s18+$0x0], $0xffff  }
0x18d: {  	v36 =	vor.u32 v22, v63;
	v28 =	vld.idx.msk [tilespmem:v28+s18+$0x0], $0xffff  }
0x18e: {  	v37 =	vor.u32 v23, v25;
	v13 =	vld.idx.msk [tilespmem:v13+s18+$0x0], $0xffff  }
0x18f: {  	v38 =	vor.u32 v22, v0;
	v29 =	vld.idx.msk [tilespmem:v29+s18+$0x0], $0xffff  }
0x190: {  	v15 =	vld.idx.msk [tilespmem:v15+s18+$0x0], $0xffff;
	[tilespmem:v34+s19+$0x0] =	vst.idx.msk $0xffff, v14;
	v14 =	vor.u32 v23, v1  }
0x191: {  	[tilespmem:v35+s19+$0x0] =	vst.idx.msk $0xffff, v12;
	v12 =	vor.u32 v22, v2  }
0x192: {  	[tilespmem:v36+s19+$0x0] =	vst.idx.msk $0xffff, v18;
	v18 =	vor.u32 v23, v3  }
0x193: {  	[tilespmem:v37+s19+$0x0] =	vst.idx.msk $0xffff, v19;
	v19 =	vor.u32 v22, v4  }
0x194: {  	[tilespmem:v38+s19+$0x0] =	vst.idx.msk $0xffff, v13;
	v13 =	vor.u32 v23, v5  }
0x195: {  	[tilespmem:v14+s19+$0x0] =	vst.idx.msk $0xffff, v20;
	v14 =	vor.u32 v22, v6;
	v20 =	vld [tilespmem:$0x1FFE0]  }
0x196: {  	[tilespmem:v12+s19+$0x0] =	vst.idx.msk $0xffff, v21;
	v12 =	vor.u32 v23, v7  }
0x197: {  	[tilespmem:v18+s19+$0x0] =	vst.idx.msk $0xffff, v26;
	v18 =	vor.u32 v22, v8  }
0x198: {  	[tilespmem:v19+s19+$0x0] =	vst.idx.msk $0xffff, v27;
	v19 =	vor.u32 v23, v9  }
0x199: {  	[tilespmem:v13+s19+$0x0] =	vst.idx.msk $0xffff, v28;
	v13 =	vor.u32 v22, v10  }
0x19a: {  	[tilespmem:v14+s19+$0x0] =	vst.idx.msk $0xffff, v29;
	v14 =	vor.u32 v23, v11;
	v20 =	vor.u32 v20, v45  }
0x19b: {  	[tilespmem:v12+s19+$0x0] =	vst.idx.msk $0xffff, v30;
	v12 =	vor.u32 v44, v20  }
0x19c: {  	v21 =	vor.u32 v52, v20;
	[tilespmem:v18+s19+$0x0] =	vst.idx.msk $0xffff, v31  }
0x19d: {  	v26 =	vor.u32 v51, v20;
	[tilespmem:v19+s19+$0x0] =	vst.idx.msk $0xffff, v32  }
0x19e: {  	v27 =	vor.u32 v53, v20;
	[tilespmem:v13+s19+$0x0] =	vst.idx.msk $0xffff, v33  }
0x19f: {  	v28 =	vor.u32 v55, v20;
	[tilespmem:v14+s19+$0x0] =	vst.idx.msk $0xffff, v15  }
0x1a0: {  	v29 =	vor.u32 v54, v20;
	v12 =	vld.idx.msk [tilespmem:v12+s18+$0x0], $0xffff  }
0x1a1: {  	v30 =	vor.u32 v56, v20;
	v21 =	vld.idx.msk [tilespmem:v21+s18+$0x0], $0xffff  }
0x1a2: {  	v38 =	vor.u32 v57, v20;
	v26 =	vld.idx.msk [tilespmem:v26+s18+$0x0], $0xffff  }
0x1a3: {  	v18 =	vor.u32 v46, v20;
	v27 =	vld.idx.msk [tilespmem:v27+s18+$0x0], $0xffff  }
0x1a4: {  	v31 =	vor.u32 v58, v20;
	v28 =	vld.idx.msk [tilespmem:v28+s18+$0x0], $0xffff  }
0x1a5: {  	v19 =	vor.u32 v47, v20;
	v29 =	vld.idx.msk [tilespmem:v29+s18+$0x0], $0xffff  }
0x1a6: {  	v13 =	vor.u32 v49, v20;
	v30 =	vld.idx.msk [tilespmem:v30+s18+$0x0], $0xffff  }
0x1a7: {  	v33 =	vor.u32 v59, v20;
	v32 =	vld.idx.msk [tilespmem:v38+s18+$0x0], $0xffff  }
0x1a8: {  	v14 =	vor.u32 v48, v20;
	v18 =	vld.idx.msk [tilespmem:v18+s18+$0x0], $0xffff  }
0x1a9: {  	v15 =	vor.u32 v50, v20;
	v31 =	vld.idx.msk [tilespmem:v31+s18+$0x0], $0xffff  }
0x1aa: {  	v34 =	vor.u32 v24, v61;
	v20 =	vor.u32 v60, v20;
	v19 =	vld.idx.msk [tilespmem:v19+s18+$0x0], $0xffff  }
0x1ab: {  	v35 =	vor.u32 v40, v62;
	v13 =	vld.idx.msk [tilespmem:v13+s18+$0x0], $0xffff  }
0x1ac: {  	v36 =	vor.u32 v24, v63;
	v33 =	vld.idx.msk [tilespmem:v33+s18+$0x0], $0xffff  }
0x1ad: {  	v37 =	vor.u32 v40, v25;
	v14 =	vld.idx.msk [tilespmem:v14+s18+$0x0], $0xffff  }
0x1ae: {  	v38 =	vor.u32 v24, v0;
	v15 =	vld.idx.msk [tilespmem:v15+s18+$0x0], $0xffff  }
0x1af: {  	v20 =	vld.idx.msk [tilespmem:v20+s18+$0x0], $0xffff;
	[tilespmem:v34+s19+$0x0] =	vst.idx.msk $0xffff, v12;
	v12 =	vor.u32 v40, v1  }
0x1b0: {  	[tilespmem:v35+s19+$0x0] =	vst.idx.msk $0xffff, v18;
	v18 =	vor.u32 v24, v2  }
0x1b1: {  	[tilespmem:v36+s19+$0x0] =	vst.idx.msk $0xffff, v19;
	v19 =	vor.u32 v40, v3  }
0x1b2: {  	[tilespmem:v37+s19+$0x0] =	vst.idx.msk $0xffff, v13  }
0x1b3: {  	[tilespmem:v38+s19+$0x0] =	vst.idx.msk $0xffff, v14  }
0x1b4: {  	v13 =	vor.u32 v24, v4;
	[tilespmem:v12+s19+$0x0] =	vst.idx.msk $0xffff, v15  }
0x1b5: {  	v14 =	vor.u32 v40, v5;
	[tilespmem:v18+s19+$0x0] =	vst.idx.msk $0xffff, v21  }
0x1b6: {  	v12 =	vor.u32 v24, v6;
	[tilespmem:v19+s19+$0x0] =	vst.idx.msk $0xffff, v26;
	v19 =	vld [tilespmem:$0x1FFF0]  }
0x1b7: {  	v15 =	vor.u32 v40, v7  }
0x1b8: {  	v18 =	vor.u32 v24, v8  }
0x1b9: {  	[tilespmem:v13+s19+$0x0] =	vst.idx.msk $0xffff, v27;
	v13 =	vor.u32 v40, v9  }
0x1ba: {  	[tilespmem:v14+s19+$0x0] =	vst.idx.msk $0xffff, v28;
	v14 =	vor.u32 v24, v10  }
0x1bb: {  	[tilespmem:v12+s19+$0x0] =	vst.idx.msk $0xffff, v29;
	v12 =	vor.u32 v40, v11;
	v19 =	vor.u32 v19, v45  }
0x1bc: {  	[tilespmem:v15+s19+$0x0] =	vst.idx.msk $0xffff, v30;
	v15 =	vor.u32 v44, v19  }
0x1bd: {  	[tilespmem:v18+s19+$0x0] =	vst.idx.msk $0xffff, v31;
	v18 =	vor.u32 v46, v19  }
0x1be: {  	[tilespmem:v13+s19+$0x0] =	vst.idx.msk $0xffff, v32;
	v13 =	vor.u32 v47, v19  }
0x1bf: {  	v34 =	vld [tilespmem:$0x1FEF0];
	v21 =	vor.u32 v52, v19;
	[tilespmem:v14+s19+$0x0] =	vst.idx.msk $0xffff, v33  }
0x1c0: {  	v35 =	vld [tilespmem:$0x1FF00];
	v26 =	vor.u32 v51, v19;
	[tilespmem:v12+s19+$0x0] =	vst.idx.msk $0xffff, v20  }
0x1c1: {  	v27 =	vor.u32 v53, v19;
	v15 =	vld.idx.msk [tilespmem:v15+s18+$0x0], $0xffff  }
0x1c2: {  	v28 =	vor.u32 v55, v19;
	v18 =	vld.idx.msk [tilespmem:v18+s18+$0x0], $0xffff  }
0x1c3: {  	v29 =	vor.u32 v54, v19;
	v13 =	vld.idx.msk [tilespmem:v13+s18+$0x0], $0xffff  }
0x1c4: {  	v30 =	vor.u32 v56, v19;
	v21 =	vld.idx.msk [tilespmem:v21+s18+$0x0], $0xffff  }
0x1c5: {  	v31 =	vor.u32 v58, v19;
	v26 =	vld.idx.msk [tilespmem:v26+s18+$0x0], $0xffff  }
0x1c6: {  	v53 =	vor.u32 v57, v19;
	v27 =	vld.idx.msk [tilespmem:v27+s18+$0x0], $0xffff  }
0x1c7: {  	v54 =	vor.u32 v59, v19;
	v28 =	vld.idx.msk [tilespmem:v28+s18+$0x0], $0xffff  }
0x1c8: {  	v14 =	vor.u32 v49, v19;
	v29 =	vld.idx.msk [tilespmem:v29+s18+$0x0], $0xffff  }
0x1c9: {  	v12 =	vor.u32 v48, v19;
	v30 =	vld.idx.msk [tilespmem:v30+s18+$0x0], $0xffff  }
0x1ca: {  	v20 =	vor.u32 v50, v19;
	v31 =	vld.idx.msk [tilespmem:v31+s18+$0x0], $0xffff  }
0x1cb: {  	v55 =	vor.u32 v42, v61;
	v19 =	vor.u32 v60, v19;
	v32 =	vld.idx.msk [tilespmem:v53+s18+$0x0], $0xffff  }
0x1cc: {  	v56 =	vor.u32 v43, v62;
	v33 =	vld.idx.msk [tilespmem:v54+s18+$0x0], $0xffff  }
0x1cd: {  	v57 =	vor.u32 v42, v63;
	v14 =	vld.idx.msk [tilespmem:v14+s18+$0x0], $0xffff  }
0x1ce: {  	v25 =	vor.u32 v43, v25;
	v12 =	vld.idx.msk [tilespmem:v12+s18+$0x0], $0xffff  }
0x1cf: {  	v0 =	vor.u32 v42, v0;
	v20 =	vld.idx.msk [tilespmem:v20+s18+$0x0], $0xffff  }
0x1d0: {  	v1 =	vor.u32 v43, v1;
	v19 =	vld.idx.msk [tilespmem:v19+s18+$0x0], $0xffff;
	[tilespmem:v55+s19+$0x0] =	vst.idx.msk $0xffff, v15  }
0x1d1: {  	v2 =	vor.u32 v42, v2;
	v61 =	vor.u32 v42, v8;
	v8 =	vld [tilespmem:$0x1FE00];
	[tilespmem:v56+s19+$0x0] =	vst.idx.msk $0xffff, v18  }
0x1d2: {  	v3 =	vor.u32 v43, v3;
	v15 =	vld [tilespmem:$0x1FDF0];
	[tilespmem:v57+s19+$0x0] =	vst.idx.msk $0xffff, v13  }
0x1d3: {  	v4 =	vor.u32 v42, v4;
	v18 =	vld [tilespmem:$0x1FE30];
	[tilespmem:v25+s19+$0x0] =	vst.idx.msk $0xffff, v14  }
0x1d4: {  	v25 =	vld [tilespmem:$0x1FE70];
	[tilespmem:v0+s19+$0x0] =	vst.idx.msk $0xffff, v12  }
0x1d5: {  	v58 =	vor.u32 v43, v5;
	[tilespmem:v1+s19+$0x0] =	vst.idx.msk $0xffff, v20;
	v20 =	vld [tilespmem:$0x1FE50]  }
0x1d6: {  	v59 =	vor.u32 v42, v6;
	[tilespmem:v2+s19+$0x0] =	vst.idx.msk $0xffff, v21;
	v21 =	vld [tilespmem:$0x1FE60]  }
0x1d7: {  	v60 =	vor.u32 v43, v7;
	[tilespmem:v3+s19+$0x0] =	vst.idx.msk $0xffff, v26;
	v26 =	vld [tilespmem:$0x1FE80]  }
0x1d8: {  	[tilespmem:v4+s19+$0x0] =	vst.idx.msk $0xffff, v27;
	v27 =	vld [tilespmem:$0x1FE90]  }
0x1d9: {  	v4 =	vor.u32 v43, v9;
	v9 =	vld [tilespmem:$0x1FE20]  }
0x1da: {  	v62 =	vor.u32 v42, v10;
	[tilespmem:v58+s19+$0x0] =	vst.idx.msk $0xffff, v28;
	v28 =	vld [tilespmem:$0x1FEA0]  }
0x1db: {  	p1 =	sne.s32 s24, $0xF0;
	v63 =	vor.u32 v43, v11;
	[tilespmem:v59+s19+$0x0] =	vst.idx.msk $0xffff, v29;
	v29 =	vld [tilespmem:$0x1FEB0]  }
.Ltmp7:
0x1dc: {  	[tilespmem:v60+s19+$0x0] =	vst.idx.msk $0xffff, v30;
	v30 =	vld [tilespmem:$0x1FEC0];
	(pc) =	sbr.rel @p1 .LBB2_7-.Ltmp7, $4  }
0x1dd: {  	[tilespmem:v61+s19+$0x0] =	vst.idx.msk $0xffff, v31;
	v31 =	vld [tilespmem:$0x1FED0]  }
0x1de: {  	[tilespmem:v4+s19+$0x0] =	vst.idx.msk $0xffff, v32;
	v32 =	vld [tilespmem:$0x1FEE0]  }
0x1df: {  	[tilespmem:v62+s19+$0x0] =	vst.idx.msk $0xffff, v33;
	v33 =	vld [tilespmem:$0x1FE10]  }
0x1e0: {  	s23 =	sadd.s32 $0x8, s23;
	s24 =	sadd.s32 $0x10, s24;
	v7 =	vlaneseq.u32;
	[tilespmem:v63+s19+$0x0] =	vst.idx.msk $0xffff, v19;
	v19 =	vld [tilespmem:$0x1FE40]  }
.Ltmp8:
0x1e1: {  	(pc) =	sbr.rel .LBB2_9-.Ltmp8, $4  }
0x1e2: {  	_ = 	snop  }
0x1e3: {  	s22 =	sshll.u32 s22, $0xB  }
0x1e4: {  	s22 =	sadd.s32 s6, s22  }
0x1e5: {  	v62 =	vmov v41;
	v63 =	vmov v39;
	[hbm4b:s22+s4] =	stream.linear.scatter [tilespmem:s19], [sflag:$0x4], $0x4000, $0x38;
	[tilespmem:$0x10000] =	vst v63  }
.LBB2_11:
0x1e6: {  	_ =	sfence.sel $0x180000  }
0x1e7: {  	[bflag:$0x0] =	sbarrier.arrive $0xFFFF  }
0x1e8: {  	p0 =	sne.s32 s3, $0x0;
	_ =	strace $0x90000047  }
0x1e9: {  	s0 =	sadd.s32 @!p0 $0x100000, s2;
	[bflag:$0x2] =	sbarrier.arrive $0xFFFF  }
0x1ea: {  	[sflag:s0] =	ssyncadd.tile.s32 @!p0 $0x1;
	_ =	shalt  }
.Lfunc_end2:
_tile_overlayer_lowered:
.L_overlay_start_2:
0x1eb: {  	(tag) =	ssettag $0x2  }
0x1ec: {  	s0 =	rddreg [dreg:$0x0];
	s2 =	stileid.u32  }
0x1ed: {  	s1 =	rddreg [dreg:$0x1];
	p0 =	sne.s32 s2, $0x0  }
0x1ee: {  	s3 =	rddreg [dreg:$0x2];
	[bflag:$0x3] =	sbarrier.arrive $0xFFFF;
	s2 =	simm.s32 @!p0 $0x1C05  }
0x1ef: {  	[timem:s3], [sflag:s2] =	dma.local @!p0 [hbm:s0], s1  }
0x1f0: {  	s0 =	simm.s32 @!p0 $0x5  }
0x1f1: {  	_ =	swait.ge @!p0 [sflag:s0], s1  }
0x1f2: {  	s1 =	ssub.s32 @!p0 $0x0, s1;
	[sflag:s0] =	ssyncset.done @!p0 $0x0  }
0x1f3: {  	[sflag:s0] =	ssyncadd.s32 @!p0 s1  }
0x1f4: {  	[bflag:$0x3] =	sbarrier.arrive $0xFFFF  }
0x1f5: {  	_ =	shalt  }

// kernel: kernel.8.cloned.1.call-start
scs
__scs_entry_jumppad:
0x0: {  	(pc) =	sbr.rel $0x88, $3  }
0x1: {  	(tag) =	ssettag $0x0;
	lr =	simm.s32 $0x1  }
0x2: {  	[smem:$0x3F9D] =	sst lr;
	_ =	strace $0xD0000000  }
0x3: {  	_ = 	snop  }
0x4: {  	_ = 	snop  }
0x5: {  	_ = 	snop  }
0x6: {  	_ = 	snop  }
0x7: {  	_ = 	snop  }
__scs_overlays_trampoline_lowered:
0x8: {  	[smem:$0x3FAC] =	sst s0  }
0x9: {  	[smem:$0x3FAD] =	sst s1  }
0xa: {  	[smem:$0x3FAE] =	sst s2  }
0xb: {  	[smem:$0x3FAF] =	sst s3  }
0xc: {  	[smem:$0x3FB0] =	sst s4  }
0xd: {  	[smem:$0x3FB1] =	sst s5  }
0xe: {  	[smem:$0x3FB2] =	sst s6  }
0xf: {  	[smem:$0x3FB3] =	sst s7  }
0x10: {  	[smem:$0x3FB4] =	sst s8  }
0x11: {  	[smem:$0x3FB5] =	sst s9;
	s0 =	simm.s32 @!p0 $0x0  }
0x12: {  	s1 =	sld [smem:$0x3F9B];
	s0 =	simm.s32 @p0 $0x1  }
0x13: {  	[smem:$0x3FB6] =	sst s0;
	s0 =	simm.s32 @!p1 $0x0  }
0x14: {  	s2 =	sld [smem:$0x3F9A];
	s0 =	simm.s32 @p1 $0x1  }
0x15: {  	[smem:$0x3FB7] =	sst s0;
	s0 =	simm.s32 @!p2 $0x0  }
0x16: {  	s3 =	sld [smem:$0x3FDB];
	s0 =	simm.s32 @p2 $0x1  }
0x17: {  	s4 =	simm.s32 $0x1BF5;
	[smem:$0x3FB9] =	sst s0  }
0x18: {  	s0 =	sld [smem:$0x3F9C];
	_ =	swait.ge [sflag:s4], $0x0  }
0x19: {  	s7 =	sld [smem:$0x3F9D]  }
0x1a: {  	s8 =	sadd.s32 $0xFFFFE003, lr  }
0x1b: {  	s9 =	sadd.s32 $0xFFFFFEF7, lr;
	s5 =	simm.s32 $0xFFFFFFFF;
	p2 =	slt.u32 s8, $0xFFFFF086  }
0x1c: {  	p1 =	slt.u32 s9, $0xF7A;
	s5 =	simm.s32 @!p2 $0x0  }
0x1d: {  	s5 =	simm.s32 @p1 $0x1;
	p0 =	seq.s32 s7, s2  }
0x1e: {  	s7 =	smul.u32 @!p0 $0xF7A, s2;
	p2 =	seq.s32 @!p0 s5, $0x0  }
0x1f: {  	s9 =	smul.u32 $0xF7A, s1;
	s8 =	simm.s32 @!p0 $0x1BF5;
	p2 =	por !p2, p0  }
0x20: {  	[sflag:s8] =	ssyncset.s32 @!p0 $0xFFFFF086;
	s6 =	sadd.s32 @!p0 s3, s7;
	s7 =	simm.s32 @!p0 $0x108  }
0x21: {  	s3 =	sadd.s32 s3, s9;
	s6 =	sadd.s32 @!p0 $0x88, s6;
	s7 =	simm.s32 @p2 $0x1082  }
0x22: {  	[simem:s7], [sflag:s8] =	dma.local @!p0 [hbm:s6], $0xF7A  }
0x23: {  	s9 =	sor.u32 $0xD0000000, s2;
	s6 =	simm.s32 $0x108;
	_ =	swait.ge @!p0 [sflag:s8], $0x0  }
0x24: {  	s3 =	sadd.s32 $0x88, s3;
	s6 =	simm.s32 @!p1 $0x1082;
	[sflag:s4] =	ssyncset.s32 $0xFFFFF086  }
0x25: {  	[simem:s6], [sflag:s4] =	dma.local [hbm:s3], $0xF7A  }
0x26: {  	[smem:$0x3F9D] =	sst s1;
	(tag) =	ssettag s2;
	_ =	strace s9  }
0x27: {  	s1 =	sld [smem:$0x3FAD]  }
0x28: {  	s2 =	sld [smem:$0x3FAE]  }
0x29: {  	s4 =	sld [smem:$0x3FB0]  }
0x2a: {  	p0 =	seq.s32 s5, $0x0;
	s5 =	sld [smem:$0x3FB1]  }
0x2b: {  	s6 =	sld [smem:$0x3FB2]  }
0x2c: {  	s7 =	sld [smem:$0x3FB3]  }
0x2d: {  	s3 =	simm.s32 $0x108;
	s8 =	sld [smem:$0x3FB4]  }
0x2e: {  	s3 =	simm.s32 @!p0 $0x1082;
	s9 =	sld [smem:$0x3FB5]  }
0x2f: {  	lr =	sadd.s32 s0, s3;
	s0 =	sld [smem:$0x3FAC]  }
0x30: {  	s3 =	sld [smem:$0x3FAF]  }
0x31: {  	[smem:$0x3FB8] =	sst s10  }
0x32: {  	s10 =	sld [smem:$0x3FB6];
	_ =	sdelay $0x3  }
0x33: {  	p0 =	seq.s32 s10, $0x1;
	s10 =	sld [smem:$0x3FB8];
	_ =	sdelay $0x3  }
0x34: {  	[smem:$0x3FB8] =	sst s10  }
0x35: {  	s10 =	sld [smem:$0x3FB7];
	_ =	sdelay $0x3  }
0x36: {  	p1 =	seq.s32 s10, $0x1;
	s10 =	sld [smem:$0x3FB8];
	_ =	sdelay $0x3  }
0x37: {  	[smem:$0x3FB8] =	sst s10  }
0x38: {  	s10 =	sld [smem:$0x3FB9]  }
0x39: {  	_ = 	snop;
	(pc) =	sbr.ind lr, $3  }
0x3a: {  	_ = 	snop  }
0x3b: {  	_ = 	snop  }
0x3c: {  	p2 =	seq.s32 s10, $0x1;
	s10 =	sld [smem:$0x3FB8]  }
0x3d: {  	_ =	shalt  }
0x3e: {  	_ =	shalt  }
0x3f: {  	_ =	shalt  }
0x40: {  	_ =	shalt  }
0x41: {  	_ =	shalt  }
0x42: {  	_ =	shalt  }
0x43: {  	_ =	shalt  }
0x44: {  	_ =	shalt  }
0x45: {  	_ =	shalt  }
0x46: {  	_ =	shalt  }
0x47: {  	_ =	shalt  }
0x48: {  	_ =	shalt  }
0x49: {  	_ =	shalt  }
0x4a: {  	_ =	shalt  }
0x4b: {  	_ =	shalt  }
0x4c: {  	_ =	shalt  }
0x4d: {  	_ =	shalt  }
0x4e: {  	_ =	shalt  }
0x4f: {  	_ =	shalt  }
0x50: {  	_ =	shalt  }
0x51: {  	_ =	shalt  }
0x52: {  	_ =	shalt  }
0x53: {  	_ =	shalt  }
0x54: {  	_ =	shalt  }
0x55: {  	_ =	shalt  }
0x56: {  	_ =	shalt  }
0x57: {  	_ =	shalt  }
0x58: {  	_ =	shalt  }
0x59: {  	_ =	shalt  }
0x5a: {  	_ =	shalt  }
0x5b: {  	_ =	shalt  }
0x5c: {  	_ =	shalt  }
0x5d: {  	_ =	shalt  }
0x5e: {  	_ =	shalt  }
0x5f: {  	_ =	shalt  }
0x60: {  	_ =	shalt  }
0x61: {  	_ =	shalt  }
0x62: {  	_ =	shalt  }
0x63: {  	_ =	shalt  }
0x64: {  	_ =	shalt  }
0x65: {  	_ =	shalt  }
0x66: {  	_ =	shalt  }
0x67: {  	_ =	shalt  }
0x68: {  	_ =	shalt  }
0x69: {  	_ =	shalt  }
0x6a: {  	_ =	shalt  }
0x6b: {  	_ =	shalt  }
0x6c: {  	_ =	shalt  }
0x6d: {  	_ =	shalt  }
0x6e: {  	_ =	shalt  }
0x6f: {  	_ =	shalt  }
0x70: {  	_ =	shalt  }
0x71: {  	_ =	shalt  }
0x72: {  	_ =	shalt  }
0x73: {  	_ =	shalt  }
0x74: {  	_ =	shalt  }
0x75: {  	_ =	shalt  }
0x76: {  	_ =	shalt  }
0x77: {  	_ =	shalt  }
0x78: {  	_ =	shalt  }
0x79: {  	_ =	shalt  }
0x7a: {  	_ =	shalt  }
0x7b: {  	_ =	shalt  }
0x7c: {  	_ =	shalt  }
0x7d: {  	_ =	shalt  }
0x7e: {  	_ =	shalt  }
0x7f: {  	_ =	shalt  }
0x80: {  	_ =	shalt  }
0x81: {  	_ =	shalt  }
0x82: {  	_ =	shalt  }
0x83: {  	_ =	shalt  }
0x84: {  	_ =	shalt  }
0x85: {  	_ =	shalt  }
0x86: {  	_ =	shalt  }
0x87: {  	_ =	shalt  }
.Lfunc_end0:
.L_simem_size_0:
called_computation.1_lowered:
.L_overlay_start_0:
0x88: {  	s2 =	sld [smem:$0x3FD9]  }
0x89: {  	s3 =	sld [smem:$0x3FFE];
	_ =	sdelay $0x1  }
0x8a: {  	s1 =	srdreg.scid  }
0x8b: {  	s0 =	sand.u32 $0x1, s1  }
0x8c: {  	s16 =	sshll.u32 s0, $0xA;
	s2 =	sadd.s32 s3, s2  }
0x8d: {  	s2 =	sadd.s32 s2, s16  }
0x8e: {  	[smem:$0x3FC4] =	sst s2  }
0x8f: {  	_ = 	snop  }
0x90: {  	(tm) =	ssettm $0x1  }
0x91: {  	s17 =	sld [smem:$0x3FFB];
	_ =	sdelay $0x3  }
0x92: {  	_ =	strace s17  }
0x93: {  	s2 =	sld [smem:$0x3FFC];
	_ =	sdelay $0x3  }
0x94: {  	_ =	strace s2  }
0x95: {  	s2 =	sld [smem:$0x3FFD];
	_ =	sdelay $0x3  }
0x96: {  	_ =	strace s2  }
0x97: {  	_ =	strace $0x8FFFFFFF  }
0x98: {  	s18 =	sld [smem:$0x3FDB];
	_ =	sdelay $0x1  }
0x99: {  	s19 =	simm.s32 $_scs_section_size  }
0x9a: {  	s4 =	simm.s32 $_size__tile_overlayer_lowered;
	s5 =	simm.s32 $_tile_overlayer_lowered  }
0x9b: {  	s22 =	simm.s32 $0x1BFF;
	s21 =	sshll.u32 s5, $0x1;
	s2 =	sadd.s32 s19, s18  }
0x9c: {  	s6 =	simm.s32 $0x0;
	s20 =	sshll.u32 s4, $0x1;
	s4 =	sadd.s32 s21, s2  }
0x9d: {  	[timem:s6], [sflag:s22] =	dma.local [hbm:s4], s20  }
0x9e: {  	_ =	swait.ge [sflag:s22], s20  }
0x9f: {  	s3 =	ssub.s32 $0x0, s20;
	[sflag:s22] =	ssyncset.done $0x0  }
0xa0: {  	[sflag:s22] =	ssyncadd.s32 s3;
	_ =	sdelay $0x1  }
0xa1: {  	s23 =	simm.s32 $0x1B8B  }
0xa2: {  	_ =	swait.ge [sflag:s23], $0x1  }
0xa3: {  	[sflag:s23] =	ssyncset.done $0x0  }
0xa4: {  	s25 =	simm.s32 $0x1B8E;
	s24 =	sld [smem:$0x3FFE];
	[sflag:s23] =	ssyncadd.s32 $0xFFFFFFFF  }
0xa5: {  	s26 =	simm.s32 $execute0_lowered;
	[smem:$0x3FD2] =	sst s25  }
0xa6: {  	s4 =	sshll.u32 s26, $0x1;
	_ =	strace $0x80000049;
	[dreg:$0x1] =	wrdreg $0xFFFFFFFF  }
0xa7: {  	s28 =	simm.s32 $_size_execute0_lowered;
	s2 =	sadd.s32 s2, s4;
	[dreg:$0x0] =	wrdreg $0x0  }
0xa8: {  	s4 =	sshll.u32 s28, $0x1;
	[dreg:$0x2] =	wrdreg s2  }
0xa9: {  	[dreg:$0x3] =	wrdreg s4  }
0xaa: {  	[dreg:$0x4] =	wrdreg $0xC0  }
0xab: {  	_ =	task [dreg:s6], $0x5FFFF  }
0xac: {  	[dreg:$0x1] =	wrdreg $0xFFFFFFFF  }
0xad: {  	[dreg:$0x0] =	wrdreg $0x60  }
0xae: {  	[dreg:$0x2] =	wrdreg s24  }
0xaf: {  	[dreg:$0x3] =	wrdreg $0x9  }
0xb0: {  	_ =	task.clear_ibuf [dreg:s6], $0x4FFFF;
	_ =	strace $0x90000049  }
0xb1: {  	s29 =	simm.s32 $0x9;
	_ =	strace $0x8000004B  }
0xb2: {  	_ =	swait.ge [sflag:s29], $0x1  }
0xb3: {  	[sflag:s29] =	ssyncadd.s32 $0xFFFFFFFF  }
0xb4: {  	_ =	strace $0x9000004B  }
0xb5: {  	_ =	sfence  }
0xb6: {  	s30 =	sld [smem:$0x0];
	_ =	sdelay $0x2  }
0xb7: {  	s31 =	sshll.u32 s1, $0xD;
	s1 =	sshrl.u32 s1, $0x2  }
0xb8: {  	s3 =	sand.u32 $0x4000, s31;
	s1 =	sadd.s32 s1, s30  }
0xb9: {  	s0 =	sor.u32 s3, s0;
	s1 =	sshll.u32 s1, $0x11  }
0xba: {  	s0 =	sor.u32 s1, s0  }
0xbb: {  	s0 =	sadd.s32 $0x8F2B, s0  }
0xbc: {  	[sflag:s0] =	ssyncadd.remote.s32 $0x1  }
0xbd: {  	_ =	sfence.sel $0xFFFF  }
0xbe: {  	[dreg:$0x0] =	wrdreg $0xFFFFFFFF;
	(pc) =	sbr.abs _section_cstart, $3  }
0xbf: {  	[dreg:$0x1] =	wrdreg $0xFFFFFFFF  }
0xc0: {  	_ =	task.clear_ibuf [dreg:s6], $0x2FFFF;
	_ =	strace $0x9FFFFFFF  }
0xc1: {  	(tm) =	ssettm $0x7FFFFFFF  }
tec
execute0_lowered:
.L_overlay_start_1:
0x0: {  	(tag) =	ssettag $0x1  }
0x1: {  	s0 =	srdreg.scid;
	s1 =	stileid.u32  }
0x2: {  	s4 =	rddreg [dreg:$0x0];
	s2 =	simm.s32 $0x0;
	s8 =	simm.s32 $0x4  }
0x3: {  	s9 =	simm.s32 $0x80;
	s11 =	simm.s32 $0xC800;
	s12 =	simm.s32 $0x48  }
0x4: {  	s14 =	simm.s32 $0x10800;
	s15 =	simm.s32 $0x64C8;
	s16 =	simm.s32 $0x12C00  }
0x5: {  	s17 =	simm.s32 $0x6548;
	s18 =	simm.s32 $0x16C00;
	s19 =	simm.s32 $0x1  }
0x6: {  	s20 =	simm.s32 $0x1F400;
	s21 =	simm.s32 $0x2;
	s22 =	simm.s32 $0x3  }
0x7: {  	s23 =	simm.s32 $0x19000;
	s0 =	sand.u32 $0x1, s0;
	s1 =	sshll.u32 s1, $0x1  }
.Ltmp0:
0x8: {  	s1 =	sor.u32 s0, s1;
	s0 =	ssub.s32 $0x2, s0;
	(pc) =	sbr.rel .LBB2_1-.Ltmp0, $4  }
0x9: {  	v0 =	vlaneseq.u32;
	[smem:$0x7FF] =	sst s2;
	s3 =	smul.u32 $0xC80, s1;
	s5 =	sshrl.u32 s0, $0x1  }
0xa: {  	s24 =	simm.s32 $0x0;
	v1 =	vor.u32 $0x10, v0;
	v2 =	vor.u32 $0x20, v0;
	_ =	strace $0x8000004A;
	s0 =	ssub.s32 s0, s5  }
0xb: {  	v3 =	vor.u32 $0x30, v0;
	v4 =	vor.u32 $0x40, v0;
	v5 =	vor.u32 $0x50, v0;
	s5 =	sshll.u32 s1, $0x7;
	s6 =	sadd.s32 s3, s4;
	s3 =	sadd.s32 $0x1000, s4  }
0xc: {  	v6 =	vor.u32 $0x60, v0;
	v7 =	vor.u32 $0x70, v0;
	s4 =	sadd.s32 $0x7BB200, s4;
	s7 =	smax.u32 s0, $0x1;
	s6 =	sadd.s32 $0x7A2200, s6  }
.LBB2_12:
0xd: {  	s24 =	sadd.s32 $0x1, s24  }
0xe: {  	p0 =	sne.s32 s24, s7  }
.Ltmp1:
0xf: {  	_ = 	snop;
	(pc) =	sbr.rel @!p0 .LBB2_13-.Ltmp1, $1  }
0x10: {  	_ =	sdelay $0x3  }
.LBB2_1:
0x11: {  	[tilespmem:s2], [sflag:$0x4] =	stream.linear.gather [hbm4b:s6+s2], $0x6400, $0x38;
	[tilespmem:$0x1F800] =	vst v63  }
0x12: {  	_ =	swait.ge [sflag:s8], $0x6400  }
0x13: {  	[sflag:s8] =	ssyncset.done $0x0  }
0x14: {  	s0 =	simm.s32 $0x0;
	s1 =	simm.s32 $0x40;
	[sflag:s8] =	ssyncadd.s32 $0xFFFF9C00  }
.LBB2_2:
0x15: {  	p0 =	sne.s32 s1, $0x18FC0;
	v8 =	vld [tilespmem:s0+$0x0];
	_ =	sdelay $0x2  }
.Ltmp2:
0x16: {  	(pc) =	sbr.rel @p0 .LBB2_2-.Ltmp2, $4  }
0x17: {  	_ = 	snop  }
0x18: {  	v9 =	vshra.s32 v8, $0x1;
	v8 =	vshll.u32 v8, $0x6  }
0x19: {  	[tilespmem:s0+$0x6400] =	vst v9;
	v8 =	vand.u32 $0x40, v8  }
0x1a: {  	[tilespmem:s0+$0x0] =	vst v8;
	s0 =	sshra.s32 s1, $0x2;
	s1 =	sadd.s32 $0x40, s1  }
0x1b: {  	v8 =	vld [tilespmem:s0+$0x0];
	_ =	sdelay $0x4  }
0x1c: {  	v9 =	vshra.s32 v8, $0x1;
	v8 =	vshll.u32 v8, $0x6  }
0x1d: {  	[tilespmem:s0+$0x6400] =	vst v9;
	v8 =	vand.u32 $0x40, v8  }
0x1e: {  	s30 =	simm.s32 $0x6400;
	[tilespmem:s0+$0x0] =	vst v8  }
0x1f: {  	[tilespmem:s11], [sflag:$0x1] =	stream.indirect.gather [hbm4b:s3+s9], $0x80, s30, s9, $0xb8;
	[tilespmem:$0x1F800] =	vst v63  }
0x20: {  	s31 =	simm.s32 $0x6480  }
0x21: {  	[tilespmem:s14], [sflag:$0x1] =	stream.indirect.gather [hbm4b:s3+s12], $0x80, s31, s12, $0xb8;
	[tilespmem:$0x1F800] =	vst v63  }
0x22: {  	s25 =	simm.s32 $0x0  }
0x23: {  	[tilespmem:s16], [sflag:$0x2] =	stream.indirect.gather [hbm4b:s3+s9], $0x80, s15, s9, $0xb8;
	[tilespmem:$0x1F800] =	vst v63  }
0x24: {  	s26 =	simm.s32 $0xC8;
	s28 =	simm.s32 $0x190;
	s29 =	simm.s32 $0x0  }
0x25: {  	[tilespmem:s18], [sflag:$0x2] =	stream.indirect.gather [hbm4b:s3+s12], $0x80, s17, s12, $0xb8;
	[tilespmem:$0x1F800] =	vst v63  }
.LBB2_4:
0x26: {  	p0 =	seq.s32 s29, $0x2A  }
0x27: {  	s0 =	smul.u32 @!p0 $0x960, s29;
	_ =	sdelay $0x1  }
0x28: {  	s31 =	sshra.s32 @!p0 s0, $0x2  }
0x29: {  	s1 =	simm.s32 @!p0 $0x80;
	s10 =	simm.s32 @!p0 $0x19000;
	s0 =	sadd.s32 @!p0 $0x6590, s31  }
0x2a: {  	[tilespmem:s10], [sflag:$0x3] =	stream.indirect.gather @!p0 [hbm4b:s3+s1], $0x80, s0, s1, $0xb8;
	[tilespmem:$0x1F800] =	vst v63  }
0x2b: {  	s0 =	sadd.s32 @!p0 $0x6610, s31;
	s1 =	simm.s32 @!p0 $0x48;
	s10 =	simm.s32 @!p0 $0x1D000  }
0x2c: {  	[tilespmem:s10], [sflag:$0x3] =	stream.indirect.gather @!p0 [hbm4b:s3+s1], $0x80, s0, s1, $0xb8;
	[tilespmem:$0x1F800] =	vst v63  }
0x2d: {  	s10 =	sadd.s32 $0x0, s25;
	_ =	swait.ge [sflag:s19], $0x4000  }
0x2e: {  	v8 =	vmov s10;
	[sflag:s19] =	ssyncset.done $0x0  }
0x2f: {  	[sflag:s19] =	ssyncadd.s32 $0xFFFFC000  }
0x30: {  	_ =	swait.ge [sflag:s19], $0x2400  }
0x31: {  	[sflag:s19] =	ssyncset.done $0x0  }
0x32: {  	[sflag:s19] =	ssyncadd.s32 $0xFFFFDC00  }
0x33: {  	v8 =	vld.idx.msk [tilespmem:v8+s2+$0x0], $0xffff;
	_ =	sdelay $0x1  }
0x34: {  	s13 =	sadd.s32 $0x1, s25  }
0x35: {  	v9 =	vmov s13;
	_ =	sdelay $0x1  }
0x36: {  	v10 =	vadd.s32 v3, v8;
	v11 =	vadd.s32 v0, v8;
	v12 =	vadd.s32 v1, v8  }
0x37: {  	s1 =	simm.s32 $0x0;
	v8 =	vadd.s32 v2, v8;
	v13 =	vand.u32 $0xFFFFFF80, v10;
	v14 =	vand.u32 $0xFFFFFF80, v11  }
0x38: {  	v10 =	vand.u32 $0x7F, v10;
	v15 =	vand.u32 $0xFFFFFF80, v12;
	v13 =	vadd.s32 s1, v13  }
0x39: {  	v12 =	vand.u32 $0x7F, v12;
	v15 =	vadd.s32 s1, v15;
	v10 =	vor.u32 v10, v13;
	v13 =	vld.idx.msk [tilespmem:v9+s2+$0x0], $0xffff  }
0x3a: {  	v11 =	vand.u32 $0x7F, v11;
	v9 =	vadd.s32 s1, v14;
	v12 =	vor.u32 v12, v15  }
0x3b: {  	v14 =	vand.u32 $0xFFFFFF80, v8;
	v16 =	vor.u32 v11, v9  }
0x3c: {  	s10 =	sadd.s32 $0x2, s25;
	v8 =	vand.u32 $0x7F, v8;
	v14 =	vadd.s32 s1, v14  }
0x3d: {  	v15 =	vmov s10;
	v11 =	vimm.f32 $0.0e+00;
	v14 =	vor.u32 v8, v14  }
0x3e: {  	v9 =	vimm.f32 $-Inf;
	v10 =	vld.idx.msk [tilespmem:v10+s11+$0x0], $0xffff;
	v17 =	vadd.s32 v0, v13;
	v8 =	vadd.s32 v3, v13  }
0x3f: {  	s13 =	simm.s32 $0x80;
	v18 =	vadd.s32 v1, v13;
	v13 =	vadd.s32 v2, v13;
	v23 =	vld.idx.msk [tilespmem:v12+s11+$0x0], $0xffff;
	v20 =	vand.u32 $0xFFFFFF80, v8  }
0x40: {  	v19 =	vand.u32 $0xFFFFFF80, v17;
	v22 =	vld.idx.msk [tilespmem:v16+s11+$0x0], $0xffff;
	v8 =	vand.u32 $0x7F, v8;
	v16 =	vadd.s32 s13, v20  }
0x41: {  	v12 =	vand.u32 $0xFFFFFF80, v13;
	v20 =	vand.u32 $0xFFFFFF80, v18;
	v24 =	vor.u32 v8, v16  }
0x42: {  	v16 =	vadd.s32 s13, v19;
	v19 =	vadd.s32 s13, v20;
	v20 =	vand.u32 $0x7F, v17;
	v17 =	vld.idx.msk [tilespmem:v14+s11+$0x0], $0xffff  }
0x43: {  	v21 =	vld.idx.msk [tilespmem:v15+s2+$0x0], $0xffff;
	v13 =	vand.u32 $0x7F, v13;
	v12 =	vadd.s32 s13, v12;
	v18 =	vand.u32 $0x7F, v18  }
0x44: {  	v20 =	vor.u32 v20, v16;
	v19 =	vor.u32 v18, v19;
	v18 =	vor.u32 v13, v12  }
0x45: {  	s30 =	smul.u32 $0x3, s29;
	s0 =	simm.s32 $0x2;
	v8 =	vmax.f32 v9, v10;
	v13 =	vadd.f32 v10, v11;
	v14 =	vadd.f32 v23, v11  }
0x46: {  	s10 =	simm.s32 $0x4;
	s1 =	simm.s32 $0x3;
	s13 =	sadd.s32 $0x3, s25;
	v15 =	vmax.f32 v9, v23;
	v16 =	vadd.f32 v22, v11;
	v12 =	vmax.f32 v9, v22;
	v10 =	vld.idx.msk [tilespmem:v24+s11+$0x0], $0xffff  }
.LBB2_5:
0x47: {  	p1 =	sne.s32 s10, $0xC7;
	v22 =	vmov s13;
	v11 =	vadd.f32 v17, v11;
	v9 =	vmax.f32 v9, v17  }
0x48: {  	v23 =	vadd.s32 v0, v21;
	v24 =	vadd.s32 v1, v21;
	v17 =	vadd.s32 v3, v21  }
0x49: {  	s13 =	sshll.u32 s0, $0x7;
	v26 =	vadd.s32 v2, v21;
	s0 =	smov.u32 s1;
	s1 =	smov.u32 s10;
	v25 =	vand.u32 $0xFFFFFF80, v23;
	v21 =	vand.u32 $0xFFFFFF80, v17;
	v27 =	vld.idx.msk [tilespmem:v20+s11+$0x0], $0xffff  }
0x4a: {  	v17 =	vand.u32 $0x7F, v17;
	v20 =	vand.u32 $0xFFFFFF80, v24;
	v21 =	vadd.s32 s13, v21;
	v28 =	vld.idx.msk [tilespmem:v19+s11+$0x0], $0xffff  }
0x4b: {  	v19 =	vadd.s32 s13, v25;
	v25 =	vand.u32 $0xFFFFFF80, v26;
	v29 =	vor.u32 v17, v21;
	v17 =	vld.idx.msk [tilespmem:v18+s11+$0x0], $0xffff  }
.Ltmp3:
0x4c: {  	v18 =	vadd.s32 s13, v20;
	v8 =	vmax.f32 v8, v10;
	v21 =	vld.idx.msk [tilespmem:v22+s2+$0x0], $0xffff;
	v22 =	vadd.s32 s13, v25;
	(pc) =	sbr.rel @p1 .LBB2_5-.Ltmp3, $4  }
0x4d: {  	v20 =	vand.u32 $0x7F, v23;
	v23 =	vand.u32 $0x7F, v24;
	v24 =	vand.u32 $0x7F, v26  }
0x4e: {  	v20 =	vor.u32 v20, v19;
	v19 =	vor.u32 v23, v18;
	v18 =	vor.u32 v24, v22  }
0x4f: {  	v13 =	vadd.f32 v10, v13;
	v16 =	vadd.f32 v27, v16;
	v12 =	vmax.f32 v12, v27  }
0x50: {  	s10 =	sadd.s32 $0x1, s10;
	s13 =	sadd.s32 s1, s25;
	v14 =	vadd.f32 v28, v14;
	v15 =	vmax.f32 v15, v28;
	v10 =	vld.idx.msk [tilespmem:v29+s11+$0x0], $0xffff  }
0x51: {  	v22 =	vmov s13;
	_ =	sdelay $0x4  }
0x52: {  	v23 =	vadd.s32 v0, v21;
	v24 =	vadd.s32 v1, v21;
	v25 =	vadd.s32 v3, v21;
	v22 =	vld.idx.msk [tilespmem:v22+s2+$0x0], $0xffff  }
0x53: {  	v21 =	vadd.s32 v2, v21;
	v26 =	vand.u32 $0xFFFFFF80, v23;
	v27 =	vand.u32 $0xFFFFFF80, v25  }
0x54: {  	v28 =	vand.u32 $0xFFFFFF80, v24;
	v25 =	vand.u32 $0x7F, v25;
	v29 =	vand.u32 $0xFFFFFF80, v21  }
0x55: {  	s0 =	sshll.u32 s0, $0x7;
	v23 =	vand.u32 $0x7F, v23;
	v24 =	vand.u32 $0x7F, v24;
	v21 =	vand.u32 $0x7F, v21  }
0x56: {  	v27 =	vadd.s32 s0, v27;
	v26 =	vadd.s32 s0, v26;
	v52 =	vadd.s32 s0, v28  }
0x57: {  	v53 =	vadd.s32 s0, v29;
	v25 =	vor.u32 v25, v27;
	v54 =	vadd.s32 v0, v22  }
0x58: {  	s1 =	sshll.u32 s1, $0x7;
	v23 =	vor.u32 v23, v26;
	v24 =	vor.u32 v24, v52;
	v55 =	vand.u32 $0xFFFFFF80, v54  }
0x59: {  	v56 =	vadd.s32 v1, v22;
	v29 =	vand.u32 $0x7F, v54;
	v26 =	vadd.s32 s1, v55  }
0x5a: {  	v20 =	vld.idx.msk [tilespmem:v20+s11+$0x0], $0xffff;
	v21 =	vor.u32 v21, v53;
	v57 =	vand.u32 $0xFFFFFF80, v56;
	v26 =	vor.u32 v29, v26  }
0x5b: {  	v19 =	vld.idx.msk [tilespmem:v19+s11+$0x0], $0xffff;
	v58 =	vadd.s32 v2, v22;
	v27 =	vand.u32 $0x7F, v56;
	v28 =	vadd.s32 s1, v57  }
0x5c: {  	v18 =	vld.idx.msk [tilespmem:v18+s11+$0x0], $0xffff;
	v30 =	vand.u32 $0xFFFFFF80, v58;
	v27 =	vor.u32 v27, v28  }
0x5d: {  	v23 =	vld.idx.msk [tilespmem:v23+s11+$0x0], $0xffff;
	v22 =	vadd.s32 v3, v22;
	v30 =	vadd.s32 s1, v30;
	v29 =	vand.u32 $0x7F, v58  }
0x5e: {  	v24 =	vld.idx.msk [tilespmem:v24+s11+$0x0], $0xffff;
	v59 =	vand.u32 $0xFFFFFF80, v22;
	v29 =	vor.u32 v29, v30  }
0x5f: {  	v11 =	vadd.f32 v17, v11;
	s10 =	sand.u32 $0x7, s30;
	v22 =	vand.u32 $0x7F, v22;
	v28 =	vadd.s32 s1, v59;
	v26 =	vld.idx.msk [tilespmem:v26+s11+$0x0], $0xffff  }
0x60: {  	v9 =	vmax.f32 v9, v17;
	s13 =	sshll.u32 s10, $0x7;
	v16 =	vadd.f32 v20, v16;
	v21 =	vld.idx.msk [tilespmem:v21+s11+$0x0], $0xffff;
	v22 =	vor.u32 v22, v28  }
0x61: {  	v60 =	vor.u32 s13, v4;
	v61 =	vor.u32 s13, v5;
	v12 =	vmax.f32 v12, v20;
	v17 =	vld.idx.msk [tilespmem:v27+s11+$0x0], $0xffff  }
0x62: {  	v14 =	vadd.f32 v19, v14;
	v15 =	vmax.f32 v15, v19;
	v20 =	vld.idx.msk [tilespmem:v25+s11+$0x0], $0xffff;
	v16 =	vadd.f32 v23, v16  }
0x63: {  	v11 =	vadd.f32 v18, v11;
	v9 =	vmax.f32 v9, v18;
	v19 =	vor.u32 s13, v0;
	v18 =	vld.idx.msk [tilespmem:v29+s11+$0x0], $0xffff  }
0x64: {  	v62 =	vor.u32 s13, v2;
	v14 =	vadd.f32 v24, v14;
	v16 =	vadd.f32 v26, v16  }
0x65: {  	v13 =	vadd.f32 v10, v13;
	v12 =	vmax.f32 v12, v23;
	v23 =	vor.u32 s13, v1;
	v22 =	vld.idx.msk [tilespmem:v22+s11+$0x0], $0xffff  }
0x66: {  	v11 =	vadd.f32 v21, v11;
	v14 =	vadd.f32 v17, v14;
	v16 =	vmul.f32 $4.999999890e-03, v16  }
0x67: {  	v13 =	vadd.f32 v20, v13;
	v15 =	vmax.f32 v15, v24;
	v12 =	vmax.f32 v12, v26  }
0x68: {  	v11 =	vadd.f32 v18, v11;
	v14 =	vmul.f32 $4.999999890e-03, v14;
	[tilespmem:v19+s20+$0x0] =	vst.idx.msk $0xffff, v16;
	v16 =	vor.u32 s13, v6  }
0x69: {  	v15 =	vmax.f32 v15, v17;
	[tilespmem:v60+s20+$0x0] =	vst.idx.msk $0xffff, v12;
	v12 =	vor.u32 s13, v3  }
0x6a: {  	p1 =	sne.s32 s10, $0x7;
	v13 =	vadd.f32 v22, v13;
	v11 =	vmul.f32 $4.999999890e-03, v11;
	[tilespmem:v23+s20+$0x0] =	vst.idx.msk $0xffff, v14;
	v14 =	vor.u32 s13, v7  }
0x6b: {  	s0 =	sadd.s32 @!p1 s5, s30;
	v9 =	vmax.f32 v9, v21;
	[tilespmem:v61+s20+$0x0] =	vst.idx.msk $0xffff, v15  }
0x6c: {  	s0 =	sshll.u32 @!p1 s0, $0x7;
	v8 =	vmax.f32 v8, v10;
	v9 =	vmax.f32 v9, v18;
	v10 =	vmul.f32 $4.999999890e-03, v13;
	[tilespmem:v62+s20+$0x0] =	vst.idx.msk $0xffff, v11  }
0x6d: {  	s0 =	sadd.s32 @!p1 $0xFFFFFC80, s0;
	v8 =	vmax.f32 v8, v20;
	[tilespmem:v16+s20+$0x0] =	vst.idx.msk $0xffff, v9  }
0x6e: {  	s0 =	sshrl.u32 @!p1 s0, $0x3;
	v8 =	vmax.f32 v8, v22;
	[tilespmem:v12+s20+$0x0] =	vst.idx.msk $0xffff, v10  }
0x6f: {  	s10 =	simm.s32 @!p1 $0x1F400;
	s0 =	sadd.s32 @!p1 s4, s0;
	s1 =	simm.s32 @!p1 $0x0;
	[tilespmem:v14+s20+$0x0] =	vst.idx.msk $0xffff, v8  }
0x70: {  	[hbm4b:s0+s1] =	stream.linear.scatter @!p1 [tilespmem:s10], [sflag:$0x5], $0x400, $0x38;
	[tilespmem:$0x1F800] =	vst v63  }
0x71: {  	s0 =	simm.s32 @!p1 $0x5  }
0x72: {  	_ =	swait.ge @!p1 [sflag:s0], $0x400  }
0x73: {  	s1 =	simm.s32 @!p0 $0x80;
	[sflag:s0] =	ssyncset.done @!p1 $0x0  }
0x74: {  	s10 =	simm.s32 @!p0 $0xC800;
	[sflag:s0] =	ssyncadd.s32 @!p1 $0xFFFFFC00;
	s0 =	sadd.s32 @!p0 $0x6658, s31  }
0x75: {  	[tilespmem:s10], [sflag:$0x1] =	stream.indirect.gather @!p0 [hbm4b:s3+s1], $0x80, s0, s1, $0xb8;
	[tilespmem:$0x1F800] =	vst v63  }
0x76: {  	s0 =	sadd.s32 @!p0 $0x66D8, s31;
	s1 =	simm.s32 @!p0 $0x48;
	s10 =	simm.s32 @!p0 $0x10800  }
0x77: {  	[tilespmem:s10], [sflag:$0x1] =	stream.indirect.gather @!p0 [hbm4b:s3+s1], $0x80, s0, s1, $0xb8;
	[tilespmem:$0x1F800] =	vst v63  }
0x78: {  	s10 =	sadd.s32 $0x0, s26;
	_ =	swait.ge [sflag:s21], $0x4000  }
0x79: {  	v8 =	vmov s10;
	[sflag:s21] =	ssyncset.done $0x0  }
0x7a: {  	[sflag:s21] =	ssyncadd.s32 $0xFFFFC000  }
0x7b: {  	_ =	swait.ge [sflag:s21], $0x2400  }
0x7c: {  	[sflag:s21] =	ssyncset.done $0x0  }
0x7d: {  	[sflag:s21] =	ssyncadd.s32 $0xFFFFDC00  }
0x7e: {  	v8 =	vld.idx.msk [tilespmem:v8+s2+$0x0], $0xffff;
	_ =	sdelay $0x1  }
0x7f: {  	s13 =	sadd.s32 $0x1, s26  }
0x80: {  	v9 =	vmov s13;
	_ =	sdelay $0x1  }
0x81: {  	v10 =	vadd.s32 v3, v8;
	v11 =	vadd.s32 v0, v8;
	v12 =	vadd.s32 v1, v8  }
0x82: {  	s1 =	simm.s32 $0x0;
	v8 =	vadd.s32 v2, v8;
	v13 =	vand.u32 $0xFFFFFF80, v10;
	v14 =	vand.u32 $0xFFFFFF80, v11  }
0x83: {  	v10 =	vand.u32 $0x7F, v10;
	v15 =	vand.u32 $0xFFFFFF80, v12;
	v13 =	vadd.s32 s1, v13  }
0x84: {  	v12 =	vand.u32 $0x7F, v12;
	v15 =	vadd.s32 s1, v15;
	v10 =	vor.u32 v10, v13;
	v13 =	vld.idx.msk [tilespmem:v9+s2+$0x0], $0xffff  }
0x85: {  	v11 =	vand.u32 $0x7F, v11;
	v9 =	vadd.s32 s1, v14;
	v12 =	vor.u32 v12, v15  }
0x86: {  	v14 =	vand.u32 $0xFFFFFF80, v8;
	v16 =	vor.u32 v11, v9  }
0x87: {  	s10 =	sadd.s32 $0x2, s26;
	v8 =	vand.u32 $0x7F, v8;
	v14 =	vadd.s32 s1, v14  }
0x88: {  	v15 =	vmov s10;
	v11 =	vimm.f32 $0.0e+00;
	v14 =	vor.u32 v8, v14  }
0x89: {  	v9 =	vimm.f32 $-Inf;
	v10 =	vld.idx.msk [tilespmem:v10+s16+$0x0], $0xffff;
	v17 =	vadd.s32 v0, v13;
	v8 =	vadd.s32 v3, v13  }
0x8a: {  	s13 =	simm.s32 $0x80;
	v18 =	vadd.s32 v1, v13;
	v13 =	vadd.s32 v2, v13;
	v23 =	vld.idx.msk [tilespmem:v12+s16+$0x0], $0xffff;
	v20 =	vand.u32 $0xFFFFFF80, v8  }
0x8b: {  	v19 =	vand.u32 $0xFFFFFF80, v17;
	v22 =	vld.idx.msk [tilespmem:v16+s16+$0x0], $0xffff;
	v8 =	vand.u32 $0x7F, v8;
	v16 =	vadd.s32 s13, v20  }
0x8c: {  	v12 =	vand.u32 $0xFFFFFF80, v13;
	v20 =	vand.u32 $0xFFFFFF80, v18;
	v63 =	vor.u32 v8, v16  }
0x8d: {  	v16 =	vadd.s32 s13, v19;
	v19 =	vadd.s32 s13, v20;
	v20 =	vand.u32 $0x7F, v17;
	v17 =	vld.idx.msk [tilespmem:v14+s16+$0x0], $0xffff  }
0x8e: {  	v21 =	vld.idx.msk [tilespmem:v15+s2+$0x0], $0xffff;
	v13 =	vand.u32 $0x7F, v13;
	v12 =	vadd.s32 s13, v12;
	v18 =	vand.u32 $0x7F, v18  }
0x8f: {  	v20 =	vor.u32 v20, v16;
	v19 =	vor.u32 v18, v19;
	v18 =	vor.u32 v13, v12  }
0x90: {  	s31 =	sadd.s32 $0x1, s30;
	s0 =	simm.s32 $0x2;
	v8 =	vmax.f32 v9, v10;
	v13 =	vadd.f32 v10, v11;
	v14 =	vadd.f32 v23, v11  }
0x91: {  	s10 =	simm.s32 $0x4;
	s1 =	simm.s32 $0x3;
	s13 =	sadd.s32 $0x3, s26;
	v15 =	vmax.f32 v9, v23;
	v16 =	vadd.f32 v22, v11;
	v12 =	vmax.f32 v9, v22;
	v10 =	vld.idx.msk [tilespmem:v63+s16+$0x0], $0xffff  }
.LBB2_7:
0x92: {  	p1 =	sne.s32 s10, $0xC7;
	v22 =	vmov s13;
	v11 =	vadd.f32 v17, v11;
	v9 =	vmax.f32 v9, v17  }
0x93: {  	v23 =	vadd.s32 v0, v21;
	v24 =	vadd.s32 v1, v21;
	v17 =	vadd.s32 v3, v21  }
0x94: {  	s13 =	sshll.u32 s0, $0x7;
	v26 =	vadd.s32 v2, v21;
	s0 =	smov.u32 s1;
	s1 =	smov.u32 s10;
	v25 =	vand.u32 $0xFFFFFF80, v23;
	v21 =	vand.u32 $0xFFFFFF80, v17;
	v27 =	vld.idx.msk [tilespmem:v20+s16+$0x0], $0xffff  }
0x95: {  	v17 =	vand.u32 $0x7F, v17;
	v20 =	vand.u32 $0xFFFFFF80, v24;
	v21 =	vadd.s32 s13, v21;
	v28 =	vld.idx.msk [tilespmem:v19+s16+$0x0], $0xffff  }
0x96: {  	v19 =	vadd.s32 s13, v25;
	v25 =	vand.u32 $0xFFFFFF80, v26;
	v29 =	vor.u32 v17, v21;
	v17 =	vld.idx.msk [tilespmem:v18+s16+$0x0], $0xffff  }
.Ltmp4:
0x97: {  	v18 =	vadd.s32 s13, v20;
	v8 =	vmax.f32 v8, v10;
	v21 =	vld.idx.msk [tilespmem:v22+s2+$0x0], $0xffff;
	v22 =	vadd.s32 s13, v25;
	(pc) =	sbr.rel @p1 .LBB2_7-.Ltmp4, $4  }
0x98: {  	v20 =	vand.u32 $0x7F, v23;
	v23 =	vand.u32 $0x7F, v24;
	v24 =	vand.u32 $0x7F, v26  }
0x99: {  	v20 =	vor.u32 v20, v19;
	v19 =	vor.u32 v23, v18;
	v18 =	vor.u32 v24, v22  }
0x9a: {  	v13 =	vadd.f32 v10, v13;
	v16 =	vadd.f32 v27, v16;
	v12 =	vmax.f32 v12, v27  }
0x9b: {  	s10 =	sadd.s32 $0x1, s10;
	s13 =	sadd.s32 s1, s26;
	v14 =	vadd.f32 v28, v14;
	v15 =	vmax.f32 v15, v28;
	v10 =	vld.idx.msk [tilespmem:v29+s16+$0x0], $0xffff  }
0x9c: {  	v22 =	vmov s13;
	_ =	sdelay $0x4  }
0x9d: {  	v23 =	vadd.s32 v0, v21;
	v24 =	vadd.s32 v1, v21;
	v25 =	vadd.s32 v3, v21;
	v22 =	vld.idx.msk [tilespmem:v22+s2+$0x0], $0xffff  }
0x9e: {  	v43 =	vadd.s32 v2, v21;
	v26 =	vand.u32 $0xFFFFFF80, v23;
	v27 =	vand.u32 $0xFFFFFF80, v25  }
0x9f: {  	v28 =	vand.u32 $0xFFFFFF80, v24;
	v25 =	vand.u32 $0x7F, v25;
	v29 =	vand.u32 $0xFFFFFF80, v43  }
0xa0: {  	s0 =	sshll.u32 s0, $0x7;
	v23 =	vand.u32 $0x7F, v23;
	v24 =	vand.u32 $0x7F, v24;
	v21 =	vand.u32 $0x7F, v43  }
0xa1: {  	v27 =	vadd.s32 s0, v27;
	v26 =	vadd.s32 s0, v26;
	v44 =	vadd.s32 s0, v28  }
0xa2: {  	v45 =	vadd.s32 s0, v29;
	v25 =	vor.u32 v25, v27;
	v46 =	vadd.s32 v0, v22  }
0xa3: {  	s1 =	sshll.u32 s1, $0x7;
	v23 =	vor.u32 v23, v26;
	v24 =	vor.u32 v24, v44;
	v47 =	vand.u32 $0xFFFFFF80, v46  }
0xa4: {  	v48 =	vadd.s32 v1, v22;
	v29 =	vand.u32 $0x7F, v46;
	v26 =	vadd.s32 s1, v47  }
0xa5: {  	v20 =	vld.idx.msk [tilespmem:v20+s16+$0x0], $0xffff;
	v21 =	vor.u32 v21, v45;
	v49 =	vand.u32 $0xFFFFFF80, v48;
	v26 =	vor.u32 v29, v26  }
0xa6: {  	v19 =	vld.idx.msk [tilespmem:v19+s16+$0x0], $0xffff;
	v50 =	vadd.s32 v2, v22;
	v27 =	vand.u32 $0x7F, v48;
	v28 =	vadd.s32 s1, v49  }
0xa7: {  	v18 =	vld.idx.msk [tilespmem:v18+s16+$0x0], $0xffff;
	v30 =	vand.u32 $0xFFFFFF80, v50;
	v27 =	vor.u32 v27, v28  }
0xa8: {  	v23 =	vld.idx.msk [tilespmem:v23+s16+$0x0], $0xffff;
	v22 =	vadd.s32 v3, v22;
	v30 =	vadd.s32 s1, v30;
	v29 =	vand.u32 $0x7F, v50  }
0xa9: {  	v24 =	vld.idx.msk [tilespmem:v24+s16+$0x0], $0xffff;
	v51 =	vand.u32 $0xFFFFFF80, v22;
	v29 =	vor.u32 v29, v30  }
0xaa: {  	s10 =	sand.u32 $0x7, s31;
	v22 =	vand.u32 $0x7F, v22;
	v28 =	vadd.s32 s1, v51;
	v26 =	vld.idx.msk [tilespmem:v26+s16+$0x0], $0xffff  }
0xab: {  	v11 =	vadd.f32 v17, v11;
	s13 =	sshll.u32 s10, $0x7;
	v16 =	vadd.f32 v20, v16;
	v21 =	vld.idx.msk [tilespmem:v21+s16+$0x0], $0xffff;
	v22 =	vor.u32 v22, v28  }
0xac: {  	v9 =	vmax.f32 v9, v17;
	v55 =	vor.u32 s13, v0;
	v56 =	vor.u32 s13, v4;
	v52 =	vld.idx.msk [tilespmem:v27+s16+$0x0], $0xffff  }
0xad: {  	v57 =	vor.u32 s13, v1;
	v14 =	vadd.f32 v19, v14;
	v53 =	vld.idx.msk [tilespmem:v25+s16+$0x0], $0xffff;
	v16 =	vadd.f32 v23, v16  }
0xae: {  	v58 =	vor.u32 s13, v5;
	v59 =	vor.u32 s13, v2;
	v11 =	vadd.f32 v18, v11;
	v54 =	vld.idx.msk [tilespmem:v29+s16+$0x0], $0xffff  }
0xaf: {  	v60 =	vor.u32 s13, v6;
	v14 =	vadd.f32 v24, v14;
	v16 =	vadd.f32 v26, v16  }
0xb0: {  	v61 =	vor.u32 s13, v3;
	v13 =	vadd.f32 v10, v13;
	v12 =	vmax.f32 v12, v20;
	v22 =	vld.idx.msk [tilespmem:v22+s16+$0x0], $0xffff  }
0xb1: {  	v11 =	vadd.f32 v21, v11;
	v14 =	vadd.f32 v52, v14;
	v16 =	vmul.f32 $4.999999890e-03, v16  }
0xb2: {  	v15 =	vmax.f32 v15, v19;
	v12 =	vmax.f32 v12, v23;
	v13 =	vadd.f32 v53, v13  }
0xb3: {  	v12 =	vmax.f32 v12, v26;
	v11 =	vadd.f32 v54, v11;
	v14 =	vmul.f32 $4.999999890e-03, v14;
	[tilespmem:v55+s20+$0x0] =	vst.idx.msk $0xffff, v16  }
0xb4: {  	v62 =	vor.u32 s13, v7;
	v9 =	vmax.f32 v9, v18;
	v15 =	vmax.f32 v15, v24;
	[tilespmem:v56+s20+$0x0] =	vst.idx.msk $0xffff, v12  }
0xb5: {  	p1 =	sne.s32 s10, $0x7;
	v15 =	vmax.f32 v15, v52;
	v13 =	vadd.f32 v22, v13;
	v11 =	vmul.f32 $4.999999890e-03, v11;
	[tilespmem:v57+s20+$0x0] =	vst.idx.msk $0xffff, v14  }
0xb6: {  	s0 =	sadd.s32 @!p1 s5, s31;
	v9 =	vmax.f32 v9, v21;
	[tilespmem:v58+s20+$0x0] =	vst.idx.msk $0xffff, v15  }
0xb7: {  	s0 =	sshll.u32 @!p1 s0, $0x7;
	v8 =	vmax.f32 v8, v10;
	v9 =	vmax.f32 v9, v54;
	v63 =	vmul.f32 $4.999999890e-03, v13;
	[tilespmem:v59+s20+$0x0] =	vst.idx.msk $0xffff, v11  }
0xb8: {  	s0 =	sadd.s32 @!p1 $0xFFFFFC80, s0;
	v8 =	vmax.f32 v8, v53;
	[tilespmem:v60+s20+$0x0] =	vst.idx.msk $0xffff, v9  }
0xb9: {  	s0 =	sshrl.u32 @!p1 s0, $0x3;
	v8 =	vmax.f32 v8, v22;
	[tilespmem:v61+s20+$0x0] =	vst.idx.msk $0xffff, v63  }
0xba: {  	s10 =	simm.s32 @!p1 $0x1F400;
	s0 =	sadd.s32 @!p1 s4, s0;
	s1 =	simm.s32 @!p1 $0x0;
	[tilespmem:v62+s20+$0x0] =	vst.idx.msk $0xffff, v8  }
0xbb: {  	[hbm4b:s0+s1] =	stream.linear.scatter @!p1 [tilespmem:s10], [sflag:$0x5], $0x400, $0x38;
	[tilespmem:$0x1F800] =	vst v63  }
.Ltmp5:
0xbc: {  	_ = 	snop;
	(pc) =	sbr.rel @p0 .LBB2_12-.Ltmp5, $4  }
0xbd: {  	s0 =	simm.s32 @!p1 $0x5  }
0xbe: {  	_ =	swait.ge @!p1 [sflag:s0], $0x400  }
0xbf: {  	[sflag:s0] =	ssyncset.done @!p1 $0x0  }
0xc0: {  	[sflag:s0] =	ssyncadd.s32 @!p1 $0xFFFFFC00  }
0xc1: {  	s0 =	smul.u32 $0x960, s29;
	_ =	sdelay $0x1  }
0xc2: {  	s0 =	sshra.s32 s0, $0x2  }
0xc3: {  	s1 =	sadd.s32 $0x6720, s0  }
0xc4: {  	[tilespmem:s16], [sflag:$0x2] =	stream.indirect.gather [hbm4b:s3+s9], $0x80, s1, s9, $0xb8;
	[tilespmem:$0x1F800] =	vst v63  }
0xc5: {  	s0 =	sadd.s32 $0x67A0, s0  }
0xc6: {  	[tilespmem:s18], [sflag:$0x2] =	stream.indirect.gather [hbm4b:s3+s12], $0x80, s0, s12, $0xb8;
	[tilespmem:$0x1F800] =	vst v63  }
0xc7: {  	s31 =	sadd.s32 $0x0, s28;
	_ =	swait.ge [sflag:s22], $0x4000  }
0xc8: {  	v8 =	vmov s31;
	[sflag:s22] =	ssyncset.done $0x0  }
0xc9: {  	[sflag:s22] =	ssyncadd.s32 $0xFFFFC000  }
0xca: {  	_ =	swait.ge [sflag:s22], $0x2400  }
0xcb: {  	[sflag:s22] =	ssyncset.done $0x0  }
0xcc: {  	[sflag:s22] =	ssyncadd.s32 $0xFFFFDC00  }
0xcd: {  	v8 =	vld.idx.msk [tilespmem:v8+s2+$0x0], $0xffff;
	_ =	sdelay $0x1  }
0xce: {  	s1 =	sadd.s32 $0x1, s28  }
0xcf: {  	v9 =	vmov s1;
	_ =	sdelay $0x1  }
0xd0: {  	v10 =	vadd.s32 v3, v8;
	v11 =	vadd.s32 v0, v8;
	v12 =	vadd.s32 v1, v8  }
0xd1: {  	s10 =	simm.s32 $0x0;
	v8 =	vadd.s32 v2, v8;
	v13 =	vand.u32 $0xFFFFFF80, v10;
	v14 =	vand.u32 $0xFFFFFF80, v11  }
0xd2: {  	v10 =	vand.u32 $0x7F, v10;
	v15 =	vand.u32 $0xFFFFFF80, v12;
	v13 =	vadd.s32 s10, v13  }
0xd3: {  	v12 =	vand.u32 $0x7F, v12;
	v15 =	vadd.s32 s10, v15;
	v10 =	vor.u32 v10, v13;
	v13 =	vld.idx.msk [tilespmem:v9+s2+$0x0], $0xffff  }
0xd4: {  	v11 =	vand.u32 $0x7F, v11;
	v9 =	vadd.s32 s10, v14;
	v12 =	vor.u32 v12, v15  }
0xd5: {  	v14 =	vand.u32 $0xFFFFFF80, v8;
	v16 =	vor.u32 v11, v9  }
0xd6: {  	s13 =	sadd.s32 $0x2, s28;
	v8 =	vand.u32 $0x7F, v8;
	v14 =	vadd.s32 s10, v14  }
0xd7: {  	v15 =	vmov s13;
	v11 =	vimm.f32 $0.0e+00;
	v14 =	vor.u32 v8, v14  }
0xd8: {  	v9 =	vimm.f32 $-Inf;
	v10 =	vld.idx.msk [tilespmem:v10+s23+$0x0], $0xffff;
	v17 =	vadd.s32 v0, v13;
	v8 =	vadd.s32 v3, v13  }
0xd9: {  	s31 =	simm.s32 $0x80;
	v18 =	vadd.s32 v1, v13;
	v13 =	vadd.s32 v2, v13;
	v23 =	vld.idx.msk [tilespmem:v12+s23+$0x0], $0xffff;
	v20 =	vand.u32 $0xFFFFFF80, v8  }
0xda: {  	v19 =	vand.u32 $0xFFFFFF80, v17;
	v22 =	vld.idx.msk [tilespmem:v16+s23+$0x0], $0xffff;
	v8 =	vand.u32 $0x7F, v8;
	v16 =	vadd.s32 s31, v20  }
0xdb: {  	v12 =	vand.u32 $0xFFFFFF80, v13;
	v20 =	vand.u32 $0xFFFFFF80, v18;
	v24 =	vor.u32 v8, v16  }
0xdc: {  	v16 =	vadd.s32 s31, v19;
	v19 =	vadd.s32 s31, v20;
	v20 =	vand.u32 $0x7F, v17;
	v17 =	vld.idx.msk [tilespmem:v14+s23+$0x0], $0xffff  }
0xdd: {  	v21 =	vld.idx.msk [tilespmem:v15+s2+$0x0], $0xffff;
	v13 =	vand.u32 $0x7F, v13;
	v12 =	vadd.s32 s31, v12;
	v18 =	vand.u32 $0x7F, v18  }
0xde: {  	v20 =	vor.u32 v20, v16;
	v19 =	vor.u32 v18, v19;
	v18 =	vor.u32 v13, v12  }
0xdf: {  	s30 =	sadd.s32 $0x2, s30;
	s1 =	simm.s32 $0x3;
	v8 =	vmax.f32 v9, v10;
	v13 =	vadd.f32 v10, v11;
	v14 =	vadd.f32 v23, v11  }
0xe0: {  	s0 =	simm.s32 $0x2;
	s13 =	sadd.s32 $0x3, s28;
	s10 =	simm.s32 $0x4;
	v15 =	vmax.f32 v9, v23;
	v16 =	vadd.f32 v22, v11;
	v12 =	vmax.f32 v9, v22;
	v10 =	vld.idx.msk [tilespmem:v24+s23+$0x0], $0xffff  }
.LBB2_10:
0xe1: {  	p0 =	sne.s32 s10, $0xC7;
	v22 =	vmov s13;
	v11 =	vadd.f32 v17, v11;
	v9 =	vmax.f32 v9, v17  }
0xe2: {  	v23 =	vadd.s32 v0, v21;
	v24 =	vadd.s32 v1, v21;
	v17 =	vadd.s32 v3, v21  }
0xe3: {  	s13 =	sshll.u32 s0, $0x7;
	v26 =	vadd.s32 v2, v21;
	s0 =	smov.u32 s1;
	s1 =	smov.u32 s10;
	v25 =	vand.u32 $0xFFFFFF80, v23;
	v21 =	vand.u32 $0xFFFFFF80, v17;
	v27 =	vld.idx.msk [tilespmem:v20+s23+$0x0], $0xffff  }
0xe4: {  	v17 =	vand.u32 $0x7F, v17;
	v20 =	vand.u32 $0xFFFFFF80, v24;
	v21 =	vadd.s32 s13, v21;
	v28 =	vld.idx.msk [tilespmem:v19+s23+$0x0], $0xffff  }
0xe5: {  	v19 =	vadd.s32 s13, v25;
	v25 =	vand.u32 $0xFFFFFF80, v26;
	v29 =	vor.u32 v17, v21;
	v17 =	vld.idx.msk [tilespmem:v18+s23+$0x0], $0xffff  }
.Ltmp6:
0xe6: {  	v18 =	vadd.s32 s13, v20;
	v8 =	vmax.f32 v8, v10;
	v21 =	vld.idx.msk [tilespmem:v22+s2+$0x0], $0xffff;
	v22 =	vadd.s32 s13, v25;
	(pc) =	sbr.rel @p0 .LBB2_10-.Ltmp6, $4  }
0xe7: {  	v20 =	vand.u32 $0x7F, v23;
	v23 =	vand.u32 $0x7F, v24;
	v24 =	vand.u32 $0x7F, v26  }
0xe8: {  	v20 =	vor.u32 v20, v19;
	v19 =	vor.u32 v23, v18;
	v18 =	vor.u32 v24, v22  }
0xe9: {  	v13 =	vadd.f32 v10, v13;
	v16 =	vadd.f32 v27, v16;
	v12 =	vmax.f32 v12, v27  }
0xea: {  	s10 =	sadd.s32 $0x1, s10;
	s13 =	sadd.s32 s1, s28;
	v14 =	vadd.f32 v28, v14;
	v15 =	vmax.f32 v15, v28;
	v10 =	vld.idx.msk [tilespmem:v29+s23+$0x0], $0xffff  }
0xeb: {  	v22 =	vmov s13;
	_ =	sdelay $0x4  }
0xec: {  	v23 =	vadd.s32 v0, v21;
	v24 =	vadd.s32 v1, v21;
	v25 =	vadd.s32 v3, v21;
	v22 =	vld.idx.msk [tilespmem:v22+s2+$0x0], $0xffff  }
0xed: {  	v43 =	vadd.s32 v2, v21;
	v26 =	vand.u32 $0xFFFFFF80, v23;
	v27 =	vand.u32 $0xFFFFFF80, v25  }
0xee: {  	v28 =	vand.u32 $0xFFFFFF80, v24;
	v25 =	vand.u32 $0x7F, v25;
	v29 =	vand.u32 $0xFFFFFF80, v43  }
0xef: {  	s0 =	sshll.u32 s0, $0x7;
	v23 =	vand.u32 $0x7F, v23;
	v24 =	vand.u32 $0x7F, v24;
	v21 =	vand.u32 $0x7F, v43  }
0xf0: {  	v27 =	vadd.s32 s0, v27;
	v26 =	vadd.s32 s0, v26;
	v44 =	vadd.s32 s0, v28  }
0xf1: {  	v45 =	vadd.s32 s0, v29;
	v25 =	vor.u32 v25, v27;
	v46 =	vadd.s32 v0, v22  }
0xf2: {  	s10 =	sshll.u32 s1, $0x7;
	v23 =	vor.u32 v23, v26;
	v24 =	vor.u32 v24, v44;
	v47 =	vand.u32 $0xFFFFFF80, v46  }
0xf3: {  	v48 =	vadd.s32 v1, v22;
	v29 =	vand.u32 $0x7F, v46;
	v26 =	vadd.s32 s10, v47  }
0xf4: {  	v20 =	vld.idx.msk [tilespmem:v20+s23+$0x0], $0xffff;
	v21 =	vor.u32 v21, v45;
	v49 =	vand.u32 $0xFFFFFF80, v48;
	v26 =	vor.u32 v29, v26  }
0xf5: {  	v19 =	vld.idx.msk [tilespmem:v19+s23+$0x0], $0xffff;
	v50 =	vadd.s32 v2, v22;
	v27 =	vand.u32 $0x7F, v48;
	v28 =	vadd.s32 s10, v49  }
0xf6: {  	v18 =	vld.idx.msk [tilespmem:v18+s23+$0x0], $0xffff;
	v30 =	vand.u32 $0xFFFFFF80, v50;
	v27 =	vor.u32 v27, v28  }
0xf7: {  	v23 =	vld.idx.msk [tilespmem:v23+s23+$0x0], $0xffff;
	v22 =	vadd.s32 v3, v22;
	v30 =	vadd.s32 s10, v30;
	v29 =	vand.u32 $0x7F, v50  }
0xf8: {  	v24 =	vld.idx.msk [tilespmem:v24+s23+$0x0], $0xffff;
	v51 =	vand.u32 $0xFFFFFF80, v22;
	v29 =	vor.u32 v29, v30  }
0xf9: {  	s13 =	sand.u32 $0x7, s30;
	v22 =	vand.u32 $0x7F, v22;
	v28 =	vadd.s32 s10, v51;
	v26 =	vld.idx.msk [tilespmem:v26+s23+$0x0], $0xffff  }
0xfa: {  	v11 =	vadd.f32 v17, v11;
	s31 =	sshll.u32 s13, $0x7;
	v16 =	vadd.f32 v20, v16;
	v21 =	vld.idx.msk [tilespmem:v21+s23+$0x0], $0xffff;
	v22 =	vor.u32 v22, v28  }
0xfb: {  	v9 =	vmax.f32 v9, v17;
	v55 =	vor.u32 s31, v0;
	v56 =	vor.u32 s31, v4;
	v52 =	vld.idx.msk [tilespmem:v27+s23+$0x0], $0xffff  }
0xfc: {  	v57 =	vor.u32 s31, v1;
	v14 =	vadd.f32 v19, v14;
	v53 =	vld.idx.msk [tilespmem:v25+s23+$0x0], $0xffff;
	v16 =	vadd.f32 v23, v16  }
0xfd: {  	v58 =	vor.u32 s31, v5;
	v59 =	vor.u32 s31, v2;
	v11 =	vadd.f32 v18, v11;
	v54 =	vld.idx.msk [tilespmem:v29+s23+$0x0], $0xffff  }
0xfe: {  	v60 =	vor.u32 s31, v6;
	v14 =	vadd.f32 v24, v14;
	v16 =	vadd.f32 v26, v16  }
0xff: {  	v61 =	vor.u32 s31, v3;
	v13 =	vadd.f32 v10, v13;
	v12 =	vmax.f32 v12, v20;
	v22 =	vld.idx.msk [tilespmem:v22+s23+$0x0], $0xffff  }
0x100: {  	v11 =	vadd.f32 v21, v11;
	v14 =	vadd.f32 v52, v14;
	v16 =	vmul.f32 $4.999999890e-03, v16  }
0x101: {  	v15 =	vmax.f32 v15, v19;
	v12 =	vmax.f32 v12, v23;
	v13 =	vadd.f32 v53, v13  }
0x102: {  	v12 =	vmax.f32 v12, v26;
	v11 =	vadd.f32 v54, v11;
	v14 =	vmul.f32 $4.999999890e-03, v14;
	[tilespmem:v55+s20+$0x0] =	vst.idx.msk $0xffff, v16  }
0x103: {  	v62 =	vor.u32 s31, v7;
	v9 =	vmax.f32 v9, v18;
	v15 =	vmax.f32 v15, v24;
	[tilespmem:v56+s20+$0x0] =	vst.idx.msk $0xffff, v12  }
0x104: {  	p0 =	sne.s32 s13, $0x7;
	v15 =	vmax.f32 v15, v52;
	v13 =	vadd.f32 v22, v13;
	v11 =	vmul.f32 $4.999999890e-03, v11;
	[tilespmem:v57+s20+$0x0] =	vst.idx.msk $0xffff, v14  }
0x105: {  	s0 =	sadd.s32 @!p0 s5, s30;
	v9 =	vmax.f32 v9, v21;
	[tilespmem:v58+s20+$0x0] =	vst.idx.msk $0xffff, v15  }
0x106: {  	s0 =	sshll.u32 @!p0 s0, $0x7;
	v8 =	vmax.f32 v8, v10;
	v9 =	vmax.f32 v9, v54;
	v63 =	vmul.f32 $4.999999890e-03, v13;
	[tilespmem:v59+s20+$0x0] =	vst.idx.msk $0xffff, v11  }
0x107: {  	s0 =	sadd.s32 @!p0 $0xFFFFFC80, s0;
	v8 =	vmax.f32 v8, v53;
	[tilespmem:v60+s20+$0x0] =	vst.idx.msk $0xffff, v9  }
0x108: {  	s0 =	sshrl.u32 @!p0 s0, $0x3;
	v8 =	vmax.f32 v8, v22;
	[tilespmem:v61+s20+$0x0] =	vst.idx.msk $0xffff, v63  }
0x109: {  	s1 =	simm.s32 @!p0 $0x0;
	s0 =	sadd.s32 @!p0 s4, s0;
	s10 =	simm.s32 @!p0 $0x1F400;
	[tilespmem:v62+s20+$0x0] =	vst.idx.msk $0xffff, v8  }
0x10a: {  	[hbm4b:s0+s1] =	stream.linear.scatter @!p0 [tilespmem:s10], [sflag:$0x4], $0x400, $0x38;
	[tilespmem:$0x1F800] =	vst v63  }
.Ltmp7:
0x10b: {  	_ = 	snop;
	(pc) =	sbr.rel .LBB2_4-.Ltmp7, $4  }
0x10c: {  	s0 =	simm.s32 @!p0 $0x4  }
0x10d: {  	_ =	swait.ge @!p0 [sflag:s0], $0x400  }
0x10e: {  	s29 =	sadd.s32 $0x1, s29;
	s25 =	sadd.s32 $0x258, s25;
	[sflag:s0] =	ssyncset.done @!p0 $0x0  }
0x10f: {  	s26 =	sadd.s32 $0x258, s26;
	s28 =	sadd.s32 $0x258, s28;
	[sflag:s0] =	ssyncadd.s32 @!p0 $0xFFFFFC00  }
.LBB2_13:
0x110: {  	_ =	sfence.sel $0x180000  }
0x111: {  	[bflag:$0x0] =	sbarrier.arrive $0xFFFF  }
0x112: {  	_ =	strace $0x9000004A  }
0x113: {  	s0 =	stileid.u32;
	[bflag:$0x2] =	sbarrier.arrive $0xFFFF  }
0x114: {  	p0 =	sne.s32 s0, $0x0;
	s0 =	rddreg [dreg:$0x1]  }
0x115: {  	s0 =	sadd.s32 @!p0 $0x100000, s0  }
0x116: {  	[sflag:s0] =	ssyncadd.tile.s32 @!p0 $0x1;
	_ =	shalt  }
.Lfunc_end2:
_tile_overlayer_lowered:
.L_overlay_start_2:
0x117: {  	(tag) =	ssettag $0x2  }
0x118: {  	s0 =	rddreg [dreg:$0x0];
	s2 =	stileid.u32  }
0x119: {  	s1 =	rddreg [dreg:$0x1];
	p0 =	sne.s32 s2, $0x0  }
0x11a: {  	s3 =	rddreg [dreg:$0x2];
	[bflag:$0x3] =	sbarrier.arrive $0xFFFF;
	s2 =	simm.s32 @!p0 $0x1C04  }
0x11b: {  	[timem:s3], [sflag:s2] =	dma.local @!p0 [hbm:s0], s1  }
0x11c: {  	s0 =	simm.s32 @!p0 $0x4  }
0x11d: {  	_ =	swait.ge @!p0 [sflag:s0], s1  }
0x11e: {  	s1 =	ssub.s32 @!p0 $0x0, s1;
	[sflag:s0] =	ssyncset.done @!p0 $0x0  }
0x11f: {  	[sflag:s0] =	ssyncadd.s32 @!p0 s1  }
0x120: {  	[bflag:$0x3] =	sbarrier.arrive $0xFFFF  }
0x121: {  	_ =	shalt  }

</sc_bundles>
